<compile_context>
chip_gen: v7x
topology: tpu7x:2x2x1
jax: 0.10.2.dev20260603
libtpu: 0.0.44.dev20260713+nightly
codegen_flags: <defaults>
</compile_context>

<pallas_src>
import functools

import jax
import jax.numpy as jnp
from jax import lax
from jax.experimental import pallas as pl
from jax.experimental.pallas import tpu as pltpu
from jax.experimental.pallas import tpu_sc as plsc

B, L, H = 4096, 50, 32
MAX_YEARS = 50
BASE_YEAR = 2000
NY, NM, ND = MAX_YEARS + 1, 13, 32
NCOMBO = NY * NM * ND
N_TOK = B * L

NW = 32
TOK_PER_W = N_TOK // NW
GBLK = 128
NBLK = TOK_PER_W // GBLK


def _table_body(yt, mt, dt, w1, b1, w2, b2, gamma, beta, t_out):
    f32 = jnp.float32
    yp = jnp.dot(yt[...], w1[0:H, :], preferred_element_type=f32)
    mp = jnp.dot(mt[...], w1[H:2 * H, :], preferred_element_type=f32)
    dp = jnp.dot(dt[...], w1[2 * H:3 * H, :], preferred_element_type=f32)

    r = lax.broadcasted_iota(jnp.int32, (NCOMBO, 1), 0)
    yi = r // (NM * ND)
    mi = (r // ND) % NM
    di = r % ND
    oh_y = (yi == lax.broadcasted_iota(jnp.int32, (NCOMBO, NY), 1)).astype(f32)
    oh_m = (mi == lax.broadcasted_iota(jnp.int32, (NCOMBO, NM), 1)).astype(f32)
    oh_d = (di == lax.broadcasted_iota(jnp.int32, (NCOMBO, ND), 1)).astype(f32)

    s = (jnp.dot(oh_y, yp, preferred_element_type=f32)
         + jnp.dot(oh_m, mp, preferred_element_type=f32)
         + jnp.dot(oh_d, dp, preferred_element_type=f32)
         + b1[...])
    h = jnp.maximum(s, 0.0)
    o = jnp.dot(h, w2[...], preferred_element_type=f32) + b2[...]
    mu = jnp.mean(o, axis=-1, keepdims=True)
    var = jnp.mean(jnp.square(o - mu), axis=-1, keepdims=True)
    normed = (o - mu) * lax.rsqrt(var + 1e-5)
    t_out[...] = normed * gamma[...] + beta[...]


def _build_table(year_table, month_table, day_table, W1, b1, W2, b2, gamma, beta):
    return pl.pallas_call(
        _table_body,
        out_shape=jax.ShapeDtypeStruct((NCOMBO, H), jnp.float32),
    )(year_table, month_table, day_table, W1,
      b1.reshape(1, H), W2, b2.reshape(1, H),
      gamma.reshape(1, H), beta.reshape(1, H))


def _combo_from_ts(t):
    i32 = jnp.int32

    def div(a, c):
        return lax.div(a, jnp.full_like(a, c))

    days = div(t, 86400)
    z = days + 719468
    era = div(z, 146097)
    doe = z - era * 146097
    yoe = div(doe - div(doe, 1460) + div(doe, 36524) - div(doe, 146096), 365)
    y = yoe + era * 400
    doy = doe - (365 * yoe + div(yoe, 4) - div(yoe, 100))
    mp = div(5 * doy + 2, 153)
    d = doy - div(153 * mp + 2, 5) + 1
    m = jnp.where(mp < 10, mp + 3, mp - 9)
    y = jnp.where(m <= 2, y + 1, y)
    rel = jnp.minimum(jnp.maximum(y - BASE_YEAR, 0), NY - 2)
    combo = (rel + 1) * (NM * ND) + m * ND + d
    return jnp.where(t != 0, combo, t)


CH = 1280
KG = CH // GBLK
NCH = TOK_PER_W // CH


def _lookup_body(ts_hbm, table_hbm, out_hbm,
                 ts_v, idx_v, rows0, rows1, gsem0, gsem1, ssem0, ssem1):
    wid = lax.axis_index("s") * 2 + lax.axis_index("c")
    base = wid * TOK_PER_W
    outf = out_hbm

    pltpu.sync_copy(ts_hbm.at[pl.ds(base, TOK_PER_W)], ts_v)

    rows = (rows0, rows1)
    gsems = (gsem0, gsem1)
    ssems = (ssem0, ssem1)

    def compute_idx(c):
        def body(j, _):
            off = c * CH + j * 16
            idx_v[pl.ds(off, 16)] = _combo_from_ts(ts_v[pl.ds(off, 16)])
            return _
        lax.fori_loop(0, CH // 16, body, None)

    def fire(c):
        buf, sem = rows[c % 2], gsems[c % 2]
        return [pltpu.async_copy(
                    table_hbm.at[idx_v.at[pl.ds(c * CH + j * GBLK, GBLK)]],
                    buf.at[pl.ds(j * GBLK, GBLK)], sem)
                for j in range(KG)]

    compute_idx(0)
    g = fire(0)
    store_h = [None, None]
    for c in range(NCH):
        if c + 1 < NCH:
            compute_idx(c + 1)
            if store_h[(c + 1) % 2] is not None:
                store_h[(c + 1) % 2].wait()
            g_next = fire(c + 1)
        for h in g:
            h.wait()
        store_h[c % 2] = pltpu.async_copy(
            rows[c % 2], outf.at[pl.ds(base + c * CH, CH)], ssems[c % 2])
        if c + 1 < NCH:
            g = g_next
    store_h[0].wait()
    store_h[1].wait()


def _lookup(ts_seq, table):
    mesh = plsc.VectorSubcoreMesh(core_axis_name="c", subcore_axis_name="s")
    k = functools.partial(
        pl.kernel,
        mesh=mesh,
        out_type=jax.ShapeDtypeStruct((N_TOK, H), jnp.float32),
        scratch_types=[
            pltpu.VMEM((TOK_PER_W,), jnp.int32),
            pltpu.VMEM((TOK_PER_W,), jnp.int32),
            pltpu.VMEM((CH, H), jnp.float32),
            pltpu.VMEM((CH, H), jnp.float32),
            pltpu.SemaphoreType.DMA,
            pltpu.SemaphoreType.DMA,
            pltpu.SemaphoreType.DMA,
            pltpu.SemaphoreType.DMA,
        ],
        compiler_params=pltpu.CompilerParams(use_tc_tiling_on_sc=False),
    )(_lookup_body)
    return k(ts_seq, table)


def kernel(ts_seq, year_table, month_table, day_table, W1, b1, W2, b2, gamma, beta):
    table = _build_table(year_table, month_table, day_table,
                         W1, b1, W2, b2, gamma, beta)
    return _lookup(ts_seq.reshape(-1), table).reshape(B, L, H)

# --- scband reference (transcript-rebuilt; emitter-appended) ---
"""Pipeline reference for scband-date-embedding-71081708748958 (READ-ONLY COPY).

The authoritative reference and input builder live on the scoring server;
editing this copy changes nothing except your own understanding.
"""

import jax, jax.numpy as jnp
import numpy as np

B, L, H = 4096, 50, 32
MAX_YEARS = 50
BASE_YEAR = 2000

def setup_inputs(seed: int = 0) -> dict:
    key = jax.random.key(seed)
    ks = jax.random.split(key, 10)
    ts_seq = jax.random.randint(ks[0], (B, L), 0, 2000000000, dtype=jnp.int32)
    year_table = jax.random.normal(ks[1], (MAX_YEARS + 1, H), dtype=jnp.float32) * 0.02
    year_table = year_table.at[0].set(0.0)  # padding_idx=0
    month_table = jax.random.normal(ks[2], (13, H), dtype=jnp.float32) * 0.02
    month_table = month_table.at[0].set(0.0)
    day_table = jax.random.normal(ks[3], (32, H), dtype=jnp.float32) * 0.02
    day_table = day_table.at[0].set(0.0)
    W1 = jax.random.normal(ks[4], (3 * H, H), dtype=jnp.float32) * 0.05
    b1 = jnp.zeros((H,), dtype=jnp.float32)
    W2 = jax.random.normal(ks[5], (H, H), dtype=jnp.float32) * 0.05
    b2 = jnp.zeros((H,), dtype=jnp.float32)
    gamma = jnp.ones((H,), dtype=jnp.float32)
    beta = jnp.zeros((H,), dtype=jnp.float32)
    return {"ts_seq": ts_seq, "year_table": year_table, "month_table": month_table,
            "day_table": day_table, "W1": W1, "b1": b1, "W2": W2, "b2": b2,
            "gamma": gamma, "beta": beta}


def _civil_from_days(days):
    # Howard Hinnant's civil_from_days (UTC calendar decomposition)
    z = days + 719468
    era = z // 146097
    doe = z - era * 146097
    yoe = (doe - doe // 1460 + doe // 36524 - doe // 146096) // 365
    y = yoe + era * 400
    doy = doe - (365 * yoe + yoe // 4 - yoe // 100)
    mp = (5 * doy + 2) // 153
    d = doy - (153 * mp + 2) // 5 + 1
    m = mp + jnp.where(mp < 10, 3, -9)
    y = y + (m <= 2).astype(y.dtype)
    return y, m, d


def _decompose(ts_seq):
    days = ts_seq // 86400
    y, m, d = _civil_from_days(days)
    mask = ts_seq != 0
    rel_years = jnp.clip(y - BASE_YEAR, 0, (MAX_YEARS + 1) - 2)
    year_idx = jnp.where(mask, rel_years + 1, 0)
    month_idx = jnp.where(mask, m, 0)
    day_idx = jnp.where(mask, d, 0)
    return year_idx, month_idx, day_idx


def reference(ts_seq, year_table, month_table, day_table, W1, b1, W2, b2, gamma, beta):
    year_idx, month_idx, day_idx = _decompose(ts_seq)
    year_emb = jnp.take(year_table, year_idx, axis=0)
    month_emb = jnp.take(month_table, month_idx, axis=0)
    day_emb = jnp.take(day_table, day_idx, axis=0)
    combined = jnp.concatenate([year_emb, month_emb, day_emb], axis=-1)
    h = jax.nn.relu(combined @ W1 + b1)
    # Dropout(0.3) is identity in eval mode
    out = h @ W2 + b2
    mu = jnp.mean(out, axis=-1, keepdims=True)
    var = jnp.mean(jnp.square(out - mu), axis=-1, keepdims=True)
    normed = (out - mu) / jnp.sqrt(var + 1e-5)
    return normed * gamma + beta

if __name__ == "__main__":
    import jax
    _d = setup_inputs()
    print(jax.jit(kernel)(*tuple(_d.values())))

</pallas_src>

<mosaic_0001>
#map = affine_map<(d0, d1) -> (0)>
#map1 = affine_map<(d0, d1) -> (0, 0)>
module attributes {stable_mosaic.version = 14 : i64} {
  func.func @_lookup_body(%arg0: i32, %arg1: i32, %arg2: memref<204800xi32, #tpu.memory_space<hbm>>, %arg3: memref<21216x32xf32, #tpu.memory_space<hbm>>, %arg4: memref<204800x32xf32, #tpu.memory_space<hbm>>, %arg5: memref<6400xi32, #tpu.memory_space<vmem>>, %arg6: memref<6400xi32, #tpu.memory_space<vmem>>, %arg7: memref<1280x32xf32, #tpu.memory_space<vmem>>, %arg8: memref<1280x32xf32, #tpu.memory_space<vmem>>, %arg9: memref<!tpu.dma_semaphore, #tpu.memory_space<semaphore_mem>>, %arg10: memref<!tpu.dma_semaphore, #tpu.memory_space<semaphore_mem>>, %arg11: memref<!tpu.dma_semaphore, #tpu.memory_space<semaphore_mem>>, %arg12: memref<!tpu.dma_semaphore, #tpu.memory_space<semaphore_mem>>) attributes {dimension_semantics = [#tpu.dimension_semantics<core_parallel>, #tpu.dimension_semantics<subcore_parallel>], iteration_bounds = array<i64: 2, 16>, scalar_prefetch = 0 : i64, scratch_operands = 8 : i64, tpu.core_type = #tpu.core_type<sc_vector_subcore>, window_params = [{transform_indices = #map}, {transform_indices = #map1}, {transform_indices = #map1}]} {
    %mul3A = arith.constant 2 : i32
    %mul3A_0 = arith.muli %arg1, %mul3A : i32
    %add3A = arith.addi %mul3A_0, %arg0 : i32
    %mul3A_1 = arith.constant 6400 : i32
    %mul3A_2 = arith.muli %add3A, %mul3A_1 : i32
    "tpu.region"() ({
      %run_scoped3A = tpu.sem_alloc : memref<!tpu.dma_semaphore, #tpu.memory_space<semaphore_mem>>
      %dma_start3A_875 = tpu.memref_slice %arg2[%mul3A_2] : memref<204800xi32, #tpu.memory_space<hbm>> -> memref<6400xi32, #tpu.memory_space<hbm>>
      %dma_start3A_876 = tpu.memref_slice %arg2[%mul3A_2] : memref<204800xi32, #tpu.memory_space<hbm>> -> memref<6400xi32, #tpu.memory_space<hbm>>
      tpu.enqueue_dma source(%dma_start3A_876 : memref<6400xi32, #tpu.memory_space<hbm>>) target(%arg5 : memref<6400xi32, #tpu.memory_space<vmem>>) target_semaphore(%run_scoped3A : memref<!tpu.dma_semaphore, #tpu.memory_space<semaphore_mem>>)
      %dma_wait3A_877 = tpu.memref_slice %arg2[%mul3A_2] : memref<204800xi32, #tpu.memory_space<hbm>> -> memref<6400xi32, #tpu.memory_space<hbm>>
      %dma_wait3A_878 = tpu.memref_slice %arg2[%mul3A_2] : memref<204800xi32, #tpu.memory_space<hbm>> -> memref<6400xi32, #tpu.memory_space<hbm>>
      tpu.wait_dma2 semaphore(%run_scoped3A : memref<!tpu.dma_semaphore, #tpu.memory_space<semaphore_mem>>) src(%dma_wait3A_878 : memref<6400xi32, #tpu.memory_space<hbm>>) dst(%arg5 : memref<6400xi32, #tpu.memory_space<vmem>>)
      tpu.yield
    }) : () -> ()
    %scan3A = arith.constant 0 : i32
    %scan3A_3 = arith.constant 80 : i32
    %scan3A_4 = arith.addi %scan3A, %scan3A_3 : i32
    %scan3A_5 = arith.constant 1 : i32
    scf.for %scan3A_875 = %scan3A to %scan3A_4 step %scan3A_5  : i32 {
      %mul3A_876 = arith.constant 16 : i32
      %mul3A_877 = arith.muli %scan3A_875, %mul3A_876 : i32
      %add3A_878 = arith.constant 0 : i32
      %add3A_879 = arith.addi %add3A_878, %mul3A_877 : i32
      %get3A = arith.index_cast %add3A_879 : i32 to index
      %get3A_880 = tpu.vector_load %arg5[%get3A] {strides = array<i32>} : memref<6400xi32, #tpu.memory_space<vmem>>, vector<16xi32>,
      %get3A_881 = vector.shape_cast %get3A_880 : vector<16xi32> to vector<16xi32>
      %broadcast_in_dim3A = arith.constant 86400 : i32
      %broadcast_in_dim3A_882 = vector.broadcast %broadcast_in_dim3A : i32 to vector<16xi32>
      %div3A = arith.divsi %get3A_881, %broadcast_in_dim3A_882 : vector<16xi32>
      %add3A_883 = arith.constant 719468 : i32
      %add3A_884 = vector.broadcast %add3A_883 : i32 to vector<16xi32>
      %add3A_885 = arith.addi %div3A, %add3A_884 : vector<16xi32>
      %broadcast_in_dim3A_886 = arith.constant 146097 : i32
      %broadcast_in_dim3A_887 = vector.broadcast %broadcast_in_dim3A_886 : i32 to vector<16xi32>
      %div3A_888 = arith.divsi %add3A_885, %broadcast_in_dim3A_887 : vector<16xi32>
      %mul3A_889 = arith.constant 146097 : i32
      %mul3A_890 = vector.broadcast %mul3A_889 : i32 to vector<16xi32>
      %mul3A_891 = arith.muli %div3A_888, %mul3A_890 : vector<16xi32>
      %sub3A = arith.subi %add3A_885, %mul3A_891 : vector<16xi32>
      %broadcast_in_dim3A_892 = arith.constant 1460 : i32
      %broadcast_in_dim3A_893 = vector.broadcast %broadcast_in_dim3A_892 : i32 to vector<16xi32>
      %div3A_894 = arith.divsi %sub3A, %broadcast_in_dim3A_893 : vector<16xi32>
      %sub3A_895 = arith.subi %sub3A, %div3A_894 : vector<16xi32>
      %broadcast_in_dim3A_896 = arith.constant 36524 : i32
      %broadcast_in_dim3A_897 = vector.broadcast %broadcast_in_dim3A_896 : i32 to vector<16xi32>
      %div3A_898 = arith.divsi %sub3A, %broadcast_in_dim3A_897 : vector<16xi32>
      %add3A_899 = arith.addi %sub3A_895, %div3A_898 : vector<16xi32>
      %broadcast_in_dim3A_900 = arith.constant 146096 : i32
      %broadcast_in_dim3A_901 = vector.broadcast %broadcast_in_dim3A_900 : i32 to vector<16xi32>
      %div3A_902 = arith.divsi %sub3A, %broadcast_in_dim3A_901 : vector<16xi32>
      %sub3A_903 = arith.subi %add3A_899, %div3A_902 : vector<16xi32>
      %broadcast_in_dim3A_904 = arith.constant 365 : i32
      %broadcast_in_dim3A_905 = vector.broadcast %broadcast_in_dim3A_904 : i32 to vector<16xi32>
      %div3A_906 = arith.divsi %sub3A_903, %broadcast_in_dim3A_905 : vector<16xi32>
      %mul3A_907 = arith.constant 400 : i32
      %mul3A_908 = vector.broadcast %mul3A_907 : i32 to vector<16xi32>
      %mul3A_909 = arith.muli %div3A_888, %mul3A_908 : vector<16xi32>
      %add3A_910 = arith.addi %div3A_906, %mul3A_909 : vector<16xi32>
      %mul3A_911 = arith.constant 365 : i32
      %mul3A_912 = vector.broadcast %mul3A_911 : i32 to vector<16xi32>
      %mul3A_913 = arith.muli %mul3A_912, %div3A_906 : vector<16xi32>
      %broadcast_in_dim3A_914 = arith.constant 4 : i32
      %broadcast_in_dim3A_915 = vector.broadcast %broadcast_in_dim3A_914 : i32 to vector<16xi32>
      %div3A_916 = arith.divsi %div3A_906, %broadcast_in_dim3A_915 : vector<16xi32>
      %add3A_917 = arith.addi %mul3A_913, %div3A_916 : vector<16xi32>
      %broadcast_in_dim3A_918 = arith.constant 100 : i32
      %broadcast_in_dim3A_919 = vector.broadcast %broadcast_in_dim3A_918 : i32 to vector<16xi32>
      %div3A_920 = arith.divsi %div3A_906, %broadcast_in_dim3A_919 : vector<16xi32>
      %sub3A_921 = arith.subi %add3A_917, %div3A_920 : vector<16xi32>
      %sub3A_922 = arith.subi %sub3A, %sub3A_921 : vector<16xi32>
      %mul3A_923 = arith.constant 5 : i32
      %mul3A_924 = vector.broadcast %mul3A_923 : i32 to vector<16xi32>
      %mul3A_925 = arith.muli %mul3A_924, %sub3A_922 : vector<16xi32>
      %add3A_926 = arith.constant 2 : i32
      %add3A_927 = vector.broadcast %add3A_926 : i32 to vector<16xi32>
      %add3A_928 = arith.addi %mul3A_925, %add3A_927 : vector<16xi32>
      %broadcast_in_dim3A_929 = arith.constant 153 : i32
      %broadcast_in_dim3A_930 = vector.broadcast %broadcast_in_dim3A_929 : i32 to vector<16xi32>
      %div3A_931 = arith.divsi %add3A_928, %broadcast_in_dim3A_930 : vector<16xi32>
      %mul3A_932 = arith.constant 153 : i32
      %mul3A_933 = vector.broadcast %mul3A_932 : i32 to vector<16xi32>
      %mul3A_934 = arith.muli %mul3A_933, %div3A_931 : vector<16xi32>
      %add3A_935 = arith.constant 2 : i32
      %add3A_936 = vector.broadcast %add3A_935 : i32 to vector<16xi32>
      %add3A_937 = arith.addi %mul3A_934, %add3A_936 : vector<16xi32>
      %broadcast_in_dim3A_938 = arith.constant 5 : i32
      %broadcast_in_dim3A_939 = vector.broadcast %broadcast_in_dim3A_938 : i32 to vector<16xi32>
      %div3A_940 = arith.divsi %add3A_937, %broadcast_in_dim3A_939 : vector<16xi32>
      %sub3A_941 = arith.subi %sub3A_922, %div3A_940 : vector<16xi32>
      %add3A_942 = arith.constant 1 : i32
      %add3A_943 = vector.broadcast %add3A_942 : i32 to vector<16xi32>
      %add3A_944 = arith.addi %sub3A_941, %add3A_943 : vector<16xi32>
      %lt3A = arith.constant 10 : i32
      %lt3A_945 = vector.broadcast %lt3A : i32 to vector<16xi32>
      %lt3A_946 = arith.cmpi slt, %div3A_931, %lt3A_945 : vector<16xi32>
      %add3A_947 = arith.constant 3 : i32
      %add3A_948 = vector.broadcast %add3A_947 : i32 to vector<16xi32>
      %add3A_949 = arith.addi %div3A_931, %add3A_948 : vector<16xi32>
      %sub3A_950 = arith.constant 9 : i32
      %sub3A_951 = vector.broadcast %sub3A_950 : i32 to vector<16xi32>
      %sub3A_952 = arith.subi %div3A_931, %sub3A_951 : vector<16xi32>
      %select_n3A = arith.select %lt3A_946, %add3A_949, %sub3A_952 : vector<16xi1>, vector<16xi32>
      %le3A = arith.constant 2 : i32
      %le3A_953 = vector.broadcast %le3A : i32 to vector<16xi32>
      %le3A_954 = arith.cmpi sle, %select_n3A, %le3A_953 : vector<16xi32>
      %add3A_955 = arith.constant 1 : i32
      %add3A_956 = vector.broadcast %add3A_955 : i32 to vector<16xi32>
      %add3A_957 = arith.addi %add3A_910, %add3A_956 : vector<16xi32>
      %select_n3A_958 = arith.select %le3A_954, %add3A_957, %add3A_910 : vector<16xi1>, vector<16xi32>
      %sub3A_959 = arith.constant 2000 : i32
      %sub3A_960 = vector.broadcast %sub3A_959 : i32 to vector<16xi32>
      %sub3A_961 = arith.subi %select_n3A_958, %sub3A_960 : vector<16xi32>
      %max3A = arith.constant 0 : i32
      %max3A_962 = vector.broadcast %max3A : i32 to vector<16xi32>
      %max3A_963 = arith.maxsi %sub3A_961, %max3A_962 : vector<16xi32>
      %min3A = arith.constant 49 : i32
      %min3A_964 = vector.broadcast %min3A : i32 to vector<16xi32>
      %min3A_965 = arith.minsi %max3A_963, %min3A_964 : vector<16xi32>
      %add3A_966 = arith.constant 1 : i32
      %add3A_967 = vector.broadcast %add3A_966 : i32 to vector<16xi32>
      %add3A_968 = arith.addi %min3A_965, %add3A_967 : vector<16xi32>
      %mul3A_969 = arith.constant 416 : i32
      %mul3A_970 = vector.broadcast %mul3A_969 : i32 to vector<16xi32>
      %mul3A_971 = arith.muli %add3A_968, %mul3A_970 : vector<16xi32>
      %mul3A_972 = arith.constant 32 : i32
      %mul3A_973 = vector.broadcast %mul3A_972 : i32 to vector<16xi32>
      %mul3A_974 = arith.muli %select_n3A, %mul3A_973 : vector<16xi32>
      %add3A_975 = arith.addi %mul3A_971, %mul3A_974 : vector<16xi32>
      %add3A_976 = arith.addi %add3A_975, %add3A_944 : vector<16xi32>
      %ne3A = arith.constant 0 : i32
      %ne3A_977 = vector.broadcast %ne3A : i32 to vector<16xi32>
      %ne3A_978 = arith.cmpi ne, %get3A_881, %ne3A_977 : vector<16xi32>
      %select_n3A_979 = arith.select %ne3A_978, %add3A_976, %get3A_881 : vector<16xi1>, vector<16xi32>
      %swap3A = arith.index_cast %add3A_879 : i32 to index
      %swap3A_980 = tpu.vector_load %arg6[%swap3A] {strides = array<i32>} : memref<6400xi32, #tpu.memory_space<vmem>>, vector<16xi32>,
      %swap3A_981 = vector.shape_cast %swap3A_980 : vector<16xi32> to vector<16xi32>
      %swap3A_982 = vector.shape_cast %select_n3A_979 : vector<16xi32> to vector<16xi32>
      tpu.vector_store %arg6[%swap3A], %swap3A_982 {strides = array<i32>} : memref<6400xi32, #tpu.memory_space<vmem>>, vector<16xi32>,
    }
    %scan3A_6 = arith.constant 80 : i32
    %dma_start3A = arith.constant 0 : i32
    %dma_start3A_7 = arith.constant 0 : i32
    %dma_start3A_8 = tpu.memref_slice %arg7[%dma_start3A, %dma_start3A_7] : memref<1280x32xf32, #tpu.memory_space<vmem>> -> memref<128x32xf32, #tpu.memory_space<vmem>>
    %dma_start3A_9 = arith.constant 0 : i32
    %dma_start3A_10 = tpu.memref_slice %arg6[%dma_start3A_9] : memref<6400xi32, #tpu.memory_space<vmem>> -> memref<128xi32, #tpu.memory_space<vmem>>
    %dma_start3A_11 = arith.constant 0 : i32
    %dma_start3A_12 = arith.constant 0 : i32
    %dma_start3A_13 = tpu.memref_slice %arg3[%dma_start3A_11, %dma_start3A_12] : memref<21216x32xf32, #tpu.memory_space<hbm>> -> memref<21216x32xf32, #tpu.memory_space<hbm>>
    tpu.enqueue_indirect_dma source(%dma_start3A_13 : memref<21216x32xf32, #tpu.memory_space<hbm>>) target(%dma_start3A_8 : memref<128x32xf32, #tpu.memory_space<vmem>>) offsets(%dma_start3A_10 : memref<128xi32, #tpu.memory_space<vmem>>) semaphore(%arg9 : memref<!tpu.dma_semaphore, #tpu.memory_space<semaphore_mem>>)
    %dma_start3A_14 = arith.constant 128 : i32
    %dma_start3A_15 = arith.constant 0 : i32
    %dma_start3A_16 = tpu.memref_slice %arg7[%dma_start3A_14, %dma_start3A_15] : memref<1280x32xf32, #tpu.memory_space<vmem>> -> memref<128x32xf32, #tpu.memory_space<vmem>>
    %dma_start3A_17 = arith.constant 128 : i32
    %dma_start3A_18 = tpu.memref_slice %arg6[%dma_start3A_17] : memref<6400xi32, #tpu.memory_space<vmem>> -> memref<128xi32, #tpu.memory_space<vmem>>
    %dma_start3A_19 = arith.constant 0 : i32
    %dma_start3A_20 = arith.constant 0 : i32
    %dma_start3A_21 = tpu.memref_slice %arg3[%dma_start3A_19, %dma_start3A_20] : memref<21216x32xf32, #tpu.memory_space<hbm>> -> memref<21216x32xf32, #tpu.memory_space<hbm>>
    tpu.enqueue_indirect_dma source(%dma_start3A_21 : memref<21216x32xf32, #tpu.memory_space<hbm>>) target(%dma_start3A_16 : memref<128x32xf32, #tpu.memory_space<vmem>>) offsets(%dma_start3A_18 : memref<128xi32, #tpu.memory_space<vmem>>) semaphore(%arg9 : memref<!tpu.dma_semaphore, #tpu.memory_space<semaphore_mem>>)
    %dma_start3A_22 = arith.constant 256 : i32
    %dma_start3A_23 = arith.constant 0 : i32
    %dma_start3A_24 = tpu.memref_slice %arg7[%dma_start3A_22, %dma_start3A_23] : memref<1280x32xf32, #tpu.memory_space<vmem>> -> memref<128x32xf32, #tpu.memory_space<vmem>>
    %dma_start3A_25 = arith.constant 256 : i32
    %dma_start3A_26 = tpu.memref_slice %arg6[%dma_start3A_25] : memref<6400xi32, #tpu.memory_space<vmem>> -> memref<128xi32, #tpu.memory_space<vmem>>
    %dma_start3A_27 = arith.constant 0 : i32
    %dma_start3A_28 = arith.constant 0 : i32
    %dma_start3A_29 = tpu.memref_slice %arg3[%dma_start3A_27, %dma_start3A_28] : memref<21216x32xf32, #tpu.memory_space<hbm>> -> memref<21216x32xf32, #tpu.memory_space<hbm>>
    tpu.enqueue_indirect_dma source(%dma_start3A_29 : memref<21216x32xf32, #tpu.memory_space<hbm>>) target(%dma_start3A_24 : memref<128x32xf32, #tpu.memory_space<vmem>>) offsets(%dma_start3A_26 : memref<128xi32, #tpu.memory_space<vmem>>) semaphore(%arg9 : memref<!tpu.dma_semaphore, #tpu.memory_space<semaphore_mem>>)
    %dma_start3A_30 = arith.constant 384 : i32
    %dma_start3A_31 = arith.constant 0 : i32
    %dma_start3A_32 = tpu.memref_slice %arg7[%dma_start3A_30, %dma_start3A_31] : memref<1280x32xf32, #tpu.memory_space<vmem>> -> memref<128x32xf32, #tpu.memory_space<vmem>>
    %dma_start3A_33 = arith.constant 384 : i32
    %dma_start3A_34 = tpu.memref_slice %arg6[%dma_start3A_33] : memref<6400xi32, #tpu.memory_space<vmem>> -> memref<128xi32, #tpu.memory_space<vmem>>
    %dma_start3A_35 = arith.constant 0 : i32
    %dma_start3A_36 = arith.constant 0 : i32
    %dma_start3A_37 = tpu.memref_slice %arg3[%dma_start3A_35, %dma_start3A_36] : memref<21216x32xf32, #tpu.memory_space<hbm>> -> memref<21216x32xf32, #tpu.memory_space<hbm>>
    tpu.enqueue_indirect_dma source(%dma_start3A_37 : memref<21216x32xf32, #tpu.memory_space<hbm>>) target(%dma_start3A_32 : memref<128x32xf32, #tpu.memory_space<vmem>>) offsets(%dma_start3A_34 : memref<128xi32, #tpu.memory_space<vmem>>) semaphore(%arg9 : memref<!tpu.dma_semaphore, #tpu.memory_space<semaphore_mem>>)
    %dma_start3A_38 = arith.constant 512 : i32
    %dma_start3A_39 = arith.constant 0 : i32
    %dma_start3A_40 = tpu.memref_slice %arg7[%dma_start3A_38, %dma_start3A_39] : memref<1280x32xf32, #tpu.memory_space<vmem>> -> memref<128x32xf32, #tpu.memory_space<vmem>>
    %dma_start3A_41 = arith.constant 512 : i32
    %dma_start3A_42 = tpu.memref_slice %arg6[%dma_start3A_41] : memref<6400xi32, #tpu.memory_space<vmem>> -> memref<128xi32, #tpu.memory_space<vmem>>
    %dma_start3A_43 = arith.constant 0 : i32
    %dma_start3A_44 = arith.constant 0 : i32
    %dma_start3A_45 = tpu.memref_slice %arg3[%dma_start3A_43, %dma_start3A_44] : memref<21216x32xf32, #tpu.memory_space<hbm>> -> memref<21216x32xf32, #tpu.memory_space<hbm>>
    tpu.enqueue_indirect_dma source(%dma_start3A_45 : memref<21216x32xf32, #tpu.memory_space<hbm>>) target(%dma_start3A_40 : memref<128x32xf32, #tpu.memory_space<vmem>>) offsets(%dma_start3A_42 : memref<128xi32, #tpu.memory_space<vmem>>) semaphore(%arg9 : memref<!tpu.dma_semaphore, #tpu.memory_space<semaphore_mem>>)
    %dma_start3A_46 = arith.constant 640 : i32
    %dma_start3A_47 = arith.constant 0 : i32
    %dma_start3A_48 = tpu.memref_slice %arg7[%dma_start3A_46, %dma_start3A_47] : memref<1280x32xf32, #tpu.memory_space<vmem>> -> memref<128x32xf32, #tpu.memory_space<vmem>>
    %dma_start3A_49 = arith.constant 640 : i32
    %dma_start3A_50 = tpu.memref_slice %arg6[%dma_start3A_49] : memref<6400xi32, #tpu.memory_space<vmem>> -> memref<128xi32, #tpu.memory_space<vmem>>
    %dma_start3A_51 = arith.constant 0 : i32
    %dma_start3A_52 = arith.constant 0 : i32
    %dma_start3A_53 = tpu.memref_slice %arg3[%dma_start3A_51, %dma_start3A_52] : memref<21216x32xf32, #tpu.memory_space<hbm>> -> memref<21216x32xf32, #tpu.memory_space<hbm>>
    tpu.enqueue_indirect_dma source(%dma_start3A_53 : memref<21216x32xf32, #tpu.memory_space<hbm>>) target(%dma_start3A_48 : memref<128x32xf32, #tpu.memory_space<vmem>>) offsets(%dma_start3A_50 : memref<128xi32, #tpu.memory_space<vmem>>) semaphore(%arg9 : memref<!tpu.dma_semaphore, #tpu.memory_space<semaphore_mem>>)
    %dma_start3A_54 = arith.constant 768 : i32
    %dma_start3A_55 = arith.constant 0 : i32
    %dma_start3A_56 = tpu.memref_slice %arg7[%dma_start3A_54, %dma_start3A_55] : memref<1280x32xf32, #tpu.memory_space<vmem>> -> memref<128x32xf32, #tpu.memory_space<vmem>>
    %dma_start3A_57 = arith.constant 768 : i32
    %dma_start3A_58 = tpu.memref_slice %arg6[%dma_start3A_57] : memref<6400xi32, #tpu.memory_space<vmem>> -> memref<128xi32, #tpu.memory_space<vmem>>
    %dma_start3A_59 = arith.constant 0 : i32
    %dma_start3A_60 = arith.constant 0 : i32
    %dma_start3A_61 = tpu.memref_slice %arg3[%dma_start3A_59, %dma_start3A_60] : memref<21216x32xf32, #tpu.memory_space<hbm>> -> memref<21216x32xf32, #tpu.memory_space<hbm>>
    tpu.enqueue_indirect_dma source(%dma_start3A_61 : memref<21216x32xf32, #tpu.memory_space<hbm>>) target(%dma_start3A_56 : memref<128x32xf32, #tpu.memory_space<vmem>>) offsets(%dma_start3A_58 : memref<128xi32, #tpu.memory_space<vmem>>) semaphore(%arg9 : memref<!tpu.dma_semaphore, #tpu.memory_space<semaphore_mem>>)
    %dma_start3A_62 = arith.constant 896 : i32
    %dma_start3A_63 = arith.constant 0 : i32
    %dma_start3A_64 = tpu.memref_slice %arg7[%dma_start3A_62, %dma_start3A_63] : memref<1280x32xf32, #tpu.memory_space<vmem>> -> memref<128x32xf32, #tpu.memory_space<vmem>>
    %dma_start3A_65 = arith.constant 896 : i32
    %dma_start3A_66 = tpu.memref_slice %arg6[%dma_start3A_65] : memref<6400xi32, #tpu.memory_space<vmem>> -> memref<128xi32, #tpu.memory_space<vmem>>
    %dma_start3A_67 = arith.constant 0 : i32
    %dma_start3A_68 = arith.constant 0 : i32
    %dma_start3A_69 = tpu.memref_slice %arg3[%dma_start3A_67, %dma_start3A_68] : memref<21216x32xf32, #tpu.memory_space<hbm>> -> memref<21216x32xf32, #tpu.memory_space<hbm>>
    tpu.enqueue_indirect_dma source(%dma_start3A_69 : memref<21216x32xf32, #tpu.memory_space<hbm>>) target(%dma_start3A_64 : memref<128x32xf32, #tpu.memory_space<vmem>>) offsets(%dma_start3A_66 : memref<128xi32, #tpu.memory_space<vmem>>) semaphore(%arg9 : memref<!tpu.dma_semaphore, #tpu.memory_space<semaphore_mem>>)
    %dma_start3A_70 = arith.constant 1024 : i32
    %dma_start3A_71 = arith.constant 0 : i32
    %dma_start3A_72 = tpu.memref_slice %arg7[%dma_start3A_70, %dma_start3A_71] : memref<1280x32xf32, #tpu.memory_space<vmem>> -> memref<128x32xf32, #tpu.memory_space<vmem>>
    %dma_start3A_73 = arith.constant 1024 : i32
    %dma_start3A_74 = tpu.memref_slice %arg6[%dma_start3A_73] : memref<6400xi32, #tpu.memory_space<vmem>> -> memref<128xi32, #tpu.memory_space<vmem>>
    %dma_start3A_75 = arith.constant 0 : i32
    %dma_start3A_76 = arith.constant 0 : i32
    %dma_start3A_77 = tpu.memref_slice %arg3[%dma_start3A_75, %dma_start3A_76] : memref<21216x32xf32, #tpu.memory_space<hbm>> -> memref<21216x32xf32, #tpu.memory_space<hbm>>
    tpu.enqueue_indirect_dma source(%dma_start3A_77 : memref<21216x32xf32, #tpu.memory_space<hbm>>) target(%dma_start3A_72 : memref<128x32xf32, #tpu.memory_space<vmem>>) offsets(%dma_start3A_74 : memref<128xi32, #tpu.memory_space<vmem>>) semaphore(%arg9 : memref<!tpu.dma_semaphore, #tpu.memory_space<semaphore_mem>>)
    %dma_start3A_78 = arith.constant 1152 : i32
    %dma_start3A_79 = arith.constant 0 : i32
    %dma_start3A_80 = tpu.memref_slice %arg7[%dma_start3A_78, %dma_start3A_79] : memref<1280x32xf32, #tpu.memory_space<vmem>> -> memref<128x32xf32, #tpu.memory_space<vmem>>
    %dma_start3A_81 = arith.constant 1152 : i32
    %dma_start3A_82 = tpu.memref_slice %arg6[%dma_start3A_81] : memref<6400xi32, #tpu.memory_space<vmem>> -> memref<128xi32, #tpu.memory_space<vmem>>
    %dma_start3A_83 = arith.constant 0 : i32
    %dma_start3A_84 = arith.constant 0 : i32
    %dma_start3A_85 = tpu.memref_slice %arg3[%dma_start3A_83, %dma_start3A_84] : memref<21216x32xf32, #tpu.memory_space<hbm>> -> memref<21216x32xf32, #tpu.memory_space<hbm>>
    tpu.enqueue_indirect_dma source(%dma_start3A_85 : memref<21216x32xf32, #tpu.memory_space<hbm>>) target(%dma_start3A_80 : memref<128x32xf32, #tpu.memory_space<vmem>>) offsets(%dma_start3A_82 : memref<128xi32, #tpu.memory_space<vmem>>) semaphore(%arg9 : memref<!tpu.dma_semaphore, #tpu.memory_space<semaphore_mem>>)
    %scan3A_86 = arith.constant 0 : i32
    %scan3A_87 = arith.constant 80 : i32
    %scan3A_88 = arith.addi %scan3A_86, %scan3A_87 : i32
    %scan3A_89 = arith.constant 1 : i32
    scf.for %scan3A_875 = %scan3A_86 to %scan3A_88 step %scan3A_89  : i32 {
      %mul3A_876 = arith.constant 16 : i32
      %mul3A_877 = arith.muli %scan3A_875, %mul3A_876 : i32
      %add3A_878 = arith.constant 1280 : i32
      %add3A_879 = arith.addi %add3A_878, %mul3A_877 : i32
      %get3A = arith.index_cast %add3A_879 : i32 to index
      %get3A_880 = tpu.vector_load %arg5[%get3A] {strides = array<i32>} : memref<6400xi32, #tpu.memory_space<vmem>>, vector<16xi32>,
      %get3A_881 = vector.shape_cast %get3A_880 : vector<16xi32> to vector<16xi32>
      %broadcast_in_dim3A = arith.constant 86400 : i32
      %broadcast_in_dim3A_882 = vector.broadcast %broadcast_in_dim3A : i32 to vector<16xi32>
      %div3A = arith.divsi %get3A_881, %broadcast_in_dim3A_882 : vector<16xi32>
      %add3A_883 = arith.constant 719468 : i32
      %add3A_884 = vector.broadcast %add3A_883 : i32 to vector<16xi32>
      %add3A_885 = arith.addi %div3A, %add3A_884 : vector<16xi32>
      %broadcast_in_dim3A_886 = arith.constant 146097 : i32
      %broadcast_in_dim3A_887 = vector.broadcast %broadcast_in_dim3A_886 : i32 to vector<16xi32>
      %div3A_888 = arith.divsi %add3A_885, %broadcast_in_dim3A_887 : vector<16xi32>
      %mul3A_889 = arith.constant 146097 : i32
      %mul3A_890 = vector.broadcast %mul3A_889 : i32 to vector<16xi32>
      %mul3A_891 = arith.muli %div3A_888, %mul3A_890 : vector<16xi32>
      %sub3A = arith.subi %add3A_885, %mul3A_891 : vector<16xi32>
      %broadcast_in_dim3A_892 = arith.constant 1460 : i32
      %broadcast_in_dim3A_893 = vector.broadcast %broadcast_in_dim3A_892 : i32 to vector<16xi32>
      %div3A_894 = arith.divsi %sub3A, %broadcast_in_dim3A_893 : vector<16xi32>
      %sub3A_895 = arith.subi %sub3A, %div3A_894 : vector<16xi32>
      %broadcast_in_dim3A_896 = arith.constant 36524 : i32
      %broadcast_in_dim3A_897 = vector.broadcast %broadcast_in_dim3A_896 : i32 to vector<16xi32>
      %div3A_898 = arith.divsi %sub3A, %broadcast_in_dim3A_897 : vector<16xi32>
      %add3A_899 = arith.addi %sub3A_895, %div3A_898 : vector<16xi32>
      %broadcast_in_dim3A_900 = arith.constant 146096 : i32
      %broadcast_in_dim3A_901 = vector.broadcast %broadcast_in_dim3A_900 : i32 to vector<16xi32>
      %div3A_902 = arith.divsi %sub3A, %broadcast_in_dim3A_901 : vector<16xi32>
      %sub3A_903 = arith.subi %add3A_899, %div3A_902 : vector<16xi32>
      %broadcast_in_dim3A_904 = arith.constant 365 : i32
      %broadcast_in_dim3A_905 = vector.broadcast %broadcast_in_dim3A_904 : i32 to vector<16xi32>
      %div3A_906 = arith.divsi %sub3A_903, %broadcast_in_dim3A_905 : vector<16xi32>
      %mul3A_907 = arith.constant 400 : i32
      %mul3A_908 = vector.broadcast %mul3A_907 : i32 to vector<16xi32>
      %mul3A_909 = arith.muli %div3A_888, %mul3A_908 : vector<16xi32>
      %add3A_910 = arith.addi %div3A_906, %mul3A_909 : vector<16xi32>
      %mul3A_911 = arith.constant 365 : i32
      %mul3A_912 = vector.broadcast %mul3A_911 : i32 to vector<16xi32>
      %mul3A_913 = arith.muli %mul3A_912, %div3A_906 : vector<16xi32>
      %broadcast_in_dim3A_914 = arith.constant 4 : i32
      %broadcast_in_dim3A_915 = vector.broadcast %broadcast_in_dim3A_914 : i32 to vector<16xi32>
      %div3A_916 = arith.divsi %div3A_906, %broadcast_in_dim3A_915 : vector<16xi32>
      %add3A_917 = arith.addi %mul3A_913, %div3A_916 : vector<16xi32>
      %broadcast_in_dim3A_918 = arith.constant 100 : i32
      %broadcast_in_dim3A_919 = vector.broadcast %broadcast_in_dim3A_918 : i32 to vector<16xi32>
      %div3A_920 = arith.divsi %div3A_906, %broadcast_in_dim3A_919 : vector<16xi32>
      %sub3A_921 = arith.subi %add3A_917, %div3A_920 : vector<16xi32>
      %sub3A_922 = arith.subi %sub3A, %sub3A_921 : vector<16xi32>
      %mul3A_923 = arith.constant 5 : i32
      %mul3A_924 = vector.broadcast %mul3A_923 : i32 to vector<16xi32>
      %mul3A_925 = arith.muli %mul3A_924, %sub3A_922 : vector<16xi32>
      %add3A_926 = arith.constant 2 : i32
      %add3A_927 = vector.broadcast %add3A_926 : i32 to vector<16xi32>
      %add3A_928 = arith.addi %mul3A_925, %add3A_927 : vector<16xi32>
      %broadcast_in_dim3A_929 = arith.constant 153 : i32
      %broadcast_in_dim3A_930 = vector.broadcast %broadcast_in_dim3A_929 : i32 to vector<16xi32>
      %div3A_931 = arith.divsi %add3A_928, %broadcast_in_dim3A_930 : vector<16xi32>
      %mul3A_932 = arith.constant 153 : i32
      %mul3A_933 = vector.broadcast %mul3A_932 : i32 to vector<16xi32>
      %mul3A_934 = arith.muli %mul3A_933, %div3A_931 : vector<16xi32>
      %add3A_935 = arith.constant 2 : i32
      %add3A_936 = vector.broadcast %add3A_935 : i32 to vector<16xi32>
      %add3A_937 = arith.addi %mul3A_934, %add3A_936 : vector<16xi32>
      %broadcast_in_dim3A_938 = arith.constant 5 : i32
      %broadcast_in_dim3A_939 = vector.broadcast %broadcast_in_dim3A_938 : i32 to vector<16xi32>
      %div3A_940 = arith.divsi %add3A_937, %broadcast_in_dim3A_939 : vector<16xi32>
      %sub3A_941 = arith.subi %sub3A_922, %div3A_940 : vector<16xi32>
      %add3A_942 = arith.constant 1 : i32
      %add3A_943 = vector.broadcast %add3A_942 : i32 to vector<16xi32>
      %add3A_944 = arith.addi %sub3A_941, %add3A_943 : vector<16xi32>
      %lt3A = arith.constant 10 : i32
      %lt3A_945 = vector.broadcast %lt3A : i32 to vector<16xi32>
      %lt3A_946 = arith.cmpi slt, %div3A_931, %lt3A_945 : vector<16xi32>
      %add3A_947 = arith.constant 3 : i32
      %add3A_948 = vector.broadcast %add3A_947 : i32 to vector<16xi32>
      %add3A_949 = arith.addi %div3A_931, %add3A_948 : vector<16xi32>
      %sub3A_950 = arith.constant 9 : i32
      %sub3A_951 = vector.broadcast %sub3A_950 : i32 to vector<16xi32>
      %sub3A_952 = arith.subi %div3A_931, %sub3A_951 : vector<16xi32>
      %select_n3A = arith.select %lt3A_946, %add3A_949, %sub3A_952 : vector<16xi1>, vector<16xi32>
      %le3A = arith.constant 2 : i32
      %le3A_953 = vector.broadcast %le3A : i32 to vector<16xi32>
      %le3A_954 = arith.cmpi sle, %select_n3A, %le3A_953 : vector<16xi32>
      %add3A_955 = arith.constant 1 : i32
      %add3A_956 = vector.broadcast %add3A_955 : i32 to vector<16xi32>
      %add3A_957 = arith.addi %add3A_910, %add3A_956 : vector<16xi32>
      %select_n3A_958 = arith.select %le3A_954, %add3A_957, %add3A_910 : vector<16xi1>, vector<16xi32>
      %sub3A_959 = arith.constant 2000 : i32
      %sub3A_960 = vector.broadcast %sub3A_959 : i32 to vector<16xi32>
      %sub3A_961 = arith.subi %select_n3A_958, %sub3A_960 : vector<16xi32>
      %max3A = arith.constant 0 : i32
      %max3A_962 = vector.broadcast %max3A : i32 to vector<16xi32>
      %max3A_963 = arith.maxsi %sub3A_961, %max3A_962 : vector<16xi32>
      %min3A = arith.constant 49 : i32
      %min3A_964 = vector.broadcast %min3A : i32 to vector<16xi32>
      %min3A_965 = arith.minsi %max3A_963, %min3A_964 : vector<16xi32>
      %add3A_966 = arith.constant 1 : i32
      %add3A_967 = vector.broadcast %add3A_966 : i32 to vector<16xi32>
      %add3A_968 = arith.addi %min3A_965, %add3A_967 : vector<16xi32>
      %mul3A_969 = arith.constant 416 : i32
      %mul3A_970 = vector.broadcast %mul3A_969 : i32 to vector<16xi32>
      %mul3A_971 = arith.muli %add3A_968, %mul3A_970 : vector<16xi32>
      %mul3A_972 = arith.constant 32 : i32
      %mul3A_973 = vector.broadcast %mul3A_972 : i32 to vector<16xi32>
      %mul3A_974 = arith.muli %select_n3A, %mul3A_973 : vector<16xi32>
      %add3A_975 = arith.addi %mul3A_971, %mul3A_974 : vector<16xi32>
      %add3A_976 = arith.addi %add3A_975, %add3A_944 : vector<16xi32>
      %ne3A = arith.constant 0 : i32
      %ne3A_977 = vector.broadcast %ne3A : i32 to vector<16xi32>
      %ne3A_978 = arith.cmpi ne, %get3A_881, %ne3A_977 : vector<16xi32>
      %select_n3A_979 = arith.select %ne3A_978, %add3A_976, %get3A_881 : vector<16xi1>, vector<16xi32>
      %swap3A = arith.index_cast %add3A_879 : i32 to index
      %swap3A_980 = tpu.vector_load %arg6[%swap3A] {strides = array<i32>} : memref<6400xi32, #tpu.memory_space<vmem>>, vector<16xi32>,
      %swap3A_981 = vector.shape_cast %swap3A_980 : vector<16xi32> to vector<16xi32>
      %swap3A_982 = vector.shape_cast %select_n3A_979 : vector<16xi32> to vector<16xi32>
      tpu.vector_store %arg6[%swap3A], %swap3A_982 {strides = array<i32>} : memref<6400xi32, #tpu.memory_space<vmem>>, vector<16xi32>,
    }
    %scan3A_90 = arith.constant 80 : i32
    %dma_start3A_91 = arith.constant 0 : i32
    %dma_start3A_92 = arith.constant 0 : i32
    %dma_start3A_93 = tpu.memref_slice %arg8[%dma_start3A_91, %dma_start3A_92] : memref<1280x32xf32, #tpu.memory_space<vmem>> -> memref<128x32xf32, #tpu.memory_space<vmem>>
    %dma_start3A_94 = arith.constant 1280 : i32
    %dma_start3A_95 = tpu.memref_slice %arg6[%dma_start3A_94] : memref<6400xi32, #tpu.memory_space<vmem>> -> memref<128xi32, #tpu.memory_space<vmem>>
    %dma_start3A_96 = arith.constant 0 : i32
    %dma_start3A_97 = arith.constant 0 : i32
    %dma_start3A_98 = tpu.memref_slice %arg3[%dma_start3A_96, %dma_start3A_97] : memref<21216x32xf32, #tpu.memory_space<hbm>> -> memref<21216x32xf32, #tpu.memory_space<hbm>>
    tpu.enqueue_indirect_dma source(%dma_start3A_98 : memref<21216x32xf32, #tpu.memory_space<hbm>>) target(%dma_start3A_93 : memref<128x32xf32, #tpu.memory_space<vmem>>) offsets(%dma_start3A_95 : memref<128xi32, #tpu.memory_space<vmem>>) semaphore(%arg10 : memref<!tpu.dma_semaphore, #tpu.memory_space<semaphore_mem>>)
    %dma_start3A_99 = arith.constant 128 : i32
    %dma_start3A_100 = arith.constant 0 : i32
    %dma_start3A_101 = tpu.memref_slice %arg8[%dma_start3A_99, %dma_start3A_100] : memref<1280x32xf32, #tpu.memory_space<vmem>> -> memref<128x32xf32, #tpu.memory_space<vmem>>
    %dma_start3A_102 = arith.constant 1408 : i32
    %dma_start3A_103 = tpu.memref_slice %arg6[%dma_start3A_102] : memref<6400xi32, #tpu.memory_space<vmem>> -> memref<128xi32, #tpu.memory_space<vmem>>
    %dma_start3A_104 = arith.constant 0 : i32
    %dma_start3A_105 = arith.constant 0 : i32
    %dma_start3A_106 = tpu.memref_slice %arg3[%dma_start3A_104, %dma_start3A_105] : memref<21216x32xf32, #tpu.memory_space<hbm>> -> memref<21216x32xf32, #tpu.memory_space<hbm>>
    tpu.enqueue_indirect_dma source(%dma_start3A_106 : memref<21216x32xf32, #tpu.memory_space<hbm>>) target(%dma_start3A_101 : memref<128x32xf32, #tpu.memory_space<vmem>>) offsets(%dma_start3A_103 : memref<128xi32, #tpu.memory_space<vmem>>) semaphore(%arg10 : memref<!tpu.dma_semaphore, #tpu.memory_space<semaphore_mem>>)
    %dma_start3A_107 = arith.constant 256 : i32
    %dma_start3A_108 = arith.constant 0 : i32
    %dma_start3A_109 = tpu.memref_slice %arg8[%dma_start3A_107, %dma_start3A_108] : memref<1280x32xf32, #tpu.memory_space<vmem>> -> memref<128x32xf32, #tpu.memory_space<vmem>>
    %dma_start3A_110 = arith.constant 1536 : i32
    %dma_start3A_111 = tpu.memref_slice %arg6[%dma_start3A_110] : memref<6400xi32, #tpu.memory_space<vmem>> -> memref<128xi32, #tpu.memory_space<vmem>>
    %dma_start3A_112 = arith.constant 0 : i32
    %dma_start3A_113 = arith.constant 0 : i32
    %dma_start3A_114 = tpu.memref_slice %arg3[%dma_start3A_112, %dma_start3A_113] : memref<21216x32xf32, #tpu.memory_space<hbm>> -> memref<21216x32xf32, #tpu.memory_space<hbm>>
    tpu.enqueue_indirect_dma source(%dma_start3A_114 : memref<21216x32xf32, #tpu.memory_space<hbm>>) target(%dma_start3A_109 : memref<128x32xf32, #tpu.memory_space<vmem>>) offsets(%dma_start3A_111 : memref<128xi32, #tpu.memory_space<vmem>>) semaphore(%arg10 : memref<!tpu.dma_semaphore, #tpu.memory_space<semaphore_mem>>)
    %dma_start3A_115 = arith.constant 384 : i32
    %dma_start3A_116 = arith.constant 0 : i32
    %dma_start3A_117 = tpu.memref_slice %arg8[%dma_start3A_115, %dma_start3A_116] : memref<1280x32xf32, #tpu.memory_space<vmem>> -> memref<128x32xf32, #tpu.memory_space<vmem>>
    %dma_start3A_118 = arith.constant 1664 : i32
    %dma_start3A_119 = tpu.memref_slice %arg6[%dma_start3A_118] : memref<6400xi32, #tpu.memory_space<vmem>> -> memref<128xi32, #tpu.memory_space<vmem>>
    %dma_start3A_120 = arith.constant 0 : i32
    %dma_start3A_121 = arith.constant 0 : i32
    %dma_start3A_122 = tpu.memref_slice %arg3[%dma_start3A_120, %dma_start3A_121] : memref<21216x32xf32, #tpu.memory_space<hbm>> -> memref<21216x32xf32, #tpu.memory_space<hbm>>
    tpu.enqueue_indirect_dma source(%dma_start3A_122 : memref<21216x32xf32, #tpu.memory_space<hbm>>) target(%dma_start3A_117 : memref<128x32xf32, #tpu.memory_space<vmem>>) offsets(%dma_start3A_119 : memref<128xi32, #tpu.memory_space<vmem>>) semaphore(%arg10 : memref<!tpu.dma_semaphore, #tpu.memory_space<semaphore_mem>>)
    %dma_start3A_123 = arith.constant 512 : i32
    %dma_start3A_124 = arith.constant 0 : i32
    %dma_start3A_125 = tpu.memref_slice %arg8[%dma_start3A_123, %dma_start3A_124] : memref<1280x32xf32, #tpu.memory_space<vmem>> -> memref<128x32xf32, #tpu.memory_space<vmem>>
    %dma_start3A_126 = arith.constant 1792 : i32
    %dma_start3A_127 = tpu.memref_slice %arg6[%dma_start3A_126] : memref<6400xi32, #tpu.memory_space<vmem>> -> memref<128xi32, #tpu.memory_space<vmem>>
    %dma_start3A_128 = arith.constant 0 : i32
    %dma_start3A_129 = arith.constant 0 : i32
    %dma_start3A_130 = tpu.memref_slice %arg3[%dma_start3A_128, %dma_start3A_129] : memref<21216x32xf32, #tpu.memory_space<hbm>> -> memref<21216x32xf32, #tpu.memory_space<hbm>>
    tpu.enqueue_indirect_dma source(%dma_start3A_130 : memref<21216x32xf32, #tpu.memory_space<hbm>>) target(%dma_start3A_125 : memref<128x32xf32, #tpu.memory_space<vmem>>) offsets(%dma_start3A_127 : memref<128xi32, #tpu.memory_space<vmem>>) semaphore(%arg10 : memref<!tpu.dma_semaphore, #tpu.memory_space<semaphore_mem>>)
    %dma_start3A_131 = arith.constant 640 : i32
    %dma_start3A_132 = arith.constant 0 : i32
    %dma_start3A_133 = tpu.memref_slice %arg8[%dma_start3A_131, %dma_start3A_132] : memref<1280x32xf32, #tpu.memory_space<vmem>> -> memref<128x32xf32, #tpu.memory_space<vmem>>
    %dma_start3A_134 = arith.constant 1920 : i32
    %dma_start3A_135 = tpu.memref_slice %arg6[%dma_start3A_134] : memref<6400xi32, #tpu.memory_space<vmem>> -> memref<128xi32, #tpu.memory_space<vmem>>
    %dma_start3A_136 = arith.constant 0 : i32
    %dma_start3A_137 = arith.constant 0 : i32
    %dma_start3A_138 = tpu.memref_slice %arg3[%dma_start3A_136, %dma_start3A_137] : memref<21216x32xf32, #tpu.memory_space<hbm>> -> memref<21216x32xf32, #tpu.memory_space<hbm>>
    tpu.enqueue_indirect_dma source(%dma_start3A_138 : memref<21216x32xf32, #tpu.memory_space<hbm>>) target(%dma_start3A_133 : memref<128x32xf32, #tpu.memory_space<vmem>>) offsets(%dma_start3A_135 : memref<128xi32, #tpu.memory_space<vmem>>) semaphore(%arg10 : memref<!tpu.dma_semaphore, #tpu.memory_space<semaphore_mem>>)
    %dma_start3A_139 = arith.constant 768 : i32
    %dma_start3A_140 = arith.constant 0 : i32
    %dma_start3A_141 = tpu.memref_slice %arg8[%dma_start3A_139, %dma_start3A_140] : memref<1280x32xf32, #tpu.memory_space<vmem>> -> memref<128x32xf32, #tpu.memory_space<vmem>>
    %dma_start3A_142 = arith.constant 2048 : i32
    %dma_start3A_143 = tpu.memref_slice %arg6[%dma_start3A_142] : memref<6400xi32, #tpu.memory_space<vmem>> -> memref<128xi32, #tpu.memory_space<vmem>>
    %dma_start3A_144 = arith.constant 0 : i32
    %dma_start3A_145 = arith.constant 0 : i32
    %dma_start3A_146 = tpu.memref_slice %arg3[%dma_start3A_144, %dma_start3A_145] : memref<21216x32xf32, #tpu.memory_space<hbm>> -> memref<21216x32xf32, #tpu.memory_space<hbm>>
    tpu.enqueue_indirect_dma source(%dma_start3A_146 : memref<21216x32xf32, #tpu.memory_space<hbm>>) target(%dma_start3A_141 : memref<128x32xf32, #tpu.memory_space<vmem>>) offsets(%dma_start3A_143 : memref<128xi32, #tpu.memory_space<vmem>>) semaphore(%arg10 : memref<!tpu.dma_semaphore, #tpu.memory_space<semaphore_mem>>)
    %dma_start3A_147 = arith.constant 896 : i32
    %dma_start3A_148 = arith.constant 0 : i32
    %dma_start3A_149 = tpu.memref_slice %arg8[%dma_start3A_147, %dma_start3A_148] : memref<1280x32xf32, #tpu.memory_space<vmem>> -> memref<128x32xf32, #tpu.memory_space<vmem>>
    %dma_start3A_150 = arith.constant 2176 : i32
    %dma_start3A_151 = tpu.memref_slice %arg6[%dma_start3A_150] : memref<6400xi32, #tpu.memory_space<vmem>> -> memref<128xi32, #tpu.memory_space<vmem>>
    %dma_start3A_152 = arith.constant 0 : i32
    %dma_start3A_153 = arith.constant 0 : i32
    %dma_start3A_154 = tpu.memref_slice %arg3[%dma_start3A_152, %dma_start3A_153] : memref<21216x32xf32, #tpu.memory_space<hbm>> -> memref<21216x32xf32, #tpu.memory_space<hbm>>
    tpu.enqueue_indirect_dma source(%dma_start3A_154 : memref<21216x32xf32, #tpu.memory_space<hbm>>) target(%dma_start3A_149 : memref<128x32xf32, #tpu.memory_space<vmem>>) offsets(%dma_start3A_151 : memref<128xi32, #tpu.memory_space<vmem>>) semaphore(%arg10 : memref<!tpu.dma_semaphore, #tpu.memory_space<semaphore_mem>>)
    %dma_start3A_155 = arith.constant 1024 : i32
    %dma_start3A_156 = arith.constant 0 : i32
    %dma_start3A_157 = tpu.memref_slice %arg8[%dma_start3A_155, %dma_start3A_156] : memref<1280x32xf32, #tpu.memory_space<vmem>> -> memref<128x32xf32, #tpu.memory_space<vmem>>
    %dma_start3A_158 = arith.constant 2304 : i32
    %dma_start3A_159 = tpu.memref_slice %arg6[%dma_start3A_158] : memref<6400xi32, #tpu.memory_space<vmem>> -> memref<128xi32, #tpu.memory_space<vmem>>
    %dma_start3A_160 = arith.constant 0 : i32
    %dma_start3A_161 = arith.constant 0 : i32
    %dma_start3A_162 = tpu.memref_slice %arg3[%dma_start3A_160, %dma_start3A_161] : memref<21216x32xf32, #tpu.memory_space<hbm>> -> memref<21216x32xf32, #tpu.memory_space<hbm>>
    tpu.enqueue_indirect_dma source(%dma_start3A_162 : memref<21216x32xf32, #tpu.memory_space<hbm>>) target(%dma_start3A_157 : memref<128x32xf32, #tpu.memory_space<vmem>>) offsets(%dma_start3A_159 : memref<128xi32, #tpu.memory_space<vmem>>) semaphore(%arg10 : memref<!tpu.dma_semaphore, #tpu.memory_space<semaphore_mem>>)
    %dma_start3A_163 = arith.constant 1152 : i32
    %dma_start3A_164 = arith.constant 0 : i32
    %dma_start3A_165 = tpu.memref_slice %arg8[%dma_start3A_163, %dma_start3A_164] : memref<1280x32xf32, #tpu.memory_space<vmem>> -> memref<128x32xf32, #tpu.memory_space<vmem>>
    %dma_start3A_166 = arith.constant 2432 : i32
    %dma_start3A_167 = tpu.memref_slice %arg6[%dma_start3A_166] : memref<6400xi32, #tpu.memory_space<vmem>> -> memref<128xi32, #tpu.memory_space<vmem>>
    %dma_start3A_168 = arith.constant 0 : i32
    %dma_start3A_169 = arith.constant 0 : i32
    %dma_start3A_170 = tpu.memref_slice %arg3[%dma_start3A_168, %dma_start3A_169] : memref<21216x32xf32, #tpu.memory_space<hbm>> -> memref<21216x32xf32, #tpu.memory_space<hbm>>
    tpu.enqueue_indirect_dma source(%dma_start3A_170 : memref<21216x32xf32, #tpu.memory_space<hbm>>) target(%dma_start3A_165 : memref<128x32xf32, #tpu.memory_space<vmem>>) offsets(%dma_start3A_167 : memref<128xi32, #tpu.memory_space<vmem>>) semaphore(%arg10 : memref<!tpu.dma_semaphore, #tpu.memory_space<semaphore_mem>>)
    %dma_wait3A = arith.constant 0 : i32
    %dma_wait3A_171 = arith.constant 0 : i32
    %dma_wait3A_172 = tpu.memref_slice %arg7[%dma_wait3A, %dma_wait3A_171] : memref<1280x32xf32, #tpu.memory_space<vmem>> -> memref<128x32xf32, #tpu.memory_space<vmem>>
    %dma_wait3A_173 = arith.constant 0 : i32
    %dma_wait3A_174 = tpu.memref_slice %arg6[%dma_wait3A_173] : memref<6400xi32, #tpu.memory_space<vmem>> -> memref<128xi32, #tpu.memory_space<vmem>>
    %dma_wait3A_175 = arith.constant 0 : i32
    %dma_wait3A_176 = arith.constant 0 : i32
    %dma_wait3A_177 = tpu.memref_slice %arg3[%dma_wait3A_175, %dma_wait3A_176] : memref<21216x32xf32, #tpu.memory_space<hbm>> -> memref<21216x32xf32, #tpu.memory_space<hbm>>
    tpu.wait_indirect_dma semaphore(%arg9 : memref<!tpu.dma_semaphore, #tpu.memory_space<semaphore_mem>>) src(%dma_wait3A_177 : memref<21216x32xf32, #tpu.memory_space<hbm>>) dst(%dma_wait3A_172 : memref<128x32xf32, #tpu.memory_space<vmem>>)
    %dma_wait3A_178 = arith.constant 128 : i32
    %dma_wait3A_179 = arith.constant 0 : i32
    %dma_wait3A_180 = tpu.memref_slice %arg7[%dma_wait3A_178, %dma_wait3A_179] : memref<1280x32xf32, #tpu.memory_space<vmem>> -> memref<128x32xf32, #tpu.memory_space<vmem>>
    %dma_wait3A_181 = arith.constant 128 : i32
    %dma_wait3A_182 = tpu.memref_slice %arg6[%dma_wait3A_181] : memref<6400xi32, #tpu.memory_space<vmem>> -> memref<128xi32, #tpu.memory_space<vmem>>
    %dma_wait3A_183 = arith.constant 0 : i32
    %dma_wait3A_184 = arith.constant 0 : i32
    %dma_wait3A_185 = tpu.memref_slice %arg3[%dma_wait3A_183, %dma_wait3A_184] : memref<21216x32xf32, #tpu.memory_space<hbm>> -> memref<21216x32xf32, #tpu.memory_space<hbm>>
    tpu.wait_indirect_dma semaphore(%arg9 : memref<!tpu.dma_semaphore, #tpu.memory_space<semaphore_mem>>) src(%dma_wait3A_185 : memref<21216x32xf32, #tpu.memory_space<hbm>>) dst(%dma_wait3A_180 : memref<128x32xf32, #tpu.memory_space<vmem>>)
    %dma_wait3A_186 = arith.constant 256 : i32
    %dma_wait3A_187 = arith.constant 0 : i32
    %dma_wait3A_188 = tpu.memref_slice %arg7[%dma_wait3A_186, %dma_wait3A_187] : memref<1280x32xf32, #tpu.memory_space<vmem>> -> memref<128x32xf32, #tpu.memory_space<vmem>>
    %dma_wait3A_189 = arith.constant 256 : i32
    %dma_wait3A_190 = tpu.memref_slice %arg6[%dma_wait3A_189] : memref<6400xi32, #tpu.memory_space<vmem>> -> memref<128xi32, #tpu.memory_space<vmem>>
    %dma_wait3A_191 = arith.constant 0 : i32
    %dma_wait3A_192 = arith.constant 0 : i32
    %dma_wait3A_193 = tpu.memref_slice %arg3[%dma_wait3A_191, %dma_wait3A_192] : memref<21216x32xf32, #tpu.memory_space<hbm>> -> memref<21216x32xf32, #tpu.memory_space<hbm>>
    tpu.wait_indirect_dma semaphore(%arg9 : memref<!tpu.dma_semaphore, #tpu.memory_space<semaphore_mem>>) src(%dma_wait3A_193 : memref<21216x32xf32, #tpu.memory_space<hbm>>) dst(%dma_wait3A_188 : memref<128x32xf32, #tpu.memory_space<vmem>>)
    %dma_wait3A_194 = arith.constant 384 : i32
    %dma_wait3A_195 = arith.constant 0 : i32
    %dma_wait3A_196 = tpu.memref_slice %arg7[%dma_wait3A_194, %dma_wait3A_195] : memref<1280x32xf32, #tpu.memory_space<vmem>> -> memref<128x32xf32, #tpu.memory_space<vmem>>
    %dma_wait3A_197 = arith.constant 384 : i32
    %dma_wait3A_198 = tpu.memref_slice %arg6[%dma_wait3A_197] : memref<6400xi32, #tpu.memory_space<vmem>> -> memref<128xi32, #tpu.memory_space<vmem>>
    %dma_wait3A_199 = arith.constant 0 : i32
    %dma_wait3A_200 = arith.constant 0 : i32
    %dma_wait3A_201 = tpu.memref_slice %arg3[%dma_wait3A_199, %dma_wait3A_200] : memref<21216x32xf32, #tpu.memory_space<hbm>> -> memref<21216x32xf32, #tpu.memory_space<hbm>>
    tpu.wait_indirect_dma semaphore(%arg9 : memref<!tpu.dma_semaphore, #tpu.memory_space<semaphore_mem>>) src(%dma_wait3A_201 : memref<21216x32xf32, #tpu.memory_space<hbm>>) dst(%dma_wait3A_196 : memref<128x32xf32, #tpu.memory_space<vmem>>)
    %dma_wait3A_202 = arith.constant 512 : i32
    %dma_wait3A_203 = arith.constant 0 : i32
    %dma_wait3A_204 = tpu.memref_slice %arg7[%dma_wait3A_202, %dma_wait3A_203] : memref<1280x32xf32, #tpu.memory_space<vmem>> -> memref<128x32xf32, #tpu.memory_space<vmem>>
    %dma_wait3A_205 = arith.constant 512 : i32
    %dma_wait3A_206 = tpu.memref_slice %arg6[%dma_wait3A_205] : memref<6400xi32, #tpu.memory_space<vmem>> -> memref<128xi32, #tpu.memory_space<vmem>>
    %dma_wait3A_207 = arith.constant 0 : i32
    %dma_wait3A_208 = arith.constant 0 : i32
    %dma_wait3A_209 = tpu.memref_slice %arg3[%dma_wait3A_207, %dma_wait3A_208] : memref<21216x32xf32, #tpu.memory_space<hbm>> -> memref<21216x32xf32, #tpu.memory_space<hbm>>
    tpu.wait_indirect_dma semaphore(%arg9 : memref<!tpu.dma_semaphore, #tpu.memory_space<semaphore_mem>>) src(%dma_wait3A_209 : memref<21216x32xf32, #tpu.memory_space<hbm>>) dst(%dma_wait3A_204 : memref<128x32xf32, #tpu.memory_space<vmem>>)
    %dma_wait3A_210 = arith.constant 640 : i32
    %dma_wait3A_211 = arith.constant 0 : i32
    %dma_wait3A_212 = tpu.memref_slice %arg7[%dma_wait3A_210, %dma_wait3A_211] : memref<1280x32xf32, #tpu.memory_space<vmem>> -> memref<128x32xf32, #tpu.memory_space<vmem>>
    %dma_wait3A_213 = arith.constant 640 : i32
    %dma_wait3A_214 = tpu.memref_slice %arg6[%dma_wait3A_213] : memref<6400xi32, #tpu.memory_space<vmem>> -> memref<128xi32, #tpu.memory_space<vmem>>
    %dma_wait3A_215 = arith.constant 0 : i32
    %dma_wait3A_216 = arith.constant 0 : i32
    %dma_wait3A_217 = tpu.memref_slice %arg3[%dma_wait3A_215, %dma_wait3A_216] : memref<21216x32xf32, #tpu.memory_space<hbm>> -> memref<21216x32xf32, #tpu.memory_space<hbm>>
    tpu.wait_indirect_dma semaphore(%arg9 : memref<!tpu.dma_semaphore, #tpu.memory_space<semaphore_mem>>) src(%dma_wait3A_217 : memref<21216x32xf32, #tpu.memory_space<hbm>>) dst(%dma_wait3A_212 : memref<128x32xf32, #tpu.memory_space<vmem>>)
    %dma_wait3A_218 = arith.constant 768 : i32
    %dma_wait3A_219 = arith.constant 0 : i32
    %dma_wait3A_220 = tpu.memref_slice %arg7[%dma_wait3A_218, %dma_wait3A_219] : memref<1280x32xf32, #tpu.memory_space<vmem>> -> memref<128x32xf32, #tpu.memory_space<vmem>>
    %dma_wait3A_221 = arith.constant 768 : i32
    %dma_wait3A_222 = tpu.memref_slice %arg6[%dma_wait3A_221] : memref<6400xi32, #tpu.memory_space<vmem>> -> memref<128xi32, #tpu.memory_space<vmem>>
    %dma_wait3A_223 = arith.constant 0 : i32
    %dma_wait3A_224 = arith.constant 0 : i32
    %dma_wait3A_225 = tpu.memref_slice %arg3[%dma_wait3A_223, %dma_wait3A_224] : memref<21216x32xf32, #tpu.memory_space<hbm>> -> memref<21216x32xf32, #tpu.memory_space<hbm>>
    tpu.wait_indirect_dma semaphore(%arg9 : memref<!tpu.dma_semaphore, #tpu.memory_space<semaphore_mem>>) src(%dma_wait3A_225 : memref<21216x32xf32, #tpu.memory_space<hbm>>) dst(%dma_wait3A_220 : memref<128x32xf32, #tpu.memory_space<vmem>>)
    %dma_wait3A_226 = arith.constant 896 : i32
    %dma_wait3A_227 = arith.constant 0 : i32
    %dma_wait3A_228 = tpu.memref_slice %arg7[%dma_wait3A_226, %dma_wait3A_227] : memref<1280x32xf32, #tpu.memory_space<vmem>> -> memref<128x32xf32, #tpu.memory_space<vmem>>
    %dma_wait3A_229 = arith.constant 896 : i32
    %dma_wait3A_230 = tpu.memref_slice %arg6[%dma_wait3A_229] : memref<6400xi32, #tpu.memory_space<vmem>> -> memref<128xi32, #tpu.memory_space<vmem>>
    %dma_wait3A_231 = arith.constant 0 : i32
    %dma_wait3A_232 = arith.constant 0 : i32
    %dma_wait3A_233 = tpu.memref_slice %arg3[%dma_wait3A_231, %dma_wait3A_232] : memref<21216x32xf32, #tpu.memory_space<hbm>> -> memref<21216x32xf32, #tpu.memory_space<hbm>>
    tpu.wait_indirect_dma semaphore(%arg9 : memref<!tpu.dma_semaphore, #tpu.memory_space<semaphore_mem>>) src(%dma_wait3A_233 : memref<21216x32xf32, #tpu.memory_space<hbm>>) dst(%dma_wait3A_228 : memref<128x32xf32, #tpu.memory_space<vmem>>)
    %dma_wait3A_234 = arith.constant 1024 : i32
    %dma_wait3A_235 = arith.constant 0 : i32
    %dma_wait3A_236 = tpu.memref_slice %arg7[%dma_wait3A_234, %dma_wait3A_235] : memref<1280x32xf32, #tpu.memory_space<vmem>> -> memref<128x32xf32, #tpu.memory_space<vmem>>
    %dma_wait3A_237 = arith.constant 1024 : i32
    %dma_wait3A_238 = tpu.memref_slice %arg6[%dma_wait3A_237] : memref<6400xi32, #tpu.memory_space<vmem>> -> memref<128xi32, #tpu.memory_space<vmem>>
    %dma_wait3A_239 = arith.constant 0 : i32
    %dma_wait3A_240 = arith.constant 0 : i32
    %dma_wait3A_241 = tpu.memref_slice %arg3[%dma_wait3A_239, %dma_wait3A_240] : memref<21216x32xf32, #tpu.memory_space<hbm>> -> memref<21216x32xf32, #tpu.memory_space<hbm>>
    tpu.wait_indirect_dma semaphore(%arg9 : memref<!tpu.dma_semaphore, #tpu.memory_space<semaphore_mem>>) src(%dma_wait3A_241 : memref<21216x32xf32, #tpu.memory_space<hbm>>) dst(%dma_wait3A_236 : memref<128x32xf32, #tpu.memory_space<vmem>>)
    %dma_wait3A_242 = arith.constant 1152 : i32
    %dma_wait3A_243 = arith.constant 0 : i32
    %dma_wait3A_244 = tpu.memref_slice %arg7[%dma_wait3A_242, %dma_wait3A_243] : memref<1280x32xf32, #tpu.memory_space<vmem>> -> memref<128x32xf32, #tpu.memory_space<vmem>>
    %dma_wait3A_245 = arith.constant 1152 : i32
    %dma_wait3A_246 = tpu.memref_slice %arg6[%dma_wait3A_245] : memref<6400xi32, #tpu.memory_space<vmem>> -> memref<128xi32, #tpu.memory_space<vmem>>
    %dma_wait3A_247 = arith.constant 0 : i32
    %dma_wait3A_248 = arith.constant 0 : i32
    %dma_wait3A_249 = tpu.memref_slice %arg3[%dma_wait3A_247, %dma_wait3A_248] : memref<21216x32xf32, #tpu.memory_space<hbm>> -> memref<21216x32xf32, #tpu.memory_space<hbm>>
    tpu.wait_indirect_dma semaphore(%arg9 : memref<!tpu.dma_semaphore, #tpu.memory_space<semaphore_mem>>) src(%dma_wait3A_249 : memref<21216x32xf32, #tpu.memory_space<hbm>>) dst(%dma_wait3A_244 : memref<128x32xf32, #tpu.memory_space<vmem>>)
    %add3A_250 = arith.constant 0 : i32
    %add3A_251 = arith.addi %mul3A_2, %add3A_250 : i32
    %dma_start3A_252 = arith.constant 0 : i32
    %dma_start3A_253 = tpu.memref_slice %arg4[%add3A_251, %dma_start3A_252] : memref<204800x32xf32, #tpu.memory_space<hbm>> -> memref<1280x32xf32, #tpu.memory_space<hbm>>
    %dma_start3A_254 = arith.constant 0 : i32
    %dma_start3A_255 = tpu.memref_slice %arg4[%add3A_251, %dma_start3A_254] : memref<204800x32xf32, #tpu.memory_space<hbm>> -> memref<1280x32xf32, #tpu.memory_space<hbm>>
    tpu.enqueue_dma source(%arg7 : memref<1280x32xf32, #tpu.memory_space<vmem>>) target(%dma_start3A_255 : memref<1280x32xf32, #tpu.memory_space<hbm>>) target_semaphore(%arg11 : memref<!tpu.dma_semaphore, #tpu.memory_space<semaphore_mem>>)
    %scan3A_256 = arith.constant 0 : i32
    %scan3A_257 = arith.constant 80 : i32
    %scan3A_258 = arith.addi %scan3A_256, %scan3A_257 : i32
    %scan3A_259 = arith.constant 1 : i32
    scf.for %scan3A_875 = %scan3A_256 to %scan3A_258 step %scan3A_259  : i32 {
      %mul3A_876 = arith.constant 16 : i32
      %mul3A_877 = arith.muli %scan3A_875, %mul3A_876 : i32
      %add3A_878 = arith.constant 2560 : i32
      %add3A_879 = arith.addi %add3A_878, %mul3A_877 : i32
      %get3A = arith.index_cast %add3A_879 : i32 to index
      %get3A_880 = tpu.vector_load %arg5[%get3A] {strides = array<i32>} : memref<6400xi32, #tpu.memory_space<vmem>>, vector<16xi32>,
      %get3A_881 = vector.shape_cast %get3A_880 : vector<16xi32> to vector<16xi32>
      %broadcast_in_dim3A = arith.constant 86400 : i32
      %broadcast_in_dim3A_882 = vector.broadcast %broadcast_in_dim3A : i32 to vector<16xi32>
      %div3A = arith.divsi %get3A_881, %broadcast_in_dim3A_882 : vector<16xi32>
      %add3A_883 = arith.constant 719468 : i32
      %add3A_884 = vector.broadcast %add3A_883 : i32 to vector<16xi32>
      %add3A_885 = arith.addi %div3A, %add3A_884 : vector<16xi32>
      %broadcast_in_dim3A_886 = arith.constant 146097 : i32
      %broadcast_in_dim3A_887 = vector.broadcast %broadcast_in_dim3A_886 : i32 to vector<16xi32>
      %div3A_888 = arith.divsi %add3A_885, %broadcast_in_dim3A_887 : vector<16xi32>
      %mul3A_889 = arith.constant 146097 : i32
      %mul3A_890 = vector.broadcast %mul3A_889 : i32 to vector<16xi32>
      %mul3A_891 = arith.muli %div3A_888, %mul3A_890 : vector<16xi32>
      %sub3A = arith.subi %add3A_885, %mul3A_891 : vector<16xi32>
      %broadcast_in_dim3A_892 = arith.constant 1460 : i32
      %broadcast_in_dim3A_893 = vector.broadcast %broadcast_in_dim3A_892 : i32 to vector<16xi32>
      %div3A_894 = arith.divsi %sub3A, %broadcast_in_dim3A_893 : vector<16xi32>
      %sub3A_895 = arith.subi %sub3A, %div3A_894 : vector<16xi32>
      %broadcast_in_dim3A_896 = arith.constant 36524 : i32
      %broadcast_in_dim3A_897 = vector.broadcast %broadcast_in_dim3A_896 : i32 to vector<16xi32>
      %div3A_898 = arith.divsi %sub3A, %broadcast_in_dim3A_897 : vector<16xi32>
      %add3A_899 = arith.addi %sub3A_895, %div3A_898 : vector<16xi32>
      %broadcast_in_dim3A_900 = arith.constant 146096 : i32
      %broadcast_in_dim3A_901 = vector.broadcast %broadcast_in_dim3A_900 : i32 to vector<16xi32>
      %div3A_902 = arith.divsi %sub3A, %broadcast_in_dim3A_901 : vector<16xi32>
      %sub3A_903 = arith.subi %add3A_899, %div3A_902 : vector<16xi32>
      %broadcast_in_dim3A_904 = arith.constant 365 : i32
      %broadcast_in_dim3A_905 = vector.broadcast %broadcast_in_dim3A_904 : i32 to vector<16xi32>
      %div3A_906 = arith.divsi %sub3A_903, %broadcast_in_dim3A_905 : vector<16xi32>
      %mul3A_907 = arith.constant 400 : i32
      %mul3A_908 = vector.broadcast %mul3A_907 : i32 to vector<16xi32>
      %mul3A_909 = arith.muli %div3A_888, %mul3A_908 : vector<16xi32>
      %add3A_910 = arith.addi %div3A_906, %mul3A_909 : vector<16xi32>
      %mul3A_911 = arith.constant 365 : i32
      %mul3A_912 = vector.broadcast %mul3A_911 : i32 to vector<16xi32>
      %mul3A_913 = arith.muli %mul3A_912, %div3A_906 : vector<16xi32>
      %broadcast_in_dim3A_914 = arith.constant 4 : i32
      %broadcast_in_dim3A_915 = vector.broadcast %broadcast_in_dim3A_914 : i32 to vector<16xi32>
      %div3A_916 = arith.divsi %div3A_906, %broadcast_in_dim3A_915 : vector<16xi32>
      %add3A_917 = arith.addi %mul3A_913, %div3A_916 : vector<16xi32>
      %broadcast_in_dim3A_918 = arith.constant 100 : i32
      %broadcast_in_dim3A_919 = vector.broadcast %broadcast_in_dim3A_918 : i32 to vector<16xi32>
      %div3A_920 = arith.divsi %div3A_906, %broadcast_in_dim3A_919 : vector<16xi32>
      %sub3A_921 = arith.subi %add3A_917, %div3A_920 : vector<16xi32>
      %sub3A_922 = arith.subi %sub3A, %sub3A_921 : vector<16xi32>
      %mul3A_923 = arith.constant 5 : i32
      %mul3A_924 = vector.broadcast %mul3A_923 : i32 to vector<16xi32>
      %mul3A_925 = arith.muli %mul3A_924, %sub3A_922 : vector<16xi32>
      %add3A_926 = arith.constant 2 : i32
      %add3A_927 = vector.broadcast %add3A_926 : i32 to vector<16xi32>
      %add3A_928 = arith.addi %mul3A_925, %add3A_927 : vector<16xi32>
      %broadcast_in_dim3A_929 = arith.constant 153 : i32
      %broadcast_in_dim3A_930 = vector.broadcast %broadcast_in_dim3A_929 : i32 to vector<16xi32>
      %div3A_931 = arith.divsi %add3A_928, %broadcast_in_dim3A_930 : vector<16xi32>
      %mul3A_932 = arith.constant 153 : i32
      %mul3A_933 = vector.broadcast %mul3A_932 : i32 to vector<16xi32>
      %mul3A_934 = arith.muli %mul3A_933, %div3A_931 : vector<16xi32>
      %add3A_935 = arith.constant 2 : i32
      %add3A_936 = vector.broadcast %add3A_935 : i32 to vector<16xi32>
      %add3A_937 = arith.addi %mul3A_934, %add3A_936 : vector<16xi32>
      %broadcast_in_dim3A_938 = arith.constant 5 : i32
      %broadcast_in_dim3A_939 = vector.broadcast %broadcast_in_dim3A_938 : i32 to vector<16xi32>
      %div3A_940 = arith.divsi %add3A_937, %broadcast_in_dim3A_939 : vector<16xi32>
      %sub3A_941 = arith.subi %sub3A_922, %div3A_940 : vector<16xi32>
      %add3A_942 = arith.constant 1 : i32
      %add3A_943 = vector.broadcast %add3A_942 : i32 to vector<16xi32>
      %add3A_944 = arith.addi %sub3A_941, %add3A_943 : vector<16xi32>
      %lt3A = arith.constant 10 : i32
      %lt3A_945 = vector.broadcast %lt3A : i32 to vector<16xi32>
      %lt3A_946 = arith.cmpi slt, %div3A_931, %lt3A_945 : vector<16xi32>
      %add3A_947 = arith.constant 3 : i32
      %add3A_948 = vector.broadcast %add3A_947 : i32 to vector<16xi32>
      %add3A_949 = arith.addi %div3A_931, %add3A_948 : vector<16xi32>
      %sub3A_950 = arith.constant 9 : i32
      %sub3A_951 = vector.broadcast %sub3A_950 : i32 to vector<16xi32>
      %sub3A_952 = arith.subi %div3A_931, %sub3A_951 : vector<16xi32>
      %select_n3A = arith.select %lt3A_946, %add3A_949, %sub3A_952 : vector<16xi1>, vector<16xi32>
      %le3A = arith.constant 2 : i32
      %le3A_953 = vector.broadcast %le3A : i32 to vector<16xi32>
      %le3A_954 = arith.cmpi sle, %select_n3A, %le3A_953 : vector<16xi32>
      %add3A_955 = arith.constant 1 : i32
      %add3A_956 = vector.broadcast %add3A_955 : i32 to vector<16xi32>
      %add3A_957 = arith.addi %add3A_910, %add3A_956 : vector<16xi32>
      %select_n3A_958 = arith.select %le3A_954, %add3A_957, %add3A_910 : vector<16xi1>, vector<16xi32>
      %sub3A_959 = arith.constant 2000 : i32
      %sub3A_960 = vector.broadcast %sub3A_959 : i32 to vector<16xi32>
      %sub3A_961 = arith.subi %select_n3A_958, %sub3A_960 : vector<16xi32>
      %max3A = arith.constant 0 : i32
      %max3A_962 = vector.broadcast %max3A : i32 to vector<16xi32>
      %max3A_963 = arith.maxsi %sub3A_961, %max3A_962 : vector<16xi32>
      %min3A = arith.constant 49 : i32
      %min3A_964 = vector.broadcast %min3A : i32 to vector<16xi32>
      %min3A_965 = arith.minsi %max3A_963, %min3A_964 : vector<16xi32>
      %add3A_966 = arith.constant 1 : i32
      %add3A_967 = vector.broadcast %add3A_966 : i32 to vector<16xi32>
      %add3A_968 = arith.addi %min3A_965, %add3A_967 : vector<16xi32>
      %mul3A_969 = arith.constant 416 : i32
      %mul3A_970 = vector.broadcast %mul3A_969 : i32 to vector<16xi32>
      %mul3A_971 = arith.muli %add3A_968, %mul3A_970 : vector<16xi32>
      %mul3A_972 = arith.constant 32 : i32
      %mul3A_973 = vector.broadcast %mul3A_972 : i32 to vector<16xi32>
      %mul3A_974 = arith.muli %select_n3A, %mul3A_973 : vector<16xi32>
      %add3A_975 = arith.addi %mul3A_971, %mul3A_974 : vector<16xi32>
      %add3A_976 = arith.addi %add3A_975, %add3A_944 : vector<16xi32>
      %ne3A = arith.constant 0 : i32
      %ne3A_977 = vector.broadcast %ne3A : i32 to vector<16xi32>
      %ne3A_978 = arith.cmpi ne, %get3A_881, %ne3A_977 : vector<16xi32>
      %select_n3A_979 = arith.select %ne3A_978, %add3A_976, %get3A_881 : vector<16xi1>, vector<16xi32>
      %swap3A = arith.index_cast %add3A_879 : i32 to index
      %swap3A_980 = tpu.vector_load %arg6[%swap3A] {strides = array<i32>} : memref<6400xi32, #tpu.memory_space<vmem>>, vector<16xi32>,
      %swap3A_981 = vector.shape_cast %swap3A_980 : vector<16xi32> to vector<16xi32>
      %swap3A_982 = vector.shape_cast %select_n3A_979 : vector<16xi32> to vector<16xi32>
      tpu.vector_store %arg6[%swap3A], %swap3A_982 {strides = array<i32>} : memref<6400xi32, #tpu.memory_space<vmem>>, vector<16xi32>,
    }
    %scan3A_260 = arith.constant 80 : i32
    %dma_wait3A_261 = arith.constant 0 : i32
    %dma_wait3A_262 = tpu.memref_slice %arg4[%add3A_251, %dma_wait3A_261] : memref<204800x32xf32, #tpu.memory_space<hbm>> -> memref<1280x32xf32, #tpu.memory_space<hbm>>
    %dma_wait3A_263 = arith.constant 0 : i32
    %dma_wait3A_264 = tpu.memref_slice %arg4[%add3A_251, %dma_wait3A_263] : memref<204800x32xf32, #tpu.memory_space<hbm>> -> memref<1280x32xf32, #tpu.memory_space<hbm>>
    tpu.wait_dma2 semaphore(%arg11 : memref<!tpu.dma_semaphore, #tpu.memory_space<semaphore_mem>>) src(%arg7 : memref<1280x32xf32, #tpu.memory_space<vmem>>) dst(%dma_wait3A_264 : memref<1280x32xf32, #tpu.memory_space<hbm>>)
    %dma_start3A_265 = arith.constant 0 : i32
    %dma_start3A_266 = arith.constant 0 : i32
    %dma_start3A_267 = tpu.memref_slice %arg7[%dma_start3A_265, %dma_start3A_266] : memref<1280x32xf32, #tpu.memory_space<vmem>> -> memref<128x32xf32, #tpu.memory_space<vmem>>
    %dma_start3A_268 = arith.constant 2560 : i32
    %dma_start3A_269 = tpu.memref_slice %arg6[%dma_start3A_268] : memref<6400xi32, #tpu.memory_space<vmem>> -> memref<128xi32, #tpu.memory_space<vmem>>
    %dma_start3A_270 = arith.constant 0 : i32
    %dma_start3A_271 = arith.constant 0 : i32
    %dma_start3A_272 = tpu.memref_slice %arg3[%dma_start3A_270, %dma_start3A_271] : memref<21216x32xf32, #tpu.memory_space<hbm>> -> memref<21216x32xf32, #tpu.memory_space<hbm>>
    tpu.enqueue_indirect_dma source(%dma_start3A_272 : memref<21216x32xf32, #tpu.memory_space<hbm>>) target(%dma_start3A_267 : memref<128x32xf32, #tpu.memory_space<vmem>>) offsets(%dma_start3A_269 : memref<128xi32, #tpu.memory_space<vmem>>) semaphore(%arg9 : memref<!tpu.dma_semaphore, #tpu.memory_space<semaphore_mem>>)
    %dma_start3A_273 = arith.constant 128 : i32
    %dma_start3A_274 = arith.constant 0 : i32
    %dma_start3A_275 = tpu.memref_slice %arg7[%dma_start3A_273, %dma_start3A_274] : memref<1280x32xf32, #tpu.memory_space<vmem>> -> memref<128x32xf32, #tpu.memory_space<vmem>>
    %dma_start3A_276 = arith.constant 2688 : i32
    %dma_start3A_277 = tpu.memref_slice %arg6[%dma_start3A_276] : memref<6400xi32, #tpu.memory_space<vmem>> -> memref<128xi32, #tpu.memory_space<vmem>>
    %dma_start3A_278 = arith.constant 0 : i32
    %dma_start3A_279 = arith.constant 0 : i32
    %dma_start3A_280 = tpu.memref_slice %arg3[%dma_start3A_278, %dma_start3A_279] : memref<21216x32xf32, #tpu.memory_space<hbm>> -> memref<21216x32xf32, #tpu.memory_space<hbm>>
    tpu.enqueue_indirect_dma source(%dma_start3A_280 : memref<21216x32xf32, #tpu.memory_space<hbm>>) target(%dma_start3A_275 : memref<128x32xf32, #tpu.memory_space<vmem>>) offsets(%dma_start3A_277 : memref<128xi32, #tpu.memory_space<vmem>>) semaphore(%arg9 : memref<!tpu.dma_semaphore, #tpu.memory_space<semaphore_mem>>)
    %dma_start3A_281 = arith.constant 256 : i32
    %dma_start3A_282 = arith.constant 0 : i32
    %dma_start3A_283 = tpu.memref_slice %arg7[%dma_start3A_281, %dma_start3A_282] : memref<1280x32xf32, #tpu.memory_space<vmem>> -> memref<128x32xf32, #tpu.memory_space<vmem>>
    %dma_start3A_284 = arith.constant 2816 : i32
    %dma_start3A_285 = tpu.memref_slice %arg6[%dma_start3A_284] : memref<6400xi32, #tpu.memory_space<vmem>> -> memref<128xi32, #tpu.memory_space<vmem>>
    %dma_start3A_286 = arith.constant 0 : i32
    %dma_start3A_287 = arith.constant 0 : i32
    %dma_start3A_288 = tpu.memref_slice %arg3[%dma_start3A_286, %dma_start3A_287] : memref<21216x32xf32, #tpu.memory_space<hbm>> -> memref<21216x32xf32, #tpu.memory_space<hbm>>
    tpu.enqueue_indirect_dma source(%dma_start3A_288 : memref<21216x32xf32, #tpu.memory_space<hbm>>) target(%dma_start3A_283 : memref<128x32xf32, #tpu.memory_space<vmem>>) offsets(%dma_start3A_285 : memref<128xi32, #tpu.memory_space<vmem>>) semaphore(%arg9 : memref<!tpu.dma_semaphore, #tpu.memory_space<semaphore_mem>>)
    %dma_start3A_289 = arith.constant 384 : i32
    %dma_start3A_290 = arith.constant 0 : i32
    %dma_start3A_291 = tpu.memref_slice %arg7[%dma_start3A_289, %dma_start3A_290] : memref<1280x32xf32, #tpu.memory_space<vmem>> -> memref<128x32xf32, #tpu.memory_space<vmem>>
    %dma_start3A_292 = arith.constant 2944 : i32
    %dma_start3A_293 = tpu.memref_slice %arg6[%dma_start3A_292] : memref<6400xi32, #tpu.memory_space<vmem>> -> memref<128xi32, #tpu.memory_space<vmem>>
    %dma_start3A_294 = arith.constant 0 : i32
    %dma_start3A_295 = arith.constant 0 : i32
    %dma_start3A_296 = tpu.memref_slice %arg3[%dma_start3A_294, %dma_start3A_295] : memref<21216x32xf32, #tpu.memory_space<hbm>> -> memref<21216x32xf32, #tpu.memory_space<hbm>>
    tpu.enqueue_indirect_dma source(%dma_start3A_296 : memref<21216x32xf32, #tpu.memory_space<hbm>>) target(%dma_start3A_291 : memref<128x32xf32, #tpu.memory_space<vmem>>) offsets(%dma_start3A_293 : memref<128xi32, #tpu.memory_space<vmem>>) semaphore(%arg9 : memref<!tpu.dma_semaphore, #tpu.memory_space<semaphore_mem>>)
    %dma_start3A_297 = arith.constant 512 : i32
    %dma_start3A_298 = arith.constant 0 : i32
    %dma_start3A_299 = tpu.memref_slice %arg7[%dma_start3A_297, %dma_start3A_298] : memref<1280x32xf32, #tpu.memory_space<vmem>> -> memref<128x32xf32, #tpu.memory_space<vmem>>
    %dma_start3A_300 = arith.constant 3072 : i32
    %dma_start3A_301 = tpu.memref_slice %arg6[%dma_start3A_300] : memref<6400xi32, #tpu.memory_space<vmem>> -> memref<128xi32, #tpu.memory_space<vmem>>
    %dma_start3A_302 = arith.constant 0 : i32
    %dma_start3A_303 = arith.constant 0 : i32
    %dma_start3A_304 = tpu.memref_slice %arg3[%dma_start3A_302, %dma_start3A_303] : memref<21216x32xf32, #tpu.memory_space<hbm>> -> memref<21216x32xf32, #tpu.memory_space<hbm>>
    tpu.enqueue_indirect_dma source(%dma_start3A_304 : memref<21216x32xf32, #tpu.memory_space<hbm>>) target(%dma_start3A_299 : memref<128x32xf32, #tpu.memory_space<vmem>>) offsets(%dma_start3A_301 : memref<128xi32, #tpu.memory_space<vmem>>) semaphore(%arg9 : memref<!tpu.dma_semaphore, #tpu.memory_space<semaphore_mem>>)
    %dma_start3A_305 = arith.constant 640 : i32
    %dma_start3A_306 = arith.constant 0 : i32
    %dma_start3A_307 = tpu.memref_slice %arg7[%dma_start3A_305, %dma_start3A_306] : memref<1280x32xf32, #tpu.memory_space<vmem>> -> memref<128x32xf32, #tpu.memory_space<vmem>>
    %dma_start3A_308 = arith.constant 3200 : i32
    %dma_start3A_309 = tpu.memref_slice %arg6[%dma_start3A_308] : memref<6400xi32, #tpu.memory_space<vmem>> -> memref<128xi32, #tpu.memory_space<vmem>>
    %dma_start3A_310 = arith.constant 0 : i32
    %dma_start3A_311 = arith.constant 0 : i32
    %dma_start3A_312 = tpu.memref_slice %arg3[%dma_start3A_310, %dma_start3A_311] : memref<21216x32xf32, #tpu.memory_space<hbm>> -> memref<21216x32xf32, #tpu.memory_space<hbm>>
    tpu.enqueue_indirect_dma source(%dma_start3A_312 : memref<21216x32xf32, #tpu.memory_space<hbm>>) target(%dma_start3A_307 : memref<128x32xf32, #tpu.memory_space<vmem>>) offsets(%dma_start3A_309 : memref<128xi32, #tpu.memory_space<vmem>>) semaphore(%arg9 : memref<!tpu.dma_semaphore, #tpu.memory_space<semaphore_mem>>)
    %dma_start3A_313 = arith.constant 768 : i32
    %dma_start3A_314 = arith.constant 0 : i32
    %dma_start3A_315 = tpu.memref_slice %arg7[%dma_start3A_313, %dma_start3A_314] : memref<1280x32xf32, #tpu.memory_space<vmem>> -> memref<128x32xf32, #tpu.memory_space<vmem>>
    %dma_start3A_316 = arith.constant 3328 : i32
    %dma_start3A_317 = tpu.memref_slice %arg6[%dma_start3A_316] : memref<6400xi32, #tpu.memory_space<vmem>> -> memref<128xi32, #tpu.memory_space<vmem>>
    %dma_start3A_318 = arith.constant 0 : i32
    %dma_start3A_319 = arith.constant 0 : i32
    %dma_start3A_320 = tpu.memref_slice %arg3[%dma_start3A_318, %dma_start3A_319] : memref<21216x32xf32, #tpu.memory_space<hbm>> -> memref<21216x32xf32, #tpu.memory_space<hbm>>
    tpu.enqueue_indirect_dma source(%dma_start3A_320 : memref<21216x32xf32, #tpu.memory_space<hbm>>) target(%dma_start3A_315 : memref<128x32xf32, #tpu.memory_space<vmem>>) offsets(%dma_start3A_317 : memref<128xi32, #tpu.memory_space<vmem>>) semaphore(%arg9 : memref<!tpu.dma_semaphore, #tpu.memory_space<semaphore_mem>>)
    %dma_start3A_321 = arith.constant 896 : i32
    %dma_start3A_322 = arith.constant 0 : i32
    %dma_start3A_323 = tpu.memref_slice %arg7[%dma_start3A_321, %dma_start3A_322] : memref<1280x32xf32, #tpu.memory_space<vmem>> -> memref<128x32xf32, #tpu.memory_space<vmem>>
    %dma_start3A_324 = arith.constant 3456 : i32
    %dma_start3A_325 = tpu.memref_slice %arg6[%dma_start3A_324] : memref<6400xi32, #tpu.memory_space<vmem>> -> memref<128xi32, #tpu.memory_space<vmem>>
    %dma_start3A_326 = arith.constant 0 : i32
    %dma_start3A_327 = arith.constant 0 : i32
    %dma_start3A_328 = tpu.memref_slice %arg3[%dma_start3A_326, %dma_start3A_327] : memref<21216x32xf32, #tpu.memory_space<hbm>> -> memref<21216x32xf32, #tpu.memory_space<hbm>>
    tpu.enqueue_indirect_dma source(%dma_start3A_328 : memref<21216x32xf32, #tpu.memory_space<hbm>>) target(%dma_start3A_323 : memref<128x32xf32, #tpu.memory_space<vmem>>) offsets(%dma_start3A_325 : memref<128xi32, #tpu.memory_space<vmem>>) semaphore(%arg9 : memref<!tpu.dma_semaphore, #tpu.memory_space<semaphore_mem>>)
    %dma_start3A_329 = arith.constant 1024 : i32
    %dma_start3A_330 = arith.constant 0 : i32
    %dma_start3A_331 = tpu.memref_slice %arg7[%dma_start3A_329, %dma_start3A_330] : memref<1280x32xf32, #tpu.memory_space<vmem>> -> memref<128x32xf32, #tpu.memory_space<vmem>>
    %dma_start3A_332 = arith.constant 3584 : i32
    %dma_start3A_333 = tpu.memref_slice %arg6[%dma_start3A_332] : memref<6400xi32, #tpu.memory_space<vmem>> -> memref<128xi32, #tpu.memory_space<vmem>>
    %dma_start3A_334 = arith.constant 0 : i32
    %dma_start3A_335 = arith.constant 0 : i32
    %dma_start3A_336 = tpu.memref_slice %arg3[%dma_start3A_334, %dma_start3A_335] : memref<21216x32xf32, #tpu.memory_space<hbm>> -> memref<21216x32xf32, #tpu.memory_space<hbm>>
    tpu.enqueue_indirect_dma source(%dma_start3A_336 : memref<21216x32xf32, #tpu.memory_space<hbm>>) target(%dma_start3A_331 : memref<128x32xf32, #tpu.memory_space<vmem>>) offsets(%dma_start3A_333 : memref<128xi32, #tpu.memory_space<vmem>>) semaphore(%arg9 : memref<!tpu.dma_semaphore, #tpu.memory_space<semaphore_mem>>)
    %dma_start3A_337 = arith.constant 1152 : i32
    %dma_start3A_338 = arith.constant 0 : i32
    %dma_start3A_339 = tpu.memref_slice %arg7[%dma_start3A_337, %dma_start3A_338] : memref<1280x32xf32, #tpu.memory_space<vmem>> -> memref<128x32xf32, #tpu.memory_space<vmem>>
    %dma_start3A_340 = arith.constant 3712 : i32
    %dma_start3A_341 = tpu.memref_slice %arg6[%dma_start3A_340] : memref<6400xi32, #tpu.memory_space<vmem>> -> memref<128xi32, #tpu.memory_space<vmem>>
    %dma_start3A_342 = arith.constant 0 : i32
    %dma_start3A_343 = arith.constant 0 : i32
    %dma_start3A_344 = tpu.memref_slice %arg3[%dma_start3A_342, %dma_start3A_343] : memref<21216x32xf32, #tpu.memory_space<hbm>> -> memref<21216x32xf32, #tpu.memory_space<hbm>>
    tpu.enqueue_indirect_dma source(%dma_start3A_344 : memref<21216x32xf32, #tpu.memory_space<hbm>>) target(%dma_start3A_339 : memref<128x32xf32, #tpu.memory_space<vmem>>) offsets(%dma_start3A_341 : memref<128xi32, #tpu.memory_space<vmem>>) semaphore(%arg9 : memref<!tpu.dma_semaphore, #tpu.memory_space<semaphore_mem>>)
    %dma_wait3A_345 = arith.constant 0 : i32
    %dma_wait3A_346 = arith.constant 0 : i32
    %dma_wait3A_347 = tpu.memref_slice %arg8[%dma_wait3A_345, %dma_wait3A_346] : memref<1280x32xf32, #tpu.memory_space<vmem>> -> memref<128x32xf32, #tpu.memory_space<vmem>>
    %dma_wait3A_348 = arith.constant 1280 : i32
    %dma_wait3A_349 = tpu.memref_slice %arg6[%dma_wait3A_348] : memref<6400xi32, #tpu.memory_space<vmem>> -> memref<128xi32, #tpu.memory_space<vmem>>
    %dma_wait3A_350 = arith.constant 0 : i32
    %dma_wait3A_351 = arith.constant 0 : i32
    %dma_wait3A_352 = tpu.memref_slice %arg3[%dma_wait3A_350, %dma_wait3A_351] : memref<21216x32xf32, #tpu.memory_space<hbm>> -> memref<21216x32xf32, #tpu.memory_space<hbm>>
    tpu.wait_indirect_dma semaphore(%arg10 : memref<!tpu.dma_semaphore, #tpu.memory_space<semaphore_mem>>) src(%dma_wait3A_352 : memref<21216x32xf32, #tpu.memory_space<hbm>>) dst(%dma_wait3A_347 : memref<128x32xf32, #tpu.memory_space<vmem>>)
    %dma_wait3A_353 = arith.constant 128 : i32
    %dma_wait3A_354 = arith.constant 0 : i32
    %dma_wait3A_355 = tpu.memref_slice %arg8[%dma_wait3A_353, %dma_wait3A_354] : memref<1280x32xf32, #tpu.memory_space<vmem>> -> memref<128x32xf32, #tpu.memory_space<vmem>>
    %dma_wait3A_356 = arith.constant 1408 : i32
    %dma_wait3A_357 = tpu.memref_slice %arg6[%dma_wait3A_356] : memref<6400xi32, #tpu.memory_space<vmem>> -> memref<128xi32, #tpu.memory_space<vmem>>
    %dma_wait3A_358 = arith.constant 0 : i32
    %dma_wait3A_359 = arith.constant 0 : i32
    %dma_wait3A_360 = tpu.memref_slice %arg3[%dma_wait3A_358, %dma_wait3A_359] : memref<21216x32xf32, #tpu.memory_space<hbm>> -> memref<21216x32xf32, #tpu.memory_space<hbm>>
    tpu.wait_indirect_dma semaphore(%arg10 : memref<!tpu.dma_semaphore, #tpu.memory_space<semaphore_mem>>) src(%dma_wait3A_360 : memref<21216x32xf32, #tpu.memory_space<hbm>>) dst(%dma_wait3A_355 : memref<128x32xf32, #tpu.memory_space<vmem>>)
    %dma_wait3A_361 = arith.constant 256 : i32
    %dma_wait3A_362 = arith.constant 0 : i32
    %dma_wait3A_363 = tpu.memref_slice %arg8[%dma_wait3A_361, %dma_wait3A_362] : memref<1280x32xf32, #tpu.memory_space<vmem>> -> memref<128x32xf32, #tpu.memory_space<vmem>>
    %dma_wait3A_364 = arith.constant 1536 : i32
    %dma_wait3A_365 = tpu.memref_slice %arg6[%dma_wait3A_364] : memref<6400xi32, #tpu.memory_space<vmem>> -> memref<128xi32, #tpu.memory_space<vmem>>
    %dma_wait3A_366 = arith.constant 0 : i32
    %dma_wait3A_367 = arith.constant 0 : i32
    %dma_wait3A_368 = tpu.memref_slice %arg3[%dma_wait3A_366, %dma_wait3A_367] : memref<21216x32xf32, #tpu.memory_space<hbm>> -> memref<21216x32xf32, #tpu.memory_space<hbm>>
    tpu.wait_indirect_dma semaphore(%arg10 : memref<!tpu.dma_semaphore, #tpu.memory_space<semaphore_mem>>) src(%dma_wait3A_368 : memref<21216x32xf32, #tpu.memory_space<hbm>>) dst(%dma_wait3A_363 : memref<128x32xf32, #tpu.memory_space<vmem>>)
    %dma_wait3A_369 = arith.constant 384 : i32
    %dma_wait3A_370 = arith.constant 0 : i32
    %dma_wait3A_371 = tpu.memref_slice %arg8[%dma_wait3A_369, %dma_wait3A_370] : memref<1280x32xf32, #tpu.memory_space<vmem>> -> memref<128x32xf32, #tpu.memory_space<vmem>>
    %dma_wait3A_372 = arith.constant 1664 : i32
    %dma_wait3A_373 = tpu.memref_slice %arg6[%dma_wait3A_372] : memref<6400xi32, #tpu.memory_space<vmem>> -> memref<128xi32, #tpu.memory_space<vmem>>
    %dma_wait3A_374 = arith.constant 0 : i32
    %dma_wait3A_375 = arith.constant 0 : i32
    %dma_wait3A_376 = tpu.memref_slice %arg3[%dma_wait3A_374, %dma_wait3A_375] : memref<21216x32xf32, #tpu.memory_space<hbm>> -> memref<21216x32xf32, #tpu.memory_space<hbm>>
    tpu.wait_indirect_dma semaphore(%arg10 : memref<!tpu.dma_semaphore, #tpu.memory_space<semaphore_mem>>) src(%dma_wait3A_376 : memref<21216x32xf32, #tpu.memory_space<hbm>>) dst(%dma_wait3A_371 : memref<128x32xf32, #tpu.memory_space<vmem>>)
    %dma_wait3A_377 = arith.constant 512 : i32
    %dma_wait3A_378 = arith.constant 0 : i32
    %dma_wait3A_379 = tpu.memref_slice %arg8[%dma_wait3A_377, %dma_wait3A_378] : memref<1280x32xf32, #tpu.memory_space<vmem>> -> memref<128x32xf32, #tpu.memory_space<vmem>>
    %dma_wait3A_380 = arith.constant 1792 : i32
    %dma_wait3A_381 = tpu.memref_slice %arg6[%dma_wait3A_380] : memref<6400xi32, #tpu.memory_space<vmem>> -> memref<128xi32, #tpu.memory_space<vmem>>
    %dma_wait3A_382 = arith.constant 0 : i32
    %dma_wait3A_383 = arith.constant 0 : i32
    %dma_wait3A_384 = tpu.memref_slice %arg3[%dma_wait3A_382, %dma_wait3A_383] : memref<21216x32xf32, #tpu.memory_space<hbm>> -> memref<21216x32xf32, #tpu.memory_space<hbm>>
    tpu.wait_indirect_dma semaphore(%arg10 : memref<!tpu.dma_semaphore, #tpu.memory_space<semaphore_mem>>) src(%dma_wait3A_384 : memref<21216x32xf32, #tpu.memory_space<hbm>>) dst(%dma_wait3A_379 : memref<128x32xf32, #tpu.memory_space<vmem>>)
    %dma_wait3A_385 = arith.constant 640 : i32
    %dma_wait3A_386 = arith.constant 0 : i32
    %dma_wait3A_387 = tpu.memref_slice %arg8[%dma_wait3A_385, %dma_wait3A_386] : memref<1280x32xf32, #tpu.memory_space<vmem>> -> memref<128x32xf32, #tpu.memory_space<vmem>>
    %dma_wait3A_388 = arith.constant 1920 : i32
    %dma_wait3A_389 = tpu.memref_slice %arg6[%dma_wait3A_388] : memref<6400xi32, #tpu.memory_space<vmem>> -> memref<128xi32, #tpu.memory_space<vmem>>
    %dma_wait3A_390 = arith.constant 0 : i32
    %dma_wait3A_391 = arith.constant 0 : i32
    %dma_wait3A_392 = tpu.memref_slice %arg3[%dma_wait3A_390, %dma_wait3A_391] : memref<21216x32xf32, #tpu.memory_space<hbm>> -> memref<21216x32xf32, #tpu.memory_space<hbm>>
    tpu.wait_indirect_dma semaphore(%arg10 : memref<!tpu.dma_semaphore, #tpu.memory_space<semaphore_mem>>) src(%dma_wait3A_392 : memref<21216x32xf32, #tpu.memory_space<hbm>>) dst(%dma_wait3A_387 : memref<128x32xf32, #tpu.memory_space<vmem>>)
    %dma_wait3A_393 = arith.constant 768 : i32
    %dma_wait3A_394 = arith.constant 0 : i32
    %dma_wait3A_395 = tpu.memref_slice %arg8[%dma_wait3A_393, %dma_wait3A_394] : memref<1280x32xf32, #tpu.memory_space<vmem>> -> memref<128x32xf32, #tpu.memory_space<vmem>>
    %dma_wait3A_396 = arith.constant 2048 : i32
    %dma_wait3A_397 = tpu.memref_slice %arg6[%dma_wait3A_396] : memref<6400xi32, #tpu.memory_space<vmem>> -> memref<128xi32, #tpu.memory_space<vmem>>
    %dma_wait3A_398 = arith.constant 0 : i32
    %dma_wait3A_399 = arith.constant 0 : i32
    %dma_wait3A_400 = tpu.memref_slice %arg3[%dma_wait3A_398, %dma_wait3A_399] : memref<21216x32xf32, #tpu.memory_space<hbm>> -> memref<21216x32xf32, #tpu.memory_space<hbm>>
    tpu.wait_indirect_dma semaphore(%arg10 : memref<!tpu.dma_semaphore, #tpu.memory_space<semaphore_mem>>) src(%dma_wait3A_400 : memref<21216x32xf32, #tpu.memory_space<hbm>>) dst(%dma_wait3A_395 : memref<128x32xf32, #tpu.memory_space<vmem>>)
    %dma_wait3A_401 = arith.constant 896 : i32
    %dma_wait3A_402 = arith.constant 0 : i32
    %dma_wait3A_403 = tpu.memref_slice %arg8[%dma_wait3A_401, %dma_wait3A_402] : memref<1280x32xf32, #tpu.memory_space<vmem>> -> memref<128x32xf32, #tpu.memory_space<vmem>>
    %dma_wait3A_404 = arith.constant 2176 : i32
    %dma_wait3A_405 = tpu.memref_slice %arg6[%dma_wait3A_404] : memref<6400xi32, #tpu.memory_space<vmem>> -> memref<128xi32, #tpu.memory_space<vmem>>
    %dma_wait3A_406 = arith.constant 0 : i32
    %dma_wait3A_407 = arith.constant 0 : i32
    %dma_wait3A_408 = tpu.memref_slice %arg3[%dma_wait3A_406, %dma_wait3A_407] : memref<21216x32xf32, #tpu.memory_space<hbm>> -> memref<21216x32xf32, #tpu.memory_space<hbm>>
    tpu.wait_indirect_dma semaphore(%arg10 : memref<!tpu.dma_semaphore, #tpu.memory_space<semaphore_mem>>) src(%dma_wait3A_408 : memref<21216x32xf32, #tpu.memory_space<hbm>>) dst(%dma_wait3A_403 : memref<128x32xf32, #tpu.memory_space<vmem>>)
    %dma_wait3A_409 = arith.constant 1024 : i32
    %dma_wait3A_410 = arith.constant 0 : i32
    %dma_wait3A_411 = tpu.memref_slice %arg8[%dma_wait3A_409, %dma_wait3A_410] : memref<1280x32xf32, #tpu.memory_space<vmem>> -> memref<128x32xf32, #tpu.memory_space<vmem>>
    %dma_wait3A_412 = arith.constant 2304 : i32
    %dma_wait3A_413 = tpu.memref_slice %arg6[%dma_wait3A_412] : memref<6400xi32, #tpu.memory_space<vmem>> -> memref<128xi32, #tpu.memory_space<vmem>>
    %dma_wait3A_414 = arith.constant 0 : i32
    %dma_wait3A_415 = arith.constant 0 : i32
    %dma_wait3A_416 = tpu.memref_slice %arg3[%dma_wait3A_414, %dma_wait3A_415] : memref<21216x32xf32, #tpu.memory_space<hbm>> -> memref<21216x32xf32, #tpu.memory_space<hbm>>
    tpu.wait_indirect_dma semaphore(%arg10 : memref<!tpu.dma_semaphore, #tpu.memory_space<semaphore_mem>>) src(%dma_wait3A_416 : memref<21216x32xf32, #tpu.memory_space<hbm>>) dst(%dma_wait3A_411 : memref<128x32xf32, #tpu.memory_space<vmem>>)
    %dma_wait3A_417 = arith.constant 1152 : i32
    %dma_wait3A_418 = arith.constant 0 : i32
    %dma_wait3A_419 = tpu.memref_slice %arg8[%dma_wait3A_417, %dma_wait3A_418] : memref<1280x32xf32, #tpu.memory_space<vmem>> -> memref<128x32xf32, #tpu.memory_space<vmem>>
    %dma_wait3A_420 = arith.constant 2432 : i32
    %dma_wait3A_421 = tpu.memref_slice %arg6[%dma_wait3A_420] : memref<6400xi32, #tpu.memory_space<vmem>> -> memref<128xi32, #tpu.memory_space<vmem>>
    %dma_wait3A_422 = arith.constant 0 : i32
    %dma_wait3A_423 = arith.constant 0 : i32
    %dma_wait3A_424 = tpu.memref_slice %arg3[%dma_wait3A_422, %dma_wait3A_423] : memref<21216x32xf32, #tpu.memory_space<hbm>> -> memref<21216x32xf32, #tpu.memory_space<hbm>>
    tpu.wait_indirect_dma semaphore(%arg10 : memref<!tpu.dma_semaphore, #tpu.memory_space<semaphore_mem>>) src(%dma_wait3A_424 : memref<21216x32xf32, #tpu.memory_space<hbm>>) dst(%dma_wait3A_419 : memref<128x32xf32, #tpu.memory_space<vmem>>)
    %add3A_425 = arith.constant 1280 : i32
    %add3A_426 = arith.addi %mul3A_2, %add3A_425 : i32
    %dma_start3A_427 = arith.constant 0 : i32
    %dma_start3A_428 = tpu.memref_slice %arg4[%add3A_426, %dma_start3A_427] : memref<204800x32xf32, #tpu.memory_space<hbm>> -> memref<1280x32xf32, #tpu.memory_space<hbm>>
    %dma_start3A_429 = arith.constant 0 : i32
    %dma_start3A_430 = tpu.memref_slice %arg4[%add3A_426, %dma_start3A_429] : memref<204800x32xf32, #tpu.memory_space<hbm>> -> memref<1280x32xf32, #tpu.memory_space<hbm>>
    tpu.enqueue_dma source(%arg8 : memref<1280x32xf32, #tpu.memory_space<vmem>>) target(%dma_start3A_430 : memref<1280x32xf32, #tpu.memory_space<hbm>>) target_semaphore(%arg12 : memref<!tpu.dma_semaphore, #tpu.memory_space<semaphore_mem>>)
    %scan3A_431 = arith.constant 0 : i32
    %scan3A_432 = arith.constant 80 : i32
    %scan3A_433 = arith.addi %scan3A_431, %scan3A_432 : i32
    %scan3A_434 = arith.constant 1 : i32
    scf.for %scan3A_875 = %scan3A_431 to %scan3A_433 step %scan3A_434  : i32 {
      %mul3A_876 = arith.constant 16 : i32
      %mul3A_877 = arith.muli %scan3A_875, %mul3A_876 : i32
      %add3A_878 = arith.constant 3840 : i32
      %add3A_879 = arith.addi %add3A_878, %mul3A_877 : i32
      %get3A = arith.index_cast %add3A_879 : i32 to index
      %get3A_880 = tpu.vector_load %arg5[%get3A] {strides = array<i32>} : memref<6400xi32, #tpu.memory_space<vmem>>, vector<16xi32>,
      %get3A_881 = vector.shape_cast %get3A_880 : vector<16xi32> to vector<16xi32>
      %broadcast_in_dim3A = arith.constant 86400 : i32
      %broadcast_in_dim3A_882 = vector.broadcast %broadcast_in_dim3A : i32 to vector<16xi32>
      %div3A = arith.divsi %get3A_881, %broadcast_in_dim3A_882 : vector<16xi32>
      %add3A_883 = arith.constant 719468 : i32
      %add3A_884 = vector.broadcast %add3A_883 : i32 to vector<16xi32>
      %add3A_885 = arith.addi %div3A, %add3A_884 : vector<16xi32>
      %broadcast_in_dim3A_886 = arith.constant 146097 : i32
      %broadcast_in_dim3A_887 = vector.broadcast %broadcast_in_dim3A_886 : i32 to vector<16xi32>
      %div3A_888 = arith.divsi %add3A_885, %broadcast_in_dim3A_887 : vector<16xi32>
      %mul3A_889 = arith.constant 146097 : i32
      %mul3A_890 = vector.broadcast %mul3A_889 : i32 to vector<16xi32>
      %mul3A_891 = arith.muli %div3A_888, %mul3A_890 : vector<16xi32>
      %sub3A = arith.subi %add3A_885, %mul3A_891 : vector<16xi32>
      %broadcast_in_dim3A_892 = arith.constant 1460 : i32
      %broadcast_in_dim3A_893 = vector.broadcast %broadcast_in_dim3A_892 : i32 to vector<16xi32>
      %div3A_894 = arith.divsi %sub3A, %broadcast_in_dim3A_893 : vector<16xi32>
      %sub3A_895 = arith.subi %sub3A, %div3A_894 : vector<16xi32>
      %broadcast_in_dim3A_896 = arith.constant 36524 : i32
      %broadcast_in_dim3A_897 = vector.broadcast %broadcast_in_dim3A_896 : i32 to vector<16xi32>
      %div3A_898 = arith.divsi %sub3A, %broadcast_in_dim3A_897 : vector<16xi32>
      %add3A_899 = arith.addi %sub3A_895, %div3A_898 : vector<16xi32>
      %broadcast_in_dim3A_900 = arith.constant 146096 : i32
      %broadcast_in_dim3A_901 = vector.broadcast %broadcast_in_dim3A_900 : i32 to vector<16xi32>
      %div3A_902 = arith.divsi %sub3A, %broadcast_in_dim3A_901 : vector<16xi32>
      %sub3A_903 = arith.subi %add3A_899, %div3A_902 : vector<16xi32>
      %broadcast_in_dim3A_904 = arith.constant 365 : i32
      %broadcast_in_dim3A_905 = vector.broadcast %broadcast_in_dim3A_904 : i32 to vector<16xi32>
      %div3A_906 = arith.divsi %sub3A_903, %broadcast_in_dim3A_905 : vector<16xi32>
      %mul3A_907 = arith.constant 400 : i32
      %mul3A_908 = vector.broadcast %mul3A_907 : i32 to vector<16xi32>
      %mul3A_909 = arith.muli %div3A_888, %mul3A_908 : vector<16xi32>
      %add3A_910 = arith.addi %div3A_906, %mul3A_909 : vector<16xi32>
      %mul3A_911 = arith.constant 365 : i32
      %mul3A_912 = vector.broadcast %mul3A_911 : i32 to vector<16xi32>
      %mul3A_913 = arith.muli %mul3A_912, %div3A_906 : vector<16xi32>
      %broadcast_in_dim3A_914 = arith.constant 4 : i32
      %broadcast_in_dim3A_915 = vector.broadcast %broadcast_in_dim3A_914 : i32 to vector<16xi32>
      %div3A_916 = arith.divsi %div3A_906, %broadcast_in_dim3A_915 : vector<16xi32>
      %add3A_917 = arith.addi %mul3A_913, %div3A_916 : vector<16xi32>
      %broadcast_in_dim3A_918 = arith.constant 100 : i32
      %broadcast_in_dim3A_919 = vector.broadcast %broadcast_in_dim3A_918 : i32 to vector<16xi32>
      %div3A_920 = arith.divsi %div3A_906, %broadcast_in_dim3A_919 : vector<16xi32>
      %sub3A_921 = arith.subi %add3A_917, %div3A_920 : vector<16xi32>
      %sub3A_922 = arith.subi %sub3A, %sub3A_921 : vector<16xi32>
      %mul3A_923 = arith.constant 5 : i32
      %mul3A_924 = vector.broadcast %mul3A_923 : i32 to vector<16xi32>
      %mul3A_925 = arith.muli %mul3A_924, %sub3A_922 : vector<16xi32>
      %add3A_926 = arith.constant 2 : i32
      %add3A_927 = vector.broadcast %add3A_926 : i32 to vector<16xi32>
      %add3A_928 = arith.addi %mul3A_925, %add3A_927 : vector<16xi32>
      %broadcast_in_dim3A_929 = arith.constant 153 : i32
      %broadcast_in_dim3A_930 = vector.broadcast %broadcast_in_dim3A_929 : i32 to vector<16xi32>
      %div3A_931 = arith.divsi %add3A_928, %broadcast_in_dim3A_930 : vector<16xi32>
      %mul3A_932 = arith.constant 153 : i32
      %mul3A_933 = vector.broadcast %mul3A_932 : i32 to vector<16xi32>
      %mul3A_934 = arith.muli %mul3A_933, %div3A_931 : vector<16xi32>
      %add3A_935 = arith.constant 2 : i32
      %add3A_936 = vector.broadcast %add3A_935 : i32 to vector<16xi32>
      %add3A_937 = arith.addi %mul3A_934, %add3A_936 : vector<16xi32>
      %broadcast_in_dim3A_938 = arith.constant 5 : i32
      %broadcast_in_dim3A_939 = vector.broadcast %broadcast_in_dim3A_938 : i32 to vector<16xi32>
      %div3A_940 = arith.divsi %add3A_937, %broadcast_in_dim3A_939 : vector<16xi32>
      %sub3A_941 = arith.subi %sub3A_922, %div3A_940 : vector<16xi32>
      %add3A_942 = arith.constant 1 : i32
      %add3A_943 = vector.broadcast %add3A_942 : i32 to vector<16xi32>
      %add3A_944 = arith.addi %sub3A_941, %add3A_943 : vector<16xi32>
      %lt3A = arith.constant 10 : i32
      %lt3A_945 = vector.broadcast %lt3A : i32 to vector<16xi32>
      %lt3A_946 = arith.cmpi slt, %div3A_931, %lt3A_945 : vector<16xi32>
      %add3A_947 = arith.constant 3 : i32
      %add3A_948 = vector.broadcast %add3A_947 : i32 to vector<16xi32>
      %add3A_949 = arith.addi %div3A_931, %add3A_948 : vector<16xi32>
      %sub3A_950 = arith.constant 9 : i32
      %sub3A_951 = vector.broadcast %sub3A_950 : i32 to vector<16xi32>
      %sub3A_952 = arith.subi %div3A_931, %sub3A_951 : vector<16xi32>
      %select_n3A = arith.select %lt3A_946, %add3A_949, %sub3A_952 : vector<16xi1>, vector<16xi32>
      %le3A = arith.constant 2 : i32
      %le3A_953 = vector.broadcast %le3A : i32 to vector<16xi32>
      %le3A_954 = arith.cmpi sle, %select_n3A, %le3A_953 : vector<16xi32>
      %add3A_955 = arith.constant 1 : i32
      %add3A_956 = vector.broadcast %add3A_955 : i32 to vector<16xi32>
      %add3A_957 = arith.addi %add3A_910, %add3A_956 : vector<16xi32>
      %select_n3A_958 = arith.select %le3A_954, %add3A_957, %add3A_910 : vector<16xi1>, vector<16xi32>
      %sub3A_959 = arith.constant 2000 : i32
      %sub3A_960 = vector.broadcast %sub3A_959 : i32 to vector<16xi32>
      %sub3A_961 = arith.subi %select_n3A_958, %sub3A_960 : vector<16xi32>
      %max3A = arith.constant 0 : i32
      %max3A_962 = vector.broadcast %max3A : i32 to vector<16xi32>
      %max3A_963 = arith.maxsi %sub3A_961, %max3A_962 : vector<16xi32>
      %min3A = arith.constant 49 : i32
      %min3A_964 = vector.broadcast %min3A : i32 to vector<16xi32>
      %min3A_965 = arith.minsi %max3A_963, %min3A_964 : vector<16xi32>
      %add3A_966 = arith.constant 1 : i32
      %add3A_967 = vector.broadcast %add3A_966 : i32 to vector<16xi32>
      %add3A_968 = arith.addi %min3A_965, %add3A_967 : vector<16xi32>
      %mul3A_969 = arith.constant 416 : i32
      %mul3A_970 = vector.broadcast %mul3A_969 : i32 to vector<16xi32>
      %mul3A_971 = arith.muli %add3A_968, %mul3A_970 : vector<16xi32>
      %mul3A_972 = arith.constant 32 : i32
      %mul3A_973 = vector.broadcast %mul3A_972 : i32 to vector<16xi32>
      %mul3A_974 = arith.muli %select_n3A, %mul3A_973 : vector<16xi32>
      %add3A_975 = arith.addi %mul3A_971, %mul3A_974 : vector<16xi32>
      %add3A_976 = arith.addi %add3A_975, %add3A_944 : vector<16xi32>
      %ne3A = arith.constant 0 : i32
      %ne3A_977 = vector.broadcast %ne3A : i32 to vector<16xi32>
      %ne3A_978 = arith.cmpi ne, %get3A_881, %ne3A_977 : vector<16xi32>
      %select_n3A_979 = arith.select %ne3A_978, %add3A_976, %get3A_881 : vector<16xi1>, vector<16xi32>
      %swap3A = arith.index_cast %add3A_879 : i32 to index
      %swap3A_980 = tpu.vector_load %arg6[%swap3A] {strides = array<i32>} : memref<6400xi32, #tpu.memory_space<vmem>>, vector<16xi32>,
      %swap3A_981 = vector.shape_cast %swap3A_980 : vector<16xi32> to vector<16xi32>
      %swap3A_982 = vector.shape_cast %select_n3A_979 : vector<16xi32> to vector<16xi32>
      tpu.vector_store %arg6[%swap3A], %swap3A_982 {strides = array<i32>} : memref<6400xi32, #tpu.memory_space<vmem>>, vector<16xi32>,
    }
    %scan3A_435 = arith.constant 80 : i32
    %dma_wait3A_436 = arith.constant 0 : i32
    %dma_wait3A_437 = tpu.memref_slice %arg4[%add3A_426, %dma_wait3A_436] : memref<204800x32xf32, #tpu.memory_space<hbm>> -> memref<1280x32xf32, #tpu.memory_space<hbm>>
    %dma_wait3A_438 = arith.constant 0 : i32
    %dma_wait3A_439 = tpu.memref_slice %arg4[%add3A_426, %dma_wait3A_438] : memref<204800x32xf32, #tpu.memory_space<hbm>> -> memref<1280x32xf32, #tpu.memory_space<hbm>>
    tpu.wait_dma2 semaphore(%arg12 : memref<!tpu.dma_semaphore, #tpu.memory_space<semaphore_mem>>) src(%arg8 : memref<1280x32xf32, #tpu.memory_space<vmem>>) dst(%dma_wait3A_439 : memref<1280x32xf32, #tpu.memory_space<hbm>>)
    %dma_start3A_440 = arith.constant 0 : i32
    %dma_start3A_441 = arith.constant 0 : i32
    %dma_start3A_442 = tpu.memref_slice %arg8[%dma_start3A_440, %dma_start3A_441] : memref<1280x32xf32, #tpu.memory_space<vmem>> -> memref<128x32xf32, #tpu.memory_space<vmem>>
    %dma_start3A_443 = arith.constant 3840 : i32
    %dma_start3A_444 = tpu.memref_slice %arg6[%dma_start3A_443] : memref<6400xi32, #tpu.memory_space<vmem>> -> memref<128xi32, #tpu.memory_space<vmem>>
    %dma_start3A_445 = arith.constant 0 : i32
    %dma_start3A_446 = arith.constant 0 : i32
    %dma_start3A_447 = tpu.memref_slice %arg3[%dma_start3A_445, %dma_start3A_446] : memref<21216x32xf32, #tpu.memory_space<hbm>> -> memref<21216x32xf32, #tpu.memory_space<hbm>>
    tpu.enqueue_indirect_dma source(%dma_start3A_447 : memref<21216x32xf32, #tpu.memory_space<hbm>>) target(%dma_start3A_442 : memref<128x32xf32, #tpu.memory_space<vmem>>) offsets(%dma_start3A_444 : memref<128xi32, #tpu.memory_space<vmem>>) semaphore(%arg10 : memref<!tpu.dma_semaphore, #tpu.memory_space<semaphore_mem>>)
    %dma_start3A_448 = arith.constant 128 : i32
    %dma_start3A_449 = arith.constant 0 : i32
    %dma_start3A_450 = tpu.memref_slice %arg8[%dma_start3A_448, %dma_start3A_449] : memref<1280x32xf32, #tpu.memory_space<vmem>> -> memref<128x32xf32, #tpu.memory_space<vmem>>
    %dma_start3A_451 = arith.constant 3968 : i32
    %dma_start3A_452 = tpu.memref_slice %arg6[%dma_start3A_451] : memref<6400xi32, #tpu.memory_space<vmem>> -> memref<128xi32, #tpu.memory_space<vmem>>
    %dma_start3A_453 = arith.constant 0 : i32
    %dma_start3A_454 = arith.constant 0 : i32
    %dma_start3A_455 = tpu.memref_slice %arg3[%dma_start3A_453, %dma_start3A_454] : memref<21216x32xf32, #tpu.memory_space<hbm>> -> memref<21216x32xf32, #tpu.memory_space<hbm>>
    tpu.enqueue_indirect_dma source(%dma_start3A_455 : memref<21216x32xf32, #tpu.memory_space<hbm>>) target(%dma_start3A_450 : memref<128x32xf32, #tpu.memory_space<vmem>>) offsets(%dma_start3A_452 : memref<128xi32, #tpu.memory_space<vmem>>) semaphore(%arg10 : memref<!tpu.dma_semaphore, #tpu.memory_space<semaphore_mem>>)
    %dma_start3A_456 = arith.constant 256 : i32
    %dma_start3A_457 = arith.constant 0 : i32
    %dma_start3A_458 = tpu.memref_slice %arg8[%dma_start3A_456, %dma_start3A_457] : memref<1280x32xf32, #tpu.memory_space<vmem>> -> memref<128x32xf32, #tpu.memory_space<vmem>>
    %dma_start3A_459 = arith.constant 4096 : i32
    %dma_start3A_460 = tpu.memref_slice %arg6[%dma_start3A_459] : memref<6400xi32, #tpu.memory_space<vmem>> -> memref<128xi32, #tpu.memory_space<vmem>>
    %dma_start3A_461 = arith.constant 0 : i32
    %dma_start3A_462 = arith.constant 0 : i32
    %dma_start3A_463 = tpu.memref_slice %arg3[%dma_start3A_461, %dma_start3A_462] : memref<21216x32xf32, #tpu.memory_space<hbm>> -> memref<21216x32xf32, #tpu.memory_space<hbm>>
    tpu.enqueue_indirect_dma source(%dma_start3A_463 : memref<21216x32xf32, #tpu.memory_space<hbm>>) target(%dma_start3A_458 : memref<128x32xf32, #tpu.memory_space<vmem>>) offsets(%dma_start3A_460 : memref<128xi32, #tpu.memory_space<vmem>>) semaphore(%arg10 : memref<!tpu.dma_semaphore, #tpu.memory_space<semaphore_mem>>)
    %dma_start3A_464 = arith.constant 384 : i32
    %dma_start3A_465 = arith.constant 0 : i32
    %dma_start3A_466 = tpu.memref_slice %arg8[%dma_start3A_464, %dma_start3A_465] : memref<1280x32xf32, #tpu.memory_space<vmem>> -> memref<128x32xf32, #tpu.memory_space<vmem>>
    %dma_start3A_467 = arith.constant 4224 : i32
    %dma_start3A_468 = tpu.memref_slice %arg6[%dma_start3A_467] : memref<6400xi32, #tpu.memory_space<vmem>> -> memref<128xi32, #tpu.memory_space<vmem>>
    %dma_start3A_469 = arith.constant 0 : i32
    %dma_start3A_470 = arith.constant 0 : i32
    %dma_start3A_471 = tpu.memref_slice %arg3[%dma_start3A_469, %dma_start3A_470] : memref<21216x32xf32, #tpu.memory_space<hbm>> -> memref<21216x32xf32, #tpu.memory_space<hbm>>
    tpu.enqueue_indirect_dma source(%dma_start3A_471 : memref<21216x32xf32, #tpu.memory_space<hbm>>) target(%dma_start3A_466 : memref<128x32xf32, #tpu.memory_space<vmem>>) offsets(%dma_start3A_468 : memref<128xi32, #tpu.memory_space<vmem>>) semaphore(%arg10 : memref<!tpu.dma_semaphore, #tpu.memory_space<semaphore_mem>>)
    %dma_start3A_472 = arith.constant 512 : i32
    %dma_start3A_473 = arith.constant 0 : i32
    %dma_start3A_474 = tpu.memref_slice %arg8[%dma_start3A_472, %dma_start3A_473] : memref<1280x32xf32, #tpu.memory_space<vmem>> -> memref<128x32xf32, #tpu.memory_space<vmem>>
    %dma_start3A_475 = arith.constant 4352 : i32
    %dma_start3A_476 = tpu.memref_slice %arg6[%dma_start3A_475] : memref<6400xi32, #tpu.memory_space<vmem>> -> memref<128xi32, #tpu.memory_space<vmem>>
    %dma_start3A_477 = arith.constant 0 : i32
    %dma_start3A_478 = arith.constant 0 : i32
    %dma_start3A_479 = tpu.memref_slice %arg3[%dma_start3A_477, %dma_start3A_478] : memref<21216x32xf32, #tpu.memory_space<hbm>> -> memref<21216x32xf32, #tpu.memory_space<hbm>>
    tpu.enqueue_indirect_dma source(%dma_start3A_479 : memref<21216x32xf32, #tpu.memory_space<hbm>>) target(%dma_start3A_474 : memref<128x32xf32, #tpu.memory_space<vmem>>) offsets(%dma_start3A_476 : memref<128xi32, #tpu.memory_space<vmem>>) semaphore(%arg10 : memref<!tpu.dma_semaphore, #tpu.memory_space<semaphore_mem>>)
    %dma_start3A_480 = arith.constant 640 : i32
    %dma_start3A_481 = arith.constant 0 : i32
    %dma_start3A_482 = tpu.memref_slice %arg8[%dma_start3A_480, %dma_start3A_481] : memref<1280x32xf32, #tpu.memory_space<vmem>> -> memref<128x32xf32, #tpu.memory_space<vmem>>
    %dma_start3A_483 = arith.constant 4480 : i32
    %dma_start3A_484 = tpu.memref_slice %arg6[%dma_start3A_483] : memref<6400xi32, #tpu.memory_space<vmem>> -> memref<128xi32, #tpu.memory_space<vmem>>
    %dma_start3A_485 = arith.constant 0 : i32
    %dma_start3A_486 = arith.constant 0 : i32
    %dma_start3A_487 = tpu.memref_slice %arg3[%dma_start3A_485, %dma_start3A_486] : memref<21216x32xf32, #tpu.memory_space<hbm>> -> memref<21216x32xf32, #tpu.memory_space<hbm>>
    tpu.enqueue_indirect_dma source(%dma_start3A_487 : memref<21216x32xf32, #tpu.memory_space<hbm>>) target(%dma_start3A_482 : memref<128x32xf32, #tpu.memory_space<vmem>>) offsets(%dma_start3A_484 : memref<128xi32, #tpu.memory_space<vmem>>) semaphore(%arg10 : memref<!tpu.dma_semaphore, #tpu.memory_space<semaphore_mem>>)
    %dma_start3A_488 = arith.constant 768 : i32
    %dma_start3A_489 = arith.constant 0 : i32
    %dma_start3A_490 = tpu.memref_slice %arg8[%dma_start3A_488, %dma_start3A_489] : memref<1280x32xf32, #tpu.memory_space<vmem>> -> memref<128x32xf32, #tpu.memory_space<vmem>>
    %dma_start3A_491 = arith.constant 4608 : i32
    %dma_start3A_492 = tpu.memref_slice %arg6[%dma_start3A_491] : memref<6400xi32, #tpu.memory_space<vmem>> -> memref<128xi32, #tpu.memory_space<vmem>>
    %dma_start3A_493 = arith.constant 0 : i32
    %dma_start3A_494 = arith.constant 0 : i32
    %dma_start3A_495 = tpu.memref_slice %arg3[%dma_start3A_493, %dma_start3A_494] : memref<21216x32xf32, #tpu.memory_space<hbm>> -> memref<21216x32xf32, #tpu.memory_space<hbm>>
    tpu.enqueue_indirect_dma source(%dma_start3A_495 : memref<21216x32xf32, #tpu.memory_space<hbm>>) target(%dma_start3A_490 : memref<128x32xf32, #tpu.memory_space<vmem>>) offsets(%dma_start3A_492 : memref<128xi32, #tpu.memory_space<vmem>>) semaphore(%arg10 : memref<!tpu.dma_semaphore, #tpu.memory_space<semaphore_mem>>)
    %dma_start3A_496 = arith.constant 896 : i32
    %dma_start3A_497 = arith.constant 0 : i32
    %dma_start3A_498 = tpu.memref_slice %arg8[%dma_start3A_496, %dma_start3A_497] : memref<1280x32xf32, #tpu.memory_space<vmem>> -> memref<128x32xf32, #tpu.memory_space<vmem>>
    %dma_start3A_499 = arith.constant 4736 : i32
    %dma_start3A_500 = tpu.memref_slice %arg6[%dma_start3A_499] : memref<6400xi32, #tpu.memory_space<vmem>> -> memref<128xi32, #tpu.memory_space<vmem>>
    %dma_start3A_501 = arith.constant 0 : i32
    %dma_start3A_502 = arith.constant 0 : i32
    %dma_start3A_503 = tpu.memref_slice %arg3[%dma_start3A_501, %dma_start3A_502] : memref<21216x32xf32, #tpu.memory_space<hbm>> -> memref<21216x32xf32, #tpu.memory_space<hbm>>
    tpu.enqueue_indirect_dma source(%dma_start3A_503 : memref<21216x32xf32, #tpu.memory_space<hbm>>) target(%dma_start3A_498 : memref<128x32xf32, #tpu.memory_space<vmem>>) offsets(%dma_start3A_500 : memref<128xi32, #tpu.memory_space<vmem>>) semaphore(%arg10 : memref<!tpu.dma_semaphore, #tpu.memory_space<semaphore_mem>>)
    %dma_start3A_504 = arith.constant 1024 : i32
    %dma_start3A_505 = arith.constant 0 : i32
    %dma_start3A_506 = tpu.memref_slice %arg8[%dma_start3A_504, %dma_start3A_505] : memref<1280x32xf32, #tpu.memory_space<vmem>> -> memref<128x32xf32, #tpu.memory_space<vmem>>
    %dma_start3A_507 = arith.constant 4864 : i32
    %dma_start3A_508 = tpu.memref_slice %arg6[%dma_start3A_507] : memref<6400xi32, #tpu.memory_space<vmem>> -> memref<128xi32, #tpu.memory_space<vmem>>
    %dma_start3A_509 = arith.constant 0 : i32
    %dma_start3A_510 = arith.constant 0 : i32
    %dma_start3A_511 = tpu.memref_slice %arg3[%dma_start3A_509, %dma_start3A_510] : memref<21216x32xf32, #tpu.memory_space<hbm>> -> memref<21216x32xf32, #tpu.memory_space<hbm>>
    tpu.enqueue_indirect_dma source(%dma_start3A_511 : memref<21216x32xf32, #tpu.memory_space<hbm>>) target(%dma_start3A_506 : memref<128x32xf32, #tpu.memory_space<vmem>>) offsets(%dma_start3A_508 : memref<128xi32, #tpu.memory_space<vmem>>) semaphore(%arg10 : memref<!tpu.dma_semaphore, #tpu.memory_space<semaphore_mem>>)
    %dma_start3A_512 = arith.constant 1152 : i32
    %dma_start3A_513 = arith.constant 0 : i32
    %dma_start3A_514 = tpu.memref_slice %arg8[%dma_start3A_512, %dma_start3A_513] : memref<1280x32xf32, #tpu.memory_space<vmem>> -> memref<128x32xf32, #tpu.memory_space<vmem>>
    %dma_start3A_515 = arith.constant 4992 : i32
    %dma_start3A_516 = tpu.memref_slice %arg6[%dma_start3A_515] : memref<6400xi32, #tpu.memory_space<vmem>> -> memref<128xi32, #tpu.memory_space<vmem>>
    %dma_start3A_517 = arith.constant 0 : i32
    %dma_start3A_518 = arith.constant 0 : i32
    %dma_start3A_519 = tpu.memref_slice %arg3[%dma_start3A_517, %dma_start3A_518] : memref<21216x32xf32, #tpu.memory_space<hbm>> -> memref<21216x32xf32, #tpu.memory_space<hbm>>
    tpu.enqueue_indirect_dma source(%dma_start3A_519 : memref<21216x32xf32, #tpu.memory_space<hbm>>) target(%dma_start3A_514 : memref<128x32xf32, #tpu.memory_space<vmem>>) offsets(%dma_start3A_516 : memref<128xi32, #tpu.memory_space<vmem>>) semaphore(%arg10 : memref<!tpu.dma_semaphore, #tpu.memory_space<semaphore_mem>>)
    %dma_wait3A_520 = arith.constant 0 : i32
    %dma_wait3A_521 = arith.constant 0 : i32
    %dma_wait3A_522 = tpu.memref_slice %arg7[%dma_wait3A_520, %dma_wait3A_521] : memref<1280x32xf32, #tpu.memory_space<vmem>> -> memref<128x32xf32, #tpu.memory_space<vmem>>
    %dma_wait3A_523 = arith.constant 2560 : i32
    %dma_wait3A_524 = tpu.memref_slice %arg6[%dma_wait3A_523] : memref<6400xi32, #tpu.memory_space<vmem>> -> memref<128xi32, #tpu.memory_space<vmem>>
    %dma_wait3A_525 = arith.constant 0 : i32
    %dma_wait3A_526 = arith.constant 0 : i32
    %dma_wait3A_527 = tpu.memref_slice %arg3[%dma_wait3A_525, %dma_wait3A_526] : memref<21216x32xf32, #tpu.memory_space<hbm>> -> memref<21216x32xf32, #tpu.memory_space<hbm>>
    tpu.wait_indirect_dma semaphore(%arg9 : memref<!tpu.dma_semaphore, #tpu.memory_space<semaphore_mem>>) src(%dma_wait3A_527 : memref<21216x32xf32, #tpu.memory_space<hbm>>) dst(%dma_wait3A_522 : memref<128x32xf32, #tpu.memory_space<vmem>>)
    %dma_wait3A_528 = arith.constant 128 : i32
    %dma_wait3A_529 = arith.constant 0 : i32
    %dma_wait3A_530 = tpu.memref_slice %arg7[%dma_wait3A_528, %dma_wait3A_529] : memref<1280x32xf32, #tpu.memory_space<vmem>> -> memref<128x32xf32, #tpu.memory_space<vmem>>
    %dma_wait3A_531 = arith.constant 2688 : i32
    %dma_wait3A_532 = tpu.memref_slice %arg6[%dma_wait3A_531] : memref<6400xi32, #tpu.memory_space<vmem>> -> memref<128xi32, #tpu.memory_space<vmem>>
    %dma_wait3A_533 = arith.constant 0 : i32
    %dma_wait3A_534 = arith.constant 0 : i32
    %dma_wait3A_535 = tpu.memref_slice %arg3[%dma_wait3A_533, %dma_wait3A_534] : memref<21216x32xf32, #tpu.memory_space<hbm>> -> memref<21216x32xf32, #tpu.memory_space<hbm>>
    tpu.wait_indirect_dma semaphore(%arg9 : memref<!tpu.dma_semaphore, #tpu.memory_space<semaphore_mem>>) src(%dma_wait3A_535 : memref<21216x32xf32, #tpu.memory_space<hbm>>) dst(%dma_wait3A_530 : memref<128x32xf32, #tpu.memory_space<vmem>>)
    %dma_wait3A_536 = arith.constant 256 : i32
    %dma_wait3A_537 = arith.constant 0 : i32
    %dma_wait3A_538 = tpu.memref_slice %arg7[%dma_wait3A_536, %dma_wait3A_537] : memref<1280x32xf32, #tpu.memory_space<vmem>> -> memref<128x32xf32, #tpu.memory_space<vmem>>
    %dma_wait3A_539 = arith.constant 2816 : i32
    %dma_wait3A_540 = tpu.memref_slice %arg6[%dma_wait3A_539] : memref<6400xi32, #tpu.memory_space<vmem>> -> memref<128xi32, #tpu.memory_space<vmem>>
    %dma_wait3A_541 = arith.constant 0 : i32
    %dma_wait3A_542 = arith.constant 0 : i32
    %dma_wait3A_543 = tpu.memref_slice %arg3[%dma_wait3A_541, %dma_wait3A_542] : memref<21216x32xf32, #tpu.memory_space<hbm>> -> memref<21216x32xf32, #tpu.memory_space<hbm>>
    tpu.wait_indirect_dma semaphore(%arg9 : memref<!tpu.dma_semaphore, #tpu.memory_space<semaphore_mem>>) src(%dma_wait3A_543 : memref<21216x32xf32, #tpu.memory_space<hbm>>) dst(%dma_wait3A_538 : memref<128x32xf32, #tpu.memory_space<vmem>>)
    %dma_wait3A_544 = arith.constant 384 : i32
    %dma_wait3A_545 = arith.constant 0 : i32
    %dma_wait3A_546 = tpu.memref_slice %arg7[%dma_wait3A_544, %dma_wait3A_545] : memref<1280x32xf32, #tpu.memory_space<vmem>> -> memref<128x32xf32, #tpu.memory_space<vmem>>
    %dma_wait3A_547 = arith.constant 2944 : i32
    %dma_wait3A_548 = tpu.memref_slice %arg6[%dma_wait3A_547] : memref<6400xi32, #tpu.memory_space<vmem>> -> memref<128xi32, #tpu.memory_space<vmem>>
    %dma_wait3A_549 = arith.constant 0 : i32
    %dma_wait3A_550 = arith.constant 0 : i32
    %dma_wait3A_551 = tpu.memref_slice %arg3[%dma_wait3A_549, %dma_wait3A_550] : memref<21216x32xf32, #tpu.memory_space<hbm>> -> memref<21216x32xf32, #tpu.memory_space<hbm>>
    tpu.wait_indirect_dma semaphore(%arg9 : memref<!tpu.dma_semaphore, #tpu.memory_space<semaphore_mem>>) src(%dma_wait3A_551 : memref<21216x32xf32, #tpu.memory_space<hbm>>) dst(%dma_wait3A_546 : memref<128x32xf32, #tpu.memory_space<vmem>>)
    %dma_wait3A_552 = arith.constant 512 : i32
    %dma_wait3A_553 = arith.constant 0 : i32
    %dma_wait3A_554 = tpu.memref_slice %arg7[%dma_wait3A_552, %dma_wait3A_553] : memref<1280x32xf32, #tpu.memory_space<vmem>> -> memref<128x32xf32, #tpu.memory_space<vmem>>
    %dma_wait3A_555 = arith.constant 3072 : i32
    %dma_wait3A_556 = tpu.memref_slice %arg6[%dma_wait3A_555] : memref<6400xi32, #tpu.memory_space<vmem>> -> memref<128xi32, #tpu.memory_space<vmem>>
    %dma_wait3A_557 = arith.constant 0 : i32
    %dma_wait3A_558 = arith.constant 0 : i32
    %dma_wait3A_559 = tpu.memref_slice %arg3[%dma_wait3A_557, %dma_wait3A_558] : memref<21216x32xf32, #tpu.memory_space<hbm>> -> memref<21216x32xf32, #tpu.memory_space<hbm>>
    tpu.wait_indirect_dma semaphore(%arg9 : memref<!tpu.dma_semaphore, #tpu.memory_space<semaphore_mem>>) src(%dma_wait3A_559 : memref<21216x32xf32, #tpu.memory_space<hbm>>) dst(%dma_wait3A_554 : memref<128x32xf32, #tpu.memory_space<vmem>>)
    %dma_wait3A_560 = arith.constant 640 : i32
    %dma_wait3A_561 = arith.constant 0 : i32
    %dma_wait3A_562 = tpu.memref_slice %arg7[%dma_wait3A_560, %dma_wait3A_561] : memref<1280x32xf32, #tpu.memory_space<vmem>> -> memref<128x32xf32, #tpu.memory_space<vmem>>
    %dma_wait3A_563 = arith.constant 3200 : i32
    %dma_wait3A_564 = tpu.memref_slice %arg6[%dma_wait3A_563] : memref<6400xi32, #tpu.memory_space<vmem>> -> memref<128xi32, #tpu.memory_space<vmem>>
    %dma_wait3A_565 = arith.constant 0 : i32
    %dma_wait3A_566 = arith.constant 0 : i32
    %dma_wait3A_567 = tpu.memref_slice %arg3[%dma_wait3A_565, %dma_wait3A_566] : memref<21216x32xf32, #tpu.memory_space<hbm>> -> memref<21216x32xf32, #tpu.memory_space<hbm>>
    tpu.wait_indirect_dma semaphore(%arg9 : memref<!tpu.dma_semaphore, #tpu.memory_space<semaphore_mem>>) src(%dma_wait3A_567 : memref<21216x32xf32, #tpu.memory_space<hbm>>) dst(%dma_wait3A_562 : memref<128x32xf32, #tpu.memory_space<vmem>>)
    %dma_wait3A_568 = arith.constant 768 : i32
    %dma_wait3A_569 = arith.constant 0 : i32
    %dma_wait3A_570 = tpu.memref_slice %arg7[%dma_wait3A_568, %dma_wait3A_569] : memref<1280x32xf32, #tpu.memory_space<vmem>> -> memref<128x32xf32, #tpu.memory_space<vmem>>
    %dma_wait3A_571 = arith.constant 3328 : i32
    %dma_wait3A_572 = tpu.memref_slice %arg6[%dma_wait3A_571] : memref<6400xi32, #tpu.memory_space<vmem>> -> memref<128xi32, #tpu.memory_space<vmem>>
    %dma_wait3A_573 = arith.constant 0 : i32
    %dma_wait3A_574 = arith.constant 0 : i32
    %dma_wait3A_575 = tpu.memref_slice %arg3[%dma_wait3A_573, %dma_wait3A_574] : memref<21216x32xf32, #tpu.memory_space<hbm>> -> memref<21216x32xf32, #tpu.memory_space<hbm>>
    tpu.wait_indirect_dma semaphore(%arg9 : memref<!tpu.dma_semaphore, #tpu.memory_space<semaphore_mem>>) src(%dma_wait3A_575 : memref<21216x32xf32, #tpu.memory_space<hbm>>) dst(%dma_wait3A_570 : memref<128x32xf32, #tpu.memory_space<vmem>>)
    %dma_wait3A_576 = arith.constant 896 : i32
    %dma_wait3A_577 = arith.constant 0 : i32
    %dma_wait3A_578 = tpu.memref_slice %arg7[%dma_wait3A_576, %dma_wait3A_577] : memref<1280x32xf32, #tpu.memory_space<vmem>> -> memref<128x32xf32, #tpu.memory_space<vmem>>
    %dma_wait3A_579 = arith.constant 3456 : i32
    %dma_wait3A_580 = tpu.memref_slice %arg6[%dma_wait3A_579] : memref<6400xi32, #tpu.memory_space<vmem>> -> memref<128xi32, #tpu.memory_space<vmem>>
    %dma_wait3A_581 = arith.constant 0 : i32
    %dma_wait3A_582 = arith.constant 0 : i32
    %dma_wait3A_583 = tpu.memref_slice %arg3[%dma_wait3A_581, %dma_wait3A_582] : memref<21216x32xf32, #tpu.memory_space<hbm>> -> memref<21216x32xf32, #tpu.memory_space<hbm>>
    tpu.wait_indirect_dma semaphore(%arg9 : memref<!tpu.dma_semaphore, #tpu.memory_space<semaphore_mem>>) src(%dma_wait3A_583 : memref<21216x32xf32, #tpu.memory_space<hbm>>) dst(%dma_wait3A_578 : memref<128x32xf32, #tpu.memory_space<vmem>>)
    %dma_wait3A_584 = arith.constant 1024 : i32
    %dma_wait3A_585 = arith.constant 0 : i32
    %dma_wait3A_586 = tpu.memref_slice %arg7[%dma_wait3A_584, %dma_wait3A_585] : memref<1280x32xf32, #tpu.memory_space<vmem>> -> memref<128x32xf32, #tpu.memory_space<vmem>>
    %dma_wait3A_587 = arith.constant 3584 : i32
    %dma_wait3A_588 = tpu.memref_slice %arg6[%dma_wait3A_587] : memref<6400xi32, #tpu.memory_space<vmem>> -> memref<128xi32, #tpu.memory_space<vmem>>
    %dma_wait3A_589 = arith.constant 0 : i32
    %dma_wait3A_590 = arith.constant 0 : i32
    %dma_wait3A_591 = tpu.memref_slice %arg3[%dma_wait3A_589, %dma_wait3A_590] : memref<21216x32xf32, #tpu.memory_space<hbm>> -> memref<21216x32xf32, #tpu.memory_space<hbm>>
    tpu.wait_indirect_dma semaphore(%arg9 : memref<!tpu.dma_semaphore, #tpu.memory_space<semaphore_mem>>) src(%dma_wait3A_591 : memref<21216x32xf32, #tpu.memory_space<hbm>>) dst(%dma_wait3A_586 : memref<128x32xf32, #tpu.memory_space<vmem>>)
    %dma_wait3A_592 = arith.constant 1152 : i32
    %dma_wait3A_593 = arith.constant 0 : i32
    %dma_wait3A_594 = tpu.memref_slice %arg7[%dma_wait3A_592, %dma_wait3A_593] : memref<1280x32xf32, #tpu.memory_space<vmem>> -> memref<128x32xf32, #tpu.memory_space<vmem>>
    %dma_wait3A_595 = arith.constant 3712 : i32
    %dma_wait3A_596 = tpu.memref_slice %arg6[%dma_wait3A_595] : memref<6400xi32, #tpu.memory_space<vmem>> -> memref<128xi32, #tpu.memory_space<vmem>>
    %dma_wait3A_597 = arith.constant 0 : i32
    %dma_wait3A_598 = arith.constant 0 : i32
    %dma_wait3A_599 = tpu.memref_slice %arg3[%dma_wait3A_597, %dma_wait3A_598] : memref<21216x32xf32, #tpu.memory_space<hbm>> -> memref<21216x32xf32, #tpu.memory_space<hbm>>
    tpu.wait_indirect_dma semaphore(%arg9 : memref<!tpu.dma_semaphore, #tpu.memory_space<semaphore_mem>>) src(%dma_wait3A_599 : memref<21216x32xf32, #tpu.memory_space<hbm>>) dst(%dma_wait3A_594 : memref<128x32xf32, #tpu.memory_space<vmem>>)
    %add3A_600 = arith.constant 2560 : i32
    %add3A_601 = arith.addi %mul3A_2, %add3A_600 : i32
    %dma_start3A_602 = arith.constant 0 : i32
    %dma_start3A_603 = tpu.memref_slice %arg4[%add3A_601, %dma_start3A_602] : memref<204800x32xf32, #tpu.memory_space<hbm>> -> memref<1280x32xf32, #tpu.memory_space<hbm>>
    %dma_start3A_604 = arith.constant 0 : i32
    %dma_start3A_605 = tpu.memref_slice %arg4[%add3A_601, %dma_start3A_604] : memref<204800x32xf32, #tpu.memory_space<hbm>> -> memref<1280x32xf32, #tpu.memory_space<hbm>>
    tpu.enqueue_dma source(%arg7 : memref<1280x32xf32, #tpu.memory_space<vmem>>) target(%dma_start3A_605 : memref<1280x32xf32, #tpu.memory_space<hbm>>) target_semaphore(%arg11 : memref<!tpu.dma_semaphore, #tpu.memory_space<semaphore_mem>>)
    %scan3A_606 = arith.constant 0 : i32
    %scan3A_607 = arith.constant 80 : i32
    %scan3A_608 = arith.addi %scan3A_606, %scan3A_607 : i32
    %scan3A_609 = arith.constant 1 : i32
    scf.for %scan3A_875 = %scan3A_606 to %scan3A_608 step %scan3A_609  : i32 {
      %mul3A_876 = arith.constant 16 : i32
      %mul3A_877 = arith.muli %scan3A_875, %mul3A_876 : i32
      %add3A_878 = arith.constant 5120 : i32
      %add3A_879 = arith.addi %add3A_878, %mul3A_877 : i32
      %get3A = arith.index_cast %add3A_879 : i32 to index
      %get3A_880 = tpu.vector_load %arg5[%get3A] {strides = array<i32>} : memref<6400xi32, #tpu.memory_space<vmem>>, vector<16xi32>,
      %get3A_881 = vector.shape_cast %get3A_880 : vector<16xi32> to vector<16xi32>
      %broadcast_in_dim3A = arith.constant 86400 : i32
      %broadcast_in_dim3A_882 = vector.broadcast %broadcast_in_dim3A : i32 to vector<16xi32>
      %div3A = arith.divsi %get3A_881, %broadcast_in_dim3A_882 : vector<16xi32>
      %add3A_883 = arith.constant 719468 : i32
      %add3A_884 = vector.broadcast %add3A_883 : i32 to vector<16xi32>
      %add3A_885 = arith.addi %div3A, %add3A_884 : vector<16xi32>
      %broadcast_in_dim3A_886 = arith.constant 146097 : i32
      %broadcast_in_dim3A_887 = vector.broadcast %broadcast_in_dim3A_886 : i32 to vector<16xi32>
      %div3A_888 = arith.divsi %add3A_885, %broadcast_in_dim3A_887 : vector<16xi32>
      %mul3A_889 = arith.constant 146097 : i32
      %mul3A_890 = vector.broadcast %mul3A_889 : i32 to vector<16xi32>
      %mul3A_891 = arith.muli %div3A_888, %mul3A_890 : vector<16xi32>
      %sub3A = arith.subi %add3A_885, %mul3A_891 : vector<16xi32>
      %broadcast_in_dim3A_892 = arith.constant 1460 : i32
      %broadcast_in_dim3A_893 = vector.broadcast %broadcast_in_dim3A_892 : i32 to vector<16xi32>
      %div3A_894 = arith.divsi %sub3A, %broadcast_in_dim3A_893 : vector<16xi32>
      %sub3A_895 = arith.subi %sub3A, %div3A_894 : vector<16xi32>
      %broadcast_in_dim3A_896 = arith.constant 36524 : i32
      %broadcast_in_dim3A_897 = vector.broadcast %broadcast_in_dim3A_896 : i32 to vector<16xi32>
      %div3A_898 = arith.divsi %sub3A, %broadcast_in_dim3A_897 : vector<16xi32>
      %add3A_899 = arith.addi %sub3A_895, %div3A_898 : vector<16xi32>
      %broadcast_in_dim3A_900 = arith.constant 146096 : i32
      %broadcast_in_dim3A_901 = vector.broadcast %broadcast_in_dim3A_900 : i32 to vector<16xi32>
      %div3A_902 = arith.divsi %sub3A, %broadcast_in_dim3A_901 : vector<16xi32>
      %sub3A_903 = arith.subi %add3A_899, %div3A_902 : vector<16xi32>
      %broadcast_in_dim3A_904 = arith.constant 365 : i32
      %broadcast_in_dim3A_905 = vector.broadcast %broadcast_in_dim3A_904 : i32 to vector<16xi32>
      %div3A_906 = arith.divsi %sub3A_903, %broadcast_in_dim3A_905 : vector<16xi32>
      %mul3A_907 = arith.constant 400 : i32
      %mul3A_908 = vector.broadcast %mul3A_907 : i32 to vector<16xi32>
      %mul3A_909 = arith.muli %div3A_888, %mul3A_908 : vector<16xi32>
      %add3A_910 = arith.addi %div3A_906, %mul3A_909 : vector<16xi32>
      %mul3A_911 = arith.constant 365 : i32
      %mul3A_912 = vector.broadcast %mul3A_911 : i32 to vector<16xi32>
      %mul3A_913 = arith.muli %mul3A_912, %div3A_906 : vector<16xi32>
      %broadcast_in_dim3A_914 = arith.constant 4 : i32
      %broadcast_in_dim3A_915 = vector.broadcast %broadcast_in_dim3A_914 : i32 to vector<16xi32>
      %div3A_916 = arith.divsi %div3A_906, %broadcast_in_dim3A_915 : vector<16xi32>
      %add3A_917 = arith.addi %mul3A_913, %div3A_916 : vector<16xi32>
      %broadcast_in_dim3A_918 = arith.constant 100 : i32
      %broadcast_in_dim3A_919 = vector.broadcast %broadcast_in_dim3A_918 : i32 to vector<16xi32>
      %div3A_920 = arith.divsi %div3A_906, %broadcast_in_dim3A_919 : vector<16xi32>
      %sub3A_921 = arith.subi %add3A_917, %div3A_920 : vector<16xi32>
      %sub3A_922 = arith.subi %sub3A, %sub3A_921 : vector<16xi32>
      %mul3A_923 = arith.constant 5 : i32
      %mul3A_924 = vector.broadcast %mul3A_923 : i32 to vector<16xi32>
      %mul3A_925 = arith.muli %mul3A_924, %sub3A_922 : vector<16xi32>
      %add3A_926 = arith.constant 2 : i32
      %add3A_927 = vector.broadcast %add3A_926 : i32 to vector<16xi32>
      %add3A_928 = arith.addi %mul3A_925, %add3A_927 : vector<16xi32>
      %broadcast_in_dim3A_929 = arith.constant 153 : i32
      %broadcast_in_dim3A_930 = vector.broadcast %broadcast_in_dim3A_929 : i32 to vector<16xi32>
      %div3A_931 = arith.divsi %add3A_928, %broadcast_in_dim3A_930 : vector<16xi32>
      %mul3A_932 = arith.constant 153 : i32
      %mul3A_933 = vector.broadcast %mul3A_932 : i32 to vector<16xi32>
      %mul3A_934 = arith.muli %mul3A_933, %div3A_931 : vector<16xi32>
      %add3A_935 = arith.constant 2 : i32
      %add3A_936 = vector.broadcast %add3A_935 : i32 to vector<16xi32>
      %add3A_937 = arith.addi %mul3A_934, %add3A_936 : vector<16xi32>
      %broadcast_in_dim3A_938 = arith.constant 5 : i32
      %broadcast_in_dim3A_939 = vector.broadcast %broadcast_in_dim3A_938 : i32 to vector<16xi32>
      %div3A_940 = arith.divsi %add3A_937, %broadcast_in_dim3A_939 : vector<16xi32>
      %sub3A_941 = arith.subi %sub3A_922, %div3A_940 : vector<16xi32>
      %add3A_942 = arith.constant 1 : i32
      %add3A_943 = vector.broadcast %add3A_942 : i32 to vector<16xi32>
      %add3A_944 = arith.addi %sub3A_941, %add3A_943 : vector<16xi32>
      %lt3A = arith.constant 10 : i32
      %lt3A_945 = vector.broadcast %lt3A : i32 to vector<16xi32>
      %lt3A_946 = arith.cmpi slt, %div3A_931, %lt3A_945 : vector<16xi32>
      %add3A_947 = arith.constant 3 : i32
      %add3A_948 = vector.broadcast %add3A_947 : i32 to vector<16xi32>
      %add3A_949 = arith.addi %div3A_931, %add3A_948 : vector<16xi32>
      %sub3A_950 = arith.constant 9 : i32
      %sub3A_951 = vector.broadcast %sub3A_950 : i32 to vector<16xi32>
      %sub3A_952 = arith.subi %div3A_931, %sub3A_951 : vector<16xi32>
      %select_n3A = arith.select %lt3A_946, %add3A_949, %sub3A_952 : vector<16xi1>, vector<16xi32>
      %le3A = arith.constant 2 : i32
      %le3A_953 = vector.broadcast %le3A : i32 to vector<16xi32>
      %le3A_954 = arith.cmpi sle, %select_n3A, %le3A_953 : vector<16xi32>
      %add3A_955 = arith.constant 1 : i32
      %add3A_956 = vector.broadcast %add3A_955 : i32 to vector<16xi32>
      %add3A_957 = arith.addi %add3A_910, %add3A_956 : vector<16xi32>
      %select_n3A_958 = arith.select %le3A_954, %add3A_957, %add3A_910 : vector<16xi1>, vector<16xi32>
      %sub3A_959 = arith.constant 2000 : i32
      %sub3A_960 = vector.broadcast %sub3A_959 : i32 to vector<16xi32>
      %sub3A_961 = arith.subi %select_n3A_958, %sub3A_960 : vector<16xi32>
      %max3A = arith.constant 0 : i32
      %max3A_962 = vector.broadcast %max3A : i32 to vector<16xi32>
      %max3A_963 = arith.maxsi %sub3A_961, %max3A_962 : vector<16xi32>
      %min3A = arith.constant 49 : i32
      %min3A_964 = vector.broadcast %min3A : i32 to vector<16xi32>
      %min3A_965 = arith.minsi %max3A_963, %min3A_964 : vector<16xi32>
      %add3A_966 = arith.constant 1 : i32
      %add3A_967 = vector.broadcast %add3A_966 : i32 to vector<16xi32>
      %add3A_968 = arith.addi %min3A_965, %add3A_967 : vector<16xi32>
      %mul3A_969 = arith.constant 416 : i32
      %mul3A_970 = vector.broadcast %mul3A_969 : i32 to vector<16xi32>
      %mul3A_971 = arith.muli %add3A_968, %mul3A_970 : vector<16xi32>
      %mul3A_972 = arith.constant 32 : i32
      %mul3A_973 = vector.broadcast %mul3A_972 : i32 to vector<16xi32>
      %mul3A_974 = arith.muli %select_n3A, %mul3A_973 : vector<16xi32>
      %add3A_975 = arith.addi %mul3A_971, %mul3A_974 : vector<16xi32>
      %add3A_976 = arith.addi %add3A_975, %add3A_944 : vector<16xi32>
      %ne3A = arith.constant 0 : i32
      %ne3A_977 = vector.broadcast %ne3A : i32 to vector<16xi32>
      %ne3A_978 = arith.cmpi ne, %get3A_881, %ne3A_977 : vector<16xi32>
      %select_n3A_979 = arith.select %ne3A_978, %add3A_976, %get3A_881 : vector<16xi1>, vector<16xi32>
      %swap3A = arith.index_cast %add3A_879 : i32 to index
      %swap3A_980 = tpu.vector_load %arg6[%swap3A] {strides = array<i32>} : memref<6400xi32, #tpu.memory_space<vmem>>, vector<16xi32>,
      %swap3A_981 = vector.shape_cast %swap3A_980 : vector<16xi32> to vector<16xi32>
      %swap3A_982 = vector.shape_cast %select_n3A_979 : vector<16xi32> to vector<16xi32>
      tpu.vector_store %arg6[%swap3A], %swap3A_982 {strides = array<i32>} : memref<6400xi32, #tpu.memory_space<vmem>>, vector<16xi32>,
    }
    %scan3A_610 = arith.constant 80 : i32
    %dma_wait3A_611 = arith.constant 0 : i32
    %dma_wait3A_612 = tpu.memref_slice %arg4[%add3A_601, %dma_wait3A_611] : memref<204800x32xf32, #tpu.memory_space<hbm>> -> memref<1280x32xf32, #tpu.memory_space<hbm>>
    %dma_wait3A_613 = arith.constant 0 : i32
    %dma_wait3A_614 = tpu.memref_slice %arg4[%add3A_601, %dma_wait3A_613] : memref<204800x32xf32, #tpu.memory_space<hbm>> -> memref<1280x32xf32, #tpu.memory_space<hbm>>
    tpu.wait_dma2 semaphore(%arg11 : memref<!tpu.dma_semaphore, #tpu.memory_space<semaphore_mem>>) src(%arg7 : memref<1280x32xf32, #tpu.memory_space<vmem>>) dst(%dma_wait3A_614 : memref<1280x32xf32, #tpu.memory_space<hbm>>)
    %dma_start3A_615 = arith.constant 0 : i32
    %dma_start3A_616 = arith.constant 0 : i32
    %dma_start3A_617 = tpu.memref_slice %arg7[%dma_start3A_615, %dma_start3A_616] : memref<1280x32xf32, #tpu.memory_space<vmem>> -> memref<128x32xf32, #tpu.memory_space<vmem>>
    %dma_start3A_618 = arith.constant 5120 : i32
    %dma_start3A_619 = tpu.memref_slice %arg6[%dma_start3A_618] : memref<6400xi32, #tpu.memory_space<vmem>> -> memref<128xi32, #tpu.memory_space<vmem>>
    %dma_start3A_620 = arith.constant 0 : i32
    %dma_start3A_621 = arith.constant 0 : i32
    %dma_start3A_622 = tpu.memref_slice %arg3[%dma_start3A_620, %dma_start3A_621] : memref<21216x32xf32, #tpu.memory_space<hbm>> -> memref<21216x32xf32, #tpu.memory_space<hbm>>
    tpu.enqueue_indirect_dma source(%dma_start3A_622 : memref<21216x32xf32, #tpu.memory_space<hbm>>) target(%dma_start3A_617 : memref<128x32xf32, #tpu.memory_space<vmem>>) offsets(%dma_start3A_619 : memref<128xi32, #tpu.memory_space<vmem>>) semaphore(%arg9 : memref<!tpu.dma_semaphore, #tpu.memory_space<semaphore_mem>>)
    %dma_start3A_623 = arith.constant 128 : i32
    %dma_start3A_624 = arith.constant 0 : i32
    %dma_start3A_625 = tpu.memref_slice %arg7[%dma_start3A_623, %dma_start3A_624] : memref<1280x32xf32, #tpu.memory_space<vmem>> -> memref<128x32xf32, #tpu.memory_space<vmem>>
    %dma_start3A_626 = arith.constant 5248 : i32
    %dma_start3A_627 = tpu.memref_slice %arg6[%dma_start3A_626] : memref<6400xi32, #tpu.memory_space<vmem>> -> memref<128xi32, #tpu.memory_space<vmem>>
    %dma_start3A_628 = arith.constant 0 : i32
    %dma_start3A_629 = arith.constant 0 : i32
    %dma_start3A_630 = tpu.memref_slice %arg3[%dma_start3A_628, %dma_start3A_629] : memref<21216x32xf32, #tpu.memory_space<hbm>> -> memref<21216x32xf32, #tpu.memory_space<hbm>>
    tpu.enqueue_indirect_dma source(%dma_start3A_630 : memref<21216x32xf32, #tpu.memory_space<hbm>>) target(%dma_start3A_625 : memref<128x32xf32, #tpu.memory_space<vmem>>) offsets(%dma_start3A_627 : memref<128xi32, #tpu.memory_space<vmem>>) semaphore(%arg9 : memref<!tpu.dma_semaphore, #tpu.memory_space<semaphore_mem>>)
    %dma_start3A_631 = arith.constant 256 : i32
    %dma_start3A_632 = arith.constant 0 : i32
    %dma_start3A_633 = tpu.memref_slice %arg7[%dma_start3A_631, %dma_start3A_632] : memref<1280x32xf32, #tpu.memory_space<vmem>> -> memref<128x32xf32, #tpu.memory_space<vmem>>
    %dma_start3A_634 = arith.constant 5376 : i32
    %dma_start3A_635 = tpu.memref_slice %arg6[%dma_start3A_634] : memref<6400xi32, #tpu.memory_space<vmem>> -> memref<128xi32, #tpu.memory_space<vmem>>
    %dma_start3A_636 = arith.constant 0 : i32
    %dma_start3A_637 = arith.constant 0 : i32
    %dma_start3A_638 = tpu.memref_slice %arg3[%dma_start3A_636, %dma_start3A_637] : memref<21216x32xf32, #tpu.memory_space<hbm>> -> memref<21216x32xf32, #tpu.memory_space<hbm>>
    tpu.enqueue_indirect_dma source(%dma_start3A_638 : memref<21216x32xf32, #tpu.memory_space<hbm>>) target(%dma_start3A_633 : memref<128x32xf32, #tpu.memory_space<vmem>>) offsets(%dma_start3A_635 : memref<128xi32, #tpu.memory_space<vmem>>) semaphore(%arg9 : memref<!tpu.dma_semaphore, #tpu.memory_space<semaphore_mem>>)
    %dma_start3A_639 = arith.constant 384 : i32
    %dma_start3A_640 = arith.constant 0 : i32
    %dma_start3A_641 = tpu.memref_slice %arg7[%dma_start3A_639, %dma_start3A_640] : memref<1280x32xf32, #tpu.memory_space<vmem>> -> memref<128x32xf32, #tpu.memory_space<vmem>>
    %dma_start3A_642 = arith.constant 5504 : i32
    %dma_start3A_643 = tpu.memref_slice %arg6[%dma_start3A_642] : memref<6400xi32, #tpu.memory_space<vmem>> -> memref<128xi32, #tpu.memory_space<vmem>>
    %dma_start3A_644 = arith.constant 0 : i32
    %dma_start3A_645 = arith.constant 0 : i32
    %dma_start3A_646 = tpu.memref_slice %arg3[%dma_start3A_644, %dma_start3A_645] : memref<21216x32xf32, #tpu.memory_space<hbm>> -> memref<21216x32xf32, #tpu.memory_space<hbm>>
    tpu.enqueue_indirect_dma source(%dma_start3A_646 : memref<21216x32xf32, #tpu.memory_space<hbm>>) target(%dma_start3A_641 : memref<128x32xf32, #tpu.memory_space<vmem>>) offsets(%dma_start3A_643 : memref<128xi32, #tpu.memory_space<vmem>>) semaphore(%arg9 : memref<!tpu.dma_semaphore, #tpu.memory_space<semaphore_mem>>)
    %dma_start3A_647 = arith.constant 512 : i32
    %dma_start3A_648 = arith.constant 0 : i32
    %dma_start3A_649 = tpu.memref_slice %arg7[%dma_start3A_647, %dma_start3A_648] : memref<1280x32xf32, #tpu.memory_space<vmem>> -> memref<128x32xf32, #tpu.memory_space<vmem>>
    %dma_start3A_650 = arith.constant 5632 : i32
    %dma_start3A_651 = tpu.memref_slice %arg6[%dma_start3A_650] : memref<6400xi32, #tpu.memory_space<vmem>> -> memref<128xi32, #tpu.memory_space<vmem>>
    %dma_start3A_652 = arith.constant 0 : i32
    %dma_start3A_653 = arith.constant 0 : i32
    %dma_start3A_654 = tpu.memref_slice %arg3[%dma_start3A_652, %dma_start3A_653] : memref<21216x32xf32, #tpu.memory_space<hbm>> -> memref<21216x32xf32, #tpu.memory_space<hbm>>
    tpu.enqueue_indirect_dma source(%dma_start3A_654 : memref<21216x32xf32, #tpu.memory_space<hbm>>) target(%dma_start3A_649 : memref<128x32xf32, #tpu.memory_space<vmem>>) offsets(%dma_start3A_651 : memref<128xi32, #tpu.memory_space<vmem>>) semaphore(%arg9 : memref<!tpu.dma_semaphore, #tpu.memory_space<semaphore_mem>>)
    %dma_start3A_655 = arith.constant 640 : i32
    %dma_start3A_656 = arith.constant 0 : i32
    %dma_start3A_657 = tpu.memref_slice %arg7[%dma_start3A_655, %dma_start3A_656] : memref<1280x32xf32, #tpu.memory_space<vmem>> -> memref<128x32xf32, #tpu.memory_space<vmem>>
    %dma_start3A_658 = arith.constant 5760 : i32
    %dma_start3A_659 = tpu.memref_slice %arg6[%dma_start3A_658] : memref<6400xi32, #tpu.memory_space<vmem>> -> memref<128xi32, #tpu.memory_space<vmem>>
    %dma_start3A_660 = arith.constant 0 : i32
    %dma_start3A_661 = arith.constant 0 : i32
    %dma_start3A_662 = tpu.memref_slice %arg3[%dma_start3A_660, %dma_start3A_661] : memref<21216x32xf32, #tpu.memory_space<hbm>> -> memref<21216x32xf32, #tpu.memory_space<hbm>>
    tpu.enqueue_indirect_dma source(%dma_start3A_662 : memref<21216x32xf32, #tpu.memory_space<hbm>>) target(%dma_start3A_657 : memref<128x32xf32, #tpu.memory_space<vmem>>) offsets(%dma_start3A_659 : memref<128xi32, #tpu.memory_space<vmem>>) semaphore(%arg9 : memref<!tpu.dma_semaphore, #tpu.memory_space<semaphore_mem>>)
    %dma_start3A_663 = arith.constant 768 : i32
    %dma_start3A_664 = arith.constant 0 : i32
    %dma_start3A_665 = tpu.memref_slice %arg7[%dma_start3A_663, %dma_start3A_664] : memref<1280x32xf32, #tpu.memory_space<vmem>> -> memref<128x32xf32, #tpu.memory_space<vmem>>
    %dma_start3A_666 = arith.constant 5888 : i32
    %dma_start3A_667 = tpu.memref_slice %arg6[%dma_start3A_666] : memref<6400xi32, #tpu.memory_space<vmem>> -> memref<128xi32, #tpu.memory_space<vmem>>
    %dma_start3A_668 = arith.constant 0 : i32
    %dma_start3A_669 = arith.constant 0 : i32
    %dma_start3A_670 = tpu.memref_slice %arg3[%dma_start3A_668, %dma_start3A_669] : memref<21216x32xf32, #tpu.memory_space<hbm>> -> memref<21216x32xf32, #tpu.memory_space<hbm>>
    tpu.enqueue_indirect_dma source(%dma_start3A_670 : memref<21216x32xf32, #tpu.memory_space<hbm>>) target(%dma_start3A_665 : memref<128x32xf32, #tpu.memory_space<vmem>>) offsets(%dma_start3A_667 : memref<128xi32, #tpu.memory_space<vmem>>) semaphore(%arg9 : memref<!tpu.dma_semaphore, #tpu.memory_space<semaphore_mem>>)
    %dma_start3A_671 = arith.constant 896 : i32
    %dma_start3A_672 = arith.constant 0 : i32
    %dma_start3A_673 = tpu.memref_slice %arg7[%dma_start3A_671, %dma_start3A_672] : memref<1280x32xf32, #tpu.memory_space<vmem>> -> memref<128x32xf32, #tpu.memory_space<vmem>>
    %dma_start3A_674 = arith.constant 6016 : i32
    %dma_start3A_675 = tpu.memref_slice %arg6[%dma_start3A_674] : memref<6400xi32, #tpu.memory_space<vmem>> -> memref<128xi32, #tpu.memory_space<vmem>>
    %dma_start3A_676 = arith.constant 0 : i32
    %dma_start3A_677 = arith.constant 0 : i32
    %dma_start3A_678 = tpu.memref_slice %arg3[%dma_start3A_676, %dma_start3A_677] : memref<21216x32xf32, #tpu.memory_space<hbm>> -> memref<21216x32xf32, #tpu.memory_space<hbm>>
    tpu.enqueue_indirect_dma source(%dma_start3A_678 : memref<21216x32xf32, #tpu.memory_space<hbm>>) target(%dma_start3A_673 : memref<128x32xf32, #tpu.memory_space<vmem>>) offsets(%dma_start3A_675 : memref<128xi32, #tpu.memory_space<vmem>>) semaphore(%arg9 : memref<!tpu.dma_semaphore, #tpu.memory_space<semaphore_mem>>)
    %dma_start3A_679 = arith.constant 1024 : i32
    %dma_start3A_680 = arith.constant 0 : i32
    %dma_start3A_681 = tpu.memref_slice %arg7[%dma_start3A_679, %dma_start3A_680] : memref<1280x32xf32, #tpu.memory_space<vmem>> -> memref<128x32xf32, #tpu.memory_space<vmem>>
    %dma_start3A_682 = arith.constant 6144 : i32
    %dma_start3A_683 = tpu.memref_slice %arg6[%dma_start3A_682] : memref<6400xi32, #tpu.memory_space<vmem>> -> memref<128xi32, #tpu.memory_space<vmem>>
    %dma_start3A_684 = arith.constant 0 : i32
    %dma_start3A_685 = arith.constant 0 : i32
    %dma_start3A_686 = tpu.memref_slice %arg3[%dma_start3A_684, %dma_start3A_685] : memref<21216x32xf32, #tpu.memory_space<hbm>> -> memref<21216x32xf32, #tpu.memory_space<hbm>>
    tpu.enqueue_indirect_dma source(%dma_start3A_686 : memref<21216x32xf32, #tpu.memory_space<hbm>>) target(%dma_start3A_681 : memref<128x32xf32, #tpu.memory_space<vmem>>) offsets(%dma_start3A_683 : memref<128xi32, #tpu.memory_space<vmem>>) semaphore(%arg9 : memref<!tpu.dma_semaphore, #tpu.memory_space<semaphore_mem>>)
    %dma_start3A_687 = arith.constant 1152 : i32
    %dma_start3A_688 = arith.constant 0 : i32
    %dma_start3A_689 = tpu.memref_slice %arg7[%dma_start3A_687, %dma_start3A_688] : memref<1280x32xf32, #tpu.memory_space<vmem>> -> memref<128x32xf32, #tpu.memory_space<vmem>>
    %dma_start3A_690 = arith.constant 6272 : i32
    %dma_start3A_691 = tpu.memref_slice %arg6[%dma_start3A_690] : memref<6400xi32, #tpu.memory_space<vmem>> -> memref<128xi32, #tpu.memory_space<vmem>>
    %dma_start3A_692 = arith.constant 0 : i32
    %dma_start3A_693 = arith.constant 0 : i32
    %dma_start3A_694 = tpu.memref_slice %arg3[%dma_start3A_692, %dma_start3A_693] : memref<21216x32xf32, #tpu.memory_space<hbm>> -> memref<21216x32xf32, #tpu.memory_space<hbm>>
    tpu.enqueue_indirect_dma source(%dma_start3A_694 : memref<21216x32xf32, #tpu.memory_space<hbm>>) target(%dma_start3A_689 : memref<128x32xf32, #tpu.memory_space<vmem>>) offsets(%dma_start3A_691 : memref<128xi32, #tpu.memory_space<vmem>>) semaphore(%arg9 : memref<!tpu.dma_semaphore, #tpu.memory_space<semaphore_mem>>)
    %dma_wait3A_695 = arith.constant 0 : i32
    %dma_wait3A_696 = arith.constant 0 : i32
    %dma_wait3A_697 = tpu.memref_slice %arg8[%dma_wait3A_695, %dma_wait3A_696] : memref<1280x32xf32, #tpu.memory_space<vmem>> -> memref<128x32xf32, #tpu.memory_space<vmem>>
    %dma_wait3A_698 = arith.constant 3840 : i32
    %dma_wait3A_699 = tpu.memref_slice %arg6[%dma_wait3A_698] : memref<6400xi32, #tpu.memory_space<vmem>> -> memref<128xi32, #tpu.memory_space<vmem>>
    %dma_wait3A_700 = arith.constant 0 : i32
    %dma_wait3A_701 = arith.constant 0 : i32
    %dma_wait3A_702 = tpu.memref_slice %arg3[%dma_wait3A_700, %dma_wait3A_701] : memref<21216x32xf32, #tpu.memory_space<hbm>> -> memref<21216x32xf32, #tpu.memory_space<hbm>>
    tpu.wait_indirect_dma semaphore(%arg10 : memref<!tpu.dma_semaphore, #tpu.memory_space<semaphore_mem>>) src(%dma_wait3A_702 : memref<21216x32xf32, #tpu.memory_space<hbm>>) dst(%dma_wait3A_697 : memref<128x32xf32, #tpu.memory_space<vmem>>)
    %dma_wait3A_703 = arith.constant 128 : i32
    %dma_wait3A_704 = arith.constant 0 : i32
    %dma_wait3A_705 = tpu.memref_slice %arg8[%dma_wait3A_703, %dma_wait3A_704] : memref<1280x32xf32, #tpu.memory_space<vmem>> -> memref<128x32xf32, #tpu.memory_space<vmem>>
    %dma_wait3A_706 = arith.constant 3968 : i32
    %dma_wait3A_707 = tpu.memref_slice %arg6[%dma_wait3A_706] : memref<6400xi32, #tpu.memory_space<vmem>> -> memref<128xi32, #tpu.memory_space<vmem>>
    %dma_wait3A_708 = arith.constant 0 : i32
    %dma_wait3A_709 = arith.constant 0 : i32
    %dma_wait3A_710 = tpu.memref_slice %arg3[%dma_wait3A_708, %dma_wait3A_709] : memref<21216x32xf32, #tpu.memory_space<hbm>> -> memref<21216x32xf32, #tpu.memory_space<hbm>>
    tpu.wait_indirect_dma semaphore(%arg10 : memref<!tpu.dma_semaphore, #tpu.memory_space<semaphore_mem>>) src(%dma_wait3A_710 : memref<21216x32xf32, #tpu.memory_space<hbm>>) dst(%dma_wait3A_705 : memref<128x32xf32, #tpu.memory_space<vmem>>)
    %dma_wait3A_711 = arith.constant 256 : i32
    %dma_wait3A_712 = arith.constant 0 : i32
    %dma_wait3A_713 = tpu.memref_slice %arg8[%dma_wait3A_711, %dma_wait3A_712] : memref<1280x32xf32, #tpu.memory_space<vmem>> -> memref<128x32xf32, #tpu.memory_space<vmem>>
    %dma_wait3A_714 = arith.constant 4096 : i32
    %dma_wait3A_715 = tpu.memref_slice %arg6[%dma_wait3A_714] : memref<6400xi32, #tpu.memory_space<vmem>> -> memref<128xi32, #tpu.memory_space<vmem>>
    %dma_wait3A_716 = arith.constant 0 : i32
    %dma_wait3A_717 = arith.constant 0 : i32
    %dma_wait3A_718 = tpu.memref_slice %arg3[%dma_wait3A_716, %dma_wait3A_717] : memref<21216x32xf32, #tpu.memory_space<hbm>> -> memref<21216x32xf32, #tpu.memory_space<hbm>>
    tpu.wait_indirect_dma semaphore(%arg10 : memref<!tpu.dma_semaphore, #tpu.memory_space<semaphore_mem>>) src(%dma_wait3A_718 : memref<21216x32xf32, #tpu.memory_space<hbm>>) dst(%dma_wait3A_713 : memref<128x32xf32, #tpu.memory_space<vmem>>)
    %dma_wait3A_719 = arith.constant 384 : i32
    %dma_wait3A_720 = arith.constant 0 : i32
    %dma_wait3A_721 = tpu.memref_slice %arg8[%dma_wait3A_719, %dma_wait3A_720] : memref<1280x32xf32, #tpu.memory_space<vmem>> -> memref<128x32xf32, #tpu.memory_space<vmem>>
    %dma_wait3A_722 = arith.constant 4224 : i32
    %dma_wait3A_723 = tpu.memref_slice %arg6[%dma_wait3A_722] : memref<6400xi32, #tpu.memory_space<vmem>> -> memref<128xi32, #tpu.memory_space<vmem>>
    %dma_wait3A_724 = arith.constant 0 : i32
    %dma_wait3A_725 = arith.constant 0 : i32
    %dma_wait3A_726 = tpu.memref_slice %arg3[%dma_wait3A_724, %dma_wait3A_725] : memref<21216x32xf32, #tpu.memory_space<hbm>> -> memref<21216x32xf32, #tpu.memory_space<hbm>>
    tpu.wait_indirect_dma semaphore(%arg10 : memref<!tpu.dma_semaphore, #tpu.memory_space<semaphore_mem>>) src(%dma_wait3A_726 : memref<21216x32xf32, #tpu.memory_space<hbm>>) dst(%dma_wait3A_721 : memref<128x32xf32, #tpu.memory_space<vmem>>)
    %dma_wait3A_727 = arith.constant 512 : i32
    %dma_wait3A_728 = arith.constant 0 : i32
    %dma_wait3A_729 = tpu.memref_slice %arg8[%dma_wait3A_727, %dma_wait3A_728] : memref<1280x32xf32, #tpu.memory_space<vmem>> -> memref<128x32xf32, #tpu.memory_space<vmem>>
    %dma_wait3A_730 = arith.constant 4352 : i32
    %dma_wait3A_731 = tpu.memref_slice %arg6[%dma_wait3A_730] : memref<6400xi32, #tpu.memory_space<vmem>> -> memref<128xi32, #tpu.memory_space<vmem>>
    %dma_wait3A_732 = arith.constant 0 : i32
    %dma_wait3A_733 = arith.constant 0 : i32
    %dma_wait3A_734 = tpu.memref_slice %arg3[%dma_wait3A_732, %dma_wait3A_733] : memref<21216x32xf32, #tpu.memory_space<hbm>> -> memref<21216x32xf32, #tpu.memory_space<hbm>>
    tpu.wait_indirect_dma semaphore(%arg10 : memref<!tpu.dma_semaphore, #tpu.memory_space<semaphore_mem>>) src(%dma_wait3A_734 : memref<21216x32xf32, #tpu.memory_space<hbm>>) dst(%dma_wait3A_729 : memref<128x32xf32, #tpu.memory_space<vmem>>)
    %dma_wait3A_735 = arith.constant 640 : i32
    %dma_wait3A_736 = arith.constant 0 : i32
    %dma_wait3A_737 = tpu.memref_slice %arg8[%dma_wait3A_735, %dma_wait3A_736] : memref<1280x32xf32, #tpu.memory_space<vmem>> -> memref<128x32xf32, #tpu.memory_space<vmem>>
    %dma_wait3A_738 = arith.constant 4480 : i32
    %dma_wait3A_739 = tpu.memref_slice %arg6[%dma_wait3A_738] : memref<6400xi32, #tpu.memory_space<vmem>> -> memref<128xi32, #tpu.memory_space<vmem>>
    %dma_wait3A_740 = arith.constant 0 : i32
    %dma_wait3A_741 = arith.constant 0 : i32
    %dma_wait3A_742 = tpu.memref_slice %arg3[%dma_wait3A_740, %dma_wait3A_741] : memref<21216x32xf32, #tpu.memory_space<hbm>> -> memref<21216x32xf32, #tpu.memory_space<hbm>>
    tpu.wait_indirect_dma semaphore(%arg10 : memref<!tpu.dma_semaphore, #tpu.memory_space<semaphore_mem>>) src(%dma_wait3A_742 : memref<21216x32xf32, #tpu.memory_space<hbm>>) dst(%dma_wait3A_737 : memref<128x32xf32, #tpu.memory_space<vmem>>)
    %dma_wait3A_743 = arith.constant 768 : i32
    %dma_wait3A_744 = arith.constant 0 : i32
    %dma_wait3A_745 = tpu.memref_slice %arg8[%dma_wait3A_743, %dma_wait3A_744] : memref<1280x32xf32, #tpu.memory_space<vmem>> -> memref<128x32xf32, #tpu.memory_space<vmem>>
    %dma_wait3A_746 = arith.constant 4608 : i32
    %dma_wait3A_747 = tpu.memref_slice %arg6[%dma_wait3A_746] : memref<6400xi32, #tpu.memory_space<vmem>> -> memref<128xi32, #tpu.memory_space<vmem>>
    %dma_wait3A_748 = arith.constant 0 : i32
    %dma_wait3A_749 = arith.constant 0 : i32
    %dma_wait3A_750 = tpu.memref_slice %arg3[%dma_wait3A_748, %dma_wait3A_749] : memref<21216x32xf32, #tpu.memory_space<hbm>> -> memref<21216x32xf32, #tpu.memory_space<hbm>>
    tpu.wait_indirect_dma semaphore(%arg10 : memref<!tpu.dma_semaphore, #tpu.memory_space<semaphore_mem>>) src(%dma_wait3A_750 : memref<21216x32xf32, #tpu.memory_space<hbm>>) dst(%dma_wait3A_745 : memref<128x32xf32, #tpu.memory_space<vmem>>)
    %dma_wait3A_751 = arith.constant 896 : i32
    %dma_wait3A_752 = arith.constant 0 : i32
    %dma_wait3A_753 = tpu.memref_slice %arg8[%dma_wait3A_751, %dma_wait3A_752] : memref<1280x32xf32, #tpu.memory_space<vmem>> -> memref<128x32xf32, #tpu.memory_space<vmem>>
    %dma_wait3A_754 = arith.constant 4736 : i32
    %dma_wait3A_755 = tpu.memref_slice %arg6[%dma_wait3A_754] : memref<6400xi32, #tpu.memory_space<vmem>> -> memref<128xi32, #tpu.memory_space<vmem>>
    %dma_wait3A_756 = arith.constant 0 : i32
    %dma_wait3A_757 = arith.constant 0 : i32
    %dma_wait3A_758 = tpu.memref_slice %arg3[%dma_wait3A_756, %dma_wait3A_757] : memref<21216x32xf32, #tpu.memory_space<hbm>> -> memref<21216x32xf32, #tpu.memory_space<hbm>>
    tpu.wait_indirect_dma semaphore(%arg10 : memref<!tpu.dma_semaphore, #tpu.memory_space<semaphore_mem>>) src(%dma_wait3A_758 : memref<21216x32xf32, #tpu.memory_space<hbm>>) dst(%dma_wait3A_753 : memref<128x32xf32, #tpu.memory_space<vmem>>)
    %dma_wait3A_759 = arith.constant 1024 : i32
    %dma_wait3A_760 = arith.constant 0 : i32
    %dma_wait3A_761 = tpu.memref_slice %arg8[%dma_wait3A_759, %dma_wait3A_760] : memref<1280x32xf32, #tpu.memory_space<vmem>> -> memref<128x32xf32, #tpu.memory_space<vmem>>
    %dma_wait3A_762 = arith.constant 4864 : i32
    %dma_wait3A_763 = tpu.memref_slice %arg6[%dma_wait3A_762] : memref<6400xi32, #tpu.memory_space<vmem>> -> memref<128xi32, #tpu.memory_space<vmem>>
    %dma_wait3A_764 = arith.constant 0 : i32
    %dma_wait3A_765 = arith.constant 0 : i32
    %dma_wait3A_766 = tpu.memref_slice %arg3[%dma_wait3A_764, %dma_wait3A_765] : memref<21216x32xf32, #tpu.memory_space<hbm>> -> memref<21216x32xf32, #tpu.memory_space<hbm>>
    tpu.wait_indirect_dma semaphore(%arg10 : memref<!tpu.dma_semaphore, #tpu.memory_space<semaphore_mem>>) src(%dma_wait3A_766 : memref<21216x32xf32, #tpu.memory_space<hbm>>) dst(%dma_wait3A_761 : memref<128x32xf32, #tpu.memory_space<vmem>>)
    %dma_wait3A_767 = arith.constant 1152 : i32
    %dma_wait3A_768 = arith.constant 0 : i32
    %dma_wait3A_769 = tpu.memref_slice %arg8[%dma_wait3A_767, %dma_wait3A_768] : memref<1280x32xf32, #tpu.memory_space<vmem>> -> memref<128x32xf32, #tpu.memory_space<vmem>>
    %dma_wait3A_770 = arith.constant 4992 : i32
    %dma_wait3A_771 = tpu.memref_slice %arg6[%dma_wait3A_770] : memref<6400xi32, #tpu.memory_space<vmem>> -> memref<128xi32, #tpu.memory_space<vmem>>
    %dma_wait3A_772 = arith.constant 0 : i32
    %dma_wait3A_773 = arith.constant 0 : i32
    %dma_wait3A_774 = tpu.memref_slice %arg3[%dma_wait3A_772, %dma_wait3A_773] : memref<21216x32xf32, #tpu.memory_space<hbm>> -> memref<21216x32xf32, #tpu.memory_space<hbm>>
    tpu.wait_indirect_dma semaphore(%arg10 : memref<!tpu.dma_semaphore, #tpu.memory_space<semaphore_mem>>) src(%dma_wait3A_774 : memref<21216x32xf32, #tpu.memory_space<hbm>>) dst(%dma_wait3A_769 : memref<128x32xf32, #tpu.memory_space<vmem>>)
    %add3A_775 = arith.constant 3840 : i32
    %add3A_776 = arith.addi %mul3A_2, %add3A_775 : i32
    %dma_start3A_777 = arith.constant 0 : i32
    %dma_start3A_778 = tpu.memref_slice %arg4[%add3A_776, %dma_start3A_777] : memref<204800x32xf32, #tpu.memory_space<hbm>> -> memref<1280x32xf32, #tpu.memory_space<hbm>>
    %dma_start3A_779 = arith.constant 0 : i32
    %dma_start3A_780 = tpu.memref_slice %arg4[%add3A_776, %dma_start3A_779] : memref<204800x32xf32, #tpu.memory_space<hbm>> -> memref<1280x32xf32, #tpu.memory_space<hbm>>
    tpu.enqueue_dma source(%arg8 : memref<1280x32xf32, #tpu.memory_space<vmem>>) target(%dma_start3A_780 : memref<1280x32xf32, #tpu.memory_space<hbm>>) target_semaphore(%arg12 : memref<!tpu.dma_semaphore, #tpu.memory_space<semaphore_mem>>)
    %dma_wait3A_781 = arith.constant 0 : i32
    %dma_wait3A_782 = arith.constant 0 : i32
    %dma_wait3A_783 = tpu.memref_slice %arg7[%dma_wait3A_781, %dma_wait3A_782] : memref<1280x32xf32, #tpu.memory_space<vmem>> -> memref<128x32xf32, #tpu.memory_space<vmem>>
    %dma_wait3A_784 = arith.constant 5120 : i32
    %dma_wait3A_785 = tpu.memref_slice %arg6[%dma_wait3A_784] : memref<6400xi32, #tpu.memory_space<vmem>> -> memref<128xi32, #tpu.memory_space<vmem>>
    %dma_wait3A_786 = arith.constant 0 : i32
    %dma_wait3A_787 = arith.constant 0 : i32
    %dma_wait3A_788 = tpu.memref_slice %arg3[%dma_wait3A_786, %dma_wait3A_787] : memref<21216x32xf32, #tpu.memory_space<hbm>> -> memref<21216x32xf32, #tpu.memory_space<hbm>>
    tpu.wait_indirect_dma semaphore(%arg9 : memref<!tpu.dma_semaphore, #tpu.memory_space<semaphore_mem>>) src(%dma_wait3A_788 : memref<21216x32xf32, #tpu.memory_space<hbm>>) dst(%dma_wait3A_783 : memref<128x32xf32, #tpu.memory_space<vmem>>)
    %dma_wait3A_789 = arith.constant 128 : i32
    %dma_wait3A_790 = arith.constant 0 : i32
    %dma_wait3A_791 = tpu.memref_slice %arg7[%dma_wait3A_789, %dma_wait3A_790] : memref<1280x32xf32, #tpu.memory_space<vmem>> -> memref<128x32xf32, #tpu.memory_space<vmem>>
    %dma_wait3A_792 = arith.constant 5248 : i32
    %dma_wait3A_793 = tpu.memref_slice %arg6[%dma_wait3A_792] : memref<6400xi32, #tpu.memory_space<vmem>> -> memref<128xi32, #tpu.memory_space<vmem>>
    %dma_wait3A_794 = arith.constant 0 : i32
    %dma_wait3A_795 = arith.constant 0 : i32
    %dma_wait3A_796 = tpu.memref_slice %arg3[%dma_wait3A_794, %dma_wait3A_795] : memref<21216x32xf32, #tpu.memory_space<hbm>> -> memref<21216x32xf32, #tpu.memory_space<hbm>>
    tpu.wait_indirect_dma semaphore(%arg9 : memref<!tpu.dma_semaphore, #tpu.memory_space<semaphore_mem>>) src(%dma_wait3A_796 : memref<21216x32xf32, #tpu.memory_space<hbm>>) dst(%dma_wait3A_791 : memref<128x32xf32, #tpu.memory_space<vmem>>)
    %dma_wait3A_797 = arith.constant 256 : i32
    %dma_wait3A_798 = arith.constant 0 : i32
    %dma_wait3A_799 = tpu.memref_slice %arg7[%dma_wait3A_797, %dma_wait3A_798] : memref<1280x32xf32, #tpu.memory_space<vmem>> -> memref<128x32xf32, #tpu.memory_space<vmem>>
    %dma_wait3A_800 = arith.constant 5376 : i32
    %dma_wait3A_801 = tpu.memref_slice %arg6[%dma_wait3A_800] : memref<6400xi32, #tpu.memory_space<vmem>> -> memref<128xi32, #tpu.memory_space<vmem>>
    %dma_wait3A_802 = arith.constant 0 : i32
    %dma_wait3A_803 = arith.constant 0 : i32
    %dma_wait3A_804 = tpu.memref_slice %arg3[%dma_wait3A_802, %dma_wait3A_803] : memref<21216x32xf32, #tpu.memory_space<hbm>> -> memref<21216x32xf32, #tpu.memory_space<hbm>>
    tpu.wait_indirect_dma semaphore(%arg9 : memref<!tpu.dma_semaphore, #tpu.memory_space<semaphore_mem>>) src(%dma_wait3A_804 : memref<21216x32xf32, #tpu.memory_space<hbm>>) dst(%dma_wait3A_799 : memref<128x32xf32, #tpu.memory_space<vmem>>)
    %dma_wait3A_805 = arith.constant 384 : i32
    %dma_wait3A_806 = arith.constant 0 : i32
    %dma_wait3A_807 = tpu.memref_slice %arg7[%dma_wait3A_805, %dma_wait3A_806] : memref<1280x32xf32, #tpu.memory_space<vmem>> -> memref<128x32xf32, #tpu.memory_space<vmem>>
    %dma_wait3A_808 = arith.constant 5504 : i32
    %dma_wait3A_809 = tpu.memref_slice %arg6[%dma_wait3A_808] : memref<6400xi32, #tpu.memory_space<vmem>> -> memref<128xi32, #tpu.memory_space<vmem>>
    %dma_wait3A_810 = arith.constant 0 : i32
    %dma_wait3A_811 = arith.constant 0 : i32
    %dma_wait3A_812 = tpu.memref_slice %arg3[%dma_wait3A_810, %dma_wait3A_811] : memref<21216x32xf32, #tpu.memory_space<hbm>> -> memref<21216x32xf32, #tpu.memory_space<hbm>>
    tpu.wait_indirect_dma semaphore(%arg9 : memref<!tpu.dma_semaphore, #tpu.memory_space<semaphore_mem>>) src(%dma_wait3A_812 : memref<21216x32xf32, #tpu.memory_space<hbm>>) dst(%dma_wait3A_807 : memref<128x32xf32, #tpu.memory_space<vmem>>)
    %dma_wait3A_813 = arith.constant 512 : i32
    %dma_wait3A_814 = arith.constant 0 : i32
    %dma_wait3A_815 = tpu.memref_slice %arg7[%dma_wait3A_813, %dma_wait3A_814] : memref<1280x32xf32, #tpu.memory_space<vmem>> -> memref<128x32xf32, #tpu.memory_space<vmem>>
    %dma_wait3A_816 = arith.constant 5632 : i32
    %dma_wait3A_817 = tpu.memref_slice %arg6[%dma_wait3A_816] : memref<6400xi32, #tpu.memory_space<vmem>> -> memref<128xi32, #tpu.memory_space<vmem>>
    %dma_wait3A_818 = arith.constant 0 : i32
    %dma_wait3A_819 = arith.constant 0 : i32
    %dma_wait3A_820 = tpu.memref_slice %arg3[%dma_wait3A_818, %dma_wait3A_819] : memref<21216x32xf32, #tpu.memory_space<hbm>> -> memref<21216x32xf32, #tpu.memory_space<hbm>>
    tpu.wait_indirect_dma semaphore(%arg9 : memref<!tpu.dma_semaphore, #tpu.memory_space<semaphore_mem>>) src(%dma_wait3A_820 : memref<21216x32xf32, #tpu.memory_space<hbm>>) dst(%dma_wait3A_815 : memref<128x32xf32, #tpu.memory_space<vmem>>)
    %dma_wait3A_821 = arith.constant 640 : i32
    %dma_wait3A_822 = arith.constant 0 : i32
    %dma_wait3A_823 = tpu.memref_slice %arg7[%dma_wait3A_821, %dma_wait3A_822] : memref<1280x32xf32, #tpu.memory_space<vmem>> -> memref<128x32xf32, #tpu.memory_space<vmem>>
    %dma_wait3A_824 = arith.constant 5760 : i32
    %dma_wait3A_825 = tpu.memref_slice %arg6[%dma_wait3A_824] : memref<6400xi32, #tpu.memory_space<vmem>> -> memref<128xi32, #tpu.memory_space<vmem>>
    %dma_wait3A_826 = arith.constant 0 : i32
    %dma_wait3A_827 = arith.constant 0 : i32
    %dma_wait3A_828 = tpu.memref_slice %arg3[%dma_wait3A_826, %dma_wait3A_827] : memref<21216x32xf32, #tpu.memory_space<hbm>> -> memref<21216x32xf32, #tpu.memory_space<hbm>>
    tpu.wait_indirect_dma semaphore(%arg9 : memref<!tpu.dma_semaphore, #tpu.memory_space<semaphore_mem>>) src(%dma_wait3A_828 : memref<21216x32xf32, #tpu.memory_space<hbm>>) dst(%dma_wait3A_823 : memref<128x32xf32, #tpu.memory_space<vmem>>)
    %dma_wait3A_829 = arith.constant 768 : i32
    %dma_wait3A_830 = arith.constant 0 : i32
    %dma_wait3A_831 = tpu.memref_slice %arg7[%dma_wait3A_829, %dma_wait3A_830] : memref<1280x32xf32, #tpu.memory_space<vmem>> -> memref<128x32xf32, #tpu.memory_space<vmem>>
    %dma_wait3A_832 = arith.constant 5888 : i32
    %dma_wait3A_833 = tpu.memref_slice %arg6[%dma_wait3A_832] : memref<6400xi32, #tpu.memory_space<vmem>> -> memref<128xi32, #tpu.memory_space<vmem>>
    %dma_wait3A_834 = arith.constant 0 : i32
    %dma_wait3A_835 = arith.constant 0 : i32
    %dma_wait3A_836 = tpu.memref_slice %arg3[%dma_wait3A_834, %dma_wait3A_835] : memref<21216x32xf32, #tpu.memory_space<hbm>> -> memref<21216x32xf32, #tpu.memory_space<hbm>>
    tpu.wait_indirect_dma semaphore(%arg9 : memref<!tpu.dma_semaphore, #tpu.memory_space<semaphore_mem>>) src(%dma_wait3A_836 : memref<21216x32xf32, #tpu.memory_space<hbm>>) dst(%dma_wait3A_831 : memref<128x32xf32, #tpu.memory_space<vmem>>)
    %dma_wait3A_837 = arith.constant 896 : i32
    %dma_wait3A_838 = arith.constant 0 : i32
    %dma_wait3A_839 = tpu.memref_slice %arg7[%dma_wait3A_837, %dma_wait3A_838] : memref<1280x32xf32, #tpu.memory_space<vmem>> -> memref<128x32xf32, #tpu.memory_space<vmem>>
    %dma_wait3A_840 = arith.constant 6016 : i32
    %dma_wait3A_841 = tpu.memref_slice %arg6[%dma_wait3A_840] : memref<6400xi32, #tpu.memory_space<vmem>> -> memref<128xi32, #tpu.memory_space<vmem>>
    %dma_wait3A_842 = arith.constant 0 : i32
    %dma_wait3A_843 = arith.constant 0 : i32
    %dma_wait3A_844 = tpu.memref_slice %arg3[%dma_wait3A_842, %dma_wait3A_843] : memref<21216x32xf32, #tpu.memory_space<hbm>> -> memref<21216x32xf32, #tpu.memory_space<hbm>>
    tpu.wait_indirect_dma semaphore(%arg9 : memref<!tpu.dma_semaphore, #tpu.memory_space<semaphore_mem>>) src(%dma_wait3A_844 : memref<21216x32xf32, #tpu.memory_space<hbm>>) dst(%dma_wait3A_839 : memref<128x32xf32, #tpu.memory_space<vmem>>)
    %dma_wait3A_845 = arith.constant 1024 : i32
    %dma_wait3A_846 = arith.constant 0 : i32
    %dma_wait3A_847 = tpu.memref_slice %arg7[%dma_wait3A_845, %dma_wait3A_846] : memref<1280x32xf32, #tpu.memory_space<vmem>> -> memref<128x32xf32, #tpu.memory_space<vmem>>
    %dma_wait3A_848 = arith.constant 6144 : i32
    %dma_wait3A_849 = tpu.memref_slice %arg6[%dma_wait3A_848] : memref<6400xi32, #tpu.memory_space<vmem>> -> memref<128xi32, #tpu.memory_space<vmem>>
    %dma_wait3A_850 = arith.constant 0 : i32
    %dma_wait3A_851 = arith.constant 0 : i32
    %dma_wait3A_852 = tpu.memref_slice %arg3[%dma_wait3A_850, %dma_wait3A_851] : memref<21216x32xf32, #tpu.memory_space<hbm>> -> memref<21216x32xf32, #tpu.memory_space<hbm>>
    tpu.wait_indirect_dma semaphore(%arg9 : memref<!tpu.dma_semaphore, #tpu.memory_space<semaphore_mem>>) src(%dma_wait3A_852 : memref<21216x32xf32, #tpu.memory_space<hbm>>) dst(%dma_wait3A_847 : memref<128x32xf32, #tpu.memory_space<vmem>>)
    %dma_wait3A_853 = arith.constant 1152 : i32
    %dma_wait3A_854 = arith.constant 0 : i32
    %dma_wait3A_855 = tpu.memref_slice %arg7[%dma_wait3A_853, %dma_wait3A_854] : memref<1280x32xf32, #tpu.memory_space<vmem>> -> memref<128x32xf32, #tpu.memory_space<vmem>>
    %dma_wait3A_856 = arith.constant 6272 : i32
    %dma_wait3A_857 = tpu.memref_slice %arg6[%dma_wait3A_856] : memref<6400xi32, #tpu.memory_space<vmem>> -> memref<128xi32, #tpu.memory_space<vmem>>
    %dma_wait3A_858 = arith.constant 0 : i32
    %dma_wait3A_859 = arith.constant 0 : i32
    %dma_wait3A_860 = tpu.memref_slice %arg3[%dma_wait3A_858, %dma_wait3A_859] : memref<21216x32xf32, #tpu.memory_space<hbm>> -> memref<21216x32xf32, #tpu.memory_space<hbm>>
    tpu.wait_indirect_dma semaphore(%arg9 : memref<!tpu.dma_semaphore, #tpu.memory_space<semaphore_mem>>) src(%dma_wait3A_860 : memref<21216x32xf32, #tpu.memory_space<hbm>>) dst(%dma_wait3A_855 : memref<128x32xf32, #tpu.memory_space<vmem>>)
    %add3A_861 = arith.constant 5120 : i32
    %add3A_862 = arith.addi %mul3A_2, %add3A_861 : i32
    %dma_start3A_863 = arith.constant 0 : i32
    %dma_start3A_864 = tpu.memref_slice %arg4[%add3A_862, %dma_start3A_863] : memref<204800x32xf32, #tpu.memory_space<hbm>> -> memref<1280x32xf32, #tpu.memory_space<hbm>>
    %dma_start3A_865 = arith.constant 0 : i32
    %dma_start3A_866 = tpu.memref_slice %arg4[%add3A_862, %dma_start3A_865] : memref<204800x32xf32, #tpu.memory_space<hbm>> -> memref<1280x32xf32, #tpu.memory_space<hbm>>
    tpu.enqueue_dma source(%arg7 : memref<1280x32xf32, #tpu.memory_space<vmem>>) target(%dma_start3A_866 : memref<1280x32xf32, #tpu.memory_space<hbm>>) target_semaphore(%arg11 : memref<!tpu.dma_semaphore, #tpu.memory_space<semaphore_mem>>)
    %dma_wait3A_867 = arith.constant 0 : i32
    %dma_wait3A_868 = tpu.memref_slice %arg4[%add3A_862, %dma_wait3A_867] : memref<204800x32xf32, #tpu.memory_space<hbm>> -> memref<1280x32xf32, #tpu.memory_space<hbm>>
    %dma_wait3A_869 = arith.constant 0 : i32
    %dma_wait3A_870 = tpu.memref_slice %arg4[%add3A_862, %dma_wait3A_869] : memref<204800x32xf32, #tpu.memory_space<hbm>> -> memref<1280x32xf32, #tpu.memory_space<hbm>>
    tpu.wait_dma2 semaphore(%arg11 : memref<!tpu.dma_semaphore, #tpu.memory_space<semaphore_mem>>) src(%arg7 : memref<1280x32xf32, #tpu.memory_space<vmem>>) dst(%dma_wait3A_870 : memref<1280x32xf32, #tpu.memory_space<hbm>>)
    %dma_wait3A_871 = arith.constant 0 : i32
    %dma_wait3A_872 = tpu.memref_slice %arg4[%add3A_776, %dma_wait3A_871] : memref<204800x32xf32, #tpu.memory_space<hbm>> -> memref<1280x32xf32, #tpu.memory_space<hbm>>
    %dma_wait3A_873 = arith.constant 0 : i32
    %dma_wait3A_874 = tpu.memref_slice %arg4[%add3A_776, %dma_wait3A_873] : memref<204800x32xf32, #tpu.memory_space<hbm>> -> memref<1280x32xf32, #tpu.memory_space<hbm>>
    tpu.wait_dma2 semaphore(%arg12 : memref<!tpu.dma_semaphore, #tpu.memory_space<semaphore_mem>>) src(%arg8 : memref<1280x32xf32, #tpu.memory_space<vmem>>) dst(%dma_wait3A_874 : memref<1280x32xf32, #tpu.memory_space<hbm>>)
    return
  }
}

module attributes {stable_mosaic.version = 14 : i64} {
  func.func @_table_body(%arg0: memref<51x32xf32, #tpu.memory_space<vmem>>, %arg1: memref<13x32xf32, #tpu.memory_space<vmem>>, %arg2: memref<32x32xf32, #tpu.memory_space<vmem>>, %arg3: memref<96x32xf32, #tpu.memory_space<vmem>>, %arg4: memref<1x32xf32, #tpu.memory_space<vmem>>, %arg5: memref<32x32xf32, #tpu.memory_space<vmem>>, %arg6: memref<1x32xf32, #tpu.memory_space<vmem>>, %arg7: memref<1x32xf32, #tpu.memory_space<vmem>>, %arg8: memref<1x32xf32, #tpu.memory_space<vmem>>, %arg9: memref<21216x32xf32, #tpu.memory_space<vmem>>) attributes {dimension_semantics = [], scalar_prefetch = 0 : i64, scratch_operands = 0 : i64, tpu.core_type = #tpu.core_type<tc>} {
    %get3A = arith.constant 0 : index
    %get3A_0 = arith.constant 0 : index
    %get3A_1 = vector.load %arg0[%get3A, %get3A_0] : memref<51x32xf32, #tpu.memory_space<vmem>>, vector<51x32xf32>
    %get3A_2 = arith.constant 0 : index
    %get3A_3 = arith.constant 0 : index
    %get3A_4 = vector.load %arg3[%get3A_2, %get3A_3] : memref<96x32xf32, #tpu.memory_space<vmem>>, vector<32x32xf32>
    %dot_general3A = arith.constant dense<0.000000e+00> : vector<51x32xf32>
    %dot_general3A_5 = tpu.matmul %get3A_1, %get3A_4, %dot_general3A {dimension_numbers = #tpu.dot_dimension_numbers<[1], [0], [0], [1], [0, 0, 1, 1], [], []>, transpose_lhs_hint = false} : vector<51x32xf32>, vector<32x32xf32>, vector<51x32xf32> -> vector<51x32xf32>
    %get3A_6 = arith.constant 0 : index
    %get3A_7 = arith.constant 0 : index
    %get3A_8 = vector.load %arg1[%get3A_6, %get3A_7] : memref<13x32xf32, #tpu.memory_space<vmem>>, vector<13x32xf32>
    %get3A_9 = arith.constant 32 : index
    %get3A_10 = arith.constant 0 : index
    %get3A_11 = vector.load %arg3[%get3A_9, %get3A_10] : memref<96x32xf32, #tpu.memory_space<vmem>>, vector<32x32xf32>
    %dot_general3A_12 = arith.constant dense<0.000000e+00> : vector<13x32xf32>
    %dot_general3A_13 = tpu.matmul %get3A_8, %get3A_11, %dot_general3A_12 {dimension_numbers = #tpu.dot_dimension_numbers<[1], [0], [0], [1], [0, 0, 1, 1], [], []>, transpose_lhs_hint = false} : vector<13x32xf32>, vector<32x32xf32>, vector<13x32xf32> -> vector<13x32xf32>
    %get3A_14 = arith.constant 0 : index
    %get3A_15 = arith.constant 0 : index
    %get3A_16 = vector.load %arg2[%get3A_14, %get3A_15] : memref<32x32xf32, #tpu.memory_space<vmem>>, vector<32x32xf32>
    %get3A_17 = arith.constant 64 : index
    %get3A_18 = arith.constant 0 : index
    %get3A_19 = vector.load %arg3[%get3A_17, %get3A_18] : memref<96x32xf32, #tpu.memory_space<vmem>>, vector<32x32xf32>
    %dot_general3A_20 = arith.constant dense<0.000000e+00> : vector<32x32xf32>
    %dot_general3A_21 = tpu.matmul %get3A_16, %get3A_19, %dot_general3A_20 {dimension_numbers = #tpu.dot_dimension_numbers<[1], [0], [0], [1], [0, 0, 1, 1], [], []>, transpose_lhs_hint = false} : vector<32x32xf32>, vector<32x32xf32>, vector<32x32xf32> -> vector<32x32xf32>
    %iota3A = tpu.iota {dimensions = array<i32: 0>} : vector<21216x1xi32>
    %jit3A = arith.constant 416 : i32
    %div3A = vector.broadcast %jit3A : i32 to vector<21216x1xi32>
    %div3A_22 = arith.divsi %iota3A, %div3A : vector<21216x1xi32>
    %sign3A = arith.constant 0 : i32
    %sign3A_23 = vector.broadcast %sign3A : i32 to vector<21216x1xi32>
    %sign3A_24 = arith.cmpi sgt, %iota3A, %sign3A_23 : vector<21216x1xi32>
    %sign3A_25 = arith.extui %sign3A_24 : vector<21216x1xi1> to vector<21216x1xi32>
    %sign3A_26 = arith.constant 0 : i32
    %sign3A_27 = vector.broadcast %sign3A_26 : i32 to vector<21216x1xi32>
    %sign3A_28 = arith.cmpi slt, %iota3A, %sign3A_27 : vector<21216x1xi32>
    %sign3A_29 = arith.extui %sign3A_28 : vector<21216x1xi1> to vector<21216x1xi32>
    %sign3A_30 = arith.subi %sign3A_25, %sign3A_29 : vector<21216x1xi32>
    %sign3A_31 = arith.constant 0 : i32
    %sign3A_32 = arith.cmpi sgt, %jit3A, %sign3A_31 : i32
    %sign3A_33 = arith.extui %sign3A_32 : i1 to i32
    %sign3A_34 = arith.constant 0 : i32
    %sign3A_35 = arith.cmpi slt, %jit3A, %sign3A_34 : i32
    %sign3A_36 = arith.extui %sign3A_35 : i1 to i32
    %sign3A_37 = arith.subi %sign3A_33, %sign3A_36 : i32
    %ne3A = vector.broadcast %sign3A_37 : i32 to vector<21216x1xi32>
    %ne3A_38 = arith.cmpi ne, %sign3A_30, %ne3A : vector<21216x1xi32>
    %rem3A = vector.broadcast %jit3A : i32 to vector<21216x1xi32>
    %rem3A_39 = arith.remsi %iota3A, %rem3A : vector<21216x1xi32>
    %ne3A_40 = arith.constant 0 : i32
    %ne3A_41 = vector.broadcast %ne3A_40 : i32 to vector<21216x1xi32>
    %ne3A_42 = arith.cmpi ne, %rem3A_39, %ne3A_41 : vector<21216x1xi32>
    %and3A = arith.andi %ne3A_38, %ne3A_42 : vector<21216x1xi1>
    %sub3A = arith.constant 1 : i32
    %sub3A_43 = vector.broadcast %sub3A : i32 to vector<21216x1xi32>
    %sub3A_44 = arith.subi %div3A_22, %sub3A_43 : vector<21216x1xi32>
    %select_n3A = arith.select %and3A, %sub3A_44, %div3A_22 : vector<21216x1xi1>, vector<21216x1xi32>
    %jit3A_45 = arith.constant 32 : i32
    %div3A_46 = vector.broadcast %jit3A_45 : i32 to vector<21216x1xi32>
    %div3A_47 = arith.divsi %iota3A, %div3A_46 : vector<21216x1xi32>
    %sign3A_48 = arith.constant 0 : i32
    %sign3A_49 = vector.broadcast %sign3A_48 : i32 to vector<21216x1xi32>
    %sign3A_50 = arith.cmpi sgt, %iota3A, %sign3A_49 : vector<21216x1xi32>
    %sign3A_51 = arith.extui %sign3A_50 : vector<21216x1xi1> to vector<21216x1xi32>
    %sign3A_52 = arith.constant 0 : i32
    %sign3A_53 = vector.broadcast %sign3A_52 : i32 to vector<21216x1xi32>
    %sign3A_54 = arith.cmpi slt, %iota3A, %sign3A_53 : vector<21216x1xi32>
    %sign3A_55 = arith.extui %sign3A_54 : vector<21216x1xi1> to vector<21216x1xi32>
    %sign3A_56 = arith.subi %sign3A_51, %sign3A_55 : vector<21216x1xi32>
    %sign3A_57 = arith.constant 0 : i32
    %sign3A_58 = arith.cmpi sgt, %jit3A_45, %sign3A_57 : i32
    %sign3A_59 = arith.extui %sign3A_58 : i1 to i32
    %sign3A_60 = arith.constant 0 : i32
    %sign3A_61 = arith.cmpi slt, %jit3A_45, %sign3A_60 : i32
    %sign3A_62 = arith.extui %sign3A_61 : i1 to i32
    %sign3A_63 = arith.subi %sign3A_59, %sign3A_62 : i32
    %ne3A_64 = vector.broadcast %sign3A_63 : i32 to vector<21216x1xi32>
    %ne3A_65 = arith.cmpi ne, %sign3A_56, %ne3A_64 : vector<21216x1xi32>
    %rem3A_66 = vector.broadcast %jit3A_45 : i32 to vector<21216x1xi32>
    %rem3A_67 = arith.remsi %iota3A, %rem3A_66 : vector<21216x1xi32>
    %ne3A_68 = arith.constant 0 : i32
    %ne3A_69 = vector.broadcast %ne3A_68 : i32 to vector<21216x1xi32>
    %ne3A_70 = arith.cmpi ne, %rem3A_67, %ne3A_69 : vector<21216x1xi32>
    %and3A_71 = arith.andi %ne3A_65, %ne3A_70 : vector<21216x1xi1>
    %sub3A_72 = arith.constant 1 : i32
    %sub3A_73 = vector.broadcast %sub3A_72 : i32 to vector<21216x1xi32>
    %sub3A_74 = arith.subi %div3A_47, %sub3A_73 : vector<21216x1xi32>
    %select_n3A_75 = arith.select %and3A_71, %sub3A_74, %div3A_47 : vector<21216x1xi1>, vector<21216x1xi32>
    %jit3A_76 = arith.constant 13 : i32
    %eq3A = arith.constant 0 : i32
    %eq3A_77 = arith.cmpi eq, %jit3A_76, %eq3A : i32
    %jit3A_78 = arith.constant 1 : i32
    %select_n3A_79 = arith.select %eq3A_77, %jit3A_78, %jit3A_76 : i32
    %rem3A_80 = vector.broadcast %select_n3A_79 : i32 to vector<21216x1xi32>
    %rem3A_81 = arith.remsi %select_n3A_75, %rem3A_80 : vector<21216x1xi32>
    %ne3A_82 = arith.constant 0 : i32
    %ne3A_83 = vector.broadcast %ne3A_82 : i32 to vector<21216x1xi32>
    %ne3A_84 = arith.cmpi ne, %rem3A_81, %ne3A_83 : vector<21216x1xi32>
    %lt3A = arith.constant 0 : i32
    %lt3A_85 = vector.broadcast %lt3A : i32 to vector<21216x1xi32>
    %lt3A_86 = arith.cmpi slt, %rem3A_81, %lt3A_85 : vector<21216x1xi32>
    %lt3A_87 = arith.constant 0 : i32
    %lt3A_88 = arith.cmpi slt, %select_n3A_79, %lt3A_87 : i32
    %ne3A_89 = vector.broadcast %lt3A_88 : i1 to vector<21216x1xi1>
    %ne3A_90 = vector.broadcast %ne3A_89 : vector<21216x1xi1> to vector<21216x1xi1>
    %ne3A_91 = arith.xori %lt3A_86, %ne3A_90 : vector<21216x1xi1>
    %and3A_92 = arith.andi %ne3A_91, %ne3A_84 : vector<21216x1xi1>
    %add3A = vector.broadcast %select_n3A_79 : i32 to vector<21216x1xi32>
    %add3A_93 = arith.addi %rem3A_81, %add3A : vector<21216x1xi32>
    %select_n3A_94 = arith.select %and3A_92, %add3A_93, %rem3A_81 : vector<21216x1xi1>, vector<21216x1xi32>
    %jit3A_95 = arith.constant 32 : i32
    %eq3A_96 = arith.constant 0 : i32
    %eq3A_97 = arith.cmpi eq, %jit3A_95, %eq3A_96 : i32
    %jit3A_98 = arith.constant 1 : i32
    %select_n3A_99 = arith.select %eq3A_97, %jit3A_98, %jit3A_95 : i32
    %rem3A_100 = vector.broadcast %select_n3A_99 : i32 to vector<21216x1xi32>
    %rem3A_101 = arith.remsi %iota3A, %rem3A_100 : vector<21216x1xi32>
    %ne3A_102 = arith.constant 0 : i32
    %ne3A_103 = vector.broadcast %ne3A_102 : i32 to vector<21216x1xi32>
    %ne3A_104 = arith.cmpi ne, %rem3A_101, %ne3A_103 : vector<21216x1xi32>
    %lt3A_105 = arith.constant 0 : i32
    %lt3A_106 = vector.broadcast %lt3A_105 : i32 to vector<21216x1xi32>
    %lt3A_107 = arith.cmpi slt, %rem3A_101, %lt3A_106 : vector<21216x1xi32>
    %lt3A_108 = arith.constant 0 : i32
    %lt3A_109 = arith.cmpi slt, %select_n3A_99, %lt3A_108 : i32
    %ne3A_110 = vector.broadcast %lt3A_109 : i1 to vector<21216x1xi1>
    %ne3A_111 = vector.broadcast %ne3A_110 : vector<21216x1xi1> to vector<21216x1xi1>
    %ne3A_112 = arith.xori %lt3A_107, %ne3A_111 : vector<21216x1xi1>
    %and3A_113 = arith.andi %ne3A_112, %ne3A_104 : vector<21216x1xi1>
    %add3A_114 = vector.broadcast %select_n3A_99 : i32 to vector<21216x1xi32>
    %add3A_115 = arith.addi %rem3A_101, %add3A_114 : vector<21216x1xi32>
    %select_n3A_116 = arith.select %and3A_113, %add3A_115, %rem3A_101 : vector<21216x1xi1>, vector<21216x1xi32>
    %iota3A_117 = tpu.iota {dimensions = array<i32: 1>} : vector<21216x51xi32>
    %eq3A_118 = vector.broadcast %select_n3A : vector<21216x1xi32> to vector<21216x51xi32>
    %eq3A_119 = arith.cmpi eq, %eq3A_118, %iota3A_117 : vector<21216x51xi32>
    %convert_element_type3A = arith.extui %eq3A_119 : vector<21216x51xi1> to vector<21216x51xi32>
    %convert_element_type3A_120 = arith.sitofp %convert_element_type3A : vector<21216x51xi32> to vector<21216x51xf32>
    %iota3A_121 = tpu.iota {dimensions = array<i32: 1>} : vector<21216x13xi32>
    %eq3A_122 = vector.broadcast %select_n3A_94 : vector<21216x1xi32> to vector<21216x13xi32>
    %eq3A_123 = arith.cmpi eq, %eq3A_122, %iota3A_121 : vector<21216x13xi32>
    %convert_element_type3A_124 = arith.extui %eq3A_123 : vector<21216x13xi1> to vector<21216x13xi32>
    %convert_element_type3A_125 = arith.sitofp %convert_element_type3A_124 : vector<21216x13xi32> to vector<21216x13xf32>
    %iota3A_126 = tpu.iota {dimensions = array<i32: 1>} : vector<21216x32xi32>
    %eq3A_127 = vector.broadcast %select_n3A_116 : vector<21216x1xi32> to vector<21216x32xi32>
    %eq3A_128 = arith.cmpi eq, %eq3A_127, %iota3A_126 : vector<21216x32xi32>
    %convert_element_type3A_129 = arith.extui %eq3A_128 : vector<21216x32xi1> to vector<21216x32xi32>
    %convert_element_type3A_130 = arith.sitofp %convert_element_type3A_129 : vector<21216x32xi32> to vector<21216x32xf32>
    %dot_general3A_131 = arith.constant dense<0.000000e+00> : vector<21216x32xf32>
    %dot_general3A_132 = tpu.matmul %convert_element_type3A_120, %dot_general3A_5, %dot_general3A_131 {dimension_numbers = #tpu.dot_dimension_numbers<[1], [0], [0], [1], [0, 0, 1, 1], [], []>, transpose_lhs_hint = false} : vector<21216x51xf32>, vector<51x32xf32>, vector<21216x32xf32> -> vector<21216x32xf32>
    %dot_general3A_133 = arith.constant dense<0.000000e+00> : vector<21216x32xf32>
    %dot_general3A_134 = tpu.matmul %convert_element_type3A_125, %dot_general3A_13, %dot_general3A_133 {dimension_numbers = #tpu.dot_dimension_numbers<[1], [0], [0], [1], [0, 0, 1, 1], [], []>, transpose_lhs_hint = false} : vector<21216x13xf32>, vector<13x32xf32>, vector<21216x32xf32> -> vector<21216x32xf32>
    %add3A_135 = arith.addf %dot_general3A_132, %dot_general3A_134 : vector<21216x32xf32>
    %dot_general3A_136 = arith.constant dense<0.000000e+00> : vector<21216x32xf32>
    %dot_general3A_137 = tpu.matmul %convert_element_type3A_130, %dot_general3A_21, %dot_general3A_136 {dimension_numbers = #tpu.dot_dimension_numbers<[1], [0], [0], [1], [0, 0, 1, 1], [], []>, transpose_lhs_hint = false} : vector<21216x32xf32>, vector<32x32xf32>, vector<21216x32xf32> -> vector<21216x32xf32>
    %add3A_138 = arith.addf %add3A_135, %dot_general3A_137 : vector<21216x32xf32>
    %get3A_139 = arith.constant 0 : index
    %get3A_140 = arith.constant 0 : index
    %get3A_141 = vector.load %arg4[%get3A_139, %get3A_140] : memref<1x32xf32, #tpu.memory_space<vmem>>, vector<1x32xf32>
    %add3A_142 = vector.broadcast %get3A_141 : vector<1x32xf32> to vector<21216x32xf32>
    %add3A_143 = arith.addf %add3A_138, %add3A_142 : vector<21216x32xf32>
    %max3A = arith.constant 0.000000e+00 : f32
    %max3A_144 = vector.broadcast %max3A : f32 to vector<21216x32xf32>
    %max3A_145 = arith.maximumf %add3A_143, %max3A_144 : vector<21216x32xf32>
    %get3A_146 = arith.constant 0 : index
    %get3A_147 = arith.constant 0 : index
    %get3A_148 = vector.load %arg5[%get3A_146, %get3A_147] : memref<32x32xf32, #tpu.memory_space<vmem>>, vector<32x32xf32>
    %dot_general3A_149 = arith.constant dense<0.000000e+00> : vector<21216x32xf32>
    %dot_general3A_150 = tpu.matmul %max3A_145, %get3A_148, %dot_general3A_149 {dimension_numbers = #tpu.dot_dimension_numbers<[1], [0], [0], [1], [0, 0, 1, 1], [], []>, transpose_lhs_hint = false} : vector<21216x32xf32>, vector<32x32xf32>, vector<21216x32xf32> -> vector<21216x32xf32>
    %get3A_151 = arith.constant 0 : index
    %get3A_152 = arith.constant 0 : index
    %get3A_153 = vector.load %arg6[%get3A_151, %get3A_152] : memref<1x32xf32, #tpu.memory_space<vmem>>, vector<1x32xf32>
    %add3A_154 = vector.broadcast %get3A_153 : vector<1x32xf32> to vector<21216x32xf32>
    %add3A_155 = arith.addf %dot_general3A_150, %add3A_154 : vector<21216x32xf32>
    %reduce_sum3A = arith.constant dense<0.000000e+00> : vector<21216xf32>
    %reduce_sum3A_156 = vector.multi_reduction <add>, %add3A_155, %reduce_sum3A [1] : vector<21216x32xf32> to vector<21216xf32>
    %broadcast_in_dim3A = vector.shape_cast %reduce_sum3A_156 : vector<21216xf32> to vector<21216x1xf32>
    %div3A_157 = arith.constant 3.200000e+01 : f32
    %div3A_158 = vector.broadcast %div3A_157 : f32 to vector<21216x1xf32>
    %div3A_159 = arith.divf %broadcast_in_dim3A, %div3A_158 : vector<21216x1xf32>
    %sub3A_160 = vector.broadcast %div3A_159 : vector<21216x1xf32> to vector<21216x32xf32>
    %sub3A_161 = arith.subf %add3A_155, %sub3A_160 : vector<21216x32xf32>
    %square3A = arith.mulf %sub3A_161, %sub3A_161 : vector<21216x32xf32>
    %reduce_sum3A_162 = arith.constant dense<0.000000e+00> : vector<21216xf32>
    %reduce_sum3A_163 = vector.multi_reduction <add>, %square3A, %reduce_sum3A_162 [1] : vector<21216x32xf32> to vector<21216xf32>
    %broadcast_in_dim3A_164 = vector.shape_cast %reduce_sum3A_163 : vector<21216xf32> to vector<21216x1xf32>
    %div3A_165 = arith.constant 3.200000e+01 : f32
    %div3A_166 = vector.broadcast %div3A_165 : f32 to vector<21216x1xf32>
    %div3A_167 = arith.divf %broadcast_in_dim3A_164, %div3A_166 : vector<21216x1xf32>
    %sub3A_168 = vector.broadcast %div3A_159 : vector<21216x1xf32> to vector<21216x32xf32>
    %sub3A_169 = arith.subf %add3A_155, %sub3A_168 : vector<21216x32xf32>
    %add3A_170 = arith.constant 9.99999974E-6 : f32
    %add3A_171 = vector.broadcast %add3A_170 : f32 to vector<21216x1xf32>
    %add3A_172 = arith.addf %div3A_167, %add3A_171 : vector<21216x1xf32>
    %rsqrt3A = math.rsqrt %add3A_172 : vector<21216x1xf32>
    %mul3A = vector.broadcast %rsqrt3A : vector<21216x1xf32> to vector<21216x32xf32>
    %mul3A_173 = arith.mulf %sub3A_169, %mul3A : vector<21216x32xf32>
    %get3A_174 = arith.constant 0 : index
    %get3A_175 = arith.constant 0 : index
    %get3A_176 = vector.load %arg7[%get3A_174, %get3A_175] : memref<1x32xf32, #tpu.memory_space<vmem>>, vector<1x32xf32>
    %mul3A_177 = vector.broadcast %get3A_176 : vector<1x32xf32> to vector<21216x32xf32>
    %mul3A_178 = arith.mulf %mul3A_173, %mul3A_177 : vector<21216x32xf32>
    %get3A_179 = arith.constant 0 : index
    %get3A_180 = arith.constant 0 : index
    %get3A_181 = vector.load %arg8[%get3A_179, %get3A_180] : memref<1x32xf32, #tpu.memory_space<vmem>>, vector<1x32xf32>
    %add3A_182 = vector.broadcast %get3A_181 : vector<1x32xf32> to vector<21216x32xf32>
    %add3A_183 = arith.addf %mul3A_178, %add3A_182 : vector<21216x32xf32>
    %swap3A = arith.constant 0 : index
    %swap3A_184 = arith.constant 0 : index
    %swap3A_185 = vector.load %arg9[%swap3A, %swap3A_184] : memref<21216x32xf32, #tpu.memory_space<vmem>>, vector<21216x32xf32>
    tpu.vector_store %arg9[%swap3A, %swap3A_184], %add3A_183 {strides = array<i32>} : memref<21216x32xf32, #tpu.memory_space<vmem>>, vector<21216x32xf32>,
    return
  }
}

</mosaic_0001>

<sc_bundles>
// kernel: kernel.4.cloned.1.call-start
scs
__scs_entry_jumppad:
0x0: {  	(pc) =	sbr.rel $0x88, $3  }
0x1: {  	(tag) =	ssettag $0x0;
	lr =	simm.s32 $0x1  }
0x2: {  	[smem:$0x3F97] =	sst lr;
	_ =	strace $0xD0000000  }
0x3: {  	_ = 	snop  }
0x4: {  	_ = 	snop  }
0x5: {  	_ = 	snop  }
0x6: {  	_ = 	snop  }
0x7: {  	_ = 	snop  }
__scs_overlays_trampoline_lowered:
0x8: {  	[smem:$0x3FA6] =	sst s0  }
0x9: {  	[smem:$0x3FA7] =	sst s1  }
0xa: {  	[smem:$0x3FA8] =	sst s2  }
0xb: {  	[smem:$0x3FA9] =	sst s3  }
0xc: {  	[smem:$0x3FAA] =	sst s4  }
0xd: {  	[smem:$0x3FAB] =	sst s5  }
0xe: {  	[smem:$0x3FAC] =	sst s6  }
0xf: {  	[smem:$0x3FAD] =	sst s7  }
0x10: {  	[smem:$0x3FAE] =	sst s8  }
0x11: {  	[smem:$0x3FAF] =	sst s9;
	s0 =	simm.s32 @!p0 $0x0  }
0x12: {  	s1 =	sld [smem:$0x3F95];
	s0 =	simm.s32 @p0 $0x1  }
0x13: {  	[smem:$0x3FB0] =	sst s0;
	s0 =	simm.s32 @!p1 $0x0  }
0x14: {  	s2 =	sld [smem:$0x3F94];
	s0 =	simm.s32 @p1 $0x1  }
0x15: {  	[smem:$0x3FB1] =	sst s0;
	s0 =	simm.s32 @!p2 $0x0  }
0x16: {  	s3 =	sld [smem:$0x3FDB];
	s0 =	simm.s32 @p2 $0x1  }
0x17: {  	s4 =	simm.s32 $0x1BF5;
	[smem:$0x3FB3] =	sst s0  }
0x18: {  	s0 =	sld [smem:$0x3F96];
	_ =	swait.ge [sflag:s4], $0x0  }
0x19: {  	s7 =	sld [smem:$0x3F97]  }
0x1a: {  	s8 =	sadd.s32 $0xFFFFE003, lr  }
0x1b: {  	s9 =	sadd.s32 $0xFFFFFEF7, lr;
	s5 =	simm.s32 $0xFFFFFFFF;
	p2 =	slt.u32 s8, $0xFFFFF086  }
0x1c: {  	p1 =	slt.u32 s9, $0xF7A;
	s5 =	simm.s32 @!p2 $0x0  }
0x1d: {  	s5 =	simm.s32 @p1 $0x1;
	p0 =	seq.s32 s7, s2  }
0x1e: {  	s7 =	smul.u32 @!p0 $0xF7A, s2;
	p2 =	seq.s32 @!p0 s5, $0x0  }
0x1f: {  	s9 =	smul.u32 $0xF7A, s1;
	s8 =	simm.s32 @!p0 $0x1BF5;
	p2 =	por !p2, p0  }
0x20: {  	[sflag:s8] =	ssyncset.s32 @!p0 $0xFFFFF086;
	s6 =	sadd.s32 @!p0 s3, s7;
	s7 =	simm.s32 @!p0 $0x108  }
0x21: {  	s3 =	sadd.s32 s3, s9;
	s6 =	sadd.s32 @!p0 $0x88, s6;
	s7 =	simm.s32 @p2 $0x1082  }
0x22: {  	[simem:s7], [sflag:s8] =	dma.local @!p0 [hbm:s6], $0xF7A  }
0x23: {  	s9 =	sor.u32 $0xD0000000, s2;
	s6 =	simm.s32 $0x108;
	_ =	swait.ge @!p0 [sflag:s8], $0x0  }
0x24: {  	s3 =	sadd.s32 $0x88, s3;
	s6 =	simm.s32 @!p1 $0x1082;
	[sflag:s4] =	ssyncset.s32 $0xFFFFF086  }
0x25: {  	[simem:s6], [sflag:s4] =	dma.local [hbm:s3], $0xF7A  }
0x26: {  	[smem:$0x3F97] =	sst s1;
	(tag) =	ssettag s2;
	_ =	strace s9  }
0x27: {  	s1 =	sld [smem:$0x3FA7]  }
0x28: {  	s2 =	sld [smem:$0x3FA8]  }
0x29: {  	s4 =	sld [smem:$0x3FAA]  }
0x2a: {  	p0 =	seq.s32 s5, $0x0;
	s5 =	sld [smem:$0x3FAB]  }
0x2b: {  	s6 =	sld [smem:$0x3FAC]  }
0x2c: {  	s7 =	sld [smem:$0x3FAD]  }
0x2d: {  	s3 =	simm.s32 $0x108;
	s8 =	sld [smem:$0x3FAE]  }
0x2e: {  	s3 =	simm.s32 @!p0 $0x1082;
	s9 =	sld [smem:$0x3FAF]  }
0x2f: {  	lr =	sadd.s32 s0, s3;
	s0 =	sld [smem:$0x3FA6]  }
0x30: {  	s3 =	sld [smem:$0x3FA9]  }
0x31: {  	[smem:$0x3FB2] =	sst s10  }
0x32: {  	s10 =	sld [smem:$0x3FB0];
	_ =	sdelay $0x3  }
0x33: {  	p0 =	seq.s32 s10, $0x1;
	s10 =	sld [smem:$0x3FB2];
	_ =	sdelay $0x3  }
0x34: {  	[smem:$0x3FB2] =	sst s10  }
0x35: {  	s10 =	sld [smem:$0x3FB1];
	_ =	sdelay $0x3  }
0x36: {  	p1 =	seq.s32 s10, $0x1;
	s10 =	sld [smem:$0x3FB2];
	_ =	sdelay $0x3  }
0x37: {  	[smem:$0x3FB2] =	sst s10  }
0x38: {  	s10 =	sld [smem:$0x3FB3]  }
0x39: {  	_ = 	snop;
	(pc) =	sbr.ind lr, $3  }
0x3a: {  	_ = 	snop  }
0x3b: {  	_ = 	snop  }
0x3c: {  	p2 =	seq.s32 s10, $0x1;
	s10 =	sld [smem:$0x3FB2]  }
0x3d: {  	_ =	shalt  }
0x3e: {  	_ =	shalt  }
0x3f: {  	_ =	shalt  }
0x40: {  	_ =	shalt  }
0x41: {  	_ =	shalt  }
0x42: {  	_ =	shalt  }
0x43: {  	_ =	shalt  }
0x44: {  	_ =	shalt  }
0x45: {  	_ =	shalt  }
0x46: {  	_ =	shalt  }
0x47: {  	_ =	shalt  }
0x48: {  	_ =	shalt  }
0x49: {  	_ =	shalt  }
0x4a: {  	_ =	shalt  }
0x4b: {  	_ =	shalt  }
0x4c: {  	_ =	shalt  }
0x4d: {  	_ =	shalt  }
0x4e: {  	_ =	shalt  }
0x4f: {  	_ =	shalt  }
0x50: {  	_ =	shalt  }
0x51: {  	_ =	shalt  }
0x52: {  	_ =	shalt  }
0x53: {  	_ =	shalt  }
0x54: {  	_ =	shalt  }
0x55: {  	_ =	shalt  }
0x56: {  	_ =	shalt  }
0x57: {  	_ =	shalt  }
0x58: {  	_ =	shalt  }
0x59: {  	_ =	shalt  }
0x5a: {  	_ =	shalt  }
0x5b: {  	_ =	shalt  }
0x5c: {  	_ =	shalt  }
0x5d: {  	_ =	shalt  }
0x5e: {  	_ =	shalt  }
0x5f: {  	_ =	shalt  }
0x60: {  	_ =	shalt  }
0x61: {  	_ =	shalt  }
0x62: {  	_ =	shalt  }
0x63: {  	_ =	shalt  }
0x64: {  	_ =	shalt  }
0x65: {  	_ =	shalt  }
0x66: {  	_ =	shalt  }
0x67: {  	_ =	shalt  }
0x68: {  	_ =	shalt  }
0x69: {  	_ =	shalt  }
0x6a: {  	_ =	shalt  }
0x6b: {  	_ =	shalt  }
0x6c: {  	_ =	shalt  }
0x6d: {  	_ =	shalt  }
0x6e: {  	_ =	shalt  }
0x6f: {  	_ =	shalt  }
0x70: {  	_ =	shalt  }
0x71: {  	_ =	shalt  }
0x72: {  	_ =	shalt  }
0x73: {  	_ =	shalt  }
0x74: {  	_ =	shalt  }
0x75: {  	_ =	shalt  }
0x76: {  	_ =	shalt  }
0x77: {  	_ =	shalt  }
0x78: {  	_ =	shalt  }
0x79: {  	_ =	shalt  }
0x7a: {  	_ =	shalt  }
0x7b: {  	_ =	shalt  }
0x7c: {  	_ =	shalt  }
0x7d: {  	_ =	shalt  }
0x7e: {  	_ =	shalt  }
0x7f: {  	_ =	shalt  }
0x80: {  	_ =	shalt  }
0x81: {  	_ =	shalt  }
0x82: {  	_ =	shalt  }
0x83: {  	_ =	shalt  }
0x84: {  	_ =	shalt  }
0x85: {  	_ =	shalt  }
0x86: {  	_ =	shalt  }
0x87: {  	_ =	shalt  }
.Lfunc_end0:
.L_simem_size_0:
called_computation_lowered:
.L_overlay_start_0:
0x88: {  	s2 =	sld [smem:$0x3FD9]  }
0x89: {  	s3 =	sld [smem:$0x3FFE];
	_ =	sdelay $0x1  }
0x8a: {  	s1 =	srdreg.scid  }
0x8b: {  	s0 =	sand.u32 $0x1, s1  }
0x8c: {  	s17 =	sshll.u32 s0, $0xA;
	s2 =	sadd.s32 s3, s2  }
0x8d: {  	s2 =	sadd.s32 s2, s17  }
0x8e: {  	[smem:$0x3FBE] =	sst s2  }
0x8f: {  	_ = 	snop  }
0x90: {  	s2 =	sld [smem:$0x3FD0];
	(tm) =	ssettm $0x1  }
0x91: {  	s18 =	sld [smem:$0x3FFB];
	_ =	sdelay $0x3  }
0x92: {  	_ =	strace s18  }
0x93: {  	s3 =	sld [smem:$0x3FFC];
	_ =	sdelay $0x3  }
0x94: {  	_ =	strace s3  }
0x95: {  	s3 =	sld [smem:$0x3FFD];
	_ =	sdelay $0x3  }
0x96: {  	_ =	strace s3  }
0x97: {  	_ =	strace $0x8FFFFFFF  }
0x98: {  	s19 =	sld [smem:$0x3FDB];
	_ =	sdelay $0x1  }
0x99: {  	s4 =	simm.s32 $_scs_section_size  }
0x9a: {  	s5 =	simm.s32 $_size__tile_overlayer_lowered;
	s6 =	simm.s32 $_tile_overlayer_lowered  }
0x9b: {  	s22 =	simm.s32 $0x1BFF;
	s21 =	sshll.u32 s6, $0x1;
	s3 =	sadd.s32 s4, s19  }
0x9c: {  	s7 =	simm.s32 $0x0;
	s20 =	sshll.u32 s5, $0x1;
	s5 =	sadd.s32 s21, s3  }
0x9d: {  	[timem:s7], [sflag:s22] =	dma.local [hbm:s5], s20  }
0x9e: {  	_ =	swait.ge [sflag:s22], s20  }
0x9f: {  	s4 =	ssub.s32 $0x0, s20;
	[sflag:s22] =	ssyncset.done $0x0  }
0xa0: {  	[sflag:s22] =	ssyncadd.s32 s4;
	_ =	sdelay $0x1  }
0xa1: {  	s23 =	simm.s32 $0x1B8B  }
0xa2: {  	_ =	swait.ge [sflag:s23], $0x1  }
0xa3: {  	[sflag:s23] =	ssyncset.done $0x0  }
0xa4: {  	s25 =	simm.s32 $0x1B8E;
	s24 =	sld [smem:$0x3FFE];
	[sflag:s23] =	ssyncadd.s32 $0xFFFFFFFF  }
0xa5: {  	s26 =	simm.s32 $execute0_lowered;
	[smem:$0x3FD2] =	sst s25  }
0xa6: {  	s5 =	sshll.u32 s26, $0x1;
	_ =	strace $0x80000046;
	[dreg:$0x1] =	wrdreg $0xFFFFFFFF  }
0xa7: {  	s28 =	simm.s32 $_size_execute0_lowered;
	s3 =	sadd.s32 s3, s5;
	[dreg:$0x0] =	wrdreg $0x0  }
0xa8: {  	s5 =	sshll.u32 s28, $0x1;
	[dreg:$0x2] =	wrdreg s3  }
0xa9: {  	[dreg:$0x3] =	wrdreg s5  }
0xaa: {  	[dreg:$0x4] =	wrdreg $0xC0  }
0xab: {  	_ =	task [dreg:s7], $0x5FFFF  }
0xac: {  	[dreg:$0x1] =	wrdreg $0xFFFFFFFF  }
0xad: {  	[dreg:$0x0] =	wrdreg $0x60  }
0xae: {  	[dreg:$0x2] =	wrdreg s24  }
0xaf: {  	[dreg:$0x3] =	wrdreg s2  }
0xb0: {  	[dreg:$0x4] =	wrdreg $0x9  }
0xb1: {  	_ =	task.clear_ibuf [dreg:s7], $0x5FFFF;
	_ =	strace $0x90000046  }
0xb2: {  	s29 =	simm.s32 $0x9;
	_ =	strace $0x80000048  }
0xb3: {  	_ =	swait.ge [sflag:s29], $0x1  }
0xb4: {  	[sflag:s29] =	ssyncadd.s32 $0xFFFFFFFF  }
0xb5: {  	_ =	strace $0x90000048  }
0xb6: {  	_ =	sfence  }
0xb7: {  	s30 =	sld [smem:$0x0];
	_ =	sdelay $0x2  }
0xb8: {  	s31 =	sshll.u32 s1, $0xD;
	s1 =	sshrl.u32 s1, $0x2  }
0xb9: {  	s3 =	sand.u32 $0x4000, s31;
	s1 =	sadd.s32 s1, s30  }
0xba: {  	s0 =	sor.u32 s3, s0;
	s1 =	sshll.u32 s1, $0x11  }
0xbb: {  	s0 =	sor.u32 s1, s0  }
0xbc: {  	s0 =	sadd.s32 $0x8F2B, s0  }
0xbd: {  	[sflag:s0] =	ssyncadd.remote.s32 $0x1  }
0xbe: {  	_ =	sfence.sel $0xFFFF  }
0xbf: {  	[dreg:$0x0] =	wrdreg $0xFFFFFFFF;
	(pc) =	sbr.abs _section_cstart, $3  }
0xc0: {  	[dreg:$0x1] =	wrdreg $0xFFFFFFFF  }
0xc1: {  	_ =	task.clear_ibuf [dreg:s7], $0x2FFFF;
	_ =	strace $0x9FFFFFFF  }
0xc2: {  	(tm) =	ssettm $0x7FFFFFFF  }
0xc3: {  	_ =	shalt  }
tec
execute0_lowered:
.L_overlay_start_1:
0x0: {  	(tag) =	ssettag $0x1  }
0x1: {  	s0 =	srdreg.scid;
	s2 =	stileid.u32  }
0x2: {  	s0 =	sand.u32 $0x1, s0;
	s2 =	sshll.u32 s2, $0x1  }
0x3: {  	s1 =	rddreg [dreg:$0x0];
	s2 =	sor.u32 s0, s2  }
0x4: {  	s3 =	rddreg [dreg:$0x1];
	s7 =	simm.s32 $0x0;
	s4 =	smul.u32 $0x320, s2  }
0x5: {  	[smem:$0x7FF] =	sst s7;
	s5 =	smul.u32 $0x32000, s2  }
0x6: {  	_ =	strace $0x80000047;
	s0 =	ssub.s32 $0x2, s0;
	s2 =	smul.u32 $0x6400, s2  }
0x7: {  	s6 =	sshrl.u32 s0, $0x1;
	s4 =	sadd.s32 s4, s1;
	s1 =	sadd.s32 $0x7600, s1  }
0x8: {  	v0 =	vimm.s32 $0xECA86420;
	s0 =	ssub.s32 s0, s6;
	s2 =	sadd.s32 s3, s2;
	[dreg:$0x3] =	wrdreg s1  }
0x9: {  	vm0 =	vcmask $0xB08;
	vm1 =	vcmask $0x1310;
	vm2 =	vcmask $0x1B18;
	s5 =	sshrl.u32 s5, $0x3;
	s0 =	smax.u32 s0, $0x1;
	[dreg:$0x5] =	wrdreg s2  }
0xa: {  	vm3 =	vcmask $0x300;
	vm4 =	vcmask $0x2320;
	vm5 =	vcmask $0x2B28;
	s28 =	sadd.s32 s3, s5;
	s4 =	sadd.s32 $0x1200, s4;
	[dreg:$0xa] =	wrdreg s0  }
0xb: {  	vm6 =	vcmask $0x3330;
	v1 =	vlaneseq.u32;
	vm7 =	vcmask $0x3B38;
	[dreg:$0x4] =	wrdreg s4;
	s29 =	sadd.s32 $0x1400, s28  }
0xc: {  	vm8 =	vmmov $0xff;
	vm9 =	vcmask $0x704;
	v2 =	vimm.s32 $0xFFFFFFF7;
	s30 =	sadd.s32 $0x2800, s28;
	[dreg:$0x6] =	wrdreg s29  }
0xd: {  	v3 =	vimm.s32 $0x0;
	vm12 =	vcmask $0x1714;
	v0 =	vunpack.c.l.s4.s8 v0;
	s31 =	sadd.s32 $0x3C00, s28;
	[dreg:$0x7] =	wrdreg s30  }
0xe: {  	vm13 =	vcmask $0x1F1C;
	vm14 =	vcmask $0x2724;
	vm15 =	vcmask $0x2F2C;
	s1 =	sadd.s32 $0x5000, s28;
	[dreg:$0x8] =	wrdreg s31  }
0xf: {  	vm11 =	vcmask $0x3734;
	v1 =	vmul.u32 $0x2, v1;
	v0 =	vunpack.c.0.s8.s32 v0;
	s2 =	simm.s32 $0x0;
	[dreg:$0x9] =	wrdreg s1  }
.LBB2_1:
0x10: {  	[dreg:$0xb] =	wrdreg s2  }
0x11: {  	s0 =	rddreg [dreg:$0x4];
	s31 =	simm.s32 $0x5  }
0x12: {  	[tilespmem:s7], [sflag:$0x5] =	stream.linear.gather [hbm4b:s0+s7], $0x1900, $0x38;
	[tilespmem:$0x17200] =	vst v63  }
0x13: {  	_ =	swait.ge [sflag:s31], $0x1900  }
0x14: {  	[sflag:s31] =	ssyncset.done $0x0  }
0x15: {  	s0 =	simm.s32 $0x0;
	[sflag:s31] =	ssyncadd.s32 $0xFFFFE700  }
.LBB2_2:
0x16: {  	s20 =	sshra.s32 s0, $0x2  }
0x17: {  	v4 =	vld [tilespmem:s20+$0x0];
	_ =	sdelay $0x4  }
0x18: {  	(v2sf) =	vpush v4, $0xD;
	_ =	sdelay $0x1  }
0x19: {  	(v2sf) =	vpush v4, $0xC;
	_ =	sdelay $0x1  }
0x1a: {  	(v2sf) =	vpush v4, $0xE;
	_ =	sdelay $0x1  }
0x1b: {  	(v2sf) =	vpush v4, $0xF;
	_ =	sdelay $0x1  }
0x1c: {  	(v2sf) =	vpush v4, $0x9;
	_ =	sdelay $0x1  }
0x1d: {  	(v2sf) =	vpush v4, $0x8;
	_ =	sdelay $0x1  }
0x1e: {  	(v2sf) =	vpush v4, $0xA;
	_ =	sdelay $0x1  }
0x1f: {  	(v2sf) =	vpush v4, $0xB  }
0x20: {  	s21 =	spop (v2sf)  }
0x21: {  	[dreg:$0xf] =	wrdreg s0;
	(v2sf) =	vpush v4, $0x1;
	s1 =	smulhi.u32 $0xC22E4507, s21;
	s2 =	sshra.s32 s21, $0x1F  }
0x22: {  	s3 =	spop (v2sf);
	s2 =	smul.u32 $0xC22E4507, s2  }
0x23: {  	[dreg:$0x15] =	wrdreg s20;
	(v2sf) =	vpush v4, $0x0;
	s4 =	smulhi.u32 $0xC22E4507, s3;
	s5 =	sshra.s32 s3, $0x1F  }
0x24: {  	s6 =	spop (v2sf);
	s5 =	smul.u32 $0xC22E4507, s5  }
0x25: {  	(v2sf) =	vpush v4, $0x2;
	s0 =	ssub.s32 s1, s21;
	s22 =	smulhi.u32 $0xC22E4507, s6;
	s7 =	sshra.s32 s6, $0x1F  }
0x26: {  	s24 =	spop (v2sf);
	s0 =	sadd.s32 s2, s0;
	s23 =	smul.u32 $0xC22E4507, s7  }
0x27: {  	(v2sf) =	vpush v4, $0x3;
	s3 =	ssub.s32 s4, s3;
	s25 =	smulhi.u32 $0xC22E4507, s24;
	s8 =	sshra.s32 s24, $0x1F  }
0x28: {  	s28 =	spop (v2sf);
	s3 =	sadd.s32 s5, s3;
	s26 =	smul.u32 $0xC22E4507, s8  }
0x29: {  	(v2sf) =	vpush v4, $0x4;
	s1 =	ssub.s32 s22, s6;
	s29 =	smulhi.u32 $0xC22E4507, s28;
	s9 =	sshra.s32 s28, $0x1F  }
0x2a: {  	s10 =	spop (v2sf);
	s1 =	sadd.s32 s23, s1;
	s9 =	smul.u32 $0xC22E4507, s9  }
0x2b: {  	(v2sf) =	vpush v4, $0x5;
	s30 =	ssub.s32 s25, s24;
	s31 =	smulhi.u32 $0xC22E4507, s10;
	s12 =	sshra.s32 s10, $0x1F  }
0x2c: {  	s14 =	spop (v2sf);
	s2 =	sadd.s32 s26, s30;
	s13 =	smul.u32 $0xC22E4507, s12  }
0x2d: {  	(v2sf) =	vpush v4, $0x6;
	s6 =	ssub.s32 s29, s28;
	s15 =	smulhi.u32 $0xC22E4507, s14;
	s11 =	sshra.s32 s14, $0x1F  }
0x2e: {  	s17 =	spop (v2sf);
	s6 =	sadd.s32 s9, s6;
	s16 =	smul.u32 $0xC22E4507, s11  }
0x2f: {  	(v2sf) =	vpush v4, $0x7;
	s4 =	ssub.s32 s31, s10;
	s18 =	smulhi.u32 $0xC22E4507, s17;
	s12 =	sshra.s32 s17, $0x1F  }
0x30: {  	s4 =	sadd.s32 s13, s4;
	s19 =	smul.u32 $0xC22E4507, s12;
	s20 =	spop (v2sf)  }
0x31: {  	s7 =	ssub.s32 s15, s14;
	s21 =	smulhi.u32 $0xC22E4507, s20;
	s13 =	sshra.s32 s20, $0x1F  }
0x32: {  	s7 =	sadd.s32 s16, s7;
	s23 =	spop (v2sf);
	s22 =	smul.u32 $0xC22E4507, s13  }
0x33: {  	s10 =	ssub.s32 s18, s17;
	s24 =	smulhi.u32 $0xC22E4507, s23;
	s14 =	sshra.s32 s23, $0x1F  }
0x34: {  	s5 =	sadd.s32 s19, s10;
	s26 =	spop (v2sf);
	s25 =	smul.u32 $0xC22E4507, s14  }
0x35: {  	s8 =	ssub.s32 s21, s20;
	s28 =	smulhi.u32 $0xC22E4507, s26;
	s15 =	sshra.s32 s26, $0x1F  }
0x36: {  	s30 =	spop (v2sf);
	s8 =	sadd.s32 s22, s8;
	s29 =	smul.u32 $0xC22E4507, s15  }
0x37: {  	s11 =	ssub.s32 s24, s23;
	s31 =	smulhi.u32 $0xC22E4507, s30;
	s16 =	sshra.s32 s30, $0x1F  }
0x38: {  	s19 =	spop (v2sf);
	s10 =	sadd.s32 s25, s11;
	s18 =	smul.u32 $0xC22E4507, s16  }
0x39: {  	s12 =	ssub.s32 s28, s26;
	s20 =	smulhi.u32 $0xC22E4507, s19;
	s17 =	sshra.s32 s19, $0x1F  }
0x3a: {  	s22 =	spop (v2sf);
	s9 =	sadd.s32 s29, s12;
	s21 =	smul.u32 $0xC22E4507, s17  }
0x3b: {  	v5 =	vmov s10;
	s23 =	ssub.s32 s31, s30;
	s24 =	smulhi.u32 $0xC22E4507, s22;
	s25 =	sshra.s32 s22, $0x1F  }
0x3c: {  	s28 =	spop (v2sf);
	v5 =	vnsel vm3, $0x0, v5;
	s10 =	sadd.s32 s18, s23;
	s26 =	smul.u32 $0xC22E4507, s25  }
0x3d: {  	s29 =	ssub.s32 s20, s19;
	s30 =	smulhi.u32 $0xC22E4507, s28;
	s31 =	sshra.s32 s28, $0x1F;
	v5 =	vsel vm0, s8, v5  }
0x3e: {  	v6 =	vmov s3;
	v7 =	vmov s4;
	s16 =	spop (v2sf);
	s12 =	smul.u32 $0xC22E4507, s31;
	s18 =	ssub.s32 s24, s22;
	v5 =	vsel vm1, s9, v5  }
0x3f: {  	v6 =	vsel vm0, s0, v6;
	v7 =	vsel vm0, s6, v7;
	s19 =	smulhi.u32 $0xC22E4507, s16;
	s20 =	sshra.s32 s16, $0x1F;
	s9 =	sadd.s32 s21, s29;
	v5 =	vsel vm2, s10, v5  }
0x40: {  	v6 =	vsel vm1, s1, v6;
	v7 =	vsel vm1, s7, v7;
	s0 =	sadd.s32 s26, s18;
	s21 =	ssub.s32 s30, s28;
	s22 =	smul.u32 $0xC22E4507, s20;
	v5 =	vsel vm4, s9, v5  }
0x41: {  	v6 =	vsel vm2, s2, v6;
	v7 =	vsel vm2, s5, v7;
	s23 =	sadd.s32 s12, s21;
	s24 =	ssub.s32 s19, s16;
	v5 =	vsel vm5, s0, v5  }
0x42: {  	v6 =	vcombine.low v7, v6;
	s25 =	sadd.s32 s22, s24;
	v5 =	vsel vm6, s23, v5  }
0x43: {  	v5 =	vsel vm7, s25, v5  }
0x44: {  	v6 =	vperm.xlane v6, v0;
	v5 =	vperm.xlane v5, v1;
	_ =	sdelay $0x1  }
0x45: {  	v5 =	vsel vm8, v5, v6  }
0x46: {  	v5 =	vadd.s32 v4, v5  }
0x47: {  	v15 =	vshrl.u32 v5, $0x1F;
	v5 =	vshra.s32 v5, $0x10  }
0x48: {  	v5 =	vadd.s32 v15, v5  }
0x49: {  	v6 =	vadd.s32 $0xAFA6C, v5  }
0x4a: {  	v5 =	vmulhi.u32 $0x396B06BD, v6;
	_ =	sdelay $0x1  }
0x4b: {  	v5 =	vshrl.u32 v5, $0xF  }
0x4c: {  	v16 =	vmul.u32 $0xFFFDC54F, v5;
	_ =	sdelay $0x1  }
0x4d: {  	v6 =	vadd.s32 v6, v16  }
0x4e: {  	(v2sf) =	vpush v6, $0xD;
	_ =	sdelay $0x2  }
0x4f: {  	(v2sf) =	vpush v6, $0xC;
	_ =	sdelay $0x2  }
0x50: {  	(v2sf) =	vpush v6, $0xE  }
0x51: {  	(v2sf) =	vpush v6, $0xF;
	_ =	sdelay $0x1  }
0x52: {  	(v2sf) =	vpush v6, $0x9;
	_ =	sdelay $0x5  }
0x53: {  	s5 =	spop (v2sf)  }
0x54: {  	s26 =	sshra.s32 s5, $0x1F  }
0x55: {  	s28 =	smul.u32 $0x4C73064F, s26  }
0x56: {  	(v2sf) =	vpush v6, $0x8;
	s14 =	spop (v2sf);
	s16 =	smul.u32 $0xE5AC81FB, s26  }
0x57: {  	s29 =	sshra.s32 s14, $0x1F;
	s0 =	smul.u32 $0x1A537E05, s26  }
0x58: {  	s30 =	smul.u32 $0x4C73064F, s29  }
0x59: {  	(v2sf) =	vpush v6, $0xA;
	s17 =	spop (v2sf);
	s18 =	smul.u32 $0xE5AC81FB, s29  }
0x5a: {  	s31 =	sshra.s32 s17, $0x1F;
	s12 =	spop (v2sf);
	s24 =	smul.u32 $0x1A537E05, s29  }
0x5b: {  	[smem:$0x769] =	sst s28;
	s6 =	smul.u32 $0x4C73064F, s31  }
0x5c: {  	(v2sf) =	vpush v6, $0xB;
	s19 =	spop (v2sf);
	[smem:$0x780] =	sst s16  }
0x5d: {  	s20 =	smul.u32 $0xE5AC81FB, s31;
	[smem:$0x7A3] =	sst s0  }
0x5e: {  	(v2sf) =	vpush v6, $0x1;
	s7 =	sshra.s32 s12, $0x1F;
	s25 =	smul.u32 $0x1A537E05, s31;
	[smem:$0x76A] =	sst s30  }
0x5f: {  	s8 =	smul.u32 $0x4C73064F, s7;
	[smem:$0x781] =	sst s18  }
0x60: {  	s21 =	smul.u32 $0xE5AC81FB, s7;
	[smem:$0x7A5] =	sst s24  }
0x61: {  	s9 =	sshra.s32 s19, $0x1F;
	s26 =	smul.u32 $0x1A537E05, s7;
	[smem:$0x76B] =	sst s6  }
0x62: {  	s11 =	smul.u32 $0x4C73064F, s9;
	[smem:$0x782] =	sst s20  }
0x63: {  	s22 =	smul.u32 $0xE5AC81FB, s9;
	[smem:$0x7A9] =	sst s25  }
0x64: {  	(v2sf) =	vpush v6, $0x0;
	s28 =	smul.u32 $0x1A537E05, s9;
	[smem:$0x76C] =	sst s8  }
0x65: {  	s8 =	spop (v2sf);
	[smem:$0x784] =	sst s21  }
0x66: {  	[smem:$0x7AA] =	sst s26;
	s13 =	sshra.s32 s8, $0x1F;
	s1 =	smulhi.u32 $0x4C73064F, s8  }
0x67: {  	(v2sf) =	vpush v6, $0x2;
	[smem:$0x76E] =	sst s11;
	s15 =	smul.u32 $0x4C73064F, s13  }
0x68: {  	s10 =	spop (v2sf);
	s23 =	smul.u32 $0xE5AC81FB, s13  }
0x69: {  	[smem:$0x786] =	sst s22;
	s29 =	smul.u32 $0x1A537E05, s13;
	s30 =	sshra.s32 s10, $0x1F  }
0x6a: {  	[smem:$0x7AF] =	sst s28;
	s31 =	smul.u32 $0x4C73064F, s30  }
0x6b: {  	(v2sf) =	vpush v6, $0x3;
	s3 =	spop (v2sf);
	s2 =	smul.u32 $0xE5AC81FB, s30  }
0x6c: {  	s0 =	smul.u32 $0x1A537E05, s30;
	[smem:$0x770] =	sst s1  }
0x6d: {  	s13 =	spop (v2sf);
	[smem:$0x76F] =	sst s15  }
0x6e: {  	s4 =	sshra.s32 s3, $0x1F;
	s30 =	smulhi.u32 $0x4C73064F, s12;
	[smem:$0x789] =	sst s23  }
0x6f: {  	[smem:$0x7AB] =	sst s29;
	s6 =	smul.u32 $0x4C73064F, s4  }
0x70: {  	s7 =	smul.u32 $0xE5AC81FB, s4;
	[smem:$0x771] =	sst s31  }
0x71: {  	s9 =	sshra.s32 s13, $0x1F;
	[dreg:$0x1b] =	wrdreg s0;
	s0 =	smul.u32 $0x1A537E05, s4  }
0x72: {  	[smem:$0x78D] =	sst s2;
	s11 =	smul.u32 $0x4C73064F, s9  }
0x73: {  	s2 =	spop (v2sf);
	[smem:$0x76D] =	sst s30  }
0x74: {  	s15 =	smul.u32 $0xE5AC81FB, s9;
	[smem:$0x773] =	sst s6  }
0x75: {  	s4 =	smulhi.u32 $0x4C73064F, s10;
	[smem:$0x791] =	sst s7  }
0x76: {  	(v2sf) =	vpush v6, $0x4;
	s25 =	spop (v2sf);
	s7 =	smulhi.u32 $0x4C73064F, s5  }
0x77: {  	s16 =	sshra.s32 s2, $0x1F;
	[dreg:$0x16] =	wrdreg s0;
	s0 =	smul.u32 $0x1A537E05, s9  }
0x78: {  	[smem:$0x775] =	sst s11;
	s18 =	smul.u32 $0x4C73064F, s16  }
0x79: {  	[smem:$0x798] =	sst s15;
	s20 =	smul.u32 $0xE5AC81FB, s16  }
0x7a: {  	s26 =	spop (v2sf);
	[smem:$0x772] =	sst s4  }
0x7b: {  	s9 =	smulhi.u32 $0x4C73064F, s3;
	[smem:$0x7AC] =	sst s0  }
0x7c: {  	(v2sf) =	vpush v6, $0x5;
	s11 =	smulhi.u32 $0x4C73064F, s13;
	[smem:$0x777] =	sst s18  }
0x7d: {  	s21 =	sshra.s32 s25, $0x1F;
	s15 =	smulhi.u32 $0x4C73064F, s2;
	[smem:$0x796] =	sst s20  }
0x7e: {  	s22 =	smul.u32 $0x4C73064F, s21;
	[smem:$0x774] =	sst s9  }
0x7f: {  	s23 =	smul.u32 $0xE5AC81FB, s21;
	[smem:$0x776] =	sst s11  }
0x80: {  	(v2sf) =	vpush v6, $0x6;
	s24 =	sshra.s32 s26, $0x1F;
	s0 =	smul.u32 $0x1A537E05, s16;
	[smem:$0x778] =	sst s15  }
0x81: {  	s28 =	smul.u32 $0x4C73064F, s24;
	[smem:$0x779] =	sst s22  }
0x82: {  	s29 =	smul.u32 $0xE5AC81FB, s24;
	[smem:$0x79A] =	sst s23  }
0x83: {  	s16 =	smulhi.u32 $0x4C73064F, s25;
	[smem:$0x7A7] =	sst s0  }
0x84: {  	s18 =	smulhi.u32 $0x4C73064F, s26;
	[smem:$0x77B] =	sst s28  }
0x85: {  	s4 =	spop (v2sf);
	[smem:$0x79C] =	sst s29  }
0x86: {  	[smem:$0x77C] =	sst s18;
	s18 =	smulhi.u32 $0xE5AC81FB, s12  }
0x87: {  	s0 =	smul.u32 $0x1A537E05, s21;
	[smem:$0x77A] =	sst s16  }
0x88: {  	[smem:$0x783] =	sst s18;
	s18 =	smulhi.u32 $0xE5AC81FB, s19  }
0x89: {  	s20 =	smulhi.u32 $0x4C73064F, s4;
	[smem:$0x7AE] =	sst s0  }
0x8a: {  	[smem:$0x785] =	sst s18;
	s18 =	smulhi.u32 $0xE5AC81FB, s8  }
0x8b: {  	s28 =	spop (v2sf);
	[smem:$0x77D] =	sst s20  }
0x8c: {  	s1 =	sshra.s32 s28, $0x1F;
	[smem:$0x787] =	sst s18;
	s18 =	smulhi.u32 $0xE5AC81FB, s10  }
0x8d: {  	s22 =	smulhi.u32 $0x4C73064F, s28;
	[smem:$0x7A8] =	sst s1  }
0x8e: {  	[smem:$0x78A] =	sst s18;
	s18 =	smulhi.u32 $0xE5AC81FB, s3  }
0x8f: {  	s15 =	spop (v2sf);
	[smem:$0x77F] =	sst s22  }
0x90: {  	s23 =	sshra.s32 s15, $0x1F;
	[smem:$0x78E] =	sst s18;
	s18 =	smulhi.u32 $0xE5AC81FB, s13  }
0x91: {  	s0 =	smul.u32 $0x1A537E05, s24;
	[smem:$0x7A0] =	sst s23  }
0x92: {  	s29 =	smul.u32 $0x4C73064F, s1;
	[smem:$0x795] =	sst s18  }
0x93: {  	s1 =	smul.u32 $0xE5AC81FB, s1;
	s18 =	sld [smem:$0x769]  }
0x94: {  	s24 =	smulhi.u32 $0x4C73064F, s15;
	[smem:$0x7B1] =	sst s0  }
0x95: {  	s22 =	smul.u32 $0x4C73064F, s23;
	s0 =	sshra.s32 s4, $0x1F;
	[smem:$0x7A1] =	sst s1  }
0x96: {  	[smem:$0x7A2] =	sst s0;
	s7 =	sadd.s32 s18, s7;
	s18 =	smulhi.u32 $0xE5AC81FB, s2  }
0x97: {  	s22 =	sadd.s32 s22, s24;
	s24 =	sld [smem:$0x780]  }
0x98: {  	[smem:$0x792] =	sst s18  }
0x99: {  	s18 =	sld [smem:$0x76A]  }
0x9a: {  	s31 =	smulhi.u32 $0x4C73064F, s14;
	s1 =	sld [smem:$0x785]  }
0x9b: {  	[smem:$0x78B] =	sst s7  }
0x9c: {  	s7 =	sadd.s32 s18, s31;
	s31 =	sld [smem:$0x76B]  }
0x9d: {  	[smem:$0x788] =	sst s7;
	s7 =	smulhi.u32 $0xE5AC81FB, s25  }
0x9e: {  	s6 =	smulhi.u32 $0x4C73064F, s17;
	s18 =	sld [smem:$0x76C]  }
0x9f: {  	[smem:$0x799] =	sst s7  }
0xa0: {  	s6 =	sadd.s32 s31, s6;
	s31 =	sld [smem:$0x76D]  }
0xa1: {  	s7 =	sld [smem:$0x76E]  }
0xa2: {  	[smem:$0x78F] =	sst s6  }
0xa3: {  	s30 =	smulhi.u32 $0x4C73064F, s19;
	s6 =	sadd.s32 s18, s31;
	s31 =	sld [smem:$0x770]  }
0xa4: {  	(v2sf) =	vpush v6, $0x7;
	[smem:$0x793] =	sst s6  }
0xa5: {  	s6 =	sadd.s32 s7, s30;
	s30 =	sld [smem:$0x76F]  }
0xa6: {  	s18 =	smulhi.u32 $0xE5AC81FB, s26;
	s7 =	sld [smem:$0x773]  }
0xa7: {  	[smem:$0x790] =	sst s6  }
0xa8: {  	[smem:$0x79B] =	sst s18  }
0xa9: {  	s18 =	sld [smem:$0x771]  }
0xaa: {  	s6 =	sadd.s32 s30, s31;
	s30 =	sld [smem:$0x772];
	s31 =	smulhi.u32 $0xE5AC81FB, s4  }
0xab: {  	[smem:$0x78C] =	sst s6  }
0xac: {  	[smem:$0x79D] =	sst s31  }
0xad: {  	s31 =	sld [smem:$0x776]  }
0xae: {  	s6 =	sadd.s32 s18, s30;
	s18 =	sld [smem:$0x774]  }
0xaf: {  	s30 =	sld [smem:$0x775]  }
0xb0: {  	[smem:$0x794] =	sst s6  }
0xb1: {  	s6 =	sadd.s32 s7, s18;
	s7 =	sld [smem:$0x777]  }
0xb2: {  	s18 =	sld [smem:$0x778]  }
0xb3: {  	s16 =	spop (v2sf);
	[smem:$0x797] =	sst s6  }
0xb4: {  	s21 =	smul.u32 $0x4C73064F, s0;
	s6 =	sadd.s32 s30, s31;
	s30 =	sld [smem:$0x779]  }
0xb5: {  	s0 =	smul.u32 $0xE5AC81FB, s0;
	s31 =	sld [smem:$0x77A]  }
0xb6: {  	s20 =	smulhi.u32 $0x4C73064F, s16;
	[smem:$0x77E] =	sst s21  }
0xb7: {  	s11 =	sshra.s32 s16, $0x1F;
	[smem:$0x79E] =	sst s0;
	s0 =	sadd.s32 s7, s18  }
0xb8: {  	s18 =	sld [smem:$0x77B];
	s7 =	sadd.s32 s30, s31;
	s30 =	smulhi.u32 $0xE5AC81FB, s28  }
0xb9: {  	s9 =	smul.u32 $0x4C73064F, s11;
	s31 =	sld [smem:$0x77C]  }
0xba: {  	[smem:$0x79F] =	sst s30  }
0xbb: {  	s9 =	sadd.s32 s9, s20;
	s30 =	sld [smem:$0x77D]  }
0xbc: {  	s20 =	smulhi.u32 $0x1A537E05, s14;
	s18 =	sadd.s32 s18, s31;
	s31 =	sld [smem:$0x77E]  }
0xbd: {  	[smem:$0x7AD] =	sst s11;
	v17 =	vmov s0  }
0xbe: {  	s23 =	smulhi.u32 $0xE5AC81FB, s17;
	[smem:$0x7A6] =	sst s20;
	v7 =	vnsel vm3, $0x0, v17  }
0xbf: {  	s21 =	smulhi.u32 $0xE5AC81FB, s14;
	v7 =	vsel vm0, s6, v7;
	s30 =	sadd.s32 s31, s30;
	s31 =	sld [smem:$0x77F]  }
0xc0: {  	s11 =	smulhi.u32 $0xE5AC81FB, s5;
	s0 =	sld [smem:$0x784];
	v7 =	vsel vm1, s7, v7  }
0xc1: {  	s14 =	ssub.s32 s21, s14;
	s21 =	smulhi.u32 $0x1A537E05, s17;
	v7 =	vsel vm2, s18, v7;
	s18 =	sld [smem:$0x790]  }
0xc2: {  	v7 =	vsel vm4, s30, v7;
	s30 =	sld [smem:$0x792];
	s29 =	sadd.s32 s29, s31;
	s31 =	smulhi.u32 $0x1A537E05, s5  }
0xc3: {  	s5 =	ssub.s32 s11, s5;
	s11 =	ssub.s32 s23, s17;
	s17 =	sld [smem:$0x782]  }
0xc4: {  	s5 =	sadd.s32 s24, s5;
	s24 =	sld [smem:$0x783]  }
0xc5: {  	v7 =	vsel vm5, s29, v7;
	s29 =	sld [smem:$0x797]  }
0xc6: {  	[smem:$0x7A4] =	sst s31  }
0xc7: {  	s31 =	sld [smem:$0x781];
	v7 =	vsel vm6, s22, v7  }
0xc8: {  	v7 =	vsel vm7, s9, v7;
	s9 =	sld [smem:$0x79B]  }
0xc9: {  	s23 =	smulhi.u32 $0x1A537E05, s12;
	s12 =	ssub.s32 s24, s12;
	s24 =	sld [smem:$0x787]  }
0xca: {  	s20 =	sadd.s32 s31, s14;
	s14 =	sadd.s32 s17, s11;
	s11 =	sld [smem:$0x786]  }
0xcb: {  	s31 =	smulhi.u32 $0x1A537E05, s19;
	s19 =	ssub.s32 s1, s19;
	s1 =	sld [smem:$0x789]  }
0xcc: {  	s12 =	sadd.s32 s0, s12;
	s0 =	sld [smem:$0x78D]  }
0xcd: {  	[smem:$0x7B0] =	sst s31  }
0xce: {  	s31 =	sld [smem:$0x788]  }
0xcf: {  	s17 =	smulhi.u32 $0x1A537E05, s8;
	s8 =	ssub.s32 s24, s8;
	s24 =	sld [smem:$0x78B]  }
0xd0: {  	v11 =	vmov s20;
	s7 =	sadd.s32 s1, s8;
	s8 =	sld [smem:$0x78A]  }
0xd1: {  	v11 =	vsel vm0, s5, v11;
	s19 =	sadd.s32 s11, s19;
	s11 =	smulhi.u32 $0x1A537E05, s3;
	s1 =	sld [smem:$0x78E]  }
0xd2: {  	v18 =	vsel vm1, s14, v11;
	s14 =	sld [smem:$0x7A1]  }
0xd3: {  	[smem:$0x7B2] =	sst s11  }
0xd4: {  	v8 =	vmov s31;
	s31 =	sld [smem:$0x78C]  }
0xd5: {  	v12 =	vmov s7;
	s11 =	smulhi.u32 $0x1A537E05, s2;
	s2 =	ssub.s32 s30, s2;
	s30 =	sld [smem:$0x798]  }
0xd6: {  	v12 =	vsel vm0, s19, v12;
	s19 =	sld [smem:$0x7A0]  }
0xd7: {  	s6 =	smulhi.u32 $0x1A537E05, s10;
	v8 =	vsel vm0, s24, v8;
	s24 =	sld [smem:$0x791]  }
0xd8: {  	s10 =	ssub.s32 s8, s10;
	s3 =	ssub.s32 s1, s3;
	s1 =	sld [smem:$0x794]  }
0xd9: {  	s8 =	sadd.s32 s0, s10;
	s10 =	sld [smem:$0x78F]  }
0xda: {  	v9 =	vmov s31;
	s31 =	sld [smem:$0x793]  }
0xdb: {  	v19 =	vsel vm1, s8, v12;
	s8 =	sld [smem:$0x7A7]  }
0xdc: {  	s3 =	sadd.s32 s24, s3;
	s24 =	sld [smem:$0x796]  }
0xdd: {  	v9 =	vsel vm0, s18, v9;
	v8 =	vsel vm1, s10, v8;
	s10 =	sld [smem:$0x795]  }
0xde: {  	s22 =	smulhi.u32 $0x1A537E05, s26;
	v9 =	vsel vm1, s1, v9;
	s1 =	sld [smem:$0x79A]  }
0xdf: {  	s20 =	smulhi.u32 $0x1A537E05, s4;
	v9 =	vsel vm2, s29, v9;
	s29 =	sld [smem:$0x79D]  }
0xe0: {  	s18 =	smulhi.u32 $0x1A537E05, s13;
	v8 =	vsel vm2, s31, v8;
	s31 =	sld [smem:$0x799]  }
0xe1: {  	v11 =	vsel vm2, s3, v19;
	s3 =	sld [smem:$0x7A5];
	s2 =	sadd.s32 s24, s2;
	s13 =	ssub.s32 s10, s13  }
0xe2: {  	s13 =	sadd.s32 s30, s13;
	s30 =	ssub.s32 s29, s4;
	s4 =	sld [smem:$0x79E]  }
0xe3: {  	s24 =	smulhi.u32 $0x1A537E05, s25;
	s0 =	ssub.s32 s31, s25;
	s25 =	sld [smem:$0x79C]  }
0xe4: {  	s10 =	ssub.s32 s9, s26;
	s9 =	sld [smem:$0x79F];
	s31 =	smulhi.u32 $0xE5AC81FB, s15  }
0xe5: {  	v10 =	vmov s2;
	s2 =	sadd.s32 s1, s0;
	s1 =	sadd.s32 s4, s30;
	s30 =	sld [smem:$0x7A3]  }
0xe6: {  	v10 =	vnsel vm3, $0x0, v10;
	s26 =	sadd.s32 s25, s10;
	s25 =	ssub.s32 s31, s15;
	s31 =	sld [smem:$0x7A4]  }
0xe7: {  	v10 =	vsel vm0, s13, v10;
	s4 =	sld [smem:$0x7A6]  }
0xe8: {  	v10 =	vsel vm1, s2, v10;
	s10 =	ssub.s32 s9, s28;
	s9 =	sld [smem:$0x7A8]  }
0xe9: {  	v10 =	vsel vm2, s26, v10;
	s26 =	sld [smem:$0x7A2]  }
0xea: {  	s0 =	sadd.s32 s14, s10;
	s10 =	sld [smem:$0x7A9]  }
0xeb: {  	s13 =	smul.u32 $0xE5AC81FB, s19;
	s14 =	sld [smem:$0x7AC];
	v10 =	vsel vm4, s1, v10  }
0xec: {  	v10 =	vsel vm5, s0, v10;
	s0 =	sadd.s32 s3, s4;
	s3 =	sadd.s32 s8, s11;
	s11 =	sld [smem:$0x7AA]  }
0xed: {  	s8 =	smul.u32 $0x1A537E05, s9;
	s9 =	sadd.s32 s10, s21;
	s21 =	sld [smem:$0x7AE]  }
0xee: {  	s7 =	smulhi.u32 $0x1A537E05, s28;
	s29 =	sadd.s32 s13, s25;
	s13 =	sld [smem:$0x7AB];
	v20 =	vmov s3  }
0xef: {  	s25 =	sld [smem:$0x7B0];
	v12 =	vnsel vm3, $0x0, v20;
	s10 =	sadd.s32 s11, s23;
	s11 =	sadd.s32 s14, s18  }
0xf0: {  	v8 =	vcombine.low v9, v8;
	v9 =	vsel vm2, s12, v18;
	s12 =	smulhi.u32 $0xE5AC81FB, s16;
	v12 =	vsel vm0, s11, v12;
	s11 =	sadd.s32 s21, s24;
	s24 =	sld [smem:$0x7AF]  }
0xf1: {  	v7 =	vperm.xlane v7, v1;
	s28 =	smul.u32 $0x1A537E05, s19;
	s1 =	sadd.s32 s13, s17;
	s17 =	sld [smem:$0x7AD]  }
0xf2: {  	v9 =	vcombine.low v11, v9;
	v8 =	vperm.xlane v8, v0;
	s5 =	smul.u32 $0x1A537E05, s26;
	s26 =	sld [smem:$0x7B1]  }
0xf3: {  	s2 =	sadd.s32 s30, s31;
	v10 =	vsel vm6, s29, v10;
	v22 =	vmov s0;
	s29 =	rddreg [dreg:$0x1b];
	v14 =	vmov s1;
	s0 =	sadd.s32 s24, s25  }
0xf4: {  	v21 =	vsub.s32 $0x0, v6;
	s31 =	smulhi.u32 $0x1A537E05, s16;
	v14 =	vsel vm0, s0, v14;
	s0 =	sadd.s32 s29, s6;
	s6 =	sld [smem:$0x7B2]  }
0xf5: {  	v9 =	vperm.xlane v9, v0;
	v7 =	vsel vm8, v7, v8;
	s3 =	ssub.s32 s12, s16;
	s23 =	smulhi.u32 $0x1A537E05, s15;
	s1 =	sadd.s32 s26, s22;
	v12 =	vsel vm1, s11, v12  }
0xf6: {  	v7 =	vadd.s32 v21, v7;
	v11 =	vsel vm0, s2, v22;
	s30 =	sadd.s32 s5, s20;
	s5 =	rddreg [dreg:$0x16];
	s18 =	smul.u32 $0xE5AC81FB, s17;
	v12 =	vsel vm2, s1, v12  }
0xf7: {  	s8 =	sadd.s32 s8, s7;
	v11 =	vsel vm1, s9, v11;
	s9 =	smul.u32 $0x1A537E05, s17;
	v12 =	vsel vm4, s30, v12;
	v14 =	vsel vm1, s0, v14;
	s0 =	sadd.s32 s5, s6  }
0xf8: {  	v11 =	vsel vm2, s10, v11;
	s10 =	sadd.s32 s28, s23;
	s3 =	sadd.s32 s18, s3;
	v12 =	vsel vm5, s8, v12;
	v14 =	vsel vm2, s0, v14  }
0xf9: {  	s11 =	sadd.s32 s9, s31;
	v10 =	vsel vm7, s3, v10;
	v12 =	vsel vm6, s10, v12;
	v11 =	vcombine.low v14, v11  }
0xfa: {  	v13 =	vshrl.u32 v7, $0x1F;
	v10 =	vperm.xlane v10, v1;
	v12 =	vsel vm7, s11, v12  }
0xfb: {  	v7 =	vshra.s32 v7, $0xA;
	v12 =	vperm.xlane v12, v1;
	v11 =	vperm.xlane v11, v0  }
0xfc: {  	v7 =	vadd.s32 v13, v7;
	v9 =	vsel vm8, v10, v9  }
0xfd: {  	v7 =	vadd.s32 v6, v7;
	v9 =	vadd.s32 v6, v9;
	v23 =	vsel vm8, v12, v11  }
0xfe: {  	v24 =	vshrl.u32 v9, $0x1F;
	v9 =	vshra.s32 v9, $0xF;
	v8 =	vadd.s32 v21, v23  }
0xff: {  	v9 =	vadd.s32 v24, v9;
	v10 =	vshrl.u32 v8, $0x1F;
	v8 =	vshra.s32 v8, $0x11  }
0x100: {  	v7 =	vadd.s32 v9, v7;
	v8 =	vadd.s32 v10, v8  }
0x101: {  	v8 =	vadd.s32 v8, v7  }
0x102: {  	(v2sf) =	vpush v8, $0xD;
	_ =	sdelay $0x2  }
0x103: {  	(v2sf) =	vpush v8, $0xC;
	_ =	sdelay $0x2  }
0x104: {  	(v2sf) =	vpush v8, $0xE  }
0x105: {  	(v2sf) =	vpush v8, $0xF  }
0x106: {  	(v2sf) =	vpush v8, $0x9;
	_ =	sdelay $0x3  }
0x107: {  	(v2sf) =	vpush v8, $0x8;
	_ =	sdelay $0x2  }
0x108: {  	s3 =	spop (v2sf)  }
0x109: {  	s12 =	sshra.s32 s3, $0x1F  }
0x10a: {  	(v2sf) =	vpush v8, $0xA;
	s30 =	smul.u32 $0xB38CF9B1, s12  }
0x10b: {  	s4 =	spop (v2sf);
	s23 =	smul.u32 $0x4C73064F, s12  }
0x10c: {  	s13 =	sshra.s32 s4, $0x1F;
	s0 =	smul.u32 $0x72E9959, s12  }
0x10d: {  	s31 =	smul.u32 $0xB38CF9B1, s13  }
0x10e: {  	s8 =	spop (v2sf);
	s24 =	smul.u32 $0x4C73064F, s13  }
0x10f: {  	s14 =	sshra.s32 s8, $0x1F;
	s19 =	spop (v2sf);
	s1 =	smul.u32 $0x72E9959, s13  }
0x110: {  	s15 =	smul.u32 $0xB38CF9B1, s14;
	s11 =	spop (v2sf)  }
0x111: {  	[smem:$0x7CD] =	sst s23;
	s25 =	smul.u32 $0x4C73064F, s14  }
0x112: {  	s16 =	sshra.s32 s19, $0x1F;
	[smem:$0x7E8] =	sst s0;
	s5 =	smul.u32 $0x72E9959, s14  }
0x113: {  	s17 =	smul.u32 $0xB38CF9B1, s16;
	[smem:$0x7CF] =	sst s24  }
0x114: {  	s2 =	spop (v2sf);
	[smem:$0x7EA] =	sst s1  }
0x115: {  	(v2sf) =	vpush v8, $0xB;
	s26 =	smul.u32 $0x4C73064F, s16;
	[smem:$0x7B3] =	sst s15  }
0x116: {  	s18 =	sshra.s32 s11, $0x1F;
	s10 =	smul.u32 $0x72E9959, s16;
	[smem:$0x7D1] =	sst s25  }
0x117: {  	(v2sf) =	vpush v8, $0x1;
	s20 =	smul.u32 $0xB38CF9B1, s18;
	[smem:$0x7EC] =	sst s5  }
0x118: {  	s28 =	smul.u32 $0x4C73064F, s18;
	[smem:$0x7B4] =	sst s17  }
0x119: {  	(v2sf) =	vpush v8, $0x0;
	s1 =	spop (v2sf);
	[smem:$0x7D4] =	sst s26  }
0x11a: {  	s12 =	smul.u32 $0x72E9959, s18;
	[smem:$0x7EF] =	sst s10  }
0x11b: {  	s21 =	sshra.s32 s2, $0x1F;
	s18 =	smulhi.u32 $0xB38CF9B1, s2;
	[smem:$0x7B6] =	sst s20  }
0x11c: {  	s22 =	smul.u32 $0xB38CF9B1, s21;
	[smem:$0x7D6] =	sst s28  }
0x11d: {  	s29 =	smul.u32 $0x4C73064F, s21;
	[smem:$0x7F1] =	sst s12  }
0x11e: {  	s13 =	smul.u32 $0x72E9959, s21;
	[smem:$0x7B7] =	sst s18  }
0x11f: {  	(v2sf) =	vpush v8, $0x2;
	s14 =	sshra.s32 s1, $0x1F;
	s17 =	smulhi.u32 $0xB38CF9B1, s11;
	[smem:$0x7B8] =	sst s22  }
0x120: {  	s15 =	smul.u32 $0xB38CF9B1, s14;
	[smem:$0x7DA] =	sst s29  }
0x121: {  	s16 =	smul.u32 $0x4C73064F, s14;
	[smem:$0x7F3] =	sst s13  }
0x122: {  	s0 =	smul.u32 $0x72E9959, s14;
	[smem:$0x7B5] =	sst s17  }
0x123: {  	s20 =	smulhi.u32 $0xB38CF9B1, s1;
	[smem:$0x7BA] =	sst s15  }
0x124: {  	(v2sf) =	vpush v8, $0x3;
	[smem:$0x7F6] =	sst s0;
	s0 =	spop (v2sf)  }
0x125: {  	(v2sf) =	vpush v8, $0x4;
	[smem:$0x7DC] =	sst s16;
	s22 =	smulhi.u32 $0xB38CF9B1, s0  }
0x126: {  	(v2sf) =	vpush v8, $0x5;
	[smem:$0x7B9] =	sst s20;
	s15 =	spop (v2sf)  }
0x127: {  	s24 =	smulhi.u32 $0xB38CF9B1, s15;
	[smem:$0x7BB] =	sst s22;
	s22 =	sshra.s32 s0, $0x1F  }
0x128: {  	s17 =	spop (v2sf);
	[smem:$0x7E7] =	sst s22  }
0x129: {  	s26 =	smulhi.u32 $0xB38CF9B1, s17;
	s20 =	sshra.s32 s17, $0x1F;
	[smem:$0x7BD] =	sst s24  }
0x12a: {  	(v2sf) =	vpush v8, $0x6;
	s23 =	smul.u32 $0xB38CF9B1, s22;
	[smem:$0x7EE] =	sst s20  }
0x12b: {  	s28 =	smul.u32 $0xB38CF9B1, s20;
	[smem:$0x7BF] =	sst s26  }
0x12c: {  	s22 =	smul.u32 $0x4C73064F, s22;
	[smem:$0x7BC] =	sst s23  }
0x12d: {  	[smem:$0x7C0] =	sst s28  }
0x12e: {  	(v2sf) =	vpush v8, $0x7;
	s9 =	spop (v2sf);
	s23 =	sshra.s32 s15, $0x1F;
	[smem:$0x7E0] =	sst s22  }
0x12f: {  	s29 =	smulhi.u32 $0xB38CF9B1, s9;
	s24 =	sshra.s32 s9, $0x1F;
	[smem:$0x7F5] =	sst s23  }
0x130: {  	s25 =	smul.u32 $0xB38CF9B1, s23;
	[smem:$0x7F8] =	sst s24  }
0x131: {  	s7 =	smul.u32 $0xB38CF9B1, s24;
	[smem:$0x7C1] =	sst s29  }
0x132: {  	[smem:$0x7BE] =	sst s25  }
0x133: {  	s29 =	spop (v2sf);
	[smem:$0x7C2] =	sst s7  }
0x134: {  	s12 =	smulhi.u32 $0xB38CF9B1, s29;
	s7 =	sshra.s32 s29, $0x1F;
	s25 =	spop (v2sf)  }
0x135: {  	s13 =	smul.u32 $0xB38CF9B1, s7;
	s18 =	sshra.s32 s25, $0x1F;
	s28 =	spop (v2sf)  }
0x136: {  	[smem:$0x7C3] =	sst s12;
	s16 =	smul.u32 $0xB38CF9B1, s18  }
0x137: {  	s26 =	smulhi.u32 $0xB38CF9B1, s28;
	[smem:$0x7C4] =	sst s13  }
0x138: {  	s14 =	smulhi.u32 $0xB38CF9B1, s25;
	[smem:$0x7C6] =	sst s16  }
0x139: {  	[smem:$0x7C7] =	sst s26;
	s26 =	sshra.s32 s28, $0x1F;
	s16 =	spop (v2sf)  }
0x13a: {  	[smem:$0x7C5] =	sst s14;
	s12 =	smul.u32 $0xB38CF9B1, s26;
	s14 =	sshra.s32 s16, $0x1F  }
0x13b: {  	s22 =	smulhi.u32 $0x72E9959, s4;
	[smem:$0x7E1] =	sst s14  }
0x13c: {  	s13 =	smulhi.u32 $0xB38CF9B1, s16;
	[smem:$0x7C8] =	sst s12  }
0x13d: {  	s12 =	smul.u32 $0xB38CF9B1, s14;
	s14 =	spop (v2sf)  }
0x13e: {  	[smem:$0x7C9] =	sst s13;
	s13 =	smulhi.u32 $0xB38CF9B1, s14  }
0x13f: {  	[smem:$0x7EB] =	sst s22  }
0x140: {  	[smem:$0x7CB] =	sst s13;
	s13 =	sshra.s32 s14, $0x1F  }
0x141: {  	[smem:$0x7CA] =	sst s12;
	s12 =	smul.u32 $0xB38CF9B1, s13  }
0x142: {  	[smem:$0x7E6] =	sst s13;
	s13 =	smulhi.u32 $0x4C73064F, s3  }
0x143: {  	[smem:$0x7F9] =	sst s7  }
0x144: {  	[smem:$0x7CE] =	sst s13;
	s13 =	smulhi.u32 $0x4C73064F, s4  }
0x145: {  	s6 =	smulhi.u32 $0xB38CF9B1, s4;
	[smem:$0x7FA] =	sst s18  }
0x146: {  	[smem:$0x7D0] =	sst s13;
	s13 =	smulhi.u32 $0x4C73064F, s8  }
0x147: {  	s5 =	smulhi.u32 $0xB38CF9B1, s3;
	[smem:$0x7FC] =	sst s26  }
0x148: {  	[smem:$0x7D2] =	sst s13;
	s13 =	smulhi.u32 $0x4C73064F, s19  }
0x149: {  	[smem:$0x7CC] =	sst s12;
	s12 =	smulhi.u32 $0x72E9959, s19  }
0x14a: {  	[smem:$0x7D5] =	sst s13;
	s13 =	smulhi.u32 $0x4C73064F, s11  }
0x14b: {  	s21 =	smulhi.u32 $0xB38CF9B1, s19;
	[smem:$0x7F0] =	sst s12  }
0x14c: {  	[smem:$0x7D7] =	sst s13;
	s13 =	smulhi.u32 $0x4C73064F, s2  }
0x14d: {  	s21 =	ssub.s32 s21, s19;
	s12 =	sld [smem:$0x7B9];
	s19 =	smulhi.u32 $0x72E9959, s0  }
0x14e: {  	[smem:$0x7DB] =	sst s13;
	s13 =	smulhi.u32 $0x4C73064F, s1  }
0x14f: {  	s10 =	smulhi.u32 $0xB38CF9B1, s8;
	[smem:$0x7FB] =	sst s19  }
0x150: {  	[smem:$0x7DD] =	sst s13;
	s13 =	smulhi.u32 $0x4C73064F, s0  }
0x151: {  	s19 =	smul.u32 $0x4C73064F, s20;
	s20 =	sld [smem:$0x7C3]  }
0x152: {  	[smem:$0x7DF] =	sst s13;
	s13 =	smulhi.u32 $0x72E9959, s3  }
0x153: {  	s3 =	ssub.s32 s5, s3;
	s5 =	ssub.s32 s6, s4;
	s4 =	sld [smem:$0x7B5]  }
0x154: {  	s10 =	ssub.s32 s10, s8;
	s6 =	smulhi.u32 $0x72E9959, s8;
	s8 =	sld [smem:$0x7B7]  }
0x155: {  	s22 =	sadd.s32 s31, s5;
	s31 =	sld [smem:$0x7B4]  }
0x156: {  	s3 =	sadd.s32 s30, s3;
	[smem:$0x7E9] =	sst s13  }
0x157: {  	[smem:$0x7D3] =	sst s3  }
0x158: {  	[smem:$0x7ED] =	sst s6  }
0x159: {  	s30 =	smulhi.u32 $0x72E9959, s11;
	s13 =	sld [smem:$0x7B3]  }
0x15a: {  	s5 =	smulhi.u32 $0x72E9959, s2;
	s6 =	sld [smem:$0x7B6]  }
0x15b: {  	[smem:$0x7F2] =	sst s30  }
0x15c: {  	[smem:$0x7F4] =	sst s5  }
0x15d: {  	s30 =	sld [smem:$0x7BB]  }
0x15e: {  	s11 =	ssub.s32 s4, s11;
	s4 =	sld [smem:$0x7BD]  }
0x15f: {  	s2 =	ssub.s32 s8, s2;
	s5 =	smul.u32 $0x4C73064F, s23;
	s8 =	sld [smem:$0x7BF]  }
0x160: {  	s23 =	sld [smem:$0x7C4]  }
0x161: {  	s3 =	sadd.s32 s13, s10;
	[smem:$0x7E4] =	sst s5  }
0x162: {  	s10 =	smulhi.u32 $0x72E9959, s1;
	s1 =	ssub.s32 s12, s1;
	s12 =	sld [smem:$0x7C2]  }
0x163: {  	s5 =	sld [smem:$0x7C5]  }
0x164: {  	[smem:$0x7D8] =	sst s3  }
0x165: {  	s3 =	sadd.s32 s31, s21;
	s21 =	sld [smem:$0x7BA]  }
0x166: {  	[smem:$0x7DE] =	sst s3  }
0x167: {  	[smem:$0x7F7] =	sst s10  }
0x168: {  	s3 =	sadd.s32 s6, s11;
	s11 =	sld [smem:$0x7B8]  }
0x169: {  	s6 =	sld [smem:$0x7BE]  }
0x16a: {  	[smem:$0x7D9] =	sst s3  }
0x16b: {  	s3 =	sld [smem:$0x7BC]  }
0x16c: {  	s10 =	sld [smem:$0x7C0];
	s13 =	sadd.s32 s11, s2;
	s2 =	smulhi.u32 $0x4C73064F, s15  }
0x16d: {  	s0 =	ssub.s32 s30, s0;
	s11 =	sld [smem:$0x7C1]  }
0x16e: {  	s0 =	sadd.s32 s3, s0;
	[smem:$0x7E3] =	sst s2  }
0x16f: {  	[smem:$0x7E2] =	sst s0;
	s0 =	ssub.s32 s4, s15  }
0x170: {  	s2 =	sadd.s32 s6, s0;
	s6 =	sld [smem:$0x7C6]  }
0x171: {  	s0 =	ssub.s32 s8, s17;
	s8 =	sld [smem:$0x7C7]  }
0x172: {  	s31 =	sadd.s32 s21, s1;
	s1 =	sadd.s32 s10, s0;
	s10 =	sld [smem:$0x7C8]  }
0x173: {  	s0 =	ssub.s32 s11, s9;
	s11 =	sld [smem:$0x7C9]  }
0x174: {  	s3 =	sadd.s32 s12, s0;
	s0 =	ssub.s32 s20, s29;
	s12 =	sld [smem:$0x7CA]  }
0x175: {  	s20 =	sld [smem:$0x7CB];
	s4 =	sadd.s32 s23, s0;
	s0 =	ssub.s32 s5, s25  }
0x176: {  	s5 =	sadd.s32 s6, s0;
	s0 =	ssub.s32 s8, s28;
	s6 =	sld [smem:$0x7CC]  }
0x177: {  	[smem:$0x7FD] =	sst s16;
	s8 =	sadd.s32 s10, s0;
	s0 =	ssub.s32 s11, s16  }
0x178: {  	v26 =	vmov s22;
	s22 =	sld [smem:$0x7D2];
	s10 =	sadd.s32 s12, s0;
	s0 =	ssub.s32 s20, s14  }
0x179: {  	s20 =	sadd.s32 s6, s0;
	s6 =	smul.u32 $0x4C73064F, s18;
	s18 =	sld [smem:$0x7D1]  }
0x17a: {  	v27 =	vmov s13;
	s13 =	sld [smem:$0x7D4]  }
0x17b: {  	s21 =	smulhi.u32 $0x4C73064F, s9;
	v25 =	vmov s1;
	s1 =	sld [smem:$0x7D3]  }
0x17c: {  	s22 =	sadd.s32 s18, s22;
	s18 =	sld [smem:$0x7D5]  }
0x17d: {  	[smem:$0x7E5] =	sst s21;
	v7 =	vnsel vm3, $0x0, v25  }
0x17e: {  	v7 =	vsel vm0, s2, v7;
	v9 =	vsel vm0, s1, v26;
	s1 =	sld [smem:$0x7D6]  }
0x17f: {  	v7 =	vsel vm1, s3, v7;
	s3 =	sadd.s32 s13, s18;
	s13 =	sld [smem:$0x7D7]  }
0x180: {  	s21 =	smul.u32 $0x4C73064F, s7;
	s7 =	sld [smem:$0x7CD]  }
0x181: {  	s18 =	sld [smem:$0x7D8]  }
0x182: {  	s13 =	sadd.s32 s1, s13;
	s1 =	smul.u32 $0x4C73064F, s26;
	s26 =	sld [smem:$0x7D9]  }
0x183: {  	s2 =	sld [smem:$0x7CF]  }
0x184: {  	v9 =	vsel vm1, s18, v9;
	s18 =	sld [smem:$0x7DA]  }
0x185: {  	v10 =	vsel vm0, s26, v27;
	s26 =	sld [smem:$0x7DB]  }
0x186: {  	s12 =	sld [smem:$0x7CE]  }
0x187: {  	s30 =	smulhi.u32 $0x4C73064F, s17;
	v7 =	vsel vm2, s4, v7;
	s4 =	sld [smem:$0x7DC]  }
0x188: {  	s26 =	sadd.s32 s18, s26;
	s18 =	sld [smem:$0x7DD]  }
0x189: {  	v7 =	vsel vm4, s5, v7;
	s5 =	sadd.s32 s19, s30;
	s30 =	sld [smem:$0x7E1]  }
0x18a: {  	s0 =	smulhi.u32 $0x4C73064F, s16;
	s16 =	sld [smem:$0x7E3]  }
0x18b: {  	s4 =	sadd.s32 s4, s18;
	s18 =	sld [smem:$0x7DE]  }
0x18c: {  	s23 =	smul.u32 $0x4C73064F, s24;
	s12 =	sadd.s32 s7, s12;
	s7 =	sld [smem:$0x7D0]  }
0x18d: {  	s24 =	smulhi.u32 $0x4C73064F, s29;
	v10 =	vsel vm1, s31, v10;
	s31 =	sld [smem:$0x7E0]  }
0x18e: {  	v7 =	vsel vm5, s8, v7;
	v9 =	vsel vm2, s18, v9;
	s18 =	sld [smem:$0x7DF]  }
0x18f: {  	v7 =	vsel vm6, s10, v7;
	s10 =	sadd.s32 s21, s24;
	s24 =	sld [smem:$0x7E6]  }
0x190: {  	s19 =	smul.u32 $0x4C73064F, s30;
	v7 =	vsel vm7, s20, v7;
	s20 =	sld [smem:$0x7EB];
	s2 =	sadd.s32 s2, s7  }
0x191: {  	v29 =	vmov s2;
	s31 =	sadd.s32 s31, s18;
	s18 =	sld [smem:$0x7E2]  }
0x192: {  	s0 =	sadd.s32 s19, s0;
	s19 =	sld [smem:$0x7EA];
	v12 =	vsel vm0, s12, v29  }
0x193: {  	v12 =	vsel vm1, s22, v12;
	s22 =	sld [smem:$0x7ED]  }
0x194: {  	v10 =	vsel vm2, s18, v10;
	s18 =	sld [smem:$0x7E4]  }
0x195: {  	v30 =	vmov s26;
	s26 =	sld [smem:$0x7EE]  }
0x196: {  	v28 =	vmov s5;
	s21 =	smul.u32 $0x4C73064F, s24;
	v13 =	vsel vm0, s13, v30;
	s13 =	sld [smem:$0x7F1]  }
0x197: {  	v11 =	vnsel vm3, $0x0, v28;
	s8 =	sadd.s32 s18, s16;
	s18 =	sld [smem:$0x7E5];
	s16 =	smulhi.u32 $0x4C73064F, s14  }
0x198: {  	v11 =	vsel vm0, s8, v11;
	s8 =	sld [smem:$0x7F0]  }
0x199: {  	s9 =	smulhi.u32 $0x72E9959, s9;
	s12 =	sadd.s32 s21, s16;
	s16 =	sld [smem:$0x7E8]  }
0x19a: {  	s11 =	smulhi.u32 $0x4C73064F, s25;
	s21 =	sld [smem:$0x7EC]  }
0x19b: {  	s5 =	sadd.s32 s23, s18;
	s23 =	smov.u32 s14;
	s14 =	sld [smem:$0x7E7]  }
0x19c: {  	s7 =	smulhi.u32 $0x4C73064F, s28;
	s18 =	sld [smem:$0x7E9]  }
0x19d: {  	s6 =	sadd.s32 s6, s11;
	v11 =	vsel vm1, s5, v11;
	s5 =	sadd.s32 s19, s20;
	s19 =	sld [smem:$0x7F5]  }
0x19e: {  	s11 =	sadd.s32 s1, s7;
	s1 =	sadd.s32 s21, s22;
	s21 =	sld [smem:$0x7F6]  }
0x19f: {  	v32 =	vsel vm1, s4, v13;
	s4 =	smulhi.u32 $0x72E9959, s15;
	v11 =	vsel vm2, s10, v11;
	s22 =	sld [smem:$0x7F7]  }
0x1a0: {  	s10 =	smul.u32 $0x72E9959, s26;
	v11 =	vsel vm4, s6, v11;
	s6 =	sld [smem:$0x7EF]  }
0x1a1: {  	s7 =	smul.u32 $0x72E9959, s14;
	s2 =	sadd.s32 s16, s18;
	s16 =	sld [smem:$0x7F2]  }
0x1a2: {  	v9 =	vcombine.low v10, v9;
	s20 =	sshrl.u32 s5, $0x1F;
	s14 =	smulhi.u32 $0x72E9959, s17;
	s17 =	sld [smem:$0x7F3]  }
0x1a3: {  	v31 =	vsel vm2, s3, v12;
	v12 =	vsel vm2, s31, v32;
	s18 =	sld [smem:$0x7F4];
	s31 =	sshrl.u32 s1, $0x1F;
	v11 =	vsel vm5, s11, v11;
	s11 =	smul.u32 $0x72E9959, s19  }
0x1a4: {  	v7 =	vperm.xlane v7, v1;
	v9 =	vperm.xlane v9, v0;
	s26 =	sshrl.u32 s2, $0x1F;
	s19 =	sld [smem:$0x7F9];
	v11 =	vsel vm6, s0, v11;
	s0 =	sadd.s32 s21, s22  }
0x1a5: {  	v34 =	vcombine.low v12, v31;
	v33 =	vmov s20;
	s10 =	sadd.s32 s10, s14;
	s14 =	sld [smem:$0x7F8];
	s21 =	smulhi.u32 $0x72E9959, s25  }
0x1a6: {  	v7 =	vsel vm8, v7, v9;
	v13 =	vsel vm0, s26, v33;
	s26 =	sld [smem:$0x7FA];
	s8 =	sadd.s32 s6, s8;
	s6 =	sadd.s32 s13, s16  }
0x1a7: {  	v9 =	vperm.xlane v34, v0;
	v7 =	vadd.s32 v8, v7;
	v8 =	vsub.s32 $0x0, v8;
	s3 =	sadd.s32 s17, s18;
	s16 =	smulhi.u32 $0x72E9959, s29;
	s4 =	sadd.s32 s11, s4  }
0x1a8: {  	v36 =	vshrl.u32 v7, $0x1F;
	v7 =	vshra.s32 v7, $0x8;
	v43 =	vmov s5;
	s18 =	sshrl.u32 s10, $0x1F;
	s22 =	sshrl.u32 s0, $0x1F;
	s13 =	smul.u32 $0x72E9959, s14  }
0x1a9: {  	v7 =	vadd.s32 v36, v7;
	v14 =	vsel vm0, s2, v43;
	v11 =	vsel vm7, s12, v11;
	s29 =	sld [smem:$0x7FB];
	s15 =	sshrl.u32 s8, $0x1F;
	s12 =	smul.u32 $0x72E9959, s19  }
0x1aa: {  	v35 =	vsel vm1, s31, v13;
	v42 =	vmov s10;
	v11 =	vperm.xlane v11, v1;
	s20 =	sshrl.u32 s3, $0x1F;
	s9 =	sadd.s32 s13, s9;
	s13 =	smul.u32 $0x72E9959, s26  }
0x1ab: {  	s17 =	sshrl.u32 s6, $0x1F;
	v37 =	vmov s18;
	s25 =	sshrl.u32 s4, $0x1F;
	s18 =	smulhi.u32 $0x72E9959, s28;
	v13 =	vnsel vm3, $0x0, v42;
	v38 =	vmov s20  }
0x1ac: {  	v15 =	vmov s3;
	v39 =	vnsel vm3, $0x0, v37;
	s12 =	sadd.s32 s12, s16;
	v41 =	vsel vm0, s17, v38;
	s13 =	sadd.s32 s13, s21;
	s21 =	sld [smem:$0x7FC]  }
0x1ad: {  	v10 =	vsel vm2, s15, v35;
	v40 =	vsel vm0, s25, v39;
	s25 =	smul.u32 $0x72E9959, s30;
	v12 =	vsel vm1, s22, v41;
	s22 =	sld [smem:$0x7FD];
	s31 =	sshrl.u32 s9, $0x1F  }
0x1ae: {  	v13 =	vsel vm0, s4, v13;
	v9 =	vsel vm8, v11, v9;
	s7 =	sadd.s32 s7, s29;
	s29 =	smul.u32 $0x72E9959, s24;
	s15 =	sshrl.u32 s12, $0x1F;
	v11 =	vsel vm1, s31, v40  }
0x1af: {  	v15 =	vsel vm0, s6, v15;
	v13 =	vsel vm1, s9, v13;
	v11 =	vsel vm2, s15, v11;
	s15 =	smul.u32 $0x72E9959, s21  }
0x1b0: {  	v14 =	vsel vm1, s1, v14;
	v15 =	vsel vm1, s0, v15;
	s19 =	sshrl.u32 s7, $0x1F;
	v13 =	vsel vm2, s12, v13;
	s10 =	smulhi.u32 $0x72E9959, s22  }
0x1b1: {  	v14 =	vsel vm2, s8, v14;
	s26 =	smulhi.u32 $0x72E9959, s23;
	v15 =	vsel vm2, s7, v15;
	s20 =	sshrl.u32 s13, $0x1F;
	v13 =	vsel vm4, s13, v13;
	s28 =	sadd.s32 s15, s18  }
0x1b2: {  	v12 =	vsel vm2, s19, v12;
	v11 =	vsel vm4, s20, v11;
	s31 =	sadd.s32 s25, s10;
	s30 =	sshrl.u32 s28, $0x1F;
	v13 =	vsel vm5, s28, v13  }
0x1b3: {  	v14 =	vcombine.low v15, v14;
	s5 =	sadd.s32 s29, s26;
	s4 =	sshrl.u32 s31, $0x1F;
	v11 =	vsel vm5, s30, v11;
	v13 =	vsel vm6, s31, v13  }
0x1b4: {  	v10 =	vcombine.low v12, v10;
	s6 =	sshrl.u32 s5, $0x1F;
	v11 =	vsel vm6, s4, v11;
	v44 =	vsel vm7, s5, v13  }
0x1b5: {  	v45 =	vperm.xlane v14, v0;
	v11 =	vsel vm7, s6, v11;
	v12 =	vperm.xlane v44, v1  }
0x1b6: {  	v8 =	vadd.s32 v8, v9;
	v46 =	vperm.xlane v10, v0;
	v47 =	vperm.xlane v11, v1  }
0x1b7: {  	v48 =	vshrl.u32 v8, $0x1F;
	v8 =	vshra.s32 v8, $0xA;
	v12 =	vsel vm8, v12, v45  }
0x1b8: {  	v8 =	vadd.s32 v48, v8;
	v9 =	vsel vm8, v47, v46;
	v49 =	vshra.s32 v12, $0xA  }
0x1b9: {  	v50 =	vmul.u32 $0xFFFFFE93, v7;
	v6 =	vadd.s32 v6, v8;
	v9 =	vadd.s32 v9, v49  }
0x1ba: {  	v6 =	vadd.s32 v9, v6  }
0x1bb: {  	v6 =	vadd.s32 v50, v6  }
0x1bc: {  	v51 =	vmul.u32 $0x5, v6;
	_ =	sdelay $0x1  }
0x1bd: {  	v8 =	vadd.s32 $0x2, v51  }
0x1be: {  	(v2sf) =	vpush v8, $0xD;
	_ =	sdelay $0x1  }
0x1bf: {  	(v2sf) =	vpush v8, $0xC;
	_ =	sdelay $0x1  }
0x1c0: {  	(v2sf) =	vpush v8, $0xE;
	_ =	sdelay $0x1  }
0x1c1: {  	(v2sf) =	vpush v8, $0xF;
	_ =	sdelay $0x1  }
0x1c2: {  	(v2sf) =	vpush v8, $0x9;
	_ =	sdelay $0x1  }
0x1c3: {  	(v2sf) =	vpush v8, $0x8;
	_ =	sdelay $0x1  }
0x1c4: {  	(v2sf) =	vpush v8, $0xA;
	_ =	sdelay $0x1  }
0x1c5: {  	(v2sf) =	vpush v8, $0xB  }
0x1c6: {  	s7 =	spop (v2sf)  }
0x1c7: {  	(v2sf) =	vpush v8, $0x1;
	s8 =	smulhi.u32 $0xD62B80D7, s7;
	s9 =	sshra.s32 s7, $0x1F  }
0x1c8: {  	s10 =	spop (v2sf);
	s2 =	smul.u32 $0xD62B80D7, s9  }
0x1c9: {  	(v2sf) =	vpush v8, $0x0;
	s11 =	smulhi.u32 $0xD62B80D7, s10;
	s12 =	sshra.s32 s10, $0x1F  }
0x1ca: {  	s13 =	spop (v2sf);
	s5 =	smul.u32 $0xD62B80D7, s12  }
0x1cb: {  	(v2sf) =	vpush v8, $0x2;
	s0 =	ssub.s32 s8, s7;
	s14 =	smulhi.u32 $0xD62B80D7, s13;
	s15 =	sshra.s32 s13, $0x1F  }
0x1cc: {  	s17 =	spop (v2sf);
	s0 =	sadd.s32 s2, s0;
	s16 =	smul.u32 $0xD62B80D7, s15  }
0x1cd: {  	(v2sf) =	vpush v8, $0x3;
	s3 =	ssub.s32 s11, s10;
	s18 =	smulhi.u32 $0xD62B80D7, s17;
	s19 =	sshra.s32 s17, $0x1F  }
0x1ce: {  	s21 =	spop (v2sf);
	s3 =	sadd.s32 s5, s3;
	s20 =	smul.u32 $0xD62B80D7, s19  }
0x1cf: {  	(v2sf) =	vpush v8, $0x4;
	s1 =	ssub.s32 s14, s13;
	s22 =	smulhi.u32 $0xD62B80D7, s21;
	s23 =	sshra.s32 s21, $0x1F  }
0x1d0: {  	s24 =	spop (v2sf);
	s1 =	sadd.s32 s16, s1;
	s9 =	smul.u32 $0xD62B80D7, s23  }
0x1d1: {  	(v2sf) =	vpush v8, $0x5;
	s25 =	ssub.s32 s18, s17;
	s26 =	smulhi.u32 $0xD62B80D7, s24;
	s28 =	sshra.s32 s24, $0x1F  }
0x1d2: {  	s30 =	spop (v2sf);
	s2 =	sadd.s32 s20, s25;
	s29 =	smul.u32 $0xD62B80D7, s28  }
0x1d3: {  	(v2sf) =	vpush v8, $0x6;
	s6 =	ssub.s32 s22, s21;
	s31 =	smulhi.u32 $0xD62B80D7, s30;
	s12 =	sshra.s32 s30, $0x1F  }
0x1d4: {  	s14 =	spop (v2sf);
	s6 =	sadd.s32 s9, s6;
	s13 =	smul.u32 $0xD62B80D7, s12  }
0x1d5: {  	(v2sf) =	vpush v8, $0x7;
	s4 =	ssub.s32 s26, s24;
	s15 =	smulhi.u32 $0xD62B80D7, s14;
	s16 =	sshra.s32 s14, $0x1F  }
0x1d6: {  	s18 =	spop (v2sf);
	s4 =	sadd.s32 s29, s4;
	s17 =	smul.u32 $0xD62B80D7, s16  }
0x1d7: {  	s7 =	ssub.s32 s31, s30;
	s19 =	smulhi.u32 $0xD62B80D7, s18;
	s20 =	sshra.s32 s18, $0x1F  }
0x1d8: {  	s22 =	spop (v2sf);
	s7 =	sadd.s32 s13, s7;
	s21 =	smul.u32 $0xD62B80D7, s20  }
0x1d9: {  	s10 =	ssub.s32 s15, s14;
	s23 =	smulhi.u32 $0xD62B80D7, s22;
	s24 =	sshra.s32 s22, $0x1F  }
0x1da: {  	s5 =	sadd.s32 s17, s10;
	s25 =	smul.u32 $0xD62B80D7, s24;
	s26 =	spop (v2sf)  }
0x1db: {  	s8 =	ssub.s32 s19, s18;
	s28 =	smulhi.u32 $0xD62B80D7, s26;
	s29 =	sshra.s32 s26, $0x1F  }
0x1dc: {  	s8 =	sadd.s32 s21, s8;
	s31 =	spop (v2sf);
	s30 =	smul.u32 $0xD62B80D7, s29  }
0x1dd: {  	s11 =	ssub.s32 s23, s22;
	s18 =	smulhi.u32 $0xD62B80D7, s31;
	s19 =	sshra.s32 s31, $0x1F  }
0x1de: {  	s10 =	sadd.s32 s25, s11;
	s21 =	spop (v2sf);
	s20 =	smul.u32 $0xD62B80D7, s19  }
0x1df: {  	s12 =	ssub.s32 s28, s26;
	s22 =	smulhi.u32 $0xD62B80D7, s21;
	s23 =	sshra.s32 s21, $0x1F  }
0x1e0: {  	s25 =	spop (v2sf);
	s9 =	sadd.s32 s30, s12;
	s24 =	smul.u32 $0xD62B80D7, s23  }
0x1e1: {  	v52 =	vmov s10;
	s26 =	ssub.s32 s18, s31;
	s28 =	smulhi.u32 $0xD62B80D7, s25;
	s29 =	sshra.s32 s25, $0x1F  }
0x1e2: {  	v9 =	vnsel vm3, $0x0, v52;
	s31 =	spop (v2sf);
	s10 =	sadd.s32 s20, s26;
	s30 =	smul.u32 $0xD62B80D7, s29  }
0x1e3: {  	v9 =	vsel vm0, s8, v9;
	s18 =	ssub.s32 s22, s21;
	s19 =	smulhi.u32 $0xD62B80D7, s31;
	s20 =	sshra.s32 s31, $0x1F  }
0x1e4: {  	v53 =	vmov s3;
	v54 =	vmov s4;
	v9 =	vsel vm1, s9, v9;
	s23 =	spop (v2sf);
	s21 =	sadd.s32 s24, s18;
	s22 =	smul.u32 $0xD62B80D7, s20  }
0x1e5: {  	v10 =	vsel vm0, s0, v53;
	v11 =	vsel vm0, s6, v54;
	v9 =	vsel vm2, s10, v9;
	s24 =	ssub.s32 s28, s25;
	s25 =	smulhi.u32 $0xD62B80D7, s23;
	s26 =	sshra.s32 s23, $0x1F  }
0x1e6: {  	v10 =	vsel vm1, s1, v10;
	v11 =	vsel vm1, s7, v11;
	v9 =	vsel vm4, s21, v9;
	s0 =	sadd.s32 s30, s24;
	s28 =	ssub.s32 s19, s31;
	s29 =	smul.u32 $0xD62B80D7, s26  }
0x1e7: {  	v10 =	vsel vm2, s2, v10;
	v11 =	vsel vm2, s5, v11;
	v9 =	vsel vm5, s0, v9;
	s30 =	sadd.s32 s22, s28;
	s31 =	ssub.s32 s25, s23  }
0x1e8: {  	v10 =	vcombine.low v11, v10;
	v9 =	vsel vm6, s30, v9;
	s2 =	sadd.s32 s29, s31  }
0x1e9: {  	v9 =	vsel vm7, s2, v9  }
0x1ea: {  	v10 =	vperm.xlane v10, v0;
	v9 =	vperm.xlane v9, v1;
	_ =	sdelay $0x1  }
0x1eb: {  	v9 =	vsel vm8, v9, v10  }
0x1ec: {  	v8 =	vadd.s32 v8, v9  }
0x1ed: {  	v9 =	vshrl.u32 v8, $0x1F;
	v8 =	vshra.s32 v8, $0x7  }
0x1ee: {  	v8 =	vadd.s32 v9, v8  }
0x1ef: {  	v9 =	vmul.u32 $0x99, v8;
	_ =	sdelay $0x1  }
0x1f0: {  	v9 =	vadd.s32 $0x2, v9  }
0x1f1: {  	(v2sf) =	vpush v9, $0xD;
	_ =	sdelay $0x1  }
0x1f2: {  	(v2sf) =	vpush v9, $0xC  }
0x1f3: {  	(v2sf) =	vpush v9, $0xE  }
0x1f4: {  	(v2sf) =	vpush v9, $0xF  }
0x1f5: {  	(v2sf) =	vpush v9, $0x9  }
0x1f6: {  	(v2sf) =	vpush v9, $0x8  }
0x1f7: {  	(v2sf) =	vpush v9, $0xA  }
0x1f8: {  	(v2sf) =	vpush v9, $0xB  }
0x1f9: {  	(v2sf) =	vpush v9, $0x0  }
0x1fa: {  	(v2sf) =	vpush v9, $0x1  }
0x1fb: {  	(v2sf) =	vpush v9, $0x2  }
0x1fc: {  	(v2sf) =	vpush v9, $0x3  }
0x1fd: {  	(v2sf) =	vpush v9, $0x4  }
0x1fe: {  	(v2sf) =	vpush v9, $0x5  }
0x1ff: {  	s3 =	spop (v2sf);
	(v2sf) =	vpush v9, $0x6;
	_ =	sdelay $0x1  }
0x200: {  	s9 =	spop (v2sf);
	s10 =	smulhi.u32 $0x99999999, s3;
	s16 =	sshra.s32 s3, $0x1F  }
0x201: {  	s2 =	spop (v2sf);
	s7 =	smul.u32 $0x99999999, s16  }
0x202: {  	s17 =	smulhi.u32 $0x99999999, s9;
	s19 =	sshra.s32 s9, $0x1F;
	s4 =	spop (v2sf)  }
0x203: {  	s20 =	smul.u32 $0x99999999, s19;
	s5 =	spop (v2sf)  }
0x204: {  	s29 =	smulhi.u32 $0x99999999, s2;
	s30 =	sshra.s32 s2, $0x1F;
	s6 =	spop (v2sf)  }
0x205: {  	s31 =	smul.u32 $0x99999999, s30;
	s13 =	spop (v2sf)  }
0x206: {  	s0 =	ssub.s32 s10, s3;
	s21 =	smulhi.u32 $0x99999999, s4;
	s14 =	spop (v2sf)  }
0x207: {  	s25 =	sshra.s32 s4, $0x1F;
	s0 =	sadd.s32 s7, s0;
	s15 =	spop (v2sf)  }
0x208: {  	s1 =	ssub.s32 s17, s9;
	s22 =	smul.u32 $0x99999999, s25;
	s16 =	spop (v2sf)  }
0x209: {  	s7 =	smulhi.u32 $0x99999999, s5;
	s26 =	sshra.s32 s5, $0x1F;
	s18 =	spop (v2sf)  }
0x20a: {  	s10 =	sshrl.u32 s0, $0x1F;
	s3 =	sadd.s32 s20, s1;
	s12 =	spop (v2sf)  }
0x20b: {  	s29 =	ssub.s32 s29, s2;
	s23 =	smul.u32 $0x99999999, s26;
	s8 =	spop (v2sf)  }
0x20c: {  	s0 =	sshra.s32 s0, $0x1;
	s24 =	smulhi.u32 $0x99999999, s6;
	s11 =	spop (v2sf)  }
0x20d: {  	s28 =	sshra.s32 s6, $0x1F;
	s1 =	sadd.s32 s31, s29;
	s9 =	spop (v2sf);
	(v2sf) =	vpush v9, $0x7  }
0x20e: {  	s20 =	sshrl.u32 s3, $0x1F;
	s4 =	ssub.s32 s21, s4;
	s30 =	smul.u32 $0x99999999, s28  }
0x20f: {  	s3 =	sshra.s32 s3, $0x1;
	s31 =	smulhi.u32 $0x99999999, s13;
	s25 =	sshra.s32 s13, $0x1F  }
0x210: {  	s5 =	ssub.s32 s7, s5;
	s2 =	sadd.s32 s22, s4;
	s21 =	smul.u32 $0x99999999, s25  }
0x211: {  	s25 =	smulhi.u32 $0x99999999, s14;
	s26 =	sshra.s32 s14, $0x1F;
	s4 =	sadd.s32 s23, s5  }
0x212: {  	s6 =	ssub.s32 s24, s6;
	s24 =	sshrl.u32 s1, $0x1F;
	s28 =	smul.u32 $0x99999999, s26  }
0x213: {  	s23 =	sshrl.u32 s2, $0x1F;
	s22 =	smulhi.u32 $0x99999999, s15;
	s29 =	sshra.s32 s15, $0x1F  }
0x214: {  	s7 =	sadd.s32 s30, s6;
	s30 =	ssub.s32 s31, s13;
	s17 =	smul.u32 $0x99999999, s29  }
0x215: {  	v56 =	vmov s20;
	s20 =	sshra.s32 s4, $0x1;
	s31 =	smulhi.u32 $0x99999999, s16;
	s26 =	sshra.s32 s16, $0x1F  }
0x216: {  	v10 =	vsel vm0, s10, v56;
	s6 =	sadd.s32 s21, s30;
	s14 =	ssub.s32 s25, s14;
	s19 =	smul.u32 $0x99999999, s26  }
0x217: {  	v10 =	vsel vm1, s24, v10;
	s5 =	sadd.s32 s28, s14;
	s28 =	smulhi.u32 $0x99999999, s18;
	s29 =	sshra.s32 s18, $0x1F  }
0x218: {  	v10 =	vsel vm2, s23, v10;
	s15 =	ssub.s32 s22, s15;
	s23 =	sshra.s32 s6, $0x1;
	s21 =	smul.u32 $0x99999999, s29  }
0x219: {  	s13 =	ssub.s32 s31, s16;
	s30 =	smulhi.u32 $0x99999999, s12;
	s31 =	sshra.s32 s12, $0x1F  }
0x21a: {  	s15 =	sadd.s32 s17, s15;
	s17 =	sshrl.u32 s4, $0x1F;
	s22 =	smul.u32 $0x99999999, s31  }
0x21b: {  	s13 =	sadd.s32 s19, s13;
	s25 =	smulhi.u32 $0x99999999, s8;
	s26 =	sshra.s32 s8, $0x1F  }
0x21c: {  	s14 =	ssub.s32 s28, s18;
	s19 =	smul.u32 $0x99999999, s26;
	s28 =	spop (v2sf)  }
0x21d: {  	s12 =	ssub.s32 s30, s12;
	s29 =	smulhi.u32 $0x99999999, s28;
	s30 =	sshra.s32 s28, $0x1F  }
0x21e: {  	s14 =	sadd.s32 s21, s14;
	s12 =	sadd.s32 s22, s12;
	s22 =	smul.u32 $0x99999999, s30  }
0x21f: {  	s31 =	smulhi.u32 $0x99999999, s11;
	s8 =	ssub.s32 s25, s8;
	s16 =	ssub.s32 s29, s28  }
0x220: {  	s21 =	sshrl.u32 s7, $0x1F;
	s19 =	sadd.s32 s19, s8;
	s8 =	sadd.s32 s22, s16  }
0x221: {  	v5 =	vmul.u32 $0x190, v5;
	v58 =	vmov s21;
	s25 =	ssub.s32 s31, s11;
	s11 =	sshra.s32 s11, $0x1F;
	s26 =	sshra.s32 s8, $0x1F  }
0x222: {  	vm10 =	vcmask $0xF0C;
	s31 =	smulhi.u32 $0x99999999, s9;
	v12 =	vsel vm0, s17, v58;
	s17 =	sshra.s32 s7, $0x1;
	s29 =	sshra.s32 s15, $0x1;
	v55 =	vmov s26  }
0x223: {  	v5 =	vadd.s32 v5, v7;
	v59 =	vmov s3;
	s11 =	smul.u32 $0x99999999, s11;
	s28 =	sshrl.u32 s15, $0x1F;
	s15 =	sshra.s32 s15, $0x1F;
	v9 =	vsel vm3, s29, v55  }
0x224: {  	v13 =	vsel vm0, s0, v59;
	s18 =	sshra.s32 s19, $0x1F;
	s24 =	ssub.s32 s31, s9;
	v57 =	vmov s28;
	s22 =	sshra.s32 s13, $0x1;
	v9 =	vsel vm9, s15, v9  }
0x225: {  	v60 =	vmov s17;
	s31 =	sshra.s32 s12, $0x1;
	s30 =	sshrl.u32 s13, $0x1F;
	s13 =	sshra.s32 s13, $0x1F;
	v11 =	vnsel vm3, $0x0, v57;
	v9 =	vsel vm0, s22, v9  }
0x226: {  	v14 =	vsel vm0, s20, v60;
	s10 =	sadd.s32 s11, s25;
	s16 =	sshrl.u32 s14, $0x1F;
	v11 =	vsel vm0, s30, v11;
	s26 =	sshra.s32 s14, $0x1;
	v9 =	vsel vm10, s13, v9  }
0x227: {  	s25 =	sshrl.u32 s12, $0x1F;
	v14 =	vsel vm1, s23, v14;
	s28 =	sshrl.u32 s6, $0x1F;
	s14 =	sshra.s32 s14, $0x1F;
	v11 =	vsel vm1, s16, v11;
	v9 =	vsel vm1, s26, v9  }
0x228: {  	v12 =	vsel vm1, s28, v12;
	s29 =	sshrl.u32 s19, $0x1F;
	s16 =	sshra.s32 s19, $0x1;
	s19 =	sshra.s32 s1, $0x1;
	v11 =	vsel vm2, s25, v11;
	v9 =	vsel vm12, s14, v9  }
0x229: {  	s12 =	sshra.s32 s12, $0x1F;
	s30 =	sshrl.u32 s10, $0x1F;
	v13 =	vsel vm1, s19, v13;
	s25 =	sshra.s32 s5, $0x1;
	v11 =	vsel vm4, s29, v11;
	v9 =	vsel vm2, s31, v9  }
0x22a: {  	s9 =	sshra.s32 s9, $0x1F;
	s22 =	sshra.s32 s2, $0x1;
	v14 =	vsel vm2, s25, v14;
	v11 =	vsel vm5, s30, v11;
	v9 =	vsel vm13, s12, v9  }
0x22b: {  	s9 =	smul.u32 $0x99999999, s9;
	s13 =	sshrl.u32 s5, $0x1F;
	v13 =	vsel vm2, s22, v13;
	vm10 =	vmmov vm9;
	v9 =	vsel vm4, s16, v9  }
0x22c: {  	s21 =	sshra.s32 s10, $0x1;
	vm9 =	vlt.s32 v6, $0x132;
	v12 =	vsel vm2, s13, v12;
	v9 =	vsel vm14, s18, v9  }
0x22d: {  	s9 =	sadd.s32 s9, s24;
	s24 =	sshra.s32 s10, $0x1F;
	v61 =	vsel vm9, $0x3, v2;
	v62 =	vcombine.low v14, v13;
	v9 =	vsel vm5, s21, v9  }
0x22e: {  	s26 =	sshra.s32 s9, $0x1;
	s14 =	sshrl.u32 s9, $0x1F;
	v10 =	vcombine.low v12, v10;
	v8 =	vadd.s32 v61, v8;
	v9 =	vsel vm15, s24, v9  }
0x22f: {  	s28 =	sshra.s32 s9, $0x1F;
	s15 =	sshrl.u32 s8, $0x1F;
	v11 =	vsel vm6, s14, v11;
	vm9 =	vlt.s32 v8, $0x3;
	v9 =	vsel vm6, s26, v9  }
0x230: {  	s29 =	sshra.s32 s8, $0x1;
	v7 =	vperm.xlane v62, v0;
	v11 =	vsel vm7, s15, v11;
	v9 =	vsel vm11, s28, v9  }
0x231: {  	v10 =	vperm.xlane v10, v0;
	v63 =	vsel vm9, $0x1, v3;
	v9 =	vsel vm7, s29, v9  }
0x232: {  	v11 =	vperm.xlane v11, v1;
	v5 =	vadd.s32 v63, v5;
	v9 =	vperm.xlane v9, v1  }
0x233: {  	v8 =	vshll.u32 v8, $0x5;
	v5 =	vmax.u32 v5, $0x7D0  }
0x234: {  	s30 =	rddreg [dreg:$0xf];
	v10 =	vsel vm8, v11, v10;
	v5 =	vmin.u32 v5, $0x801;
	v7 =	vsel vm8, v9, v7  }
0x235: {  	p0 =	sne.s32 s30, $0x13C0;
	v6 =	vadd.s32 v8, v6;
	v5 =	vmul.u32 $0x1A0, v5;
	v7 =	vadd.s32 v10, v7  }
.Ltmp0:
0x236: {  	v6 =	vadd.s32 v7, v6;
	(pc) =	sbr.rel @p0 .LBB2_2-.Ltmp0, $4  }
0x237: {  	v5 =	vadd.s32 v5, v6  }
0x238: {  	vm9 =	veq.s32 v4, $0x0;
	v5 =	vadd.s32 $0xFFF34FA1, v5  }
0x239: {  	s31 =	rddreg [dreg:$0x15];
	v4 =	vsel vm9, $0x0, v5  }
0x23a: {  	s0 =	sadd.s32 $0x40, s30;
	vm9 =	vmmov vm10;
	[tilespmem:s31+$0x1900] =	vst v4  }
0x23b: {  	s0 =	rddreg [dreg:$0x3]  }
0x23c: {  	s1 =	simm.s32 $0x80;
	s2 =	simm.s32 $0x1900;
	s3 =	simm.s32 $0x3200  }
0x23d: {  	[tilespmem:s3], [sflag:$0x1] =	stream.indirect.gather [hbm4b:s0+s1], $0x20, s2, s1, $0xb8;
	[tilespmem:$0x17200] =	vst v63  }
0x23e: {  	s13 =	simm.s32 $0x1980;
	s14 =	simm.s32 $0x4200  }
0x23f: {  	[tilespmem:s14], [sflag:$0x1] =	stream.indirect.gather [hbm4b:s0+s1], $0x20, s13, s1, $0xb8;
	[tilespmem:$0x17200] =	vst v63  }
0x240: {  	s15 =	simm.s32 $0x1A00;
	s16 =	simm.s32 $0x5200  }
0x241: {  	[tilespmem:s16], [sflag:$0x1] =	stream.indirect.gather [hbm4b:s0+s1], $0x20, s15, s1, $0xb8;
	[tilespmem:$0x17200] =	vst v63  }
0x242: {  	s17 =	simm.s32 $0x1A80;
	s18 =	simm.s32 $0x6200  }
0x243: {  	[tilespmem:s18], [sflag:$0x1] =	stream.indirect.gather [hbm4b:s0+s1], $0x20, s17, s1, $0xb8;
	[tilespmem:$0x17200] =	vst v63  }
0x244: {  	s19 =	simm.s32 $0x1B00;
	s20 =	simm.s32 $0x7200  }
0x245: {  	[tilespmem:s20], [sflag:$0x1] =	stream.indirect.gather [hbm4b:s0+s1], $0x20, s19, s1, $0xb8;
	[tilespmem:$0x17200] =	vst v63  }
0x246: {  	s21 =	simm.s32 $0x1B80;
	s22 =	simm.s32 $0x8200  }
0x247: {  	[tilespmem:s22], [sflag:$0x1] =	stream.indirect.gather [hbm4b:s0+s1], $0x20, s21, s1, $0xb8;
	[tilespmem:$0x17200] =	vst v63  }
0x248: {  	s23 =	simm.s32 $0x1C00;
	s24 =	simm.s32 $0x9200  }
0x249: {  	[tilespmem:s24], [sflag:$0x1] =	stream.indirect.gather [hbm4b:s0+s1], $0x20, s23, s1, $0xb8;
	[tilespmem:$0x17200] =	vst v63  }
0x24a: {  	s25 =	simm.s32 $0x1C80;
	s26 =	simm.s32 $0xA200  }
0x24b: {  	[tilespmem:s26], [sflag:$0x1] =	stream.indirect.gather [hbm4b:s0+s1], $0x20, s25, s1, $0xb8;
	[tilespmem:$0x17200] =	vst v63  }
0x24c: {  	s28 =	simm.s32 $0x1D00;
	s29 =	simm.s32 $0xB200  }
0x24d: {  	[tilespmem:s29], [sflag:$0x1] =	stream.indirect.gather [hbm4b:s0+s1], $0x20, s28, s1, $0xb8;
	[tilespmem:$0x17200] =	vst v63  }
0x24e: {  	s30 =	simm.s32 $0x1D80;
	s31 =	simm.s32 $0xC200  }
0x24f: {  	[tilespmem:s31], [sflag:$0x1] =	stream.indirect.gather [hbm4b:s0+s1], $0x20, s30, s1, $0xb8;
	[tilespmem:$0x17200] =	vst v63  }
0x250: {  	s0 =	simm.s32 $0x0  }
.LBB2_4:
0x251: {  	s16 =	sshra.s32 s0, $0x2  }
0x252: {  	v4 =	vld [tilespmem:s16+$0x500];
	_ =	sdelay $0x4  }
0x253: {  	(v2sf) =	vpush v4, $0xD;
	_ =	sdelay $0x1  }
0x254: {  	(v2sf) =	vpush v4, $0xC;
	_ =	sdelay $0x1  }
0x255: {  	(v2sf) =	vpush v4, $0xE;
	_ =	sdelay $0x1  }
0x256: {  	(v2sf) =	vpush v4, $0xF;
	_ =	sdelay $0x1  }
0x257: {  	(v2sf) =	vpush v4, $0x9;
	_ =	sdelay $0x1  }
0x258: {  	(v2sf) =	vpush v4, $0x8;
	_ =	sdelay $0x1  }
0x259: {  	(v2sf) =	vpush v4, $0xA;
	_ =	sdelay $0x1  }
0x25a: {  	(v2sf) =	vpush v4, $0xB  }
0x25b: {  	s17 =	spop (v2sf)  }
0x25c: {  	[dreg:$0x10] =	wrdreg s0;
	(v2sf) =	vpush v4, $0x1;
	s1 =	smulhi.u32 $0xC22E4507, s17;
	s2 =	sshra.s32 s17, $0x1F  }
0x25d: {  	s3 =	spop (v2sf);
	s2 =	smul.u32 $0xC22E4507, s2  }
0x25e: {  	[dreg:$0x11] =	wrdreg s16;
	(v2sf) =	vpush v4, $0x0;
	s4 =	smulhi.u32 $0xC22E4507, s3;
	s5 =	sshra.s32 s3, $0x1F  }
0x25f: {  	s6 =	spop (v2sf);
	s5 =	smul.u32 $0xC22E4507, s5  }
0x260: {  	(v2sf) =	vpush v4, $0x2;
	s0 =	ssub.s32 s1, s17;
	s18 =	smulhi.u32 $0xC22E4507, s6;
	s7 =	sshra.s32 s6, $0x1F  }
0x261: {  	s20 =	spop (v2sf);
	s0 =	sadd.s32 s2, s0;
	s19 =	smul.u32 $0xC22E4507, s7  }
0x262: {  	(v2sf) =	vpush v4, $0x3;
	s3 =	ssub.s32 s4, s3;
	s21 =	smulhi.u32 $0xC22E4507, s20;
	s8 =	sshra.s32 s20, $0x1F  }
0x263: {  	s23 =	spop (v2sf);
	s3 =	sadd.s32 s5, s3;
	s22 =	smul.u32 $0xC22E4507, s8  }
0x264: {  	(v2sf) =	vpush v4, $0x4;
	s1 =	ssub.s32 s18, s6;
	s24 =	smulhi.u32 $0xC22E4507, s23;
	s9 =	sshra.s32 s23, $0x1F  }
0x265: {  	s10 =	spop (v2sf);
	s1 =	sadd.s32 s19, s1;
	s9 =	smul.u32 $0xC22E4507, s9  }
0x266: {  	(v2sf) =	vpush v4, $0x5;
	s25 =	ssub.s32 s21, s20;
	s26 =	smulhi.u32 $0xC22E4507, s10;
	s28 =	sshra.s32 s10, $0x1F  }
0x267: {  	s30 =	spop (v2sf);
	s2 =	sadd.s32 s22, s25;
	s29 =	smul.u32 $0xC22E4507, s28  }
0x268: {  	(v2sf) =	vpush v4, $0x6;
	s6 =	ssub.s32 s24, s23;
	s31 =	smulhi.u32 $0xC22E4507, s30;
	s11 =	sshra.s32 s30, $0x1F  }
0x269: {  	s14 =	spop (v2sf);
	s6 =	sadd.s32 s9, s6;
	s11 =	smul.u32 $0xC22E4507, s11  }
0x26a: {  	(v2sf) =	vpush v4, $0x7;
	s4 =	ssub.s32 s26, s10;
	s15 =	smulhi.u32 $0xC22E4507, s14;
	s12 =	sshra.s32 s14, $0x1F  }
0x26b: {  	s4 =	sadd.s32 s29, s4;
	s16 =	smul.u32 $0xC22E4507, s12;
	s17 =	spop (v2sf)  }
0x26c: {  	s7 =	ssub.s32 s31, s30;
	s18 =	smulhi.u32 $0xC22E4507, s17;
	s13 =	sshra.s32 s17, $0x1F  }
0x26d: {  	s7 =	sadd.s32 s11, s7;
	s20 =	spop (v2sf);
	s19 =	smul.u32 $0xC22E4507, s13  }
0x26e: {  	s10 =	ssub.s32 s15, s14;
	s21 =	smulhi.u32 $0xC22E4507, s20;
	s14 =	sshra.s32 s20, $0x1F  }
0x26f: {  	s5 =	sadd.s32 s16, s10;
	s23 =	spop (v2sf);
	s22 =	smul.u32 $0xC22E4507, s14  }
0x270: {  	s8 =	ssub.s32 s18, s17;
	s24 =	smulhi.u32 $0xC22E4507, s23;
	s15 =	sshra.s32 s23, $0x1F  }
0x271: {  	s26 =	spop (v2sf);
	s8 =	sadd.s32 s19, s8;
	s25 =	smul.u32 $0xC22E4507, s15  }
0x272: {  	s11 =	ssub.s32 s21, s20;
	s28 =	smulhi.u32 $0xC22E4507, s26;
	s16 =	sshra.s32 s26, $0x1F  }
0x273: {  	s30 =	spop (v2sf);
	s10 =	sadd.s32 s22, s11;
	s29 =	smul.u32 $0xC22E4507, s16  }
0x274: {  	s12 =	ssub.s32 s24, s23;
	s31 =	smulhi.u32 $0xC22E4507, s30;
	s17 =	sshra.s32 s30, $0x1F  }
0x275: {  	s19 =	spop (v2sf);
	s9 =	sadd.s32 s25, s12;
	s18 =	smul.u32 $0xC22E4507, s17  }
0x276: {  	v5 =	vmov s10;
	s20 =	ssub.s32 s28, s26;
	s21 =	smulhi.u32 $0xC22E4507, s19;
	s22 =	sshra.s32 s19, $0x1F  }
0x277: {  	s24 =	spop (v2sf);
	v5 =	vnsel vm3, $0x0, v5;
	s10 =	sadd.s32 s29, s20;
	s23 =	smul.u32 $0xC22E4507, s22  }
0x278: {  	s25 =	ssub.s32 s31, s30;
	s26 =	smulhi.u32 $0xC22E4507, s24;
	s28 =	sshra.s32 s24, $0x1F;
	v5 =	vsel vm0, s8, v5  }
0x279: {  	v6 =	vmov s3;
	v7 =	vmov s4;
	s31 =	spop (v2sf);
	s29 =	sadd.s32 s18, s25;
	s30 =	smul.u32 $0xC22E4507, s28;
	v5 =	vsel vm1, s9, v5  }
0x27a: {  	v6 =	vsel vm0, s0, v6;
	v7 =	vsel vm0, s6, v7;
	s12 =	ssub.s32 s21, s19;
	s13 =	smulhi.u32 $0xC22E4507, s31;
	s16 =	sshra.s32 s31, $0x1F;
	v5 =	vsel vm2, s10, v5  }
0x27b: {  	v6 =	vsel vm1, s1, v6;
	v7 =	vsel vm1, s7, v7;
	s0 =	sadd.s32 s23, s12;
	s17 =	ssub.s32 s26, s24;
	s18 =	smul.u32 $0xC22E4507, s16;
	v5 =	vsel vm4, s29, v5  }
0x27c: {  	v6 =	vsel vm2, s2, v6;
	v7 =	vsel vm2, s5, v7;
	s19 =	sadd.s32 s30, s17;
	s20 =	ssub.s32 s13, s31;
	v5 =	vsel vm5, s0, v5  }
0x27d: {  	v6 =	vcombine.low v7, v6;
	s21 =	sadd.s32 s18, s20;
	v5 =	vsel vm6, s19, v5  }
0x27e: {  	v5 =	vsel vm7, s21, v5  }
0x27f: {  	v6 =	vperm.xlane v6, v0;
	v5 =	vperm.xlane v5, v1;
	_ =	sdelay $0x1  }
0x280: {  	v5 =	vsel vm8, v5, v6  }
0x281: {  	v5 =	vadd.s32 v4, v5  }
0x282: {  	v15 =	vshrl.u32 v5, $0x1F;
	v5 =	vshra.s32 v5, $0x10  }
0x283: {  	v5 =	vadd.s32 v15, v5  }
0x284: {  	v6 =	vadd.s32 $0xAFA6C, v5  }
0x285: {  	v5 =	vmulhi.u32 $0x396B06BD, v6;
	_ =	sdelay $0x1  }
0x286: {  	v5 =	vshrl.u32 v5, $0xF  }
0x287: {  	v16 =	vmul.u32 $0xFFFDC54F, v5;
	_ =	sdelay $0x1  }
0x288: {  	v6 =	vadd.s32 v6, v16  }
0x289: {  	(v2sf) =	vpush v6, $0xD;
	_ =	sdelay $0x2  }
0x28a: {  	(v2sf) =	vpush v6, $0xC;
	_ =	sdelay $0x2  }
0x28b: {  	(v2sf) =	vpush v6, $0xE  }
0x28c: {  	(v2sf) =	vpush v6, $0xF;
	_ =	sdelay $0x1  }
0x28d: {  	(v2sf) =	vpush v6, $0x9;
	_ =	sdelay $0x3  }
0x28e: {  	(v2sf) =	vpush v6, $0x8;
	_ =	sdelay $0x1  }
0x28f: {  	s19 =	spop (v2sf)  }
0x290: {  	s22 =	sshra.s32 s19, $0x1F  }
0x291: {  	s23 =	smul.u32 $0x4C73064F, s22  }
0x292: {  	s5 =	spop (v2sf);
	s11 =	smul.u32 $0xE5AC81FB, s22  }
0x293: {  	s24 =	sshra.s32 s5, $0x1F;
	s0 =	smul.u32 $0x1A537E05, s22  }
0x294: {  	s25 =	smul.u32 $0x4C73064F, s24  }
0x295: {  	s14 =	spop (v2sf);
	s13 =	smul.u32 $0xE5AC81FB, s24  }
0x296: {  	(v2sf) =	vpush v6, $0xA;
	s26 =	sshra.s32 s14, $0x1F;
	s12 =	spop (v2sf);
	s21 =	smul.u32 $0x1A537E05, s24  }
0x297: {  	[smem:$0x6D4] =	sst s23;
	s28 =	smul.u32 $0x4C73064F, s26  }
0x298: {  	s17 =	spop (v2sf);
	[smem:$0x6EB] =	sst s11  }
0x299: {  	(v2sf) =	vpush v6, $0xB;
	s15 =	smul.u32 $0xE5AC81FB, s26;
	[smem:$0x70D] =	sst s0  }
0x29a: {  	s29 =	sshra.s32 s12, $0x1F;
	s22 =	smul.u32 $0x1A537E05, s26;
	[smem:$0x6D5] =	sst s25  }
0x29b: {  	s30 =	smul.u32 $0x4C73064F, s29;
	[smem:$0x6EC] =	sst s13  }
0x29c: {  	(v2sf) =	vpush v6, $0x1;
	s8 =	spop (v2sf);
	[smem:$0x70F] =	sst s21  }
0x29d: {  	s16 =	smul.u32 $0xE5AC81FB, s29;
	[smem:$0x6D6] =	sst s28  }
0x29e: {  	s31 =	sshra.s32 s17, $0x1F;
	s23 =	smul.u32 $0x1A537E05, s29;
	[smem:$0x6ED] =	sst s15  }
0x29f: {  	s7 =	smul.u32 $0x4C73064F, s31;
	[smem:$0x713] =	sst s22  }
0x2a0: {  	s18 =	smul.u32 $0xE5AC81FB, s31;
	[smem:$0x6D7] =	sst s30  }
0x2a1: {  	s9 =	sshra.s32 s8, $0x1F;
	s24 =	smul.u32 $0x1A537E05, s31;
	[smem:$0x6EF] =	sst s16  }
0x2a2: {  	s10 =	smul.u32 $0x4C73064F, s9;
	[smem:$0x715] =	sst s23  }
0x2a3: {  	s20 =	smul.u32 $0xE5AC81FB, s9;
	[smem:$0x6D8] =	sst s7  }
0x2a4: {  	(v2sf) =	vpush v6, $0x0;
	s25 =	smul.u32 $0x1A537E05, s9;
	[smem:$0x6F1] =	sst s18  }
0x2a5: {  	[smem:$0x6D9] =	sst s10;
	s10 =	spop (v2sf)  }
0x2a6: {  	[smem:$0x71A] =	sst s24;
	s24 =	smulhi.u32 $0x4C73064F, s8;
	s26 =	sshra.s32 s10, $0x1F  }
0x2a7: {  	[smem:$0x6F4] =	sst s20;
	s28 =	smul.u32 $0x4C73064F, s26  }
0x2a8: {  	(v2sf) =	vpush v6, $0x2;
	s3 =	spop (v2sf);
	s29 =	smul.u32 $0xE5AC81FB, s26  }
0x2a9: {  	[smem:$0x716] =	sst s25;
	s0 =	smul.u32 $0x1A537E05, s26;
	s30 =	sshra.s32 s3, $0x1F  }
0x2aa: {  	(v2sf) =	vpush v6, $0x3;
	[smem:$0x6DA] =	sst s24;
	s31 =	smul.u32 $0x4C73064F, s30  }
0x2ab: {  	s13 =	spop (v2sf);
	s2 =	smul.u32 $0xE5AC81FB, s30  }
0x2ac: {  	s1 =	smulhi.u32 $0x4C73064F, s13;
	[smem:$0x6DB] =	sst s28  }
0x2ad: {  	s4 =	sshra.s32 s13, $0x1F;
	[dreg:$0x1c] =	wrdreg s0;
	s0 =	smul.u32 $0x1A537E05, s30  }
0x2ae: {  	(v2sf) =	vpush v6, $0x4;
	[smem:$0x6F8] =	sst s29;
	s6 =	smul.u32 $0x4C73064F, s4  }
0x2af: {  	s7 =	smul.u32 $0xE5AC81FB, s4;
	[smem:$0x6DD] =	sst s31  }
0x2b0: {  	s30 =	smulhi.u32 $0x4C73064F, s5;
	[smem:$0x6FC] =	sst s2  }
0x2b1: {  	s28 =	smulhi.u32 $0x4C73064F, s10;
	[smem:$0x6E0] =	sst s1  }
0x2b2: {  	s29 =	smulhi.u32 $0x4C73064F, s3;
	[dreg:$0x17] =	wrdreg s0  }
0x2b3: {  	[smem:$0x6DF] =	sst s6;
	s6 =	spop (v2sf)  }
0x2b4: {  	(v2sf) =	vpush v6, $0x5;
	[smem:$0x703] =	sst s7;
	s0 =	smul.u32 $0x1A537E05, s4  }
0x2b5: {  	s7 =	smulhi.u32 $0x4C73064F, s19;
	[smem:$0x6DC] =	sst s28  }
0x2b6: {  	[smem:$0x6DE] =	sst s29;
	s9 =	sshra.s32 s6, $0x1F;
	s4 =	smulhi.u32 $0x4C73064F, s6  }
0x2b7: {  	s25 =	spop (v2sf);
	s11 =	smul.u32 $0x4C73064F, s9  }
0x2b8: {  	[smem:$0x717] =	sst s0;
	s15 =	smul.u32 $0xE5AC81FB, s9  }
0x2b9: {  	(v2sf) =	vpush v6, $0x6;
	s0 =	smul.u32 $0x1A537E05, s9;
	s26 =	spop (v2sf)  }
0x2ba: {  	s16 =	sshra.s32 s25, $0x1F;
	s9 =	smulhi.u32 $0x4C73064F, s25;
	[smem:$0x6E2] =	sst s4  }
0x2bb: {  	s18 =	smul.u32 $0x4C73064F, s16;
	[smem:$0x6E1] =	sst s11  }
0x2bc: {  	s20 =	smul.u32 $0xE5AC81FB, s16;
	[smem:$0x701] =	sst s15  }
0x2bd: {  	s4 =	spop (v2sf);
	[smem:$0x711] =	sst s0  }
0x2be: {  	s21 =	sshra.s32 s26, $0x1F;
	s0 =	smul.u32 $0x1A537E05, s16;
	[smem:$0x6E4] =	sst s9  }
0x2bf: {  	s22 =	smul.u32 $0x4C73064F, s21;
	[smem:$0x6E3] =	sst s18  }
0x2c0: {  	(v2sf) =	vpush v6, $0x7;
	s23 =	smul.u32 $0xE5AC81FB, s21;
	[smem:$0x705] =	sst s20  }
0x2c1: {  	s11 =	smulhi.u32 $0x4C73064F, s26;
	[smem:$0x719] =	sst s0  }
0x2c2: {  	s15 =	smulhi.u32 $0x4C73064F, s4;
	[smem:$0x6E5] =	sst s22  }
0x2c3: {  	s28 =	spop (v2sf);
	[smem:$0x707] =	sst s23  }
0x2c4: {  	s20 =	smulhi.u32 $0x4C73064F, s28;
	[smem:$0x6E6] =	sst s11  }
0x2c5: {  	s0 =	smul.u32 $0x1A537E05, s21;
	[smem:$0x6E7] =	sst s15  }
0x2c6: {  	s21 =	sshra.s32 s28, $0x1F;
	s11 =	smulhi.u32 $0xE5AC81FB, s12;
	[smem:$0x6E9] =	sst s20  }
0x2c7: {  	s22 =	smul.u32 $0x4C73064F, s21;
	[smem:$0x712] =	sst s21  }
0x2c8: {  	s20 =	spop (v2sf);
	[smem:$0x71B] =	sst s0  }
0x2c9: {  	s1 =	smov.u32 s21;
	s24 =	smulhi.u32 $0x4C73064F, s20;
	[smem:$0x6EE] =	sst s11  }
0x2ca: {  	s23 =	sshra.s32 s20, $0x1F;
	s11 =	smulhi.u32 $0xE5AC81FB, s17;
	[smem:$0x6EA] =	sst s22  }
0x2cb: {  	s0 =	sshra.s32 s4, $0x1F;
	s1 =	smul.u32 $0xE5AC81FB, s1;
	[smem:$0x70B] =	sst s23  }
0x2cc: {  	s18 =	smul.u32 $0x4C73064F, s0;
	[smem:$0x6F0] =	sst s11  }
0x2cd: {  	s21 =	smul.u32 $0x4C73064F, s23;
	[smem:$0x70C] =	sst s1  }
0x2ce: {  	s11 =	smulhi.u32 $0xE5AC81FB, s8;
	s1 =	sld [smem:$0x6E9]  }
0x2cf: {  	[smem:$0x6E8] =	sst s18;
	s18 =	spop (v2sf)  }
0x2d0: {  	s29 =	sshra.s32 s18, $0x1F;
	[smem:$0x6F2] =	sst s11;
	s11 =	smulhi.u32 $0xE5AC81FB, s10  }
0x2d1: {  	s21 =	sadd.s32 s21, s24;
	s24 =	smulhi.u32 $0x1A537E05, s19;
	[smem:$0x718] =	sst s29  }
0x2d2: {  	[smem:$0x6F5] =	sst s11;
	s11 =	smulhi.u32 $0xE5AC81FB, s3  }
0x2d3: {  	s15 =	smulhi.u32 $0xE5AC81FB, s19;
	[smem:$0x70E] =	sst s24  }
0x2d4: {  	[smem:$0x6F9] =	sst s11;
	s11 =	smulhi.u32 $0xE5AC81FB, s13  }
0x2d5: {  	s23 =	smulhi.u32 $0xE5AC81FB, s5;
	s24 =	ssub.s32 s15, s19;
	s19 =	sld [smem:$0x6EB]  }
0x2d6: {  	s15 =	smulhi.u32 $0x1A537E05, s5;
	[smem:$0x700] =	sst s11  }
0x2d7: {  	s5 =	ssub.s32 s23, s5;
	s23 =	smulhi.u32 $0x1A537E05, s14;
	s11 =	sld [smem:$0x6D4]  }
0x2d8: {  	s22 =	smulhi.u32 $0x4C73064F, s18;
	[smem:$0x710] =	sst s15  }
0x2d9: {  	s9 =	smul.u32 $0x4C73064F, s29;
	[smem:$0x714] =	sst s23  }
0x2da: {  	s15 =	sld [smem:$0x6EF];
	s7 =	sadd.s32 s11, s7;
	s11 =	smulhi.u32 $0xE5AC81FB, s6  }
0x2db: {  	s22 =	sadd.s32 s9, s22;
	s9 =	sadd.s32 s19, s24;
	s24 =	sld [smem:$0x6EC]  }
0x2dc: {  	[smem:$0x6FD] =	sst s11  }
0x2dd: {  	s11 =	sld [smem:$0x6D5]  }
0x2de: {  	s5 =	sadd.s32 s24, s5;
	s24 =	sld [smem:$0x6F0]  }
0x2df: {  	[smem:$0x6F6] =	sst s7  }
0x2e0: {  	s7 =	sadd.s32 s11, s30;
	s11 =	sld [smem:$0x6D6]  }
0x2e1: {  	s30 =	smulhi.u32 $0xE5AC81FB, s25;
	[smem:$0x6F3] =	sst s7  }
0x2e2: {  	s29 =	smulhi.u32 $0xE5AC81FB, s14;
	s7 =	sld [smem:$0x6D7]  }
0x2e3: {  	s2 =	smulhi.u32 $0x4C73064F, s14;
	[smem:$0x704] =	sst s30  }
0x2e4: {  	s16 =	smulhi.u32 $0x4C73064F, s17;
	s14 =	ssub.s32 s29, s14;
	s30 =	sld [smem:$0x6D9]  }
0x2e5: {  	s29 =	smulhi.u32 $0x1A537E05, s17;
	s17 =	ssub.s32 s24, s17;
	s24 =	sld [smem:$0x6F3]  }
0x2e6: {  	s31 =	smulhi.u32 $0x4C73064F, s12;
	s2 =	sadd.s32 s11, s2;
	s11 =	sld [smem:$0x6D8]  }
0x2e7: {  	[smem:$0x6FA] =	sst s2  }
0x2e8: {  	s2 =	sadd.s32 s7, s31;
	s31 =	sld [smem:$0x6DA]  }
0x2e9: {  	s7 =	sld [smem:$0x6DB]  }
0x2ea: {  	[smem:$0x6FE] =	sst s2  }
0x2eb: {  	s2 =	sadd.s32 s11, s16;
	s11 =	sld [smem:$0x6DC]  }
0x2ec: {  	[smem:$0x6FB] =	sst s2  }
0x2ed: {  	v8 =	vmov s24;
	s24 =	smulhi.u32 $0x1A537E05, s3;
	s2 =	sadd.s32 s30, s31;
	s30 =	sld [smem:$0x6DD]  }
0x2ee: {  	s16 =	smulhi.u32 $0xE5AC81FB, s26;
	s31 =	sld [smem:$0x6DE]  }
0x2ef: {  	[smem:$0x71D] =	sst s24  }
0x2f0: {  	[smem:$0x706] =	sst s16  }
0x2f1: {  	[smem:$0x6F7] =	sst s2  }
0x2f2: {  	s24 =	sld [smem:$0x6FB]  }
0x2f3: {  	s2 =	sadd.s32 s7, s11;
	s7 =	sld [smem:$0x6DF]  }
0x2f4: {  	s11 =	sld [smem:$0x6E0]  }
0x2f5: {  	v11 =	vmov s5;
	s16 =	smulhi.u32 $0xE5AC81FB, s4;
	s5 =	sld [smem:$0x706]  }
0x2f6: {  	[smem:$0x6FF] =	sst s2  }
0x2f7: {  	[smem:$0x708] =	sst s16  }
0x2f8: {  	s2 =	sadd.s32 s30, s31;
	s30 =	sld [smem:$0x6E1]  }
0x2f9: {  	s16 =	smul.u32 $0xE5AC81FB, s0;
	s31 =	sld [smem:$0x6E2]  }
0x2fa: {  	[smem:$0x702] =	sst s2  }
0x2fb: {  	[smem:$0x709] =	sst s16  }
0x2fc: {  	s16 =	sld [smem:$0x6E3]  }
0x2fd: {  	s2 =	sadd.s32 s30, s31;
	s30 =	sld [smem:$0x6E4];
	s31 =	smulhi.u32 $0xE5AC81FB, s28  }
0x2fe: {  	v17 =	vmov s2;
	s2 =	sld [smem:$0x6ED]  }
0x2ff: {  	[smem:$0x70A] =	sst s31  }
0x300: {  	s31 =	sld [smem:$0x6E7]  }
0x301: {  	s7 =	sadd.s32 s7, s11;
	s11 =	sadd.s32 s16, s30;
	s16 =	sld [smem:$0x6E5]  }
0x302: {  	v7 =	vnsel vm3, $0x0, v17;
	s30 =	sld [smem:$0x6E6]  }
0x303: {  	v7 =	vsel vm0, s7, v7;
	s7 =	sld [smem:$0x6F2]  }
0x304: {  	s23 =	sadd.s32 s2, s14;
	s14 =	sld [smem:$0x6EE]  }
0x305: {  	s2 =	sld [smem:$0x6F1]  }
0x306: {  	v11 =	vsel vm0, s9, v11;
	v7 =	vsel vm1, s11, v7;
	s11 =	sld [smem:$0x6F5]  }
0x307: {  	v18 =	vsel vm1, s23, v11;
	s23 =	sld [smem:$0x71A]  }
0x308: {  	s19 =	smulhi.u32 $0x1A537E05, s12;
	s16 =	sadd.s32 s16, s30;
	s30 =	sld [smem:$0x6E8]  }
0x309: {  	s12 =	ssub.s32 s14, s12;
	s17 =	sadd.s32 s2, s17;
	s2 =	sld [smem:$0x6F4]  }
0x30a: {  	v7 =	vsel vm2, s16, v7;
	s16 =	sld [smem:$0x6FA];
	s14 =	sadd.s32 s15, s12;
	s15 =	smulhi.u32 $0x1A537E05, s10  }
0x30b: {  	s31 =	sadd.s32 s30, s31;
	s30 =	sld [smem:$0x6EA]  }
0x30c: {  	s12 =	smulhi.u32 $0x1A537E05, s8;
	s8 =	ssub.s32 s7, s8;
	[smem:$0x71C] =	sst s15  }
0x30d: {  	s7 =	sadd.s32 s2, s8;
	s2 =	sld [smem:$0x6F6]  }
0x30e: {  	s15 =	ssub.s32 s11, s10;
	s10 =	sld [smem:$0x6F7]  }
0x30f: {  	s11 =	sld [smem:$0x6F8]  }
0x310: {  	v7 =	vsel vm4, s31, v7;
	s31 =	sld [smem:$0x6FC];
	v12 =	vmov s7  }
0x311: {  	v12 =	vsel vm0, s17, v12;
	s17 =	sld [smem:$0x709]  }
0x312: {  	s8 =	sadd.s32 s11, s15;
	s15 =	sld [smem:$0x6F9]  }
0x313: {  	v8 =	vsel vm0, s2, v8;
	s2 =	sld [smem:$0x6FD]  }
0x314: {  	s30 =	sadd.s32 s30, s1;
	v9 =	vmov s10;
	v8 =	vsel vm1, s16, v8;
	s16 =	sld [smem:$0x6FE]  }
0x315: {  	v7 =	vsel vm5, s30, v7;
	v9 =	vsel vm0, s24, v9;
	s24 =	sld [smem:$0x6FF]  }
0x316: {  	v7 =	vsel vm6, s21, v7;
	s21 =	sld [smem:$0x704]  }
0x317: {  	v19 =	vsel vm1, s8, v12;
	s8 =	sld [smem:$0x70E];
	s3 =	ssub.s32 s15, s3  }
0x318: {  	s15 =	smulhi.u32 $0x1A537E05, s6;
	s10 =	ssub.s32 s2, s6;
	s6 =	sld [smem:$0x701]  }
0x319: {  	s3 =	sadd.s32 s31, s3;
	s31 =	sld [smem:$0x700]  }
0x31a: {  	v8 =	vsel vm2, s16, v8;
	s16 =	sld [smem:$0x703]  }
0x31b: {  	s2 =	sadd.s32 s6, s10;
	s10 =	sld [smem:$0x702]  }
0x31c: {  	v9 =	vsel vm1, s24, v9;
	s24 =	smulhi.u32 $0x1A537E05, s25;
	s30 =	ssub.s32 s21, s25;
	s25 =	sld [smem:$0x70A]  }
0x31d: {  	s11 =	smulhi.u32 $0x1A537E05, s13;
	s13 =	ssub.s32 s31, s13;
	v10 =	vmov s2;
	s31 =	sld [smem:$0x705]  }
0x31e: {  	s13 =	sadd.s32 s16, s13;
	v10 =	vnsel vm3, $0x0, v10;
	v9 =	vsel vm2, s10, v9;
	s10 =	sld [smem:$0x707]  }
0x31f: {  	v10 =	vsel vm0, s13, v10;
	s13 =	sld [smem:$0x708]  }
0x320: {  	s2 =	sadd.s32 s31, s30;
	s30 =	sld [smem:$0x70C]  }
0x321: {  	v8 =	vcombine.low v9, v8;
	v9 =	vsel vm2, s14, v18;
	s14 =	sld [smem:$0x711]  }
0x322: {  	s9 =	smulhi.u32 $0x1A537E05, s28;
	v10 =	vsel vm1, s2, v10;
	s2 =	ssub.s32 s25, s28;
	s28 =	sld [smem:$0x713]  }
0x323: {  	s6 =	ssub.s32 s5, s26;
	s25 =	sld [smem:$0x71B]  }
0x324: {  	s5 =	sadd.s32 s10, s6;
	s1 =	ssub.s32 s13, s4;
	s6 =	sld [smem:$0x70D]  }
0x325: {  	s7 =	smul.u32 $0x1A537E05, s0;
	s1 =	sadd.s32 s17, s1;
	s17 =	sld [smem:$0x70B]  }
0x326: {  	s21 =	smulhi.u32 $0x1A537E05, s26;
	s10 =	sld [smem:$0x70F]  }
0x327: {  	s16 =	smulhi.u32 $0xE5AC81FB, s20;
	s13 =	sld [smem:$0x710]  }
0x328: {  	v11 =	vsel vm2, s3, v19;
	s3 =	sadd.s32 s14, s15;
	s15 =	sld [smem:$0x712];
	s26 =	smul.u32 $0xE5AC81FB, s17  }
0x329: {  	s31 =	ssub.s32 s16, s20;
	v10 =	vsel vm2, s5, v10;
	s2 =	sadd.s32 s30, s2;
	s30 =	sld [smem:$0x714]  }
0x32a: {  	v7 =	vsel vm7, s22, v7;
	s22 =	smulhi.u32 $0x1A537E05, s4;
	v10 =	vsel vm4, s1, v10;
	s4 =	sadd.s32 s26, s31;
	s31 =	sld [smem:$0x715]  }
0x32b: {  	s0 =	smulhi.u32 $0xE5AC81FB, s18;
	s5 =	sadd.s32 s6, s8;
	v10 =	vsel vm5, s2, v10;
	s6 =	sld [smem:$0x717]  }
0x32c: {  	s20 =	smulhi.u32 $0x1A537E05, s20;
	v10 =	vsel vm6, s4, v10;
	s4 =	sld [smem:$0x716]  }
0x32d: {  	s2 =	sadd.s32 s10, s13;
	s10 =	sadd.s32 s31, s19;
	s19 =	sld [smem:$0x719]  }
0x32e: {  	v7 =	vperm.xlane v7, v1;
	v8 =	vperm.xlane v8, v0;
	s14 =	sld [smem:$0x718];
	v20 =	vmov s3;
	s16 =	smul.u32 $0x1A537E05, s15;
	s13 =	sadd.s32 s28, s30  }
0x32f: {  	v9 =	vcombine.low v11, v9;
	v12 =	vnsel vm3, $0x0, v20;
	s28 =	rddreg [dreg:$0x1c];
	s1 =	sadd.s32 s4, s12;
	s12 =	sadd.s32 s6, s11  }
0x330: {  	v21 =	vsub.s32 $0x0, v6;
	v7 =	vsel vm8, v7, v8;
	v12 =	vsel vm0, s12, v12;
	s12 =	sadd.s32 s19, s24;
	s24 =	sadd.s32 s23, s29;
	s29 =	sld [smem:$0x71C]  }
0x331: {  	v9 =	vperm.xlane v9, v0;
	s3 =	ssub.s32 s0, s18;
	v7 =	vadd.s32 v21, v7;
	s15 =	smul.u32 $0xE5AC81FB, s14;
	s6 =	sld [smem:$0x71D]  }
0x332: {  	v22 =	vmov s2;
	s30 =	sadd.s32 s7, s22;
	s8 =	smul.u32 $0x1A537E05, s14;
	v14 =	vmov s1;
	s1 =	sadd.s32 s25, s21;
	v12 =	vsel vm1, s12, v12  }
0x333: {  	v11 =	vsel vm0, s5, v22;
	s26 =	smul.u32 $0x1A537E05, s17;
	s4 =	rddreg [dreg:$0x17];
	v14 =	vsel vm0, s24, v14;
	v12 =	vsel vm2, s1, v12;
	s0 =	sadd.s32 s28, s29  }
0x334: {  	v11 =	vsel vm1, s13, v11;
	s7 =	sadd.s32 s16, s9;
	s31 =	smulhi.u32 $0x1A537E05, s18;
	v12 =	vsel vm4, s30, v12;
	v14 =	vsel vm1, s0, v14;
	s0 =	sadd.s32 s4, s6  }
0x335: {  	s3 =	sadd.s32 s15, s3;
	s9 =	sadd.s32 s26, s20;
	v11 =	vsel vm2, s10, v11;
	v12 =	vsel vm5, s7, v12;
	v14 =	vsel vm2, s0, v14  }
0x336: {  	v10 =	vsel vm7, s3, v10;
	s10 =	sadd.s32 s8, s31;
	v12 =	vsel vm6, s9, v12;
	v11 =	vcombine.low v14, v11  }
0x337: {  	v13 =	vshrl.u32 v7, $0x1F;
	v10 =	vperm.xlane v10, v1;
	v12 =	vsel vm7, s10, v12  }
0x338: {  	v7 =	vshra.s32 v7, $0xA;
	v12 =	vperm.xlane v12, v1;
	v11 =	vperm.xlane v11, v0  }
0x339: {  	v7 =	vadd.s32 v13, v7;
	v9 =	vsel vm8, v10, v9  }
0x33a: {  	v7 =	vadd.s32 v6, v7;
	v9 =	vadd.s32 v6, v9;
	v23 =	vsel vm8, v12, v11  }
0x33b: {  	v24 =	vshrl.u32 v9, $0x1F;
	v9 =	vshra.s32 v9, $0xF;
	v8 =	vadd.s32 v21, v23  }
0x33c: {  	v9 =	vadd.s32 v24, v9;
	v10 =	vshrl.u32 v8, $0x1F;
	v8 =	vshra.s32 v8, $0x11  }
0x33d: {  	v7 =	vadd.s32 v9, v7;
	v8 =	vadd.s32 v10, v8  }
0x33e: {  	v8 =	vadd.s32 v8, v7  }
0x33f: {  	(v2sf) =	vpush v8, $0xD;
	_ =	sdelay $0x2  }
0x340: {  	(v2sf) =	vpush v8, $0xC;
	_ =	sdelay $0x2  }
0x341: {  	(v2sf) =	vpush v8, $0xE;
	_ =	sdelay $0x1  }
0x342: {  	(v2sf) =	vpush v8, $0xF  }
0x343: {  	(v2sf) =	vpush v8, $0x9;
	_ =	sdelay $0x3  }
0x344: {  	(v2sf) =	vpush v8, $0x8;
	_ =	sdelay $0x1  }
0x345: {  	s3 =	spop (v2sf)  }
0x346: {  	s11 =	sshra.s32 s3, $0x1F  }
0x347: {  	s25 =	smul.u32 $0xB38CF9B1, s11  }
0x348: {  	s8 =	spop (v2sf);
	s22 =	smul.u32 $0x4C73064F, s11  }
0x349: {  	(v2sf) =	vpush v8, $0xA;
	s12 =	sshra.s32 s8, $0x1F;
	s0 =	smul.u32 $0x72E9959, s11  }
0x34a: {  	s31 =	smul.u32 $0xB38CF9B1, s12  }
0x34b: {  	s10 =	spop (v2sf);
	s23 =	smul.u32 $0x4C73064F, s12  }
0x34c: {  	s14 =	sshra.s32 s10, $0x1F;
	s1 =	smul.u32 $0x72E9959, s12  }
0x34d: {  	s28 =	spop (v2sf);
	s15 =	smul.u32 $0xB38CF9B1, s14  }
0x34e: {  	s13 =	spop (v2sf);
	[smem:$0x737] =	sst s22  }
0x34f: {  	s24 =	smul.u32 $0x4C73064F, s14;
	[smem:$0x752] =	sst s0  }
0x350: {  	s16 =	sshra.s32 s28, $0x1F;
	s4 =	smul.u32 $0x72E9959, s14;
	[smem:$0x739] =	sst s23  }
0x351: {  	s17 =	smul.u32 $0xB38CF9B1, s16;
	[smem:$0x754] =	sst s1  }
0x352: {  	s2 =	spop (v2sf);
	[smem:$0x71E] =	sst s15  }
0x353: {  	s26 =	smul.u32 $0x4C73064F, s16;
	[smem:$0x73B] =	sst s24  }
0x354: {  	(v2sf) =	vpush v8, $0xB;
	s5 =	smul.u32 $0x72E9959, s16;
	[smem:$0x756] =	sst s4  }
0x355: {  	(v2sf) =	vpush v8, $0x1;
	s18 =	sshra.s32 s13, $0x1F;
	s16 =	smulhi.u32 $0xB38CF9B1, s13;
	[smem:$0x71F] =	sst s17  }
0x356: {  	s19 =	smul.u32 $0xB38CF9B1, s18;
	[smem:$0x73E] =	sst s26  }
0x357: {  	s29 =	smul.u32 $0x4C73064F, s18;
	[smem:$0x75A] =	sst s5  }
0x358: {  	s1 =	spop (v2sf);
	[smem:$0x720] =	sst s16  }
0x359: {  	(v2sf) =	vpush v8, $0x0;
	s20 =	sshra.s32 s2, $0x1F;
	s9 =	smul.u32 $0x72E9959, s18;
	[smem:$0x721] =	sst s19  }
0x35a: {  	s21 =	smul.u32 $0xB38CF9B1, s20;
	[smem:$0x740] =	sst s29  }
0x35b: {  	s30 =	smul.u32 $0x4C73064F, s20;
	[smem:$0x75C] =	sst s9  }
0x35c: {  	s11 =	smul.u32 $0x72E9959, s20;
	[smem:$0x723] =	sst s21  }
0x35d: {  	(v2sf) =	vpush v8, $0x2;
	s17 =	smulhi.u32 $0xB38CF9B1, s2;
	[smem:$0x743] =	sst s30  }
0x35e: {  	s12 =	sshra.s32 s1, $0x1F;
	s18 =	smulhi.u32 $0xB38CF9B1, s1;
	[smem:$0x75E] =	sst s11  }
0x35f: {  	s14 =	smul.u32 $0xB38CF9B1, s12;
	[smem:$0x722] =	sst s17  }
0x360: {  	s15 =	smul.u32 $0x4C73064F, s12;
	[smem:$0x724] =	sst s18  }
0x361: {  	s0 =	smul.u32 $0x72E9959, s12;
	[smem:$0x725] =	sst s14  }
0x362: {  	[smem:$0x745] =	sst s15  }
0x363: {  	[smem:$0x761] =	sst s0;
	s0 =	spop (v2sf)  }
0x364: {  	(v2sf) =	vpush v8, $0x3;
	s20 =	smulhi.u32 $0xB38CF9B1, s0;
	s22 =	sshra.s32 s0, $0x1F;
	s15 =	spop (v2sf)  }
0x365: {  	(v2sf) =	vpush v8, $0x4;
	s21 =	smul.u32 $0xB38CF9B1, s22;
	[smem:$0x751] =	sst s22  }
0x366: {  	s23 =	smulhi.u32 $0xB38CF9B1, s15;
	[smem:$0x726] =	sst s20  }
0x367: {  	s22 =	smul.u32 $0x4C73064F, s22;
	[smem:$0x727] =	sst s21  }
0x368: {  	(v2sf) =	vpush v8, $0x5;
	s17 =	spop (v2sf);
	[smem:$0x728] =	sst s23  }
0x369: {  	s26 =	smulhi.u32 $0xB38CF9B1, s17;
	s23 =	sshra.s32 s15, $0x1F;
	[smem:$0x74A] =	sst s22  }
0x36a: {  	s22 =	smulhi.u32 $0x72E9959, s3;
	[smem:$0x760] =	sst s23  }
0x36b: {  	s24 =	smul.u32 $0xB38CF9B1, s23;
	[smem:$0x72A] =	sst s26  }
0x36c: {  	s9 =	spop (v2sf);
	[smem:$0x753] =	sst s22  }
0x36d: {  	(v2sf) =	vpush v8, $0x6;
	s20 =	sshra.s32 s9, $0x1F;
	[smem:$0x729] =	sst s24  }
0x36e: {  	s30 =	smulhi.u32 $0xB38CF9B1, s9;
	s24 =	sshra.s32 s17, $0x1F;
	[smem:$0x763] =	sst s20  }
0x36f: {  	s22 =	smulhi.u32 $0x72E9959, s8;
	[smem:$0x758] =	sst s24  }
0x370: {  	s7 =	smul.u32 $0xB38CF9B1, s20;
	[smem:$0x72C] =	sst s30  }
0x371: {  	(v2sf) =	vpush v8, $0x7;
	s29 =	smul.u32 $0xB38CF9B1, s24;
	[smem:$0x755] =	sst s22  }
0x372: {  	[smem:$0x72D] =	sst s7  }
0x373: {  	[smem:$0x72B] =	sst s29;
	s29 =	spop (v2sf)  }
0x374: {  	s11 =	smulhi.u32 $0xB38CF9B1, s29;
	s7 =	sshra.s32 s29, $0x1F;
	s21 =	spop (v2sf)  }
0x375: {  	s12 =	smul.u32 $0xB38CF9B1, s7;
	[smem:$0x764] =	sst s7  }
0x376: {  	s14 =	smulhi.u32 $0xB38CF9B1, s21;
	s18 =	sshra.s32 s21, $0x1F;
	[smem:$0x72E] =	sst s11  }
0x377: {  	s30 =	spop (v2sf);
	[smem:$0x765] =	sst s18  }
0x378: {  	s16 =	smul.u32 $0xB38CF9B1, s18;
	[smem:$0x72F] =	sst s12  }
0x379: {  	s26 =	smulhi.u32 $0xB38CF9B1, s30;
	[smem:$0x730] =	sst s14  }
0x37a: {  	[smem:$0x731] =	sst s16  }
0x37b: {  	[smem:$0x732] =	sst s26;
	s26 =	sshra.s32 s30, $0x1F  }
0x37c: {  	s16 =	spop (v2sf);
	[smem:$0x767] =	sst s26  }
0x37d: {  	s11 =	smul.u32 $0xB38CF9B1, s26;
	s12 =	sshra.s32 s16, $0x1F;
	[smem:$0x768] =	sst s16  }
0x37e: {  	s4 =	smulhi.u32 $0xB38CF9B1, s3;
	[smem:$0x74C] =	sst s12  }
0x37f: {  	s14 =	smulhi.u32 $0xB38CF9B1, s16;
	[smem:$0x733] =	sst s11  }
0x380: {  	s11 =	smul.u32 $0xB38CF9B1, s12;
	s12 =	spop (v2sf)  }
0x381: {  	[smem:$0x734] =	sst s14;
	s14 =	smulhi.u32 $0xB38CF9B1, s12  }
0x382: {  	s19 =	smulhi.u32 $0xB38CF9B1, s10;
	[smem:$0x735] =	sst s11  }
0x383: {  	s11 =	smulhi.u32 $0x4C73064F, s3;
	[smem:$0x736] =	sst s14;
	s14 =	sshra.s32 s12, $0x1F  }
0x384: {  	s3 =	ssub.s32 s4, s3;
	s4 =	ssub.s32 s19, s10;
	[smem:$0x750] =	sst s14  }
0x385: {  	s19 =	smulhi.u32 $0x72E9959, s13;
	s3 =	sadd.s32 s25, s3;
	[smem:$0x738] =	sst s11  }
0x386: {  	s25 =	smulhi.u32 $0x72E9959, s10;
	[smem:$0x73D] =	sst s3  }
0x387: {  	s6 =	smulhi.u32 $0xB38CF9B1, s8;
	[smem:$0x75D] =	sst s19  }
0x388: {  	[smem:$0x757] =	sst s25  }
0x389: {  	s11 =	smulhi.u32 $0x4C73064F, s8;
	s8 =	ssub.s32 s6, s8;
	s25 =	sld [smem:$0x71F]  }
0x38a: {  	s6 =	smulhi.u32 $0x72E9959, s28;
	s22 =	sadd.s32 s31, s8;
	s8 =	sld [smem:$0x723]  }
0x38b: {  	[smem:$0x73A] =	sst s11  }
0x38c: {  	s31 =	smulhi.u32 $0x72E9959, s2;
	[smem:$0x75B] =	sst s6  }
0x38d: {  	s11 =	smulhi.u32 $0x4C73064F, s10;
	s10 =	sld [smem:$0x71E]  }
0x38e: {  	[smem:$0x75F] =	sst s31  }
0x38f: {  	s6 =	smulhi.u32 $0x72E9959, s1;
	v26 =	vmov s22;
	s22 =	sld [smem:$0x73A]  }
0x390: {  	[smem:$0x73C] =	sst s11  }
0x391: {  	[smem:$0x762] =	sst s6  }
0x392: {  	s11 =	smulhi.u32 $0x4C73064F, s28;
	s6 =	sld [smem:$0x72A]  }
0x393: {  	s3 =	sadd.s32 s10, s4;
	s4 =	sld [smem:$0x721]  }
0x394: {  	[smem:$0x73F] =	sst s11;
	s11 =	smulhi.u32 $0x4C73064F, s13  }
0x395: {  	s31 =	smulhi.u32 $0x4C73064F, s15;
	s10 =	sld [smem:$0x724]  }
0x396: {  	[smem:$0x741] =	sst s11;
	s11 =	smulhi.u32 $0x4C73064F, s2  }
0x397: {  	[smem:$0x74E] =	sst s31  }
0x398: {  	[smem:$0x744] =	sst s11;
	s11 =	smulhi.u32 $0x4C73064F, s1  }
0x399: {  	[smem:$0x742] =	sst s3  }
0x39a: {  	[smem:$0x746] =	sst s11;
	s11 =	smulhi.u32 $0x4C73064F, s0  }
0x39b: {  	s5 =	smulhi.u32 $0xB38CF9B1, s28;
	s1 =	ssub.s32 s10, s1;
	s10 =	sld [smem:$0x72B]  }
0x39c: {  	[smem:$0x749] =	sst s11  }
0x39d: {  	s11 =	ssub.s32 s5, s28;
	s28 =	sld [smem:$0x720]  }
0x39e: {  	s5 =	sld [smem:$0x722]  }
0x39f: {  	s3 =	sadd.s32 s25, s11;
	s25 =	sld [smem:$0x726]  }
0x3a0: {  	s11 =	smulhi.u32 $0x72E9959, s0;
	[smem:$0x747] =	sst s3  }
0x3a1: {  	s3 =	sld [smem:$0x728]  }
0x3a2: {  	[smem:$0x766] =	sst s11  }
0x3a3: {  	s2 =	ssub.s32 s5, s2;
	s5 =	sld [smem:$0x729]  }
0x3a4: {  	s13 =	ssub.s32 s28, s13;
	s11 =	sld [smem:$0x72C]  }
0x3a5: {  	s28 =	sadd.s32 s4, s13;
	s13 =	sld [smem:$0x725]  }
0x3a6: {  	s19 =	sadd.s32 s8, s2;
	s2 =	sld [smem:$0x727];
	s4 =	smul.u32 $0x4C73064F, s23  }
0x3a7: {  	s23 =	smul.u32 $0x4C73064F, s24;
	s24 =	sld [smem:$0x72E]  }
0x3a8: {  	s0 =	ssub.s32 s25, s0;
	s25 =	sld [smem:$0x72F]  }
0x3a9: {  	s8 =	smulhi.u32 $0x4C73064F, s17;
	v27 =	vmov s19;
	s19 =	sld [smem:$0x741]  }
0x3aa: {  	[smem:$0x74F] =	sst s4  }
0x3ab: {  	[smem:$0x74B] =	sst s8  }
0x3ac: {  	s8 =	sld [smem:$0x732]  }
0x3ad: {  	v10 =	vsel vm0, s28, v27;
	s28 =	sld [smem:$0x746]  }
0x3ae: {  	s1 =	sadd.s32 s13, s1;
	s13 =	sld [smem:$0x72D]  }
0x3af: {  	s0 =	sadd.s32 s2, s0;
	[smem:$0x748] =	sst s1  }
0x3b0: {  	[smem:$0x74D] =	sst s0;
	s0 =	ssub.s32 s3, s15  }
0x3b1: {  	s2 =	sadd.s32 s5, s0;
	s5 =	sld [smem:$0x730]  }
0x3b2: {  	s0 =	ssub.s32 s6, s17;
	s6 =	sld [smem:$0x731]  }
0x3b3: {  	s1 =	sadd.s32 s10, s0;
	s10 =	sld [smem:$0x733]  }
0x3b4: {  	s14 =	smul.u32 $0xB38CF9B1, s14;
	s0 =	ssub.s32 s11, s9;
	s11 =	sld [smem:$0x734]  }
0x3b5: {  	s3 =	sadd.s32 s13, s0;
	s0 =	ssub.s32 s24, s29;
	s24 =	smul.u32 $0x4C73064F, s20  }
0x3b6: {  	s20 =	smul.u32 $0x4C73064F, s7;
	v25 =	vmov s1;
	s1 =	sld [smem:$0x736]  }
0x3b7: {  	s13 =	sld [smem:$0x735];
	s4 =	sadd.s32 s25, s0;
	s0 =	ssub.s32 s5, s21  }
0x3b8: {  	s7 =	sld [smem:$0x737];
	s25 =	smulhi.u32 $0x4C73064F, s29;
	v7 =	vnsel vm3, $0x0, v25;
	s5 =	sadd.s32 s6, s0  }
0x3b9: {  	s0 =	ssub.s32 s8, s30;
	v7 =	vsel vm0, s2, v7;
	s6 =	ssub.s32 s1, s12;
	s1 =	sld [smem:$0x73B]  }
0x3ba: {  	s8 =	sadd.s32 s10, s0;
	s0 =	ssub.s32 s11, s16;
	v7 =	vsel vm1, s3, v7;
	s3 =	sld [smem:$0x73F]  }
0x3bb: {  	s10 =	sadd.s32 s13, s0;
	s13 =	sadd.s32 s14, s6;
	s14 =	sld [smem:$0x738]  }
0x3bc: {  	s6 =	smul.u32 $0x4C73064F, s18;
	s18 =	sld [smem:$0x739]  }
0x3bd: {  	s25 =	sadd.s32 s20, s25;
	s20 =	sld [smem:$0x750];
	v7 =	vsel vm2, s4, v7  }
0x3be: {  	v7 =	vsel vm4, s5, v7;
	s14 =	sadd.s32 s7, s14;
	s7 =	sld [smem:$0x73C]  }
0x3bf: {  	v7 =	vsel vm5, s8, v7;
	s2 =	sadd.s32 s18, s22;
	s18 =	sld [smem:$0x73D]  }
0x3c0: {  	v7 =	vsel vm6, s10, v7;
	s10 =	sld [smem:$0x754]  }
0x3c1: {  	s22 =	sadd.s32 s1, s7;
	s1 =	sld [smem:$0x73E]  }
0x3c2: {  	v29 =	vmov s2;
	v9 =	vsel vm0, s18, v26;
	s18 =	sld [smem:$0x740]  }
0x3c3: {  	v12 =	vsel vm0, s14, v29;
	s14 =	smulhi.u32 $0x72E9959, s17;
	s17 =	sld [smem:$0x756]  }
0x3c4: {  	s0 =	sadd.s32 s1, s3;
	s1 =	smul.u32 $0x4C73064F, s26;
	s26 =	sld [smem:$0x742]  }
0x3c5: {  	s3 =	sadd.s32 s18, s19;
	s18 =	sld [smem:$0x743]  }
0x3c6: {  	s19 =	sld [smem:$0x744]  }
0x3c7: {  	s7 =	smulhi.u32 $0x4C73064F, s30;
	[smem:$0x759] =	sst s0  }
0x3c8: {  	s0 =	smulhi.u32 $0x4C73064F, s16;
	s16 =	sld [smem:$0x74E]  }
0x3c9: {  	s7 =	sadd.s32 s1, s7;
	s1 =	sld [smem:$0x751]  }
0x3ca: {  	v12 =	vsel vm1, s22, v12;
	s22 =	sld [smem:$0x759]  }
0x3cb: {  	s4 =	sadd.s32 s18, s19;
	s19 =	sld [smem:$0x747]  }
0x3cc: {  	v9 =	vsel vm1, s26, v9;
	s26 =	sld [smem:$0x745]  }
0x3cd: {  	s18 =	sld [smem:$0x749]  }
0x3ce: {  	v9 =	vsel vm2, s19, v9;
	s19 =	sld [smem:$0x74A]  }
0x3cf: {  	s28 =	sadd.s32 s26, s28;
	s26 =	sld [smem:$0x748]  }
0x3d0: {  	v30 =	vmov s4;
	s4 =	sld [smem:$0x752]  }
0x3d1: {  	s5 =	sadd.s32 s19, s18;
	s18 =	sld [smem:$0x74D]  }
0x3d2: {  	v10 =	vsel vm1, s26, v10;
	s26 =	sld [smem:$0x74B]  }
0x3d3: {  	v31 =	vsel vm2, s22, v12;
	s22 =	sld [smem:$0x761]  }
0x3d4: {  	s31 =	smulhi.u32 $0x4C73064F, s9;
	v13 =	vsel vm0, s3, v30;
	v10 =	vsel vm2, s18, v10;
	s18 =	sld [smem:$0x74F]  }
0x3d5: {  	v32 =	vsel vm1, s28, v13;
	s28 =	sld [smem:$0x75C];
	s19 =	sadd.s32 s23, s26  }
0x3d6: {  	s26 =	sld [smem:$0x74C];
	v28 =	vmov s19;
	s19 =	sadd.s32 s24, s31;
	s31 =	smul.u32 $0x4C73064F, s20  }
0x3d7: {  	v11 =	vnsel vm3, $0x0, v28;
	s8 =	sadd.s32 s18, s16;
	s16 =	smulhi.u32 $0x4C73064F, s12;
	s18 =	sld [smem:$0x757]  }
0x3d8: {  	s11 =	smulhi.u32 $0x4C73064F, s21;
	v11 =	vsel vm0, s8, v11;
	s8 =	sld [smem:$0x753]  }
0x3d9: {  	v7 =	vsel vm7, s13, v7;
	s23 =	smul.u32 $0x4C73064F, s26;
	s13 =	sadd.s32 s31, s16;
	s16 =	sld [smem:$0x755]  }
0x3da: {  	v11 =	vsel vm1, s19, v11;
	s19 =	sld [smem:$0x758]  }
0x3db: {  	s6 =	sadd.s32 s6, s11;
	s11 =	sadd.s32 s23, s0;
	s23 =	sld [smem:$0x75A]  }
0x3dc: {  	v12 =	vsel vm2, s5, v32;
	s5 =	smulhi.u32 $0x72E9959, s9;
	s31 =	sld [smem:$0x75D]  }
0x3dd: {  	s24 =	smov.u32 s12;
	s12 =	smul.u32 $0x72E9959, s1;
	v11 =	vsel vm2, s25, v11;
	s25 =	sld [smem:$0x75B]  }
0x3de: {  	s3 =	sadd.s32 s17, s18;
	s1 =	sadd.s32 s4, s8;
	s8 =	sld [smem:$0x75E]  }
0x3df: {  	v11 =	vsel vm4, s6, v11;
	s6 =	smulhi.u32 $0x72E9959, s15;
	s15 =	sld [smem:$0x75F];
	s4 =	sadd.s32 s10, s16  }
0x3e0: {  	v9 =	vcombine.low v10, v9;
	s17 =	smul.u32 $0x72E9959, s19;
	s10 =	sadd.s32 s28, s31;
	s16 =	sld [smem:$0x760]  }
0x3e1: {  	s31 =	sld [smem:$0x763];
	s0 =	sadd.s32 s23, s25;
	s19 =	sshrl.u32 s4, $0x1F  }
0x3e2: {  	v7 =	vperm.xlane v7, v1;
	v9 =	vperm.xlane v9, v0;
	v11 =	vsel vm5, s7, v11;
	s23 =	sld [smem:$0x762];
	s8 =	sadd.s32 s8, s15;
	s15 =	smulhi.u32 $0x72E9959, s29  }
0x3e3: {  	v34 =	vcombine.low v12, v31;
	s28 =	sshrl.u32 s3, $0x1F;
	v11 =	vsel vm6, s11, v11;
	s25 =	sshrl.u32 s1, $0x1F;
	v33 =	vmov s19;
	s18 =	smul.u32 $0x72E9959, s16  }
0x3e4: {  	v7 =	vsel vm8, v7, v9;
	v11 =	vsel vm7, s13, v11;
	s9 =	sadd.s32 s17, s14;
	s29 =	sld [smem:$0x766];
	v13 =	vsel vm0, s25, v33;
	s13 =	smul.u32 $0x72E9959, s31  }
0x3e5: {  	v7 =	vadd.s32 v8, v7;
	s16 =	sshrl.u32 s10, $0x1F;
	s2 =	sadd.s32 s22, s23;
	v35 =	vsel vm1, s28, v13;
	s28 =	sld [smem:$0x765]  }
0x3e6: {  	v9 =	vperm.xlane v34, v0;
	v36 =	vshrl.u32 v7, $0x1F;
	v7 =	vshra.s32 v7, $0x8;
	s22 =	smulhi.u32 $0x72E9959, s21;
	s6 =	sadd.s32 s18, s6;
	s18 =	sld [smem:$0x764]  }
0x3e7: {  	v8 =	vsub.s32 $0x0, v8;
	v7 =	vadd.s32 v36, v7;
	v43 =	vmov s4;
	s17 =	sshrl.u32 s9, $0x1F;
	s12 =	sadd.s32 s12, s29;
	s29 =	smul.u32 $0x72E9959, s20  }
0x3e8: {  	v14 =	vsel vm0, s1, v43;
	v11 =	vperm.xlane v11, v1;
	s19 =	sshrl.u32 s8, $0x1F;
	v42 =	vmov s9;
	s5 =	sadd.s32 s13, s5;
	s13 =	smul.u32 $0x72E9959, s28  }
0x3e9: {  	v15 =	vmov s8;
	v37 =	vmov s17;
	v38 =	vmov s19;
	s23 =	sshrl.u32 s2, $0x1F;
	s25 =	sshrl.u32 s6, $0x1F;
	s11 =	smul.u32 $0x72E9959, s18  }
0x3ea: {  	v14 =	vsel vm1, s3, v14;
	v39 =	vnsel vm3, $0x0, v37;
	v41 =	vsel vm0, s16, v38;
	s31 =	sshrl.u32 s5, $0x1F;
	s13 =	sadd.s32 s13, s22;
	s22 =	sld [smem:$0x767]  }
0x3eb: {  	v13 =	vnsel vm3, $0x0, v42;
	v12 =	vsel vm1, s23, v41;
	s23 =	sld [smem:$0x768];
	v40 =	vsel vm0, s25, v39;
	s25 =	smul.u32 $0x72E9959, s26;
	s11 =	sadd.s32 s11, s15  }
0x3ec: {  	v9 =	vsel vm8, v11, v9;
	v13 =	vsel vm0, s6, v13;
	v11 =	vsel vm1, s31, v40;
	s18 =	smulhi.u32 $0x72E9959, s30;
	s15 =	sshrl.u32 s11, $0x1F  }
0x3ed: {  	v15 =	vsel vm0, s10, v15;
	v13 =	vsel vm1, s5, v13;
	v11 =	vsel vm2, s15, v11;
	s15 =	smul.u32 $0x72E9959, s22  }
0x3ee: {  	s14 =	sshrl.u32 s0, $0x1F;
	v14 =	vsel vm2, s0, v14;
	v15 =	vsel vm1, s2, v15;
	s19 =	sshrl.u32 s12, $0x1F;
	s7 =	smulhi.u32 $0x72E9959, s23;
	v13 =	vsel vm2, s11, v13  }
0x3ef: {  	v10 =	vsel vm2, s14, v35;
	v15 =	vsel vm2, s12, v15;
	s26 =	smulhi.u32 $0x72E9959, s24;
	s21 =	sshrl.u32 s13, $0x1F;
	v13 =	vsel vm4, s13, v13;
	s28 =	sadd.s32 s15, s18  }
0x3f0: {  	v12 =	vsel vm2, s19, v12;
	s31 =	sadd.s32 s25, s7;
	v11 =	vsel vm4, s21, v11;
	s30 =	sshrl.u32 s28, $0x1F;
	v13 =	vsel vm5, s28, v13  }
0x3f1: {  	v14 =	vcombine.low v15, v14;
	s5 =	sadd.s32 s29, s26;
	s2 =	sshrl.u32 s31, $0x1F;
	v11 =	vsel vm5, s30, v11;
	v13 =	vsel vm6, s31, v13  }
0x3f2: {  	v10 =	vcombine.low v12, v10;
	s6 =	sshrl.u32 s5, $0x1F;
	v11 =	vsel vm6, s2, v11;
	v44 =	vsel vm7, s5, v13  }
0x3f3: {  	v45 =	vperm.xlane v14, v0;
	v11 =	vsel vm7, s6, v11;
	v12 =	vperm.xlane v44, v1  }
0x3f4: {  	v8 =	vadd.s32 v8, v9;
	v46 =	vperm.xlane v10, v0;
	v47 =	vperm.xlane v11, v1  }
0x3f5: {  	v48 =	vshrl.u32 v8, $0x1F;
	v8 =	vshra.s32 v8, $0xA;
	v12 =	vsel vm8, v12, v45  }
0x3f6: {  	v8 =	vadd.s32 v48, v8;
	v9 =	vsel vm8, v47, v46;
	v49 =	vshra.s32 v12, $0xA  }
0x3f7: {  	v50 =	vmul.u32 $0xFFFFFE93, v7;
	v6 =	vadd.s32 v6, v8;
	v9 =	vadd.s32 v9, v49  }
0x3f8: {  	v6 =	vadd.s32 v9, v6  }
0x3f9: {  	v6 =	vadd.s32 v50, v6  }
0x3fa: {  	v51 =	vmul.u32 $0x5, v6;
	_ =	sdelay $0x1  }
0x3fb: {  	v8 =	vadd.s32 $0x2, v51  }
0x3fc: {  	(v2sf) =	vpush v8, $0xD;
	_ =	sdelay $0x1  }
0x3fd: {  	(v2sf) =	vpush v8, $0xC;
	_ =	sdelay $0x1  }
0x3fe: {  	(v2sf) =	vpush v8, $0xE;
	_ =	sdelay $0x1  }
0x3ff: {  	(v2sf) =	vpush v8, $0xF;
	_ =	sdelay $0x1  }
0x400: {  	(v2sf) =	vpush v8, $0x9;
	_ =	sdelay $0x1  }
0x401: {  	(v2sf) =	vpush v8, $0x8;
	_ =	sdelay $0x1  }
0x402: {  	(v2sf) =	vpush v8, $0xA;
	_ =	sdelay $0x1  }
0x403: {  	(v2sf) =	vpush v8, $0xB  }
0x404: {  	s7 =	spop (v2sf)  }
0x405: {  	(v2sf) =	vpush v8, $0x1;
	s8 =	smulhi.u32 $0xD62B80D7, s7;
	s9 =	sshra.s32 s7, $0x1F  }
0x406: {  	s10 =	spop (v2sf);
	s2 =	smul.u32 $0xD62B80D7, s9  }
0x407: {  	(v2sf) =	vpush v8, $0x0;
	s11 =	smulhi.u32 $0xD62B80D7, s10;
	s12 =	sshra.s32 s10, $0x1F  }
0x408: {  	s13 =	spop (v2sf);
	s5 =	smul.u32 $0xD62B80D7, s12  }
0x409: {  	(v2sf) =	vpush v8, $0x2;
	s0 =	ssub.s32 s8, s7;
	s14 =	smulhi.u32 $0xD62B80D7, s13;
	s15 =	sshra.s32 s13, $0x1F  }
0x40a: {  	s17 =	spop (v2sf);
	s0 =	sadd.s32 s2, s0;
	s16 =	smul.u32 $0xD62B80D7, s15  }
0x40b: {  	(v2sf) =	vpush v8, $0x3;
	s3 =	ssub.s32 s11, s10;
	s18 =	smulhi.u32 $0xD62B80D7, s17;
	s19 =	sshra.s32 s17, $0x1F  }
0x40c: {  	s21 =	spop (v2sf);
	s3 =	sadd.s32 s5, s3;
	s20 =	smul.u32 $0xD62B80D7, s19  }
0x40d: {  	(v2sf) =	vpush v8, $0x4;
	s1 =	ssub.s32 s14, s13;
	s22 =	smulhi.u32 $0xD62B80D7, s21;
	s23 =	sshra.s32 s21, $0x1F  }
0x40e: {  	s24 =	spop (v2sf);
	s1 =	sadd.s32 s16, s1;
	s9 =	smul.u32 $0xD62B80D7, s23  }
0x40f: {  	(v2sf) =	vpush v8, $0x5;
	s25 =	ssub.s32 s18, s17;
	s26 =	smulhi.u32 $0xD62B80D7, s24;
	s28 =	sshra.s32 s24, $0x1F  }
0x410: {  	s30 =	spop (v2sf);
	s2 =	sadd.s32 s20, s25;
	s29 =	smul.u32 $0xD62B80D7, s28  }
0x411: {  	(v2sf) =	vpush v8, $0x6;
	s6 =	ssub.s32 s22, s21;
	s31 =	smulhi.u32 $0xD62B80D7, s30;
	s12 =	sshra.s32 s30, $0x1F  }
0x412: {  	s14 =	spop (v2sf);
	s6 =	sadd.s32 s9, s6;
	s13 =	smul.u32 $0xD62B80D7, s12  }
0x413: {  	(v2sf) =	vpush v8, $0x7;
	s4 =	ssub.s32 s26, s24;
	s15 =	smulhi.u32 $0xD62B80D7, s14;
	s16 =	sshra.s32 s14, $0x1F  }
0x414: {  	s18 =	spop (v2sf);
	s4 =	sadd.s32 s29, s4;
	s17 =	smul.u32 $0xD62B80D7, s16  }
0x415: {  	s7 =	ssub.s32 s31, s30;
	s19 =	smulhi.u32 $0xD62B80D7, s18;
	s20 =	sshra.s32 s18, $0x1F  }
0x416: {  	s22 =	spop (v2sf);
	s7 =	sadd.s32 s13, s7;
	s21 =	smul.u32 $0xD62B80D7, s20  }
0x417: {  	s10 =	ssub.s32 s15, s14;
	s23 =	smulhi.u32 $0xD62B80D7, s22;
	s24 =	sshra.s32 s22, $0x1F  }
0x418: {  	s5 =	sadd.s32 s17, s10;
	s25 =	smul.u32 $0xD62B80D7, s24;
	s26 =	spop (v2sf)  }
0x419: {  	s8 =	ssub.s32 s19, s18;
	s28 =	smulhi.u32 $0xD62B80D7, s26;
	s29 =	sshra.s32 s26, $0x1F  }
0x41a: {  	s8 =	sadd.s32 s21, s8;
	s31 =	spop (v2sf);
	s30 =	smul.u32 $0xD62B80D7, s29  }
0x41b: {  	s11 =	ssub.s32 s23, s22;
	s18 =	smulhi.u32 $0xD62B80D7, s31;
	s19 =	sshra.s32 s31, $0x1F  }
0x41c: {  	s10 =	sadd.s32 s25, s11;
	s21 =	spop (v2sf);
	s20 =	smul.u32 $0xD62B80D7, s19  }
0x41d: {  	s12 =	ssub.s32 s28, s26;
	s22 =	smulhi.u32 $0xD62B80D7, s21;
	s23 =	sshra.s32 s21, $0x1F  }
0x41e: {  	s25 =	spop (v2sf);
	s9 =	sadd.s32 s30, s12;
	s24 =	smul.u32 $0xD62B80D7, s23  }
0x41f: {  	v52 =	vmov s10;
	s26 =	ssub.s32 s18, s31;
	s28 =	smulhi.u32 $0xD62B80D7, s25;
	s29 =	sshra.s32 s25, $0x1F  }
0x420: {  	v9 =	vnsel vm3, $0x0, v52;
	s31 =	spop (v2sf);
	s10 =	sadd.s32 s20, s26;
	s30 =	smul.u32 $0xD62B80D7, s29  }
0x421: {  	v9 =	vsel vm0, s8, v9;
	s18 =	ssub.s32 s22, s21;
	s19 =	smulhi.u32 $0xD62B80D7, s31;
	s20 =	sshra.s32 s31, $0x1F  }
0x422: {  	v53 =	vmov s3;
	v54 =	vmov s4;
	v9 =	vsel vm1, s9, v9;
	s23 =	spop (v2sf);
	s21 =	sadd.s32 s24, s18;
	s22 =	smul.u32 $0xD62B80D7, s20  }
0x423: {  	v10 =	vsel vm0, s0, v53;
	v11 =	vsel vm0, s6, v54;
	v9 =	vsel vm2, s10, v9;
	s24 =	ssub.s32 s28, s25;
	s25 =	smulhi.u32 $0xD62B80D7, s23;
	s26 =	sshra.s32 s23, $0x1F  }
0x424: {  	v10 =	vsel vm1, s1, v10;
	v11 =	vsel vm1, s7, v11;
	v9 =	vsel vm4, s21, v9;
	s0 =	sadd.s32 s30, s24;
	s28 =	ssub.s32 s19, s31;
	s29 =	smul.u32 $0xD62B80D7, s26  }
0x425: {  	v10 =	vsel vm2, s2, v10;
	v11 =	vsel vm2, s5, v11;
	v9 =	vsel vm5, s0, v9;
	s30 =	sadd.s32 s22, s28;
	s31 =	ssub.s32 s25, s23  }
0x426: {  	v10 =	vcombine.low v11, v10;
	v9 =	vsel vm6, s30, v9;
	s2 =	sadd.s32 s29, s31  }
0x427: {  	v9 =	vsel vm7, s2, v9  }
0x428: {  	v10 =	vperm.xlane v10, v0;
	v9 =	vperm.xlane v9, v1;
	_ =	sdelay $0x1  }
0x429: {  	v9 =	vsel vm8, v9, v10  }
0x42a: {  	v8 =	vadd.s32 v8, v9  }
0x42b: {  	v9 =	vshrl.u32 v8, $0x1F;
	v8 =	vshra.s32 v8, $0x7  }
0x42c: {  	v8 =	vadd.s32 v9, v8  }
0x42d: {  	v9 =	vmul.u32 $0x99, v8;
	_ =	sdelay $0x1  }
0x42e: {  	v9 =	vadd.s32 $0x2, v9  }
0x42f: {  	(v2sf) =	vpush v9, $0xD;
	_ =	sdelay $0x1  }
0x430: {  	(v2sf) =	vpush v9, $0xC  }
0x431: {  	(v2sf) =	vpush v9, $0xE  }
0x432: {  	(v2sf) =	vpush v9, $0xF  }
0x433: {  	(v2sf) =	vpush v9, $0x9  }
0x434: {  	(v2sf) =	vpush v9, $0x8  }
0x435: {  	(v2sf) =	vpush v9, $0xA  }
0x436: {  	(v2sf) =	vpush v9, $0xB  }
0x437: {  	(v2sf) =	vpush v9, $0x0  }
0x438: {  	(v2sf) =	vpush v9, $0x1  }
0x439: {  	(v2sf) =	vpush v9, $0x2  }
0x43a: {  	(v2sf) =	vpush v9, $0x3  }
0x43b: {  	(v2sf) =	vpush v9, $0x4  }
0x43c: {  	(v2sf) =	vpush v9, $0x5  }
0x43d: {  	s3 =	spop (v2sf);
	(v2sf) =	vpush v9, $0x6;
	_ =	sdelay $0x1  }
0x43e: {  	s9 =	spop (v2sf);
	s10 =	smulhi.u32 $0x99999999, s3;
	s16 =	sshra.s32 s3, $0x1F  }
0x43f: {  	s2 =	spop (v2sf);
	s7 =	smul.u32 $0x99999999, s16  }
0x440: {  	s17 =	smulhi.u32 $0x99999999, s9;
	s19 =	sshra.s32 s9, $0x1F;
	s4 =	spop (v2sf)  }
0x441: {  	s20 =	smul.u32 $0x99999999, s19;
	s5 =	spop (v2sf)  }
0x442: {  	s29 =	smulhi.u32 $0x99999999, s2;
	s30 =	sshra.s32 s2, $0x1F;
	s6 =	spop (v2sf)  }
0x443: {  	s31 =	smul.u32 $0x99999999, s30;
	s13 =	spop (v2sf)  }
0x444: {  	s0 =	ssub.s32 s10, s3;
	s21 =	smulhi.u32 $0x99999999, s4;
	s14 =	spop (v2sf)  }
0x445: {  	s25 =	sshra.s32 s4, $0x1F;
	s0 =	sadd.s32 s7, s0;
	s15 =	spop (v2sf)  }
0x446: {  	s1 =	ssub.s32 s17, s9;
	s22 =	smul.u32 $0x99999999, s25;
	s16 =	spop (v2sf)  }
0x447: {  	s7 =	smulhi.u32 $0x99999999, s5;
	s26 =	sshra.s32 s5, $0x1F;
	s18 =	spop (v2sf)  }
0x448: {  	s10 =	sshrl.u32 s0, $0x1F;
	s3 =	sadd.s32 s20, s1;
	s12 =	spop (v2sf)  }
0x449: {  	s29 =	ssub.s32 s29, s2;
	s23 =	smul.u32 $0x99999999, s26;
	s8 =	spop (v2sf)  }
0x44a: {  	s0 =	sshra.s32 s0, $0x1;
	s24 =	smulhi.u32 $0x99999999, s6;
	s11 =	spop (v2sf)  }
0x44b: {  	s28 =	sshra.s32 s6, $0x1F;
	s1 =	sadd.s32 s31, s29;
	s9 =	spop (v2sf);
	(v2sf) =	vpush v9, $0x7  }
0x44c: {  	s20 =	sshrl.u32 s3, $0x1F;
	s4 =	ssub.s32 s21, s4;
	s30 =	smul.u32 $0x99999999, s28  }
0x44d: {  	s3 =	sshra.s32 s3, $0x1;
	s31 =	smulhi.u32 $0x99999999, s13;
	s25 =	sshra.s32 s13, $0x1F  }
0x44e: {  	s5 =	ssub.s32 s7, s5;
	s2 =	sadd.s32 s22, s4;
	s21 =	smul.u32 $0x99999999, s25  }
0x44f: {  	s25 =	smulhi.u32 $0x99999999, s14;
	s26 =	sshra.s32 s14, $0x1F;
	s4 =	sadd.s32 s23, s5  }
0x450: {  	s6 =	ssub.s32 s24, s6;
	s24 =	sshrl.u32 s1, $0x1F;
	s28 =	smul.u32 $0x99999999, s26  }
0x451: {  	s23 =	sshrl.u32 s2, $0x1F;
	s22 =	smulhi.u32 $0x99999999, s15;
	s29 =	sshra.s32 s15, $0x1F  }
0x452: {  	s7 =	sadd.s32 s30, s6;
	s30 =	ssub.s32 s31, s13;
	s17 =	smul.u32 $0x99999999, s29  }
0x453: {  	v56 =	vmov s20;
	s20 =	sshra.s32 s4, $0x1;
	s31 =	smulhi.u32 $0x99999999, s16;
	s26 =	sshra.s32 s16, $0x1F  }
0x454: {  	v10 =	vsel vm0, s10, v56;
	s6 =	sadd.s32 s21, s30;
	s14 =	ssub.s32 s25, s14;
	s19 =	smul.u32 $0x99999999, s26  }
0x455: {  	v10 =	vsel vm1, s24, v10;
	s5 =	sadd.s32 s28, s14;
	s28 =	smulhi.u32 $0x99999999, s18;
	s29 =	sshra.s32 s18, $0x1F  }
0x456: {  	v10 =	vsel vm2, s23, v10;
	s15 =	ssub.s32 s22, s15;
	s23 =	sshra.s32 s6, $0x1;
	s21 =	smul.u32 $0x99999999, s29  }
0x457: {  	s13 =	ssub.s32 s31, s16;
	s30 =	smulhi.u32 $0x99999999, s12;
	s31 =	sshra.s32 s12, $0x1F  }
0x458: {  	s15 =	sadd.s32 s17, s15;
	s17 =	sshrl.u32 s4, $0x1F;
	s22 =	smul.u32 $0x99999999, s31  }
0x459: {  	s13 =	sadd.s32 s19, s13;
	s25 =	smulhi.u32 $0x99999999, s8;
	s26 =	sshra.s32 s8, $0x1F  }
0x45a: {  	s14 =	ssub.s32 s28, s18;
	s19 =	smul.u32 $0x99999999, s26;
	s28 =	spop (v2sf)  }
0x45b: {  	s12 =	ssub.s32 s30, s12;
	s29 =	smulhi.u32 $0x99999999, s28;
	s30 =	sshra.s32 s28, $0x1F  }
0x45c: {  	s14 =	sadd.s32 s21, s14;
	s12 =	sadd.s32 s22, s12;
	s22 =	smul.u32 $0x99999999, s30  }
0x45d: {  	s31 =	smulhi.u32 $0x99999999, s11;
	s8 =	ssub.s32 s25, s8;
	s16 =	ssub.s32 s29, s28  }
0x45e: {  	s21 =	sshrl.u32 s7, $0x1F;
	s19 =	sadd.s32 s19, s8;
	s8 =	sadd.s32 s22, s16  }
0x45f: {  	v5 =	vmul.u32 $0x190, v5;
	v58 =	vmov s21;
	s25 =	ssub.s32 s31, s11;
	s11 =	sshra.s32 s11, $0x1F;
	s26 =	sshra.s32 s8, $0x1F  }
0x460: {  	s31 =	smulhi.u32 $0x99999999, s9;
	v12 =	vsel vm0, s17, v58;
	s17 =	sshra.s32 s7, $0x1;
	s29 =	sshra.s32 s15, $0x1;
	v55 =	vmov s26  }
0x461: {  	v5 =	vadd.s32 v5, v7;
	v59 =	vmov s3;
	s11 =	smul.u32 $0x99999999, s11;
	s28 =	sshrl.u32 s15, $0x1F;
	s15 =	sshra.s32 s15, $0x1F;
	v9 =	vsel vm3, s29, v55  }
0x462: {  	v13 =	vsel vm0, s0, v59;
	s18 =	sshra.s32 s19, $0x1F;
	v60 =	vmov s17;
	s24 =	ssub.s32 s31, s9;
	s22 =	sshra.s32 s13, $0x1;
	v9 =	vsel vm9, s15, v9  }
0x463: {  	s31 =	sshra.s32 s12, $0x1;
	s30 =	sshrl.u32 s13, $0x1F;
	v57 =	vmov s28;
	s13 =	sshra.s32 s13, $0x1F;
	vm9 =	vcmask $0xF0C;
	v9 =	vsel vm0, s22, v9  }
0x464: {  	v14 =	vsel vm0, s20, v60;
	s10 =	sadd.s32 s11, s25;
	s25 =	sshrl.u32 s12, $0x1F;
	v11 =	vnsel vm3, $0x0, v57;
	s26 =	sshra.s32 s14, $0x1;
	v9 =	vsel vm9, s13, v9  }
0x465: {  	v14 =	vsel vm1, s23, v14;
	s16 =	sshrl.u32 s14, $0x1F;
	s28 =	sshrl.u32 s6, $0x1F;
	v11 =	vsel vm0, s30, v11;
	s14 =	sshra.s32 s14, $0x1F;
	v9 =	vsel vm1, s26, v9  }
0x466: {  	v12 =	vsel vm1, s28, v12;
	v11 =	vsel vm1, s16, v11;
	s29 =	sshrl.u32 s19, $0x1F;
	s16 =	sshra.s32 s19, $0x1;
	s19 =	sshra.s32 s1, $0x1;
	v9 =	vsel vm12, s14, v9  }
0x467: {  	s12 =	sshra.s32 s12, $0x1F;
	v11 =	vsel vm2, s25, v11;
	v13 =	vsel vm1, s19, v13;
	s25 =	sshra.s32 s5, $0x1;
	v9 =	vsel vm2, s31, v9  }
0x468: {  	s9 =	sshra.s32 s9, $0x1F;
	s30 =	sshrl.u32 s10, $0x1F;
	v11 =	vsel vm4, s29, v11;
	s22 =	sshra.s32 s2, $0x1;
	v14 =	vsel vm2, s25, v14;
	v9 =	vsel vm13, s12, v9  }
0x469: {  	s9 =	smul.u32 $0x99999999, s9;
	v11 =	vsel vm5, s30, v11;
	s13 =	sshrl.u32 s5, $0x1F;
	v13 =	vsel vm2, s22, v13;
	v9 =	vsel vm4, s16, v9  }
0x46a: {  	s21 =	sshra.s32 s10, $0x1;
	vm9 =	vlt.s32 v6, $0x132;
	v12 =	vsel vm2, s13, v12;
	v9 =	vsel vm14, s18, v9  }
0x46b: {  	s9 =	sadd.s32 s9, s24;
	s24 =	sshra.s32 s10, $0x1F;
	v61 =	vsel vm9, $0x3, v2;
	v62 =	vcombine.low v14, v13;
	v9 =	vsel vm5, s21, v9  }
0x46c: {  	s26 =	sshra.s32 s9, $0x1;
	s14 =	sshrl.u32 s9, $0x1F;
	v10 =	vcombine.low v12, v10;
	v8 =	vadd.s32 v61, v8;
	v9 =	vsel vm15, s24, v9  }
0x46d: {  	s28 =	sshra.s32 s9, $0x1F;
	s15 =	sshrl.u32 s8, $0x1F;
	v11 =	vsel vm6, s14, v11;
	vm9 =	vlt.s32 v8, $0x3;
	v9 =	vsel vm6, s26, v9  }
0x46e: {  	s29 =	sshra.s32 s8, $0x1;
	v7 =	vperm.xlane v62, v0;
	v11 =	vsel vm7, s15, v11;
	v9 =	vsel vm11, s28, v9  }
0x46f: {  	v10 =	vperm.xlane v10, v0;
	v63 =	vsel vm9, $0x1, v3;
	v9 =	vsel vm7, s29, v9  }
0x470: {  	v11 =	vperm.xlane v11, v1;
	v5 =	vadd.s32 v63, v5;
	v9 =	vperm.xlane v9, v1  }
0x471: {  	v8 =	vshll.u32 v8, $0x5;
	v5 =	vmax.u32 v5, $0x7D0  }
0x472: {  	s30 =	rddreg [dreg:$0x10];
	v10 =	vsel vm8, v11, v10;
	v5 =	vmin.u32 v5, $0x801;
	v7 =	vsel vm8, v9, v7  }
0x473: {  	p0 =	sne.s32 s30, $0x13C0;
	v6 =	vadd.s32 v8, v6;
	v5 =	vmul.u32 $0x1A0, v5;
	v7 =	vadd.s32 v10, v7  }
.Ltmp1:
0x474: {  	v6 =	vadd.s32 v7, v6;
	(pc) =	sbr.rel @p0 .LBB2_4-.Ltmp1, $4  }
0x475: {  	v5 =	vadd.s32 v5, v6  }
0x476: {  	vm9 =	veq.s32 v4, $0x0;
	v5 =	vadd.s32 $0xFFF34FA1, v5  }
0x477: {  	s31 =	rddreg [dreg:$0x11];
	v4 =	vsel vm9, $0x0, v5  }
0x478: {  	s0 =	sadd.s32 $0x40, s30;
	vm9 =	vmmov vm10;
	[tilespmem:s31+$0x1E00] =	vst v4  }
0x479: {  	s0 =	rddreg [dreg:$0x3]  }
0x47a: {  	s1 =	simm.s32 $0x80;
	s2 =	simm.s32 $0x1E00;
	s3 =	simm.s32 $0xD200  }
0x47b: {  	[tilespmem:s3], [sflag:$0x2] =	stream.indirect.gather [hbm4b:s0+s1], $0x20, s2, s1, $0xb8;
	[tilespmem:$0x17200] =	vst v63  }
0x47c: {  	s10 =	simm.s32 $0x1E80;
	s11 =	simm.s32 $0xE200  }
0x47d: {  	[tilespmem:s11], [sflag:$0x2] =	stream.indirect.gather [hbm4b:s0+s1], $0x20, s10, s1, $0xb8;
	[tilespmem:$0x17200] =	vst v63  }
0x47e: {  	s12 =	simm.s32 $0x1F00;
	s13 =	simm.s32 $0xF200  }
0x47f: {  	[tilespmem:s13], [sflag:$0x2] =	stream.indirect.gather [hbm4b:s0+s1], $0x20, s12, s1, $0xb8;
	[tilespmem:$0x17200] =	vst v63  }
0x480: {  	s14 =	simm.s32 $0x1F80;
	s15 =	simm.s32 $0x10200  }
0x481: {  	[tilespmem:s15], [sflag:$0x2] =	stream.indirect.gather [hbm4b:s0+s1], $0x20, s14, s1, $0xb8;
	[tilespmem:$0x17200] =	vst v63  }
0x482: {  	s16 =	simm.s32 $0x2000;
	s17 =	simm.s32 $0x11200  }
0x483: {  	[tilespmem:s17], [sflag:$0x2] =	stream.indirect.gather [hbm4b:s0+s1], $0x20, s16, s1, $0xb8;
	[tilespmem:$0x17200] =	vst v63  }
0x484: {  	s18 =	simm.s32 $0x2080;
	s19 =	simm.s32 $0x12200  }
0x485: {  	[tilespmem:s19], [sflag:$0x2] =	stream.indirect.gather [hbm4b:s0+s1], $0x20, s18, s1, $0xb8;
	[tilespmem:$0x17200] =	vst v63  }
0x486: {  	s20 =	simm.s32 $0x2100;
	s21 =	simm.s32 $0x13200  }
0x487: {  	[tilespmem:s21], [sflag:$0x2] =	stream.indirect.gather [hbm4b:s0+s1], $0x20, s20, s1, $0xb8;
	[tilespmem:$0x17200] =	vst v63  }
0x488: {  	s22 =	simm.s32 $0x2180;
	s23 =	simm.s32 $0x14200  }
0x489: {  	[tilespmem:s23], [sflag:$0x2] =	stream.indirect.gather [hbm4b:s0+s1], $0x20, s22, s1, $0xb8;
	[tilespmem:$0x17200] =	vst v63  }
0x48a: {  	s24 =	simm.s32 $0x2200;
	s25 =	simm.s32 $0x15200  }
0x48b: {  	[tilespmem:s25], [sflag:$0x2] =	stream.indirect.gather [hbm4b:s0+s1], $0x20, s24, s1, $0xb8;
	[tilespmem:$0x17200] =	vst v63  }
0x48c: {  	s26 =	simm.s32 $0x2280;
	s28 =	simm.s32 $0x16200;
	s29 =	simm.s32 $0x1  }
0x48d: {  	[tilespmem:s28], [sflag:$0x2] =	stream.indirect.gather [hbm4b:s0+s1], $0x20, s26, s1, $0xb8;
	[tilespmem:$0x17200] =	vst v63  }
0x48e: {  	_ =	swait.ge [sflag:s29], $0x1000  }
0x48f: {  	[sflag:s29] =	ssyncset.done $0x0  }
0x490: {  	[sflag:s29] =	ssyncadd.s32 $0xFFFFF000  }
0x491: {  	_ =	swait.ge [sflag:s29], $0x1000  }
0x492: {  	[sflag:s29] =	ssyncset.done $0x0  }
0x493: {  	[sflag:s29] =	ssyncadd.s32 $0xFFFFF000  }
0x494: {  	_ =	swait.ge [sflag:s29], $0x1000  }
0x495: {  	[sflag:s29] =	ssyncset.done $0x0  }
0x496: {  	[sflag:s29] =	ssyncadd.s32 $0xFFFFF000  }
0x497: {  	_ =	swait.ge [sflag:s29], $0x1000  }
0x498: {  	[sflag:s29] =	ssyncset.done $0x0  }
0x499: {  	[sflag:s29] =	ssyncadd.s32 $0xFFFFF000  }
0x49a: {  	_ =	swait.ge [sflag:s29], $0x1000  }
0x49b: {  	[sflag:s29] =	ssyncset.done $0x0  }
0x49c: {  	[sflag:s29] =	ssyncadd.s32 $0xFFFFF000  }
0x49d: {  	_ =	swait.ge [sflag:s29], $0x1000  }
0x49e: {  	[sflag:s29] =	ssyncset.done $0x0  }
0x49f: {  	[sflag:s29] =	ssyncadd.s32 $0xFFFFF000  }
0x4a0: {  	_ =	swait.ge [sflag:s29], $0x1000  }
0x4a1: {  	[sflag:s29] =	ssyncset.done $0x0  }
0x4a2: {  	[sflag:s29] =	ssyncadd.s32 $0xFFFFF000  }
0x4a3: {  	_ =	swait.ge [sflag:s29], $0x1000  }
0x4a4: {  	[sflag:s29] =	ssyncset.done $0x0  }
0x4a5: {  	[sflag:s29] =	ssyncadd.s32 $0xFFFFF000  }
0x4a6: {  	_ =	swait.ge [sflag:s29], $0x1000  }
0x4a7: {  	[sflag:s29] =	ssyncset.done $0x0  }
0x4a8: {  	[sflag:s29] =	ssyncadd.s32 $0xFFFFF000  }
0x4a9: {  	_ =	swait.ge [sflag:s29], $0x1000  }
0x4aa: {  	s31 =	simm.s32 $0x3200;
	[sflag:s29] =	ssyncset.done $0x0  }
0x4ab: {  	s2 =	simm.s32 $0x0;
	s30 =	rddreg [dreg:$0x5];
	[sflag:s29] =	ssyncadd.s32 $0xFFFFF000  }
0x4ac: {  	[hbm4b:s30+s2] =	stream.linear.scatter [tilespmem:s31], [sflag:$0x3], $0xA000, $0x38;
	[tilespmem:$0x17200] =	vst v63  }
.LBB2_6:
0x4ad: {  	s0 =	sshra.s32 s2, $0x2  }
0x4ae: {  	v4 =	vld [tilespmem:s0+$0xA00];
	_ =	sdelay $0x4  }
0x4af: {  	(v2sf) =	vpush v4, $0xD;
	_ =	sdelay $0x1  }
0x4b0: {  	(v2sf) =	vpush v4, $0xC;
	_ =	sdelay $0x1  }
0x4b1: {  	(v2sf) =	vpush v4, $0xE;
	_ =	sdelay $0x1  }
0x4b2: {  	(v2sf) =	vpush v4, $0xF;
	_ =	sdelay $0x1  }
0x4b3: {  	(v2sf) =	vpush v4, $0x9;
	_ =	sdelay $0x1  }
0x4b4: {  	(v2sf) =	vpush v4, $0x8;
	_ =	sdelay $0x1  }
0x4b5: {  	(v2sf) =	vpush v4, $0xA;
	_ =	sdelay $0x1  }
0x4b6: {  	(v2sf) =	vpush v4, $0xB  }
0x4b7: {  	s16 =	spop (v2sf)  }
0x4b8: {  	[dreg:$0xc] =	wrdreg s2;
	(v2sf) =	vpush v4, $0x1;
	s1 =	smulhi.u32 $0xC22E4507, s16;
	s17 =	sshra.s32 s16, $0x1F  }
0x4b9: {  	s3 =	spop (v2sf);
	s2 =	smul.u32 $0xC22E4507, s17  }
0x4ba: {  	[dreg:$0x12] =	wrdreg s0;
	(v2sf) =	vpush v4, $0x0;
	s4 =	smulhi.u32 $0xC22E4507, s3;
	s5 =	sshra.s32 s3, $0x1F  }
0x4bb: {  	s6 =	spop (v2sf);
	s5 =	smul.u32 $0xC22E4507, s5  }
0x4bc: {  	(v2sf) =	vpush v4, $0x2;
	s0 =	ssub.s32 s1, s16;
	s18 =	smulhi.u32 $0xC22E4507, s6;
	s7 =	sshra.s32 s6, $0x1F  }
0x4bd: {  	s20 =	spop (v2sf);
	s0 =	sadd.s32 s2, s0;
	s19 =	smul.u32 $0xC22E4507, s7  }
0x4be: {  	(v2sf) =	vpush v4, $0x3;
	s3 =	ssub.s32 s4, s3;
	s21 =	smulhi.u32 $0xC22E4507, s20;
	s8 =	sshra.s32 s20, $0x1F  }
0x4bf: {  	s23 =	spop (v2sf);
	s3 =	sadd.s32 s5, s3;
	s22 =	smul.u32 $0xC22E4507, s8  }
0x4c0: {  	(v2sf) =	vpush v4, $0x4;
	s1 =	ssub.s32 s18, s6;
	s24 =	smulhi.u32 $0xC22E4507, s23;
	s9 =	sshra.s32 s23, $0x1F  }
0x4c1: {  	s10 =	spop (v2sf);
	s1 =	sadd.s32 s19, s1;
	s9 =	smul.u32 $0xC22E4507, s9  }
0x4c2: {  	(v2sf) =	vpush v4, $0x5;
	s25 =	ssub.s32 s21, s20;
	s26 =	smulhi.u32 $0xC22E4507, s10;
	s28 =	sshra.s32 s10, $0x1F  }
0x4c3: {  	s30 =	spop (v2sf);
	s2 =	sadd.s32 s22, s25;
	s29 =	smul.u32 $0xC22E4507, s28  }
0x4c4: {  	(v2sf) =	vpush v4, $0x6;
	s6 =	ssub.s32 s24, s23;
	s31 =	smulhi.u32 $0xC22E4507, s30;
	s11 =	sshra.s32 s30, $0x1F  }
0x4c5: {  	s14 =	spop (v2sf);
	s6 =	sadd.s32 s9, s6;
	s11 =	smul.u32 $0xC22E4507, s11  }
0x4c6: {  	(v2sf) =	vpush v4, $0x7;
	s4 =	ssub.s32 s26, s10;
	s15 =	smulhi.u32 $0xC22E4507, s14;
	s12 =	sshra.s32 s14, $0x1F  }
0x4c7: {  	s4 =	sadd.s32 s29, s4;
	s16 =	smul.u32 $0xC22E4507, s12;
	s17 =	spop (v2sf)  }
0x4c8: {  	s7 =	ssub.s32 s31, s30;
	s18 =	smulhi.u32 $0xC22E4507, s17;
	s13 =	sshra.s32 s17, $0x1F  }
0x4c9: {  	s7 =	sadd.s32 s11, s7;
	s20 =	spop (v2sf);
	s19 =	smul.u32 $0xC22E4507, s13  }
0x4ca: {  	s10 =	ssub.s32 s15, s14;
	s21 =	smulhi.u32 $0xC22E4507, s20;
	s14 =	sshra.s32 s20, $0x1F  }
0x4cb: {  	s5 =	sadd.s32 s16, s10;
	s23 =	spop (v2sf);
	s22 =	smul.u32 $0xC22E4507, s14  }
0x4cc: {  	s8 =	ssub.s32 s18, s17;
	s24 =	smulhi.u32 $0xC22E4507, s23;
	s15 =	sshra.s32 s23, $0x1F  }
0x4cd: {  	s26 =	spop (v2sf);
	s8 =	sadd.s32 s19, s8;
	s25 =	smul.u32 $0xC22E4507, s15  }
0x4ce: {  	s11 =	ssub.s32 s21, s20;
	s28 =	smulhi.u32 $0xC22E4507, s26;
	s16 =	sshra.s32 s26, $0x1F  }
0x4cf: {  	s30 =	spop (v2sf);
	s10 =	sadd.s32 s22, s11;
	s29 =	smul.u32 $0xC22E4507, s16  }
0x4d0: {  	s12 =	ssub.s32 s24, s23;
	s31 =	smulhi.u32 $0xC22E4507, s30;
	s17 =	sshra.s32 s30, $0x1F  }
0x4d1: {  	s19 =	spop (v2sf);
	s9 =	sadd.s32 s25, s12;
	s18 =	smul.u32 $0xC22E4507, s17  }
0x4d2: {  	v5 =	vmov s10;
	s20 =	ssub.s32 s28, s26;
	s21 =	smulhi.u32 $0xC22E4507, s19;
	s22 =	sshra.s32 s19, $0x1F  }
0x4d3: {  	s24 =	spop (v2sf);
	v5 =	vnsel vm3, $0x0, v5;
	s10 =	sadd.s32 s29, s20;
	s23 =	smul.u32 $0xC22E4507, s22  }
0x4d4: {  	s25 =	ssub.s32 s31, s30;
	s26 =	smulhi.u32 $0xC22E4507, s24;
	s28 =	sshra.s32 s24, $0x1F;
	v5 =	vsel vm0, s8, v5  }
0x4d5: {  	v6 =	vmov s3;
	v7 =	vmov s4;
	s31 =	spop (v2sf);
	s29 =	sadd.s32 s18, s25;
	s30 =	smul.u32 $0xC22E4507, s28;
	v5 =	vsel vm1, s9, v5  }
0x4d6: {  	v6 =	vsel vm0, s0, v6;
	v7 =	vsel vm0, s6, v7;
	s12 =	ssub.s32 s21, s19;
	s13 =	smulhi.u32 $0xC22E4507, s31;
	s16 =	sshra.s32 s31, $0x1F;
	v5 =	vsel vm2, s10, v5  }
0x4d7: {  	v6 =	vsel vm1, s1, v6;
	v7 =	vsel vm1, s7, v7;
	s0 =	sadd.s32 s23, s12;
	s17 =	ssub.s32 s26, s24;
	s18 =	smul.u32 $0xC22E4507, s16;
	v5 =	vsel vm4, s29, v5  }
0x4d8: {  	v6 =	vsel vm2, s2, v6;
	v7 =	vsel vm2, s5, v7;
	s19 =	sadd.s32 s30, s17;
	s20 =	ssub.s32 s13, s31;
	v5 =	vsel vm5, s0, v5  }
0x4d9: {  	v6 =	vcombine.low v7, v6;
	s21 =	sadd.s32 s18, s20;
	v5 =	vsel vm6, s19, v5  }
0x4da: {  	v5 =	vsel vm7, s21, v5  }
0x4db: {  	v6 =	vperm.xlane v6, v0;
	v5 =	vperm.xlane v5, v1;
	_ =	sdelay $0x1  }
0x4dc: {  	v5 =	vsel vm8, v5, v6  }
0x4dd: {  	v5 =	vadd.s32 v4, v5  }
0x4de: {  	v15 =	vshrl.u32 v5, $0x1F;
	v5 =	vshra.s32 v5, $0x10  }
0x4df: {  	v5 =	vadd.s32 v15, v5  }
0x4e0: {  	v6 =	vadd.s32 $0xAFA6C, v5  }
0x4e1: {  	v5 =	vmulhi.u32 $0x396B06BD, v6;
	_ =	sdelay $0x1  }
0x4e2: {  	v5 =	vshrl.u32 v5, $0xF  }
0x4e3: {  	v16 =	vmul.u32 $0xFFFDC54F, v5;
	_ =	sdelay $0x1  }
0x4e4: {  	v6 =	vadd.s32 v6, v16  }
0x4e5: {  	(v2sf) =	vpush v6, $0xD;
	_ =	sdelay $0x2  }
0x4e6: {  	(v2sf) =	vpush v6, $0xC;
	_ =	sdelay $0x2  }
0x4e7: {  	(v2sf) =	vpush v6, $0xE  }
0x4e8: {  	(v2sf) =	vpush v6, $0xF;
	_ =	sdelay $0x1  }
0x4e9: {  	(v2sf) =	vpush v6, $0x9;
	_ =	sdelay $0x3  }
0x4ea: {  	(v2sf) =	vpush v6, $0x8;
	_ =	sdelay $0x1  }
0x4eb: {  	s19 =	spop (v2sf)  }
0x4ec: {  	s22 =	sshra.s32 s19, $0x1F  }
0x4ed: {  	s23 =	smul.u32 $0x4C73064F, s22  }
0x4ee: {  	s5 =	spop (v2sf);
	s11 =	smul.u32 $0xE5AC81FB, s22  }
0x4ef: {  	s24 =	sshra.s32 s5, $0x1F;
	s0 =	smul.u32 $0x1A537E05, s22  }
0x4f0: {  	s25 =	smul.u32 $0x4C73064F, s24  }
0x4f1: {  	s14 =	spop (v2sf);
	s13 =	smul.u32 $0xE5AC81FB, s24  }
0x4f2: {  	(v2sf) =	vpush v6, $0xA;
	s26 =	sshra.s32 s14, $0x1F;
	s12 =	spop (v2sf);
	s21 =	smul.u32 $0x1A537E05, s24  }
0x4f3: {  	[smem:$0x63F] =	sst s23;
	s28 =	smul.u32 $0x4C73064F, s26  }
0x4f4: {  	s17 =	spop (v2sf);
	[smem:$0x656] =	sst s11  }
0x4f5: {  	(v2sf) =	vpush v6, $0xB;
	s15 =	smul.u32 $0xE5AC81FB, s26;
	[smem:$0x678] =	sst s0  }
0x4f6: {  	s29 =	sshra.s32 s12, $0x1F;
	s22 =	smul.u32 $0x1A537E05, s26;
	[smem:$0x640] =	sst s25  }
0x4f7: {  	s30 =	smul.u32 $0x4C73064F, s29;
	[smem:$0x657] =	sst s13  }
0x4f8: {  	(v2sf) =	vpush v6, $0x1;
	s8 =	spop (v2sf);
	[smem:$0x67A] =	sst s21  }
0x4f9: {  	s16 =	smul.u32 $0xE5AC81FB, s29;
	[smem:$0x641] =	sst s28  }
0x4fa: {  	s31 =	sshra.s32 s17, $0x1F;
	s23 =	smul.u32 $0x1A537E05, s29;
	[smem:$0x658] =	sst s15  }
0x4fb: {  	s7 =	smul.u32 $0x4C73064F, s31;
	[smem:$0x67E] =	sst s22  }
0x4fc: {  	s18 =	smul.u32 $0xE5AC81FB, s31;
	[smem:$0x642] =	sst s30  }
0x4fd: {  	s9 =	sshra.s32 s8, $0x1F;
	s24 =	smul.u32 $0x1A537E05, s31;
	[smem:$0x65A] =	sst s16  }
0x4fe: {  	s10 =	smul.u32 $0x4C73064F, s9;
	[smem:$0x680] =	sst s23  }
0x4ff: {  	s20 =	smul.u32 $0xE5AC81FB, s9;
	[smem:$0x643] =	sst s7  }
0x500: {  	(v2sf) =	vpush v6, $0x0;
	s25 =	smul.u32 $0x1A537E05, s9;
	[smem:$0x65C] =	sst s18  }
0x501: {  	[smem:$0x644] =	sst s10;
	s10 =	spop (v2sf)  }
0x502: {  	[smem:$0x685] =	sst s24;
	s24 =	smulhi.u32 $0x4C73064F, s8;
	s26 =	sshra.s32 s10, $0x1F  }
0x503: {  	[smem:$0x65F] =	sst s20;
	s28 =	smul.u32 $0x4C73064F, s26  }
0x504: {  	(v2sf) =	vpush v6, $0x2;
	s3 =	spop (v2sf);
	s29 =	smul.u32 $0xE5AC81FB, s26  }
0x505: {  	[smem:$0x681] =	sst s25;
	s0 =	smul.u32 $0x1A537E05, s26;
	s30 =	sshra.s32 s3, $0x1F  }
0x506: {  	(v2sf) =	vpush v6, $0x3;
	[smem:$0x645] =	sst s24;
	s31 =	smul.u32 $0x4C73064F, s30  }
0x507: {  	s13 =	spop (v2sf);
	s2 =	smul.u32 $0xE5AC81FB, s30  }
0x508: {  	s1 =	smulhi.u32 $0x4C73064F, s13;
	[smem:$0x646] =	sst s28  }
0x509: {  	s4 =	sshra.s32 s13, $0x1F;
	[dreg:$0x1d] =	wrdreg s0;
	s0 =	smul.u32 $0x1A537E05, s30  }
0x50a: {  	(v2sf) =	vpush v6, $0x4;
	[smem:$0x663] =	sst s29;
	s6 =	smul.u32 $0x4C73064F, s4  }
0x50b: {  	s7 =	smul.u32 $0xE5AC81FB, s4;
	[smem:$0x648] =	sst s31  }
0x50c: {  	s30 =	smulhi.u32 $0x4C73064F, s5;
	[smem:$0x667] =	sst s2  }
0x50d: {  	s28 =	smulhi.u32 $0x4C73064F, s10;
	[smem:$0x64B] =	sst s1  }
0x50e: {  	s29 =	smulhi.u32 $0x4C73064F, s3;
	[dreg:$0x18] =	wrdreg s0  }
0x50f: {  	[smem:$0x64A] =	sst s6;
	s6 =	spop (v2sf)  }
0x510: {  	(v2sf) =	vpush v6, $0x5;
	[smem:$0x66E] =	sst s7;
	s0 =	smul.u32 $0x1A537E05, s4  }
0x511: {  	s7 =	smulhi.u32 $0x4C73064F, s19;
	[smem:$0x647] =	sst s28  }
0x512: {  	[smem:$0x649] =	sst s29;
	s9 =	sshra.s32 s6, $0x1F;
	s4 =	smulhi.u32 $0x4C73064F, s6  }
0x513: {  	s25 =	spop (v2sf);
	s11 =	smul.u32 $0x4C73064F, s9  }
0x514: {  	[smem:$0x682] =	sst s0;
	s15 =	smul.u32 $0xE5AC81FB, s9  }
0x515: {  	(v2sf) =	vpush v6, $0x6;
	s0 =	smul.u32 $0x1A537E05, s9;
	s26 =	spop (v2sf)  }
0x516: {  	s16 =	sshra.s32 s25, $0x1F;
	s9 =	smulhi.u32 $0x4C73064F, s25;
	[smem:$0x64D] =	sst s4  }
0x517: {  	s18 =	smul.u32 $0x4C73064F, s16;
	[smem:$0x64C] =	sst s11  }
0x518: {  	s20 =	smul.u32 $0xE5AC81FB, s16;
	[smem:$0x66C] =	sst s15  }
0x519: {  	s4 =	spop (v2sf);
	[smem:$0x67C] =	sst s0  }
0x51a: {  	s21 =	sshra.s32 s26, $0x1F;
	s0 =	smul.u32 $0x1A537E05, s16;
	[smem:$0x64F] =	sst s9  }
0x51b: {  	s22 =	smul.u32 $0x4C73064F, s21;
	[smem:$0x64E] =	sst s18  }
0x51c: {  	(v2sf) =	vpush v6, $0x7;
	s23 =	smul.u32 $0xE5AC81FB, s21;
	[smem:$0x670] =	sst s20  }
0x51d: {  	s11 =	smulhi.u32 $0x4C73064F, s26;
	[smem:$0x684] =	sst s0  }
0x51e: {  	s15 =	smulhi.u32 $0x4C73064F, s4;
	[smem:$0x650] =	sst s22  }
0x51f: {  	s28 =	spop (v2sf);
	[smem:$0x672] =	sst s23  }
0x520: {  	s20 =	smulhi.u32 $0x4C73064F, s28;
	[smem:$0x651] =	sst s11  }
0x521: {  	s0 =	smul.u32 $0x1A537E05, s21;
	[smem:$0x652] =	sst s15  }
0x522: {  	s21 =	sshra.s32 s28, $0x1F;
	s11 =	smulhi.u32 $0xE5AC81FB, s12;
	[smem:$0x654] =	sst s20  }
0x523: {  	s22 =	smul.u32 $0x4C73064F, s21;
	[smem:$0x67D] =	sst s21  }
0x524: {  	s20 =	spop (v2sf);
	[smem:$0x686] =	sst s0  }
0x525: {  	s1 =	smov.u32 s21;
	s24 =	smulhi.u32 $0x4C73064F, s20;
	[smem:$0x659] =	sst s11  }
0x526: {  	s23 =	sshra.s32 s20, $0x1F;
	s11 =	smulhi.u32 $0xE5AC81FB, s17;
	[smem:$0x655] =	sst s22  }
0x527: {  	s0 =	sshra.s32 s4, $0x1F;
	s1 =	smul.u32 $0xE5AC81FB, s1;
	[smem:$0x676] =	sst s23  }
0x528: {  	s18 =	smul.u32 $0x4C73064F, s0;
	[smem:$0x65B] =	sst s11  }
0x529: {  	s21 =	smul.u32 $0x4C73064F, s23;
	[smem:$0x677] =	sst s1  }
0x52a: {  	s11 =	smulhi.u32 $0xE5AC81FB, s8;
	s1 =	sld [smem:$0x654]  }
0x52b: {  	[smem:$0x653] =	sst s18;
	s18 =	spop (v2sf)  }
0x52c: {  	s29 =	sshra.s32 s18, $0x1F;
	[smem:$0x65D] =	sst s11;
	s11 =	smulhi.u32 $0xE5AC81FB, s10  }
0x52d: {  	s21 =	sadd.s32 s21, s24;
	s24 =	smulhi.u32 $0x1A537E05, s19;
	[smem:$0x683] =	sst s29  }
0x52e: {  	[smem:$0x660] =	sst s11;
	s11 =	smulhi.u32 $0xE5AC81FB, s3  }
0x52f: {  	s15 =	smulhi.u32 $0xE5AC81FB, s19;
	[smem:$0x679] =	sst s24  }
0x530: {  	[smem:$0x664] =	sst s11;
	s11 =	smulhi.u32 $0xE5AC81FB, s13  }
0x531: {  	s23 =	smulhi.u32 $0xE5AC81FB, s5;
	s24 =	ssub.s32 s15, s19;
	s19 =	sld [smem:$0x656]  }
0x532: {  	s15 =	smulhi.u32 $0x1A537E05, s5;
	[smem:$0x66B] =	sst s11  }
0x533: {  	s5 =	ssub.s32 s23, s5;
	s23 =	smulhi.u32 $0x1A537E05, s14;
	s11 =	sld [smem:$0x63F]  }
0x534: {  	s22 =	smulhi.u32 $0x4C73064F, s18;
	[smem:$0x67B] =	sst s15  }
0x535: {  	s9 =	smul.u32 $0x4C73064F, s29;
	[smem:$0x67F] =	sst s23  }
0x536: {  	s15 =	sld [smem:$0x65A];
	s7 =	sadd.s32 s11, s7;
	s11 =	smulhi.u32 $0xE5AC81FB, s6  }
0x537: {  	s22 =	sadd.s32 s9, s22;
	s9 =	sadd.s32 s19, s24;
	s24 =	sld [smem:$0x657]  }
0x538: {  	[smem:$0x668] =	sst s11  }
0x539: {  	s11 =	sld [smem:$0x640]  }
0x53a: {  	s5 =	sadd.s32 s24, s5;
	s24 =	sld [smem:$0x65B]  }
0x53b: {  	[smem:$0x661] =	sst s7  }
0x53c: {  	s7 =	sadd.s32 s11, s30;
	s11 =	sld [smem:$0x641]  }
0x53d: {  	s30 =	smulhi.u32 $0xE5AC81FB, s25;
	[smem:$0x65E] =	sst s7  }
0x53e: {  	s29 =	smulhi.u32 $0xE5AC81FB, s14;
	s7 =	sld [smem:$0x642]  }
0x53f: {  	s2 =	smulhi.u32 $0x4C73064F, s14;
	[smem:$0x66F] =	sst s30  }
0x540: {  	s16 =	smulhi.u32 $0x4C73064F, s17;
	s14 =	ssub.s32 s29, s14;
	s30 =	sld [smem:$0x644]  }
0x541: {  	s29 =	smulhi.u32 $0x1A537E05, s17;
	s17 =	ssub.s32 s24, s17;
	s24 =	sld [smem:$0x65E]  }
0x542: {  	s31 =	smulhi.u32 $0x4C73064F, s12;
	s2 =	sadd.s32 s11, s2;
	s11 =	sld [smem:$0x643]  }
0x543: {  	[smem:$0x665] =	sst s2  }
0x544: {  	s2 =	sadd.s32 s7, s31;
	s31 =	sld [smem:$0x645]  }
0x545: {  	s7 =	sld [smem:$0x646]  }
0x546: {  	[smem:$0x669] =	sst s2  }
0x547: {  	s2 =	sadd.s32 s11, s16;
	s11 =	sld [smem:$0x647]  }
0x548: {  	[smem:$0x666] =	sst s2  }
0x549: {  	v8 =	vmov s24;
	s24 =	smulhi.u32 $0x1A537E05, s3;
	s2 =	sadd.s32 s30, s31;
	s30 =	sld [smem:$0x648]  }
0x54a: {  	s16 =	smulhi.u32 $0xE5AC81FB, s26;
	s31 =	sld [smem:$0x649]  }
0x54b: {  	[smem:$0x688] =	sst s24  }
0x54c: {  	[smem:$0x671] =	sst s16  }
0x54d: {  	[smem:$0x662] =	sst s2  }
0x54e: {  	s24 =	sld [smem:$0x666]  }
0x54f: {  	s2 =	sadd.s32 s7, s11;
	s7 =	sld [smem:$0x64A]  }
0x550: {  	s11 =	sld [smem:$0x64B]  }
0x551: {  	v11 =	vmov s5;
	s16 =	smulhi.u32 $0xE5AC81FB, s4;
	s5 =	sld [smem:$0x671]  }
0x552: {  	[smem:$0x66A] =	sst s2  }
0x553: {  	[smem:$0x673] =	sst s16  }
0x554: {  	s2 =	sadd.s32 s30, s31;
	s30 =	sld [smem:$0x64C]  }
0x555: {  	s16 =	smul.u32 $0xE5AC81FB, s0;
	s31 =	sld [smem:$0x64D]  }
0x556: {  	[smem:$0x66D] =	sst s2  }
0x557: {  	[smem:$0x674] =	sst s16  }
0x558: {  	s16 =	sld [smem:$0x64E]  }
0x559: {  	s2 =	sadd.s32 s30, s31;
	s30 =	sld [smem:$0x64F];
	s31 =	smulhi.u32 $0xE5AC81FB, s28  }
0x55a: {  	v17 =	vmov s2;
	s2 =	sld [smem:$0x658]  }
0x55b: {  	[smem:$0x675] =	sst s31  }
0x55c: {  	s31 =	sld [smem:$0x652]  }
0x55d: {  	s7 =	sadd.s32 s7, s11;
	s11 =	sadd.s32 s16, s30;
	s16 =	sld [smem:$0x650]  }
0x55e: {  	v7 =	vnsel vm3, $0x0, v17;
	s30 =	sld [smem:$0x651]  }
0x55f: {  	v7 =	vsel vm0, s7, v7;
	s7 =	sld [smem:$0x65D]  }
0x560: {  	s23 =	sadd.s32 s2, s14;
	s14 =	sld [smem:$0x659]  }
0x561: {  	s2 =	sld [smem:$0x65C]  }
0x562: {  	v11 =	vsel vm0, s9, v11;
	v7 =	vsel vm1, s11, v7;
	s11 =	sld [smem:$0x660]  }
0x563: {  	v18 =	vsel vm1, s23, v11;
	s23 =	sld [smem:$0x685]  }
0x564: {  	s19 =	smulhi.u32 $0x1A537E05, s12;
	s16 =	sadd.s32 s16, s30;
	s30 =	sld [smem:$0x653]  }
0x565: {  	s12 =	ssub.s32 s14, s12;
	s17 =	sadd.s32 s2, s17;
	s2 =	sld [smem:$0x65F]  }
0x566: {  	v7 =	vsel vm2, s16, v7;
	s16 =	sld [smem:$0x665];
	s14 =	sadd.s32 s15, s12;
	s15 =	smulhi.u32 $0x1A537E05, s10  }
0x567: {  	s31 =	sadd.s32 s30, s31;
	s30 =	sld [smem:$0x655]  }
0x568: {  	s12 =	smulhi.u32 $0x1A537E05, s8;
	s8 =	ssub.s32 s7, s8;
	[smem:$0x687] =	sst s15  }
0x569: {  	s7 =	sadd.s32 s2, s8;
	s2 =	sld [smem:$0x661]  }
0x56a: {  	s15 =	ssub.s32 s11, s10;
	s10 =	sld [smem:$0x662]  }
0x56b: {  	s11 =	sld [smem:$0x663]  }
0x56c: {  	v7 =	vsel vm4, s31, v7;
	s31 =	sld [smem:$0x667];
	v12 =	vmov s7  }
0x56d: {  	v12 =	vsel vm0, s17, v12;
	s17 =	sld [smem:$0x674]  }
0x56e: {  	s8 =	sadd.s32 s11, s15;
	s15 =	sld [smem:$0x664]  }
0x56f: {  	v8 =	vsel vm0, s2, v8;
	s2 =	sld [smem:$0x668]  }
0x570: {  	s30 =	sadd.s32 s30, s1;
	v9 =	vmov s10;
	v8 =	vsel vm1, s16, v8;
	s16 =	sld [smem:$0x669]  }
0x571: {  	v7 =	vsel vm5, s30, v7;
	v9 =	vsel vm0, s24, v9;
	s24 =	sld [smem:$0x66A]  }
0x572: {  	v7 =	vsel vm6, s21, v7;
	s21 =	sld [smem:$0x66F]  }
0x573: {  	v19 =	vsel vm1, s8, v12;
	s8 =	sld [smem:$0x679];
	s3 =	ssub.s32 s15, s3  }
0x574: {  	s15 =	smulhi.u32 $0x1A537E05, s6;
	s10 =	ssub.s32 s2, s6;
	s6 =	sld [smem:$0x66C]  }
0x575: {  	s3 =	sadd.s32 s31, s3;
	s31 =	sld [smem:$0x66B]  }
0x576: {  	v8 =	vsel vm2, s16, v8;
	s16 =	sld [smem:$0x66E]  }
0x577: {  	s2 =	sadd.s32 s6, s10;
	s10 =	sld [smem:$0x66D]  }
0x578: {  	v9 =	vsel vm1, s24, v9;
	s24 =	smulhi.u32 $0x1A537E05, s25;
	s30 =	ssub.s32 s21, s25;
	s25 =	sld [smem:$0x675]  }
0x579: {  	s11 =	smulhi.u32 $0x1A537E05, s13;
	s13 =	ssub.s32 s31, s13;
	v10 =	vmov s2;
	s31 =	sld [smem:$0x670]  }
0x57a: {  	s13 =	sadd.s32 s16, s13;
	v10 =	vnsel vm3, $0x0, v10;
	v9 =	vsel vm2, s10, v9;
	s10 =	sld [smem:$0x672]  }
0x57b: {  	v10 =	vsel vm0, s13, v10;
	s13 =	sld [smem:$0x673]  }
0x57c: {  	s2 =	sadd.s32 s31, s30;
	s30 =	sld [smem:$0x677]  }
0x57d: {  	v8 =	vcombine.low v9, v8;
	v9 =	vsel vm2, s14, v18;
	s14 =	sld [smem:$0x67C]  }
0x57e: {  	s9 =	smulhi.u32 $0x1A537E05, s28;
	v10 =	vsel vm1, s2, v10;
	s2 =	ssub.s32 s25, s28;
	s28 =	sld [smem:$0x67E]  }
0x57f: {  	s6 =	ssub.s32 s5, s26;
	s25 =	sld [smem:$0x686]  }
0x580: {  	s5 =	sadd.s32 s10, s6;
	s1 =	ssub.s32 s13, s4;
	s6 =	sld [smem:$0x678]  }
0x581: {  	s7 =	smul.u32 $0x1A537E05, s0;
	s1 =	sadd.s32 s17, s1;
	s17 =	sld [smem:$0x676]  }
0x582: {  	s21 =	smulhi.u32 $0x1A537E05, s26;
	s10 =	sld [smem:$0x67A]  }
0x583: {  	s16 =	smulhi.u32 $0xE5AC81FB, s20;
	s13 =	sld [smem:$0x67B]  }
0x584: {  	v11 =	vsel vm2, s3, v19;
	s3 =	sadd.s32 s14, s15;
	s15 =	sld [smem:$0x67D];
	s26 =	smul.u32 $0xE5AC81FB, s17  }
0x585: {  	s31 =	ssub.s32 s16, s20;
	v10 =	vsel vm2, s5, v10;
	s2 =	sadd.s32 s30, s2;
	s30 =	sld [smem:$0x67F]  }
0x586: {  	v7 =	vsel vm7, s22, v7;
	s22 =	smulhi.u32 $0x1A537E05, s4;
	v10 =	vsel vm4, s1, v10;
	s4 =	sadd.s32 s26, s31;
	s31 =	sld [smem:$0x680]  }
0x587: {  	s0 =	smulhi.u32 $0xE5AC81FB, s18;
	s5 =	sadd.s32 s6, s8;
	v10 =	vsel vm5, s2, v10;
	s6 =	sld [smem:$0x682]  }
0x588: {  	s20 =	smulhi.u32 $0x1A537E05, s20;
	v10 =	vsel vm6, s4, v10;
	s4 =	sld [smem:$0x681]  }
0x589: {  	s2 =	sadd.s32 s10, s13;
	s10 =	sadd.s32 s31, s19;
	s19 =	sld [smem:$0x684]  }
0x58a: {  	v7 =	vperm.xlane v7, v1;
	v8 =	vperm.xlane v8, v0;
	s14 =	sld [smem:$0x683];
	v20 =	vmov s3;
	s16 =	smul.u32 $0x1A537E05, s15;
	s13 =	sadd.s32 s28, s30  }
0x58b: {  	v9 =	vcombine.low v11, v9;
	v12 =	vnsel vm3, $0x0, v20;
	s28 =	rddreg [dreg:$0x1d];
	s1 =	sadd.s32 s4, s12;
	s12 =	sadd.s32 s6, s11  }
0x58c: {  	v21 =	vsub.s32 $0x0, v6;
	v7 =	vsel vm8, v7, v8;
	v12 =	vsel vm0, s12, v12;
	s12 =	sadd.s32 s19, s24;
	s24 =	sadd.s32 s23, s29;
	s29 =	sld [smem:$0x687]  }
0x58d: {  	v9 =	vperm.xlane v9, v0;
	s3 =	ssub.s32 s0, s18;
	v7 =	vadd.s32 v21, v7;
	s15 =	smul.u32 $0xE5AC81FB, s14;
	s6 =	sld [smem:$0x688]  }
0x58e: {  	v22 =	vmov s2;
	s30 =	sadd.s32 s7, s22;
	s8 =	smul.u32 $0x1A537E05, s14;
	v14 =	vmov s1;
	s1 =	sadd.s32 s25, s21;
	v12 =	vsel vm1, s12, v12  }
0x58f: {  	v11 =	vsel vm0, s5, v22;
	s26 =	smul.u32 $0x1A537E05, s17;
	s4 =	rddreg [dreg:$0x18];
	v14 =	vsel vm0, s24, v14;
	v12 =	vsel vm2, s1, v12;
	s0 =	sadd.s32 s28, s29  }
0x590: {  	v11 =	vsel vm1, s13, v11;
	s7 =	sadd.s32 s16, s9;
	s31 =	smulhi.u32 $0x1A537E05, s18;
	v12 =	vsel vm4, s30, v12;
	v14 =	vsel vm1, s0, v14;
	s0 =	sadd.s32 s4, s6  }
0x591: {  	s3 =	sadd.s32 s15, s3;
	s9 =	sadd.s32 s26, s20;
	v11 =	vsel vm2, s10, v11;
	v12 =	vsel vm5, s7, v12;
	v14 =	vsel vm2, s0, v14  }
0x592: {  	v10 =	vsel vm7, s3, v10;
	s10 =	sadd.s32 s8, s31;
	v12 =	vsel vm6, s9, v12;
	v11 =	vcombine.low v14, v11  }
0x593: {  	v13 =	vshrl.u32 v7, $0x1F;
	v10 =	vperm.xlane v10, v1;
	v12 =	vsel vm7, s10, v12  }
0x594: {  	v7 =	vshra.s32 v7, $0xA;
	v12 =	vperm.xlane v12, v1;
	v11 =	vperm.xlane v11, v0  }
0x595: {  	v7 =	vadd.s32 v13, v7;
	v9 =	vsel vm8, v10, v9  }
0x596: {  	v7 =	vadd.s32 v6, v7;
	v9 =	vadd.s32 v6, v9;
	v23 =	vsel vm8, v12, v11  }
0x597: {  	v24 =	vshrl.u32 v9, $0x1F;
	v9 =	vshra.s32 v9, $0xF;
	v8 =	vadd.s32 v21, v23  }
0x598: {  	v9 =	vadd.s32 v24, v9;
	v10 =	vshrl.u32 v8, $0x1F;
	v8 =	vshra.s32 v8, $0x11  }
0x599: {  	v7 =	vadd.s32 v9, v7;
	v8 =	vadd.s32 v10, v8  }
0x59a: {  	v8 =	vadd.s32 v8, v7  }
0x59b: {  	(v2sf) =	vpush v8, $0xD;
	_ =	sdelay $0x2  }
0x59c: {  	(v2sf) =	vpush v8, $0xC;
	_ =	sdelay $0x2  }
0x59d: {  	(v2sf) =	vpush v8, $0xE;
	_ =	sdelay $0x1  }
0x59e: {  	(v2sf) =	vpush v8, $0xF  }
0x59f: {  	(v2sf) =	vpush v8, $0x9;
	_ =	sdelay $0x3  }
0x5a0: {  	(v2sf) =	vpush v8, $0x8;
	_ =	sdelay $0x1  }
0x5a1: {  	s3 =	spop (v2sf)  }
0x5a2: {  	s11 =	sshra.s32 s3, $0x1F  }
0x5a3: {  	s25 =	smul.u32 $0xB38CF9B1, s11  }
0x5a4: {  	s8 =	spop (v2sf);
	s22 =	smul.u32 $0x4C73064F, s11  }
0x5a5: {  	(v2sf) =	vpush v8, $0xA;
	s12 =	sshra.s32 s8, $0x1F;
	s0 =	smul.u32 $0x72E9959, s11  }
0x5a6: {  	s31 =	smul.u32 $0xB38CF9B1, s12  }
0x5a7: {  	s10 =	spop (v2sf);
	s23 =	smul.u32 $0x4C73064F, s12  }
0x5a8: {  	s14 =	sshra.s32 s10, $0x1F;
	s1 =	smul.u32 $0x72E9959, s12  }
0x5a9: {  	s28 =	spop (v2sf);
	s15 =	smul.u32 $0xB38CF9B1, s14  }
0x5aa: {  	s13 =	spop (v2sf);
	[smem:$0x6A2] =	sst s22  }
0x5ab: {  	s24 =	smul.u32 $0x4C73064F, s14;
	[smem:$0x6BD] =	sst s0  }
0x5ac: {  	s16 =	sshra.s32 s28, $0x1F;
	s4 =	smul.u32 $0x72E9959, s14;
	[smem:$0x6A4] =	sst s23  }
0x5ad: {  	s17 =	smul.u32 $0xB38CF9B1, s16;
	[smem:$0x6BF] =	sst s1  }
0x5ae: {  	s2 =	spop (v2sf);
	[smem:$0x689] =	sst s15  }
0x5af: {  	s26 =	smul.u32 $0x4C73064F, s16;
	[smem:$0x6A6] =	sst s24  }
0x5b0: {  	(v2sf) =	vpush v8, $0xB;
	s5 =	smul.u32 $0x72E9959, s16;
	[smem:$0x6C1] =	sst s4  }
0x5b1: {  	(v2sf) =	vpush v8, $0x1;
	s18 =	sshra.s32 s13, $0x1F;
	s16 =	smulhi.u32 $0xB38CF9B1, s13;
	[smem:$0x68A] =	sst s17  }
0x5b2: {  	s19 =	smul.u32 $0xB38CF9B1, s18;
	[smem:$0x6A9] =	sst s26  }
0x5b3: {  	s29 =	smul.u32 $0x4C73064F, s18;
	[smem:$0x6C5] =	sst s5  }
0x5b4: {  	s1 =	spop (v2sf);
	[smem:$0x68B] =	sst s16  }
0x5b5: {  	(v2sf) =	vpush v8, $0x0;
	s20 =	sshra.s32 s2, $0x1F;
	s9 =	smul.u32 $0x72E9959, s18;
	[smem:$0x68C] =	sst s19  }
0x5b6: {  	s21 =	smul.u32 $0xB38CF9B1, s20;
	[smem:$0x6AB] =	sst s29  }
0x5b7: {  	s30 =	smul.u32 $0x4C73064F, s20;
	[smem:$0x6C7] =	sst s9  }
0x5b8: {  	s11 =	smul.u32 $0x72E9959, s20;
	[smem:$0x68E] =	sst s21  }
0x5b9: {  	(v2sf) =	vpush v8, $0x2;
	s17 =	smulhi.u32 $0xB38CF9B1, s2;
	[smem:$0x6AE] =	sst s30  }
0x5ba: {  	s12 =	sshra.s32 s1, $0x1F;
	s18 =	smulhi.u32 $0xB38CF9B1, s1;
	[smem:$0x6C9] =	sst s11  }
0x5bb: {  	s14 =	smul.u32 $0xB38CF9B1, s12;
	[smem:$0x68D] =	sst s17  }
0x5bc: {  	s15 =	smul.u32 $0x4C73064F, s12;
	[smem:$0x68F] =	sst s18  }
0x5bd: {  	s0 =	smul.u32 $0x72E9959, s12;
	[smem:$0x690] =	sst s14  }
0x5be: {  	[smem:$0x6B0] =	sst s15  }
0x5bf: {  	[smem:$0x6CC] =	sst s0;
	s0 =	spop (v2sf)  }
0x5c0: {  	(v2sf) =	vpush v8, $0x3;
	s20 =	smulhi.u32 $0xB38CF9B1, s0;
	s22 =	sshra.s32 s0, $0x1F;
	s15 =	spop (v2sf)  }
0x5c1: {  	(v2sf) =	vpush v8, $0x4;
	s21 =	smul.u32 $0xB38CF9B1, s22;
	[smem:$0x6BC] =	sst s22  }
0x5c2: {  	s23 =	smulhi.u32 $0xB38CF9B1, s15;
	[smem:$0x691] =	sst s20  }
0x5c3: {  	s22 =	smul.u32 $0x4C73064F, s22;
	[smem:$0x692] =	sst s21  }
0x5c4: {  	(v2sf) =	vpush v8, $0x5;
	s17 =	spop (v2sf);
	[smem:$0x693] =	sst s23  }
0x5c5: {  	s26 =	smulhi.u32 $0xB38CF9B1, s17;
	s23 =	sshra.s32 s15, $0x1F;
	[smem:$0x6B5] =	sst s22  }
0x5c6: {  	s22 =	smulhi.u32 $0x72E9959, s3;
	[smem:$0x6CB] =	sst s23  }
0x5c7: {  	s24 =	smul.u32 $0xB38CF9B1, s23;
	[smem:$0x695] =	sst s26  }
0x5c8: {  	s9 =	spop (v2sf);
	[smem:$0x6BE] =	sst s22  }
0x5c9: {  	(v2sf) =	vpush v8, $0x6;
	s20 =	sshra.s32 s9, $0x1F;
	[smem:$0x694] =	sst s24  }
0x5ca: {  	s30 =	smulhi.u32 $0xB38CF9B1, s9;
	s24 =	sshra.s32 s17, $0x1F;
	[smem:$0x6CE] =	sst s20  }
0x5cb: {  	s22 =	smulhi.u32 $0x72E9959, s8;
	[smem:$0x6C3] =	sst s24  }
0x5cc: {  	s7 =	smul.u32 $0xB38CF9B1, s20;
	[smem:$0x697] =	sst s30  }
0x5cd: {  	(v2sf) =	vpush v8, $0x7;
	s29 =	smul.u32 $0xB38CF9B1, s24;
	[smem:$0x6C0] =	sst s22  }
0x5ce: {  	[smem:$0x698] =	sst s7  }
0x5cf: {  	[smem:$0x696] =	sst s29;
	s29 =	spop (v2sf)  }
0x5d0: {  	s11 =	smulhi.u32 $0xB38CF9B1, s29;
	s7 =	sshra.s32 s29, $0x1F;
	s21 =	spop (v2sf)  }
0x5d1: {  	s12 =	smul.u32 $0xB38CF9B1, s7;
	[smem:$0x6CF] =	sst s7  }
0x5d2: {  	s14 =	smulhi.u32 $0xB38CF9B1, s21;
	s18 =	sshra.s32 s21, $0x1F;
	[smem:$0x699] =	sst s11  }
0x5d3: {  	s30 =	spop (v2sf);
	[smem:$0x6D0] =	sst s18  }
0x5d4: {  	s16 =	smul.u32 $0xB38CF9B1, s18;
	[smem:$0x69A] =	sst s12  }
0x5d5: {  	s26 =	smulhi.u32 $0xB38CF9B1, s30;
	[smem:$0x69B] =	sst s14  }
0x5d6: {  	[smem:$0x69C] =	sst s16  }
0x5d7: {  	[smem:$0x69D] =	sst s26;
	s26 =	sshra.s32 s30, $0x1F  }
0x5d8: {  	s16 =	spop (v2sf);
	[smem:$0x6D2] =	sst s26  }
0x5d9: {  	s11 =	smul.u32 $0xB38CF9B1, s26;
	s12 =	sshra.s32 s16, $0x1F;
	[smem:$0x6D3] =	sst s16  }
0x5da: {  	s4 =	smulhi.u32 $0xB38CF9B1, s3;
	[smem:$0x6B7] =	sst s12  }
0x5db: {  	s14 =	smulhi.u32 $0xB38CF9B1, s16;
	[smem:$0x69E] =	sst s11  }
0x5dc: {  	s11 =	smul.u32 $0xB38CF9B1, s12;
	s12 =	spop (v2sf)  }
0x5dd: {  	[smem:$0x69F] =	sst s14;
	s14 =	smulhi.u32 $0xB38CF9B1, s12  }
0x5de: {  	s19 =	smulhi.u32 $0xB38CF9B1, s10;
	[smem:$0x6A0] =	sst s11  }
0x5df: {  	s11 =	smulhi.u32 $0x4C73064F, s3;
	[smem:$0x6A1] =	sst s14;
	s14 =	sshra.s32 s12, $0x1F  }
0x5e0: {  	s3 =	ssub.s32 s4, s3;
	s4 =	ssub.s32 s19, s10;
	[smem:$0x6BB] =	sst s14  }
0x5e1: {  	s19 =	smulhi.u32 $0x72E9959, s13;
	s3 =	sadd.s32 s25, s3;
	[smem:$0x6A3] =	sst s11  }
0x5e2: {  	s25 =	smulhi.u32 $0x72E9959, s10;
	[smem:$0x6A8] =	sst s3  }
0x5e3: {  	s6 =	smulhi.u32 $0xB38CF9B1, s8;
	[smem:$0x6C8] =	sst s19  }
0x5e4: {  	[smem:$0x6C2] =	sst s25  }
0x5e5: {  	s11 =	smulhi.u32 $0x4C73064F, s8;
	s8 =	ssub.s32 s6, s8;
	s25 =	sld [smem:$0x68A]  }
0x5e6: {  	s6 =	smulhi.u32 $0x72E9959, s28;
	s22 =	sadd.s32 s31, s8;
	s8 =	sld [smem:$0x68E]  }
0x5e7: {  	[smem:$0x6A5] =	sst s11  }
0x5e8: {  	s31 =	smulhi.u32 $0x72E9959, s2;
	[smem:$0x6C6] =	sst s6  }
0x5e9: {  	s11 =	smulhi.u32 $0x4C73064F, s10;
	s10 =	sld [smem:$0x689]  }
0x5ea: {  	[smem:$0x6CA] =	sst s31  }
0x5eb: {  	s6 =	smulhi.u32 $0x72E9959, s1;
	v26 =	vmov s22;
	s22 =	sld [smem:$0x6A5]  }
0x5ec: {  	[smem:$0x6A7] =	sst s11  }
0x5ed: {  	[smem:$0x6CD] =	sst s6  }
0x5ee: {  	s11 =	smulhi.u32 $0x4C73064F, s28;
	s6 =	sld [smem:$0x695]  }
0x5ef: {  	s3 =	sadd.s32 s10, s4;
	s4 =	sld [smem:$0x68C]  }
0x5f0: {  	[smem:$0x6AA] =	sst s11;
	s11 =	smulhi.u32 $0x4C73064F, s13  }
0x5f1: {  	s31 =	smulhi.u32 $0x4C73064F, s15;
	s10 =	sld [smem:$0x68F]  }
0x5f2: {  	[smem:$0x6AC] =	sst s11;
	s11 =	smulhi.u32 $0x4C73064F, s2  }
0x5f3: {  	[smem:$0x6B9] =	sst s31  }
0x5f4: {  	[smem:$0x6AF] =	sst s11;
	s11 =	smulhi.u32 $0x4C73064F, s1  }
0x5f5: {  	[smem:$0x6AD] =	sst s3  }
0x5f6: {  	[smem:$0x6B1] =	sst s11;
	s11 =	smulhi.u32 $0x4C73064F, s0  }
0x5f7: {  	s5 =	smulhi.u32 $0xB38CF9B1, s28;
	s1 =	ssub.s32 s10, s1;
	s10 =	sld [smem:$0x696]  }
0x5f8: {  	[smem:$0x6B4] =	sst s11  }
0x5f9: {  	s11 =	ssub.s32 s5, s28;
	s28 =	sld [smem:$0x68B]  }
0x5fa: {  	s5 =	sld [smem:$0x68D]  }
0x5fb: {  	s3 =	sadd.s32 s25, s11;
	s25 =	sld [smem:$0x691]  }
0x5fc: {  	s11 =	smulhi.u32 $0x72E9959, s0;
	[smem:$0x6B2] =	sst s3  }
0x5fd: {  	s3 =	sld [smem:$0x693]  }
0x5fe: {  	[smem:$0x6D1] =	sst s11  }
0x5ff: {  	s2 =	ssub.s32 s5, s2;
	s5 =	sld [smem:$0x694]  }
0x600: {  	s13 =	ssub.s32 s28, s13;
	s11 =	sld [smem:$0x697]  }
0x601: {  	s28 =	sadd.s32 s4, s13;
	s13 =	sld [smem:$0x690]  }
0x602: {  	s19 =	sadd.s32 s8, s2;
	s2 =	sld [smem:$0x692];
	s4 =	smul.u32 $0x4C73064F, s23  }
0x603: {  	s23 =	smul.u32 $0x4C73064F, s24;
	s24 =	sld [smem:$0x699]  }
0x604: {  	s0 =	ssub.s32 s25, s0;
	s25 =	sld [smem:$0x69A]  }
0x605: {  	s8 =	smulhi.u32 $0x4C73064F, s17;
	v27 =	vmov s19;
	s19 =	sld [smem:$0x6AC]  }
0x606: {  	[smem:$0x6BA] =	sst s4  }
0x607: {  	[smem:$0x6B6] =	sst s8  }
0x608: {  	s8 =	sld [smem:$0x69D]  }
0x609: {  	v10 =	vsel vm0, s28, v27;
	s28 =	sld [smem:$0x6B1]  }
0x60a: {  	s1 =	sadd.s32 s13, s1;
	s13 =	sld [smem:$0x698]  }
0x60b: {  	s0 =	sadd.s32 s2, s0;
	[smem:$0x6B3] =	sst s1  }
0x60c: {  	[smem:$0x6B8] =	sst s0;
	s0 =	ssub.s32 s3, s15  }
0x60d: {  	s2 =	sadd.s32 s5, s0;
	s5 =	sld [smem:$0x69B]  }
0x60e: {  	s0 =	ssub.s32 s6, s17;
	s6 =	sld [smem:$0x69C]  }
0x60f: {  	s1 =	sadd.s32 s10, s0;
	s10 =	sld [smem:$0x69E]  }
0x610: {  	s14 =	smul.u32 $0xB38CF9B1, s14;
	s0 =	ssub.s32 s11, s9;
	s11 =	sld [smem:$0x69F]  }
0x611: {  	s3 =	sadd.s32 s13, s0;
	s0 =	ssub.s32 s24, s29;
	s24 =	smul.u32 $0x4C73064F, s20  }
0x612: {  	s20 =	smul.u32 $0x4C73064F, s7;
	v25 =	vmov s1;
	s1 =	sld [smem:$0x6A1]  }
0x613: {  	s13 =	sld [smem:$0x6A0];
	s4 =	sadd.s32 s25, s0;
	s0 =	ssub.s32 s5, s21  }
0x614: {  	s7 =	sld [smem:$0x6A2];
	s25 =	smulhi.u32 $0x4C73064F, s29;
	v7 =	vnsel vm3, $0x0, v25;
	s5 =	sadd.s32 s6, s0  }
0x615: {  	s0 =	ssub.s32 s8, s30;
	v7 =	vsel vm0, s2, v7;
	s6 =	ssub.s32 s1, s12;
	s1 =	sld [smem:$0x6A6]  }
0x616: {  	s8 =	sadd.s32 s10, s0;
	s0 =	ssub.s32 s11, s16;
	v7 =	vsel vm1, s3, v7;
	s3 =	sld [smem:$0x6AA]  }
0x617: {  	s10 =	sadd.s32 s13, s0;
	s13 =	sadd.s32 s14, s6;
	s14 =	sld [smem:$0x6A3]  }
0x618: {  	s6 =	smul.u32 $0x4C73064F, s18;
	s18 =	sld [smem:$0x6A4]  }
0x619: {  	s25 =	sadd.s32 s20, s25;
	s20 =	sld [smem:$0x6BB];
	v7 =	vsel vm2, s4, v7  }
0x61a: {  	v7 =	vsel vm4, s5, v7;
	s14 =	sadd.s32 s7, s14;
	s7 =	sld [smem:$0x6A7]  }
0x61b: {  	v7 =	vsel vm5, s8, v7;
	s2 =	sadd.s32 s18, s22;
	s18 =	sld [smem:$0x6A8]  }
0x61c: {  	v7 =	vsel vm6, s10, v7;
	s10 =	sld [smem:$0x6BF]  }
0x61d: {  	s22 =	sadd.s32 s1, s7;
	s1 =	sld [smem:$0x6A9]  }
0x61e: {  	v29 =	vmov s2;
	v9 =	vsel vm0, s18, v26;
	s18 =	sld [smem:$0x6AB]  }
0x61f: {  	v12 =	vsel vm0, s14, v29;
	s14 =	smulhi.u32 $0x72E9959, s17;
	s17 =	sld [smem:$0x6C1]  }
0x620: {  	s0 =	sadd.s32 s1, s3;
	s1 =	smul.u32 $0x4C73064F, s26;
	s26 =	sld [smem:$0x6AD]  }
0x621: {  	s3 =	sadd.s32 s18, s19;
	s18 =	sld [smem:$0x6AE]  }
0x622: {  	s19 =	sld [smem:$0x6AF]  }
0x623: {  	s7 =	smulhi.u32 $0x4C73064F, s30;
	[smem:$0x6C4] =	sst s0  }
0x624: {  	s0 =	smulhi.u32 $0x4C73064F, s16;
	s16 =	sld [smem:$0x6B9]  }
0x625: {  	s7 =	sadd.s32 s1, s7;
	s1 =	sld [smem:$0x6BC]  }
0x626: {  	v12 =	vsel vm1, s22, v12;
	s22 =	sld [smem:$0x6C4]  }
0x627: {  	s4 =	sadd.s32 s18, s19;
	s19 =	sld [smem:$0x6B2]  }
0x628: {  	v9 =	vsel vm1, s26, v9;
	s26 =	sld [smem:$0x6B0]  }
0x629: {  	s18 =	sld [smem:$0x6B4]  }
0x62a: {  	v9 =	vsel vm2, s19, v9;
	s19 =	sld [smem:$0x6B5]  }
0x62b: {  	s28 =	sadd.s32 s26, s28;
	s26 =	sld [smem:$0x6B3]  }
0x62c: {  	v30 =	vmov s4;
	s4 =	sld [smem:$0x6BD]  }
0x62d: {  	s5 =	sadd.s32 s19, s18;
	s18 =	sld [smem:$0x6B8]  }
0x62e: {  	v10 =	vsel vm1, s26, v10;
	s26 =	sld [smem:$0x6B6]  }
0x62f: {  	v31 =	vsel vm2, s22, v12;
	s22 =	sld [smem:$0x6CC]  }
0x630: {  	s31 =	smulhi.u32 $0x4C73064F, s9;
	v13 =	vsel vm0, s3, v30;
	v10 =	vsel vm2, s18, v10;
	s18 =	sld [smem:$0x6BA]  }
0x631: {  	v32 =	vsel vm1, s28, v13;
	s28 =	sld [smem:$0x6C7];
	s19 =	sadd.s32 s23, s26  }
0x632: {  	s26 =	sld [smem:$0x6B7];
	v28 =	vmov s19;
	s19 =	sadd.s32 s24, s31;
	s31 =	smul.u32 $0x4C73064F, s20  }
0x633: {  	v11 =	vnsel vm3, $0x0, v28;
	s8 =	sadd.s32 s18, s16;
	s16 =	smulhi.u32 $0x4C73064F, s12;
	s18 =	sld [smem:$0x6C2]  }
0x634: {  	s11 =	smulhi.u32 $0x4C73064F, s21;
	v11 =	vsel vm0, s8, v11;
	s8 =	sld [smem:$0x6BE]  }
0x635: {  	v7 =	vsel vm7, s13, v7;
	s23 =	smul.u32 $0x4C73064F, s26;
	s13 =	sadd.s32 s31, s16;
	s16 =	sld [smem:$0x6C0]  }
0x636: {  	v11 =	vsel vm1, s19, v11;
	s19 =	sld [smem:$0x6C3]  }
0x637: {  	s6 =	sadd.s32 s6, s11;
	s11 =	sadd.s32 s23, s0;
	s23 =	sld [smem:$0x6C5]  }
0x638: {  	v12 =	vsel vm2, s5, v32;
	s5 =	smulhi.u32 $0x72E9959, s9;
	s31 =	sld [smem:$0x6C8]  }
0x639: {  	s24 =	smov.u32 s12;
	s12 =	smul.u32 $0x72E9959, s1;
	v11 =	vsel vm2, s25, v11;
	s25 =	sld [smem:$0x6C6]  }
0x63a: {  	s3 =	sadd.s32 s17, s18;
	s1 =	sadd.s32 s4, s8;
	s8 =	sld [smem:$0x6C9]  }
0x63b: {  	v11 =	vsel vm4, s6, v11;
	s6 =	smulhi.u32 $0x72E9959, s15;
	s15 =	sld [smem:$0x6CA];
	s4 =	sadd.s32 s10, s16  }
0x63c: {  	v9 =	vcombine.low v10, v9;
	s17 =	smul.u32 $0x72E9959, s19;
	s10 =	sadd.s32 s28, s31;
	s16 =	sld [smem:$0x6CB]  }
0x63d: {  	s31 =	sld [smem:$0x6CE];
	s0 =	sadd.s32 s23, s25;
	s19 =	sshrl.u32 s4, $0x1F  }
0x63e: {  	v7 =	vperm.xlane v7, v1;
	v9 =	vperm.xlane v9, v0;
	v11 =	vsel vm5, s7, v11;
	s23 =	sld [smem:$0x6CD];
	s8 =	sadd.s32 s8, s15;
	s15 =	smulhi.u32 $0x72E9959, s29  }
0x63f: {  	v34 =	vcombine.low v12, v31;
	s28 =	sshrl.u32 s3, $0x1F;
	v11 =	vsel vm6, s11, v11;
	s25 =	sshrl.u32 s1, $0x1F;
	v33 =	vmov s19;
	s18 =	smul.u32 $0x72E9959, s16  }
0x640: {  	v7 =	vsel vm8, v7, v9;
	v11 =	vsel vm7, s13, v11;
	s9 =	sadd.s32 s17, s14;
	s29 =	sld [smem:$0x6D1];
	v13 =	vsel vm0, s25, v33;
	s13 =	smul.u32 $0x72E9959, s31  }
0x641: {  	v7 =	vadd.s32 v8, v7;
	s16 =	sshrl.u32 s10, $0x1F;
	s2 =	sadd.s32 s22, s23;
	v35 =	vsel vm1, s28, v13;
	s28 =	sld [smem:$0x6D0]  }
0x642: {  	v9 =	vperm.xlane v34, v0;
	v36 =	vshrl.u32 v7, $0x1F;
	v7 =	vshra.s32 v7, $0x8;
	s22 =	smulhi.u32 $0x72E9959, s21;
	s6 =	sadd.s32 s18, s6;
	s18 =	sld [smem:$0x6CF]  }
0x643: {  	v8 =	vsub.s32 $0x0, v8;
	v7 =	vadd.s32 v36, v7;
	v43 =	vmov s4;
	s17 =	sshrl.u32 s9, $0x1F;
	s12 =	sadd.s32 s12, s29;
	s29 =	smul.u32 $0x72E9959, s20  }
0x644: {  	v14 =	vsel vm0, s1, v43;
	v11 =	vperm.xlane v11, v1;
	s19 =	sshrl.u32 s8, $0x1F;
	v42 =	vmov s9;
	s5 =	sadd.s32 s13, s5;
	s13 =	smul.u32 $0x72E9959, s28  }
0x645: {  	v15 =	vmov s8;
	v37 =	vmov s17;
	v38 =	vmov s19;
	s23 =	sshrl.u32 s2, $0x1F;
	s25 =	sshrl.u32 s6, $0x1F;
	s11 =	smul.u32 $0x72E9959, s18  }
0x646: {  	v14 =	vsel vm1, s3, v14;
	v39 =	vnsel vm3, $0x0, v37;
	v41 =	vsel vm0, s16, v38;
	s31 =	sshrl.u32 s5, $0x1F;
	s13 =	sadd.s32 s13, s22;
	s22 =	sld [smem:$0x6D2]  }
0x647: {  	v13 =	vnsel vm3, $0x0, v42;
	v12 =	vsel vm1, s23, v41;
	s23 =	sld [smem:$0x6D3];
	v40 =	vsel vm0, s25, v39;
	s25 =	smul.u32 $0x72E9959, s26;
	s11 =	sadd.s32 s11, s15  }
0x648: {  	v9 =	vsel vm8, v11, v9;
	v13 =	vsel vm0, s6, v13;
	v11 =	vsel vm1, s31, v40;
	s18 =	smulhi.u32 $0x72E9959, s30;
	s15 =	sshrl.u32 s11, $0x1F  }
0x649: {  	v15 =	vsel vm0, s10, v15;
	v13 =	vsel vm1, s5, v13;
	v11 =	vsel vm2, s15, v11;
	s15 =	smul.u32 $0x72E9959, s22  }
0x64a: {  	s14 =	sshrl.u32 s0, $0x1F;
	v14 =	vsel vm2, s0, v14;
	v15 =	vsel vm1, s2, v15;
	s19 =	sshrl.u32 s12, $0x1F;
	s7 =	smulhi.u32 $0x72E9959, s23;
	v13 =	vsel vm2, s11, v13  }
0x64b: {  	v10 =	vsel vm2, s14, v35;
	v15 =	vsel vm2, s12, v15;
	s26 =	smulhi.u32 $0x72E9959, s24;
	s21 =	sshrl.u32 s13, $0x1F;
	v13 =	vsel vm4, s13, v13;
	s28 =	sadd.s32 s15, s18  }
0x64c: {  	v12 =	vsel vm2, s19, v12;
	s31 =	sadd.s32 s25, s7;
	v11 =	vsel vm4, s21, v11;
	s30 =	sshrl.u32 s28, $0x1F;
	v13 =	vsel vm5, s28, v13  }
0x64d: {  	v14 =	vcombine.low v15, v14;
	s5 =	sadd.s32 s29, s26;
	s2 =	sshrl.u32 s31, $0x1F;
	v11 =	vsel vm5, s30, v11;
	v13 =	vsel vm6, s31, v13  }
0x64e: {  	v10 =	vcombine.low v12, v10;
	s6 =	sshrl.u32 s5, $0x1F;
	v11 =	vsel vm6, s2, v11;
	v44 =	vsel vm7, s5, v13  }
0x64f: {  	v45 =	vperm.xlane v14, v0;
	v11 =	vsel vm7, s6, v11;
	v12 =	vperm.xlane v44, v1  }
0x650: {  	v8 =	vadd.s32 v8, v9;
	v46 =	vperm.xlane v10, v0;
	v47 =	vperm.xlane v11, v1  }
0x651: {  	v48 =	vshrl.u32 v8, $0x1F;
	v8 =	vshra.s32 v8, $0xA;
	v12 =	vsel vm8, v12, v45  }
0x652: {  	v8 =	vadd.s32 v48, v8;
	v9 =	vsel vm8, v47, v46;
	v49 =	vshra.s32 v12, $0xA  }
0x653: {  	v50 =	vmul.u32 $0xFFFFFE93, v7;
	v6 =	vadd.s32 v6, v8;
	v9 =	vadd.s32 v9, v49  }
0x654: {  	v6 =	vadd.s32 v9, v6  }
0x655: {  	v6 =	vadd.s32 v50, v6  }
0x656: {  	v51 =	vmul.u32 $0x5, v6;
	_ =	sdelay $0x1  }
0x657: {  	v8 =	vadd.s32 $0x2, v51  }
0x658: {  	(v2sf) =	vpush v8, $0xD;
	_ =	sdelay $0x1  }
0x659: {  	(v2sf) =	vpush v8, $0xC;
	_ =	sdelay $0x1  }
0x65a: {  	(v2sf) =	vpush v8, $0xE;
	_ =	sdelay $0x1  }
0x65b: {  	(v2sf) =	vpush v8, $0xF;
	_ =	sdelay $0x1  }
0x65c: {  	(v2sf) =	vpush v8, $0x9;
	_ =	sdelay $0x1  }
0x65d: {  	(v2sf) =	vpush v8, $0x8;
	_ =	sdelay $0x1  }
0x65e: {  	(v2sf) =	vpush v8, $0xA;
	_ =	sdelay $0x1  }
0x65f: {  	(v2sf) =	vpush v8, $0xB  }
0x660: {  	s7 =	spop (v2sf)  }
0x661: {  	(v2sf) =	vpush v8, $0x1;
	s8 =	smulhi.u32 $0xD62B80D7, s7;
	s9 =	sshra.s32 s7, $0x1F  }
0x662: {  	s10 =	spop (v2sf);
	s2 =	smul.u32 $0xD62B80D7, s9  }
0x663: {  	(v2sf) =	vpush v8, $0x0;
	s11 =	smulhi.u32 $0xD62B80D7, s10;
	s12 =	sshra.s32 s10, $0x1F  }
0x664: {  	s13 =	spop (v2sf);
	s5 =	smul.u32 $0xD62B80D7, s12  }
0x665: {  	(v2sf) =	vpush v8, $0x2;
	s0 =	ssub.s32 s8, s7;
	s14 =	smulhi.u32 $0xD62B80D7, s13;
	s15 =	sshra.s32 s13, $0x1F  }
0x666: {  	s17 =	spop (v2sf);
	s0 =	sadd.s32 s2, s0;
	s16 =	smul.u32 $0xD62B80D7, s15  }
0x667: {  	(v2sf) =	vpush v8, $0x3;
	s3 =	ssub.s32 s11, s10;
	s18 =	smulhi.u32 $0xD62B80D7, s17;
	s19 =	sshra.s32 s17, $0x1F  }
0x668: {  	s21 =	spop (v2sf);
	s3 =	sadd.s32 s5, s3;
	s20 =	smul.u32 $0xD62B80D7, s19  }
0x669: {  	(v2sf) =	vpush v8, $0x4;
	s1 =	ssub.s32 s14, s13;
	s22 =	smulhi.u32 $0xD62B80D7, s21;
	s23 =	sshra.s32 s21, $0x1F  }
0x66a: {  	s24 =	spop (v2sf);
	s1 =	sadd.s32 s16, s1;
	s9 =	smul.u32 $0xD62B80D7, s23  }
0x66b: {  	(v2sf) =	vpush v8, $0x5;
	s25 =	ssub.s32 s18, s17;
	s26 =	smulhi.u32 $0xD62B80D7, s24;
	s28 =	sshra.s32 s24, $0x1F  }
0x66c: {  	s30 =	spop (v2sf);
	s2 =	sadd.s32 s20, s25;
	s29 =	smul.u32 $0xD62B80D7, s28  }
0x66d: {  	(v2sf) =	vpush v8, $0x6;
	s6 =	ssub.s32 s22, s21;
	s31 =	smulhi.u32 $0xD62B80D7, s30;
	s12 =	sshra.s32 s30, $0x1F  }
0x66e: {  	s14 =	spop (v2sf);
	s6 =	sadd.s32 s9, s6;
	s13 =	smul.u32 $0xD62B80D7, s12  }
0x66f: {  	(v2sf) =	vpush v8, $0x7;
	s4 =	ssub.s32 s26, s24;
	s15 =	smulhi.u32 $0xD62B80D7, s14;
	s16 =	sshra.s32 s14, $0x1F  }
0x670: {  	s18 =	spop (v2sf);
	s4 =	sadd.s32 s29, s4;
	s17 =	smul.u32 $0xD62B80D7, s16  }
0x671: {  	s7 =	ssub.s32 s31, s30;
	s19 =	smulhi.u32 $0xD62B80D7, s18;
	s20 =	sshra.s32 s18, $0x1F  }
0x672: {  	s22 =	spop (v2sf);
	s7 =	sadd.s32 s13, s7;
	s21 =	smul.u32 $0xD62B80D7, s20  }
0x673: {  	s10 =	ssub.s32 s15, s14;
	s23 =	smulhi.u32 $0xD62B80D7, s22;
	s24 =	sshra.s32 s22, $0x1F  }
0x674: {  	s5 =	sadd.s32 s17, s10;
	s25 =	smul.u32 $0xD62B80D7, s24;
	s26 =	spop (v2sf)  }
0x675: {  	s8 =	ssub.s32 s19, s18;
	s28 =	smulhi.u32 $0xD62B80D7, s26;
	s29 =	sshra.s32 s26, $0x1F  }
0x676: {  	s8 =	sadd.s32 s21, s8;
	s31 =	spop (v2sf);
	s30 =	smul.u32 $0xD62B80D7, s29  }
0x677: {  	s11 =	ssub.s32 s23, s22;
	s18 =	smulhi.u32 $0xD62B80D7, s31;
	s19 =	sshra.s32 s31, $0x1F  }
0x678: {  	s10 =	sadd.s32 s25, s11;
	s21 =	spop (v2sf);
	s20 =	smul.u32 $0xD62B80D7, s19  }
0x679: {  	s12 =	ssub.s32 s28, s26;
	s22 =	smulhi.u32 $0xD62B80D7, s21;
	s23 =	sshra.s32 s21, $0x1F  }
0x67a: {  	s25 =	spop (v2sf);
	s9 =	sadd.s32 s30, s12;
	s24 =	smul.u32 $0xD62B80D7, s23  }
0x67b: {  	v52 =	vmov s10;
	s26 =	ssub.s32 s18, s31;
	s28 =	smulhi.u32 $0xD62B80D7, s25;
	s29 =	sshra.s32 s25, $0x1F  }
0x67c: {  	v9 =	vnsel vm3, $0x0, v52;
	s31 =	spop (v2sf);
	s10 =	sadd.s32 s20, s26;
	s30 =	smul.u32 $0xD62B80D7, s29  }
0x67d: {  	v9 =	vsel vm0, s8, v9;
	s18 =	ssub.s32 s22, s21;
	s19 =	smulhi.u32 $0xD62B80D7, s31;
	s20 =	sshra.s32 s31, $0x1F  }
0x67e: {  	v53 =	vmov s3;
	v54 =	vmov s4;
	v9 =	vsel vm1, s9, v9;
	s23 =	spop (v2sf);
	s21 =	sadd.s32 s24, s18;
	s22 =	smul.u32 $0xD62B80D7, s20  }
0x67f: {  	v10 =	vsel vm0, s0, v53;
	v11 =	vsel vm0, s6, v54;
	v9 =	vsel vm2, s10, v9;
	s24 =	ssub.s32 s28, s25;
	s25 =	smulhi.u32 $0xD62B80D7, s23;
	s26 =	sshra.s32 s23, $0x1F  }
0x680: {  	v10 =	vsel vm1, s1, v10;
	v11 =	vsel vm1, s7, v11;
	v9 =	vsel vm4, s21, v9;
	s0 =	sadd.s32 s30, s24;
	s28 =	ssub.s32 s19, s31;
	s29 =	smul.u32 $0xD62B80D7, s26  }
0x681: {  	v10 =	vsel vm2, s2, v10;
	v11 =	vsel vm2, s5, v11;
	v9 =	vsel vm5, s0, v9;
	s30 =	sadd.s32 s22, s28;
	s31 =	ssub.s32 s25, s23  }
0x682: {  	v10 =	vcombine.low v11, v10;
	v9 =	vsel vm6, s30, v9;
	s2 =	sadd.s32 s29, s31  }
0x683: {  	v9 =	vsel vm7, s2, v9  }
0x684: {  	v10 =	vperm.xlane v10, v0;
	v9 =	vperm.xlane v9, v1;
	_ =	sdelay $0x1  }
0x685: {  	v9 =	vsel vm8, v9, v10  }
0x686: {  	v8 =	vadd.s32 v8, v9  }
0x687: {  	v9 =	vshrl.u32 v8, $0x1F;
	v8 =	vshra.s32 v8, $0x7  }
0x688: {  	v8 =	vadd.s32 v9, v8  }
0x689: {  	v9 =	vmul.u32 $0x99, v8;
	_ =	sdelay $0x1  }
0x68a: {  	v9 =	vadd.s32 $0x2, v9  }
0x68b: {  	(v2sf) =	vpush v9, $0xD;
	_ =	sdelay $0x1  }
0x68c: {  	(v2sf) =	vpush v9, $0xC  }
0x68d: {  	(v2sf) =	vpush v9, $0xE  }
0x68e: {  	(v2sf) =	vpush v9, $0xF  }
0x68f: {  	(v2sf) =	vpush v9, $0x9  }
0x690: {  	(v2sf) =	vpush v9, $0x8  }
0x691: {  	(v2sf) =	vpush v9, $0xA  }
0x692: {  	(v2sf) =	vpush v9, $0xB  }
0x693: {  	(v2sf) =	vpush v9, $0x0  }
0x694: {  	(v2sf) =	vpush v9, $0x1  }
0x695: {  	(v2sf) =	vpush v9, $0x2  }
0x696: {  	(v2sf) =	vpush v9, $0x3  }
0x697: {  	(v2sf) =	vpush v9, $0x4  }
0x698: {  	(v2sf) =	vpush v9, $0x5  }
0x699: {  	s3 =	spop (v2sf);
	(v2sf) =	vpush v9, $0x6;
	_ =	sdelay $0x1  }
0x69a: {  	s9 =	spop (v2sf);
	s10 =	smulhi.u32 $0x99999999, s3;
	s16 =	sshra.s32 s3, $0x1F  }
0x69b: {  	s2 =	spop (v2sf);
	s7 =	smul.u32 $0x99999999, s16  }
0x69c: {  	s17 =	smulhi.u32 $0x99999999, s9;
	s19 =	sshra.s32 s9, $0x1F;
	s4 =	spop (v2sf)  }
0x69d: {  	s20 =	smul.u32 $0x99999999, s19;
	s5 =	spop (v2sf)  }
0x69e: {  	s29 =	smulhi.u32 $0x99999999, s2;
	s30 =	sshra.s32 s2, $0x1F;
	s6 =	spop (v2sf)  }
0x69f: {  	s31 =	smul.u32 $0x99999999, s30;
	s13 =	spop (v2sf)  }
0x6a0: {  	s0 =	ssub.s32 s10, s3;
	s21 =	smulhi.u32 $0x99999999, s4;
	s14 =	spop (v2sf)  }
0x6a1: {  	s25 =	sshra.s32 s4, $0x1F;
	s0 =	sadd.s32 s7, s0;
	s15 =	spop (v2sf)  }
0x6a2: {  	s1 =	ssub.s32 s17, s9;
	s22 =	smul.u32 $0x99999999, s25;
	s16 =	spop (v2sf)  }
0x6a3: {  	s7 =	smulhi.u32 $0x99999999, s5;
	s26 =	sshra.s32 s5, $0x1F;
	s18 =	spop (v2sf)  }
0x6a4: {  	s10 =	sshrl.u32 s0, $0x1F;
	s3 =	sadd.s32 s20, s1;
	s12 =	spop (v2sf)  }
0x6a5: {  	s29 =	ssub.s32 s29, s2;
	s23 =	smul.u32 $0x99999999, s26;
	s8 =	spop (v2sf)  }
0x6a6: {  	s0 =	sshra.s32 s0, $0x1;
	s24 =	smulhi.u32 $0x99999999, s6;
	s11 =	spop (v2sf)  }
0x6a7: {  	s28 =	sshra.s32 s6, $0x1F;
	s1 =	sadd.s32 s31, s29;
	s9 =	spop (v2sf);
	(v2sf) =	vpush v9, $0x7  }
0x6a8: {  	s20 =	sshrl.u32 s3, $0x1F;
	s4 =	ssub.s32 s21, s4;
	s30 =	smul.u32 $0x99999999, s28  }
0x6a9: {  	s3 =	sshra.s32 s3, $0x1;
	s31 =	smulhi.u32 $0x99999999, s13;
	s25 =	sshra.s32 s13, $0x1F  }
0x6aa: {  	s5 =	ssub.s32 s7, s5;
	s2 =	sadd.s32 s22, s4;
	s21 =	smul.u32 $0x99999999, s25  }
0x6ab: {  	s25 =	smulhi.u32 $0x99999999, s14;
	s26 =	sshra.s32 s14, $0x1F;
	s4 =	sadd.s32 s23, s5  }
0x6ac: {  	s6 =	ssub.s32 s24, s6;
	s24 =	sshrl.u32 s1, $0x1F;
	s28 =	smul.u32 $0x99999999, s26  }
0x6ad: {  	s23 =	sshrl.u32 s2, $0x1F;
	s22 =	smulhi.u32 $0x99999999, s15;
	s29 =	sshra.s32 s15, $0x1F  }
0x6ae: {  	s7 =	sadd.s32 s30, s6;
	s30 =	ssub.s32 s31, s13;
	s17 =	smul.u32 $0x99999999, s29  }
0x6af: {  	v56 =	vmov s20;
	s20 =	sshra.s32 s4, $0x1;
	s31 =	smulhi.u32 $0x99999999, s16;
	s26 =	sshra.s32 s16, $0x1F  }
0x6b0: {  	v10 =	vsel vm0, s10, v56;
	s6 =	sadd.s32 s21, s30;
	s14 =	ssub.s32 s25, s14;
	s19 =	smul.u32 $0x99999999, s26  }
0x6b1: {  	v10 =	vsel vm1, s24, v10;
	s5 =	sadd.s32 s28, s14;
	s28 =	smulhi.u32 $0x99999999, s18;
	s29 =	sshra.s32 s18, $0x1F  }
0x6b2: {  	v10 =	vsel vm2, s23, v10;
	s15 =	ssub.s32 s22, s15;
	s23 =	sshra.s32 s6, $0x1;
	s21 =	smul.u32 $0x99999999, s29  }
0x6b3: {  	s13 =	ssub.s32 s31, s16;
	s30 =	smulhi.u32 $0x99999999, s12;
	s31 =	sshra.s32 s12, $0x1F  }
0x6b4: {  	s15 =	sadd.s32 s17, s15;
	s17 =	sshrl.u32 s4, $0x1F;
	s22 =	smul.u32 $0x99999999, s31  }
0x6b5: {  	s13 =	sadd.s32 s19, s13;
	s25 =	smulhi.u32 $0x99999999, s8;
	s26 =	sshra.s32 s8, $0x1F  }
0x6b6: {  	s14 =	ssub.s32 s28, s18;
	s19 =	smul.u32 $0x99999999, s26;
	s28 =	spop (v2sf)  }
0x6b7: {  	s12 =	ssub.s32 s30, s12;
	s29 =	smulhi.u32 $0x99999999, s28;
	s30 =	sshra.s32 s28, $0x1F  }
0x6b8: {  	s14 =	sadd.s32 s21, s14;
	s12 =	sadd.s32 s22, s12;
	s22 =	smul.u32 $0x99999999, s30  }
0x6b9: {  	s31 =	smulhi.u32 $0x99999999, s11;
	s8 =	ssub.s32 s25, s8;
	s16 =	ssub.s32 s29, s28  }
0x6ba: {  	s21 =	sshrl.u32 s7, $0x1F;
	s19 =	sadd.s32 s19, s8;
	s8 =	sadd.s32 s22, s16  }
0x6bb: {  	v5 =	vmul.u32 $0x190, v5;
	v58 =	vmov s21;
	s25 =	ssub.s32 s31, s11;
	s11 =	sshra.s32 s11, $0x1F;
	s26 =	sshra.s32 s8, $0x1F  }
0x6bc: {  	s31 =	smulhi.u32 $0x99999999, s9;
	v12 =	vsel vm0, s17, v58;
	s17 =	sshra.s32 s7, $0x1;
	s29 =	sshra.s32 s15, $0x1;
	v55 =	vmov s26  }
0x6bd: {  	v5 =	vadd.s32 v5, v7;
	v59 =	vmov s3;
	s11 =	smul.u32 $0x99999999, s11;
	s28 =	sshrl.u32 s15, $0x1F;
	s15 =	sshra.s32 s15, $0x1F;
	v9 =	vsel vm3, s29, v55  }
0x6be: {  	v13 =	vsel vm0, s0, v59;
	s18 =	sshra.s32 s19, $0x1F;
	v60 =	vmov s17;
	s24 =	ssub.s32 s31, s9;
	s22 =	sshra.s32 s13, $0x1;
	v9 =	vsel vm9, s15, v9  }
0x6bf: {  	s31 =	sshra.s32 s12, $0x1;
	s30 =	sshrl.u32 s13, $0x1F;
	v57 =	vmov s28;
	s13 =	sshra.s32 s13, $0x1F;
	vm9 =	vcmask $0xF0C;
	v9 =	vsel vm0, s22, v9  }
0x6c0: {  	v14 =	vsel vm0, s20, v60;
	s10 =	sadd.s32 s11, s25;
	s25 =	sshrl.u32 s12, $0x1F;
	v11 =	vnsel vm3, $0x0, v57;
	s26 =	sshra.s32 s14, $0x1;
	v9 =	vsel vm9, s13, v9  }
0x6c1: {  	v14 =	vsel vm1, s23, v14;
	s16 =	sshrl.u32 s14, $0x1F;
	s28 =	sshrl.u32 s6, $0x1F;
	v11 =	vsel vm0, s30, v11;
	s14 =	sshra.s32 s14, $0x1F;
	v9 =	vsel vm1, s26, v9  }
0x6c2: {  	v12 =	vsel vm1, s28, v12;
	v11 =	vsel vm1, s16, v11;
	s29 =	sshrl.u32 s19, $0x1F;
	s16 =	sshra.s32 s19, $0x1;
	s19 =	sshra.s32 s1, $0x1;
	v9 =	vsel vm12, s14, v9  }
0x6c3: {  	s12 =	sshra.s32 s12, $0x1F;
	v11 =	vsel vm2, s25, v11;
	v13 =	vsel vm1, s19, v13;
	s25 =	sshra.s32 s5, $0x1;
	v9 =	vsel vm2, s31, v9  }
0x6c4: {  	s9 =	sshra.s32 s9, $0x1F;
	s30 =	sshrl.u32 s10, $0x1F;
	v11 =	vsel vm4, s29, v11;
	s22 =	sshra.s32 s2, $0x1;
	v14 =	vsel vm2, s25, v14;
	v9 =	vsel vm13, s12, v9  }
0x6c5: {  	s9 =	smul.u32 $0x99999999, s9;
	v11 =	vsel vm5, s30, v11;
	s13 =	sshrl.u32 s5, $0x1F;
	v13 =	vsel vm2, s22, v13;
	v9 =	vsel vm4, s16, v9  }
0x6c6: {  	s21 =	sshra.s32 s10, $0x1;
	vm9 =	vlt.s32 v6, $0x132;
	v12 =	vsel vm2, s13, v12;
	v9 =	vsel vm14, s18, v9  }
0x6c7: {  	s9 =	sadd.s32 s9, s24;
	s24 =	sshra.s32 s10, $0x1F;
	v61 =	vsel vm9, $0x3, v2;
	v62 =	vcombine.low v14, v13;
	v9 =	vsel vm5, s21, v9  }
0x6c8: {  	s28 =	sshra.s32 s9, $0x1;
	s14 =	sshrl.u32 s9, $0x1F;
	v10 =	vcombine.low v12, v10;
	v8 =	vadd.s32 v61, v8;
	v9 =	vsel vm15, s24, v9  }
0x6c9: {  	s15 =	sshrl.u32 s8, $0x1F;
	s29 =	sshra.s32 s9, $0x1F;
	v11 =	vsel vm6, s14, v11;
	vm9 =	vlt.s32 v8, $0x3;
	v9 =	vsel vm6, s28, v9  }
0x6ca: {  	s30 =	sshra.s32 s8, $0x1;
	v7 =	vperm.xlane v62, v0;
	v11 =	vsel vm7, s15, v11;
	v9 =	vsel vm11, s29, v9  }
0x6cb: {  	v10 =	vperm.xlane v10, v0;
	v63 =	vsel vm9, $0x1, v3;
	v9 =	vsel vm7, s30, v9  }
0x6cc: {  	v11 =	vperm.xlane v11, v1;
	v5 =	vadd.s32 v63, v5;
	v9 =	vperm.xlane v9, v1  }
0x6cd: {  	v8 =	vshll.u32 v8, $0x5;
	v5 =	vmax.u32 v5, $0x7D0  }
0x6ce: {  	s26 =	rddreg [dreg:$0xc];
	v10 =	vsel vm8, v11, v10;
	v5 =	vmin.u32 v5, $0x801;
	v7 =	vsel vm8, v9, v7  }
0x6cf: {  	p0 =	sne.s32 s26, $0x13C0;
	v6 =	vadd.s32 v8, v6;
	v5 =	vmul.u32 $0x1A0, v5;
	v7 =	vadd.s32 v10, v7  }
.Ltmp2:
0x6d0: {  	v6 =	vadd.s32 v7, v6;
	(pc) =	sbr.rel @p0 .LBB2_6-.Ltmp2, $4  }
0x6d1: {  	v5 =	vadd.s32 v5, v6  }
0x6d2: {  	vm9 =	veq.s32 v4, $0x0;
	v5 =	vadd.s32 $0xFFF34FA1, v5  }
0x6d3: {  	s31 =	rddreg [dreg:$0x12];
	v4 =	vsel vm9, $0x0, v5  }
0x6d4: {  	s2 =	sadd.s32 $0x40, s26;
	vm9 =	vmmov vm10;
	[tilespmem:s31+$0x2300] =	vst v4  }
0x6d5: {  	s0 =	simm.s32 $0x3  }
0x6d6: {  	_ =	swait.ge [sflag:s0], $0xA000  }
0x6d7: {  	s1 =	simm.s32 $0x80;
	s2 =	simm.s32 $0x3200;
	[sflag:s0] =	ssyncset.done $0x0  }
0x6d8: {  	s3 =	simm.s32 $0x2300;
	s9 =	rddreg [dreg:$0x3];
	[sflag:s0] =	ssyncadd.s32 $0xFFFF6000  }
0x6d9: {  	[tilespmem:s2], [sflag:$0x1] =	stream.indirect.gather [hbm4b:s9+s1], $0x20, s3, s1, $0xb8;
	[tilespmem:$0x17200] =	vst v63  }
0x6da: {  	s10 =	simm.s32 $0x4200;
	s11 =	simm.s32 $0x2380  }
0x6db: {  	[tilespmem:s10], [sflag:$0x1] =	stream.indirect.gather [hbm4b:s9+s1], $0x20, s11, s1, $0xb8;
	[tilespmem:$0x17200] =	vst v63  }
0x6dc: {  	s12 =	simm.s32 $0x5200;
	s13 =	simm.s32 $0x2400  }
0x6dd: {  	[tilespmem:s12], [sflag:$0x1] =	stream.indirect.gather [hbm4b:s9+s1], $0x20, s13, s1, $0xb8;
	[tilespmem:$0x17200] =	vst v63  }
0x6de: {  	s14 =	simm.s32 $0x6200;
	s15 =	simm.s32 $0x2480  }
0x6df: {  	[tilespmem:s14], [sflag:$0x1] =	stream.indirect.gather [hbm4b:s9+s1], $0x20, s15, s1, $0xb8;
	[tilespmem:$0x17200] =	vst v63  }
0x6e0: {  	s16 =	simm.s32 $0x7200;
	s17 =	simm.s32 $0x2500  }
0x6e1: {  	[tilespmem:s16], [sflag:$0x1] =	stream.indirect.gather [hbm4b:s9+s1], $0x20, s17, s1, $0xb8;
	[tilespmem:$0x17200] =	vst v63  }
0x6e2: {  	s18 =	simm.s32 $0x8200;
	s19 =	simm.s32 $0x2580  }
0x6e3: {  	[tilespmem:s18], [sflag:$0x1] =	stream.indirect.gather [hbm4b:s9+s1], $0x20, s19, s1, $0xb8;
	[tilespmem:$0x17200] =	vst v63  }
0x6e4: {  	s20 =	simm.s32 $0x9200;
	s21 =	simm.s32 $0x2600  }
0x6e5: {  	[tilespmem:s20], [sflag:$0x1] =	stream.indirect.gather [hbm4b:s9+s1], $0x20, s21, s1, $0xb8;
	[tilespmem:$0x17200] =	vst v63  }
0x6e6: {  	s22 =	simm.s32 $0xA200;
	s23 =	simm.s32 $0x2680  }
0x6e7: {  	[tilespmem:s22], [sflag:$0x1] =	stream.indirect.gather [hbm4b:s9+s1], $0x20, s23, s1, $0xb8;
	[tilespmem:$0x17200] =	vst v63  }
0x6e8: {  	s24 =	simm.s32 $0xB200;
	s25 =	simm.s32 $0x2700  }
0x6e9: {  	[tilespmem:s24], [sflag:$0x1] =	stream.indirect.gather [hbm4b:s9+s1], $0x20, s25, s1, $0xb8;
	[tilespmem:$0x17200] =	vst v63  }
0x6ea: {  	s26 =	simm.s32 $0xC200;
	s28 =	simm.s32 $0x2780;
	s29 =	simm.s32 $0x2  }
0x6eb: {  	[tilespmem:s26], [sflag:$0x1] =	stream.indirect.gather [hbm4b:s9+s1], $0x20, s28, s1, $0xb8;
	[tilespmem:$0x17200] =	vst v63  }
0x6ec: {  	_ =	swait.ge [sflag:s29], $0x1000  }
0x6ed: {  	[sflag:s29] =	ssyncset.done $0x0  }
0x6ee: {  	[sflag:s29] =	ssyncadd.s32 $0xFFFFF000  }
0x6ef: {  	_ =	swait.ge [sflag:s29], $0x1000  }
0x6f0: {  	[sflag:s29] =	ssyncset.done $0x0  }
0x6f1: {  	[sflag:s29] =	ssyncadd.s32 $0xFFFFF000  }
0x6f2: {  	_ =	swait.ge [sflag:s29], $0x1000  }
0x6f3: {  	[sflag:s29] =	ssyncset.done $0x0  }
0x6f4: {  	[sflag:s29] =	ssyncadd.s32 $0xFFFFF000  }
0x6f5: {  	_ =	swait.ge [sflag:s29], $0x1000  }
0x6f6: {  	[sflag:s29] =	ssyncset.done $0x0  }
0x6f7: {  	[sflag:s29] =	ssyncadd.s32 $0xFFFFF000  }
0x6f8: {  	_ =	swait.ge [sflag:s29], $0x1000  }
0x6f9: {  	[sflag:s29] =	ssyncset.done $0x0  }
0x6fa: {  	[sflag:s29] =	ssyncadd.s32 $0xFFFFF000  }
0x6fb: {  	_ =	swait.ge [sflag:s29], $0x1000  }
0x6fc: {  	[sflag:s29] =	ssyncset.done $0x0  }
0x6fd: {  	[sflag:s29] =	ssyncadd.s32 $0xFFFFF000  }
0x6fe: {  	_ =	swait.ge [sflag:s29], $0x1000  }
0x6ff: {  	[sflag:s29] =	ssyncset.done $0x0  }
0x700: {  	[sflag:s29] =	ssyncadd.s32 $0xFFFFF000  }
0x701: {  	_ =	swait.ge [sflag:s29], $0x1000  }
0x702: {  	[sflag:s29] =	ssyncset.done $0x0  }
0x703: {  	[sflag:s29] =	ssyncadd.s32 $0xFFFFF000  }
0x704: {  	_ =	swait.ge [sflag:s29], $0x1000  }
0x705: {  	[sflag:s29] =	ssyncset.done $0x0  }
0x706: {  	[sflag:s29] =	ssyncadd.s32 $0xFFFFF000  }
0x707: {  	_ =	swait.ge [sflag:s29], $0x1000  }
0x708: {  	s31 =	simm.s32 $0xD200;
	[sflag:s29] =	ssyncset.done $0x0  }
0x709: {  	s2 =	simm.s32 $0x0;
	s30 =	rddreg [dreg:$0x6];
	[sflag:s29] =	ssyncadd.s32 $0xFFFFF000  }
0x70a: {  	[hbm4b:s30+s2] =	stream.linear.scatter [tilespmem:s31], [sflag:$0x4], $0xA000, $0x38;
	[tilespmem:$0x17200] =	vst v63  }
.LBB2_8:
0x70b: {  	s0 =	sshra.s32 s2, $0x2  }
0x70c: {  	v4 =	vld [tilespmem:s0+$0xF00];
	_ =	sdelay $0x4  }
0x70d: {  	(v2sf) =	vpush v4, $0xD;
	_ =	sdelay $0x1  }
0x70e: {  	(v2sf) =	vpush v4, $0xC;
	_ =	sdelay $0x1  }
0x70f: {  	(v2sf) =	vpush v4, $0xE;
	_ =	sdelay $0x1  }
0x710: {  	(v2sf) =	vpush v4, $0xF;
	_ =	sdelay $0x1  }
0x711: {  	(v2sf) =	vpush v4, $0x9;
	_ =	sdelay $0x1  }
0x712: {  	(v2sf) =	vpush v4, $0x8;
	_ =	sdelay $0x1  }
0x713: {  	(v2sf) =	vpush v4, $0xA;
	_ =	sdelay $0x1  }
0x714: {  	(v2sf) =	vpush v4, $0xB  }
0x715: {  	s16 =	spop (v2sf)  }
0x716: {  	[dreg:$0xd] =	wrdreg s2;
	(v2sf) =	vpush v4, $0x1;
	s1 =	smulhi.u32 $0xC22E4507, s16;
	s17 =	sshra.s32 s16, $0x1F  }
0x717: {  	s3 =	spop (v2sf);
	s2 =	smul.u32 $0xC22E4507, s17  }
0x718: {  	[dreg:$0x13] =	wrdreg s0;
	(v2sf) =	vpush v4, $0x0;
	s4 =	smulhi.u32 $0xC22E4507, s3;
	s5 =	sshra.s32 s3, $0x1F  }
0x719: {  	s6 =	spop (v2sf);
	s5 =	smul.u32 $0xC22E4507, s5  }
0x71a: {  	(v2sf) =	vpush v4, $0x2;
	s0 =	ssub.s32 s1, s16;
	s18 =	smulhi.u32 $0xC22E4507, s6;
	s7 =	sshra.s32 s6, $0x1F  }
0x71b: {  	s20 =	spop (v2sf);
	s0 =	sadd.s32 s2, s0;
	s19 =	smul.u32 $0xC22E4507, s7  }
0x71c: {  	(v2sf) =	vpush v4, $0x3;
	s3 =	ssub.s32 s4, s3;
	s21 =	smulhi.u32 $0xC22E4507, s20;
	s8 =	sshra.s32 s20, $0x1F  }
0x71d: {  	s23 =	spop (v2sf);
	s3 =	sadd.s32 s5, s3;
	s22 =	smul.u32 $0xC22E4507, s8  }
0x71e: {  	(v2sf) =	vpush v4, $0x4;
	s1 =	ssub.s32 s18, s6;
	s24 =	smulhi.u32 $0xC22E4507, s23;
	s9 =	sshra.s32 s23, $0x1F  }
0x71f: {  	s10 =	spop (v2sf);
	s1 =	sadd.s32 s19, s1;
	s9 =	smul.u32 $0xC22E4507, s9  }
0x720: {  	(v2sf) =	vpush v4, $0x5;
	s25 =	ssub.s32 s21, s20;
	s26 =	smulhi.u32 $0xC22E4507, s10;
	s28 =	sshra.s32 s10, $0x1F  }
0x721: {  	s30 =	spop (v2sf);
	s2 =	sadd.s32 s22, s25;
	s29 =	smul.u32 $0xC22E4507, s28  }
0x722: {  	(v2sf) =	vpush v4, $0x6;
	s6 =	ssub.s32 s24, s23;
	s31 =	smulhi.u32 $0xC22E4507, s30;
	s11 =	sshra.s32 s30, $0x1F  }
0x723: {  	s14 =	spop (v2sf);
	s6 =	sadd.s32 s9, s6;
	s11 =	smul.u32 $0xC22E4507, s11  }
0x724: {  	(v2sf) =	vpush v4, $0x7;
	s4 =	ssub.s32 s26, s10;
	s15 =	smulhi.u32 $0xC22E4507, s14;
	s12 =	sshra.s32 s14, $0x1F  }
0x725: {  	s4 =	sadd.s32 s29, s4;
	s16 =	smul.u32 $0xC22E4507, s12;
	s17 =	spop (v2sf)  }
0x726: {  	s7 =	ssub.s32 s31, s30;
	s18 =	smulhi.u32 $0xC22E4507, s17;
	s13 =	sshra.s32 s17, $0x1F  }
0x727: {  	s7 =	sadd.s32 s11, s7;
	s20 =	spop (v2sf);
	s19 =	smul.u32 $0xC22E4507, s13  }
0x728: {  	s10 =	ssub.s32 s15, s14;
	s21 =	smulhi.u32 $0xC22E4507, s20;
	s14 =	sshra.s32 s20, $0x1F  }
0x729: {  	s5 =	sadd.s32 s16, s10;
	s23 =	spop (v2sf);
	s22 =	smul.u32 $0xC22E4507, s14  }
0x72a: {  	s8 =	ssub.s32 s18, s17;
	s24 =	smulhi.u32 $0xC22E4507, s23;
	s15 =	sshra.s32 s23, $0x1F  }
0x72b: {  	s26 =	spop (v2sf);
	s8 =	sadd.s32 s19, s8;
	s25 =	smul.u32 $0xC22E4507, s15  }
0x72c: {  	s11 =	ssub.s32 s21, s20;
	s28 =	smulhi.u32 $0xC22E4507, s26;
	s16 =	sshra.s32 s26, $0x1F  }
0x72d: {  	s30 =	spop (v2sf);
	s10 =	sadd.s32 s22, s11;
	s29 =	smul.u32 $0xC22E4507, s16  }
0x72e: {  	s12 =	ssub.s32 s24, s23;
	s31 =	smulhi.u32 $0xC22E4507, s30;
	s17 =	sshra.s32 s30, $0x1F  }
0x72f: {  	s19 =	spop (v2sf);
	s9 =	sadd.s32 s25, s12;
	s18 =	smul.u32 $0xC22E4507, s17  }
0x730: {  	v5 =	vmov s10;
	s20 =	ssub.s32 s28, s26;
	s21 =	smulhi.u32 $0xC22E4507, s19;
	s22 =	sshra.s32 s19, $0x1F  }
0x731: {  	s24 =	spop (v2sf);
	v5 =	vnsel vm3, $0x0, v5;
	s10 =	sadd.s32 s29, s20;
	s23 =	smul.u32 $0xC22E4507, s22  }
0x732: {  	s25 =	ssub.s32 s31, s30;
	s26 =	smulhi.u32 $0xC22E4507, s24;
	s28 =	sshra.s32 s24, $0x1F;
	v5 =	vsel vm0, s8, v5  }
0x733: {  	v6 =	vmov s3;
	v7 =	vmov s4;
	s31 =	spop (v2sf);
	s29 =	sadd.s32 s18, s25;
	s30 =	smul.u32 $0xC22E4507, s28;
	v5 =	vsel vm1, s9, v5  }
0x734: {  	v6 =	vsel vm0, s0, v6;
	v7 =	vsel vm0, s6, v7;
	s12 =	ssub.s32 s21, s19;
	s13 =	smulhi.u32 $0xC22E4507, s31;
	s16 =	sshra.s32 s31, $0x1F;
	v5 =	vsel vm2, s10, v5  }
0x735: {  	v6 =	vsel vm1, s1, v6;
	v7 =	vsel vm1, s7, v7;
	s0 =	sadd.s32 s23, s12;
	s17 =	ssub.s32 s26, s24;
	s18 =	smul.u32 $0xC22E4507, s16;
	v5 =	vsel vm4, s29, v5  }
0x736: {  	v6 =	vsel vm2, s2, v6;
	v7 =	vsel vm2, s5, v7;
	s19 =	sadd.s32 s30, s17;
	s20 =	ssub.s32 s13, s31;
	v5 =	vsel vm5, s0, v5  }
0x737: {  	v6 =	vcombine.low v7, v6;
	s21 =	sadd.s32 s18, s20;
	v5 =	vsel vm6, s19, v5  }
0x738: {  	v5 =	vsel vm7, s21, v5  }
0x739: {  	v6 =	vperm.xlane v6, v0;
	v5 =	vperm.xlane v5, v1;
	_ =	sdelay $0x1  }
0x73a: {  	v5 =	vsel vm8, v5, v6  }
0x73b: {  	v5 =	vadd.s32 v4, v5  }
0x73c: {  	v15 =	vshrl.u32 v5, $0x1F;
	v5 =	vshra.s32 v5, $0x10  }
0x73d: {  	v5 =	vadd.s32 v15, v5  }
0x73e: {  	v6 =	vadd.s32 $0xAFA6C, v5  }
0x73f: {  	v5 =	vmulhi.u32 $0x396B06BD, v6;
	_ =	sdelay $0x1  }
0x740: {  	v5 =	vshrl.u32 v5, $0xF  }
0x741: {  	v16 =	vmul.u32 $0xFFFDC54F, v5;
	_ =	sdelay $0x1  }
0x742: {  	v6 =	vadd.s32 v6, v16  }
0x743: {  	(v2sf) =	vpush v6, $0xD;
	_ =	sdelay $0x2  }
0x744: {  	(v2sf) =	vpush v6, $0xC;
	_ =	sdelay $0x2  }
0x745: {  	(v2sf) =	vpush v6, $0xE  }
0x746: {  	(v2sf) =	vpush v6, $0xF;
	_ =	sdelay $0x1  }
0x747: {  	(v2sf) =	vpush v6, $0x9;
	_ =	sdelay $0x3  }
0x748: {  	(v2sf) =	vpush v6, $0x8;
	_ =	sdelay $0x1  }
0x749: {  	s19 =	spop (v2sf)  }
0x74a: {  	s22 =	sshra.s32 s19, $0x1F  }
0x74b: {  	s23 =	smul.u32 $0x4C73064F, s22  }
0x74c: {  	s5 =	spop (v2sf);
	s11 =	smul.u32 $0xE5AC81FB, s22  }
0x74d: {  	s24 =	sshra.s32 s5, $0x1F;
	s0 =	smul.u32 $0x1A537E05, s22  }
0x74e: {  	s25 =	smul.u32 $0x4C73064F, s24  }
0x74f: {  	s14 =	spop (v2sf);
	s13 =	smul.u32 $0xE5AC81FB, s24  }
0x750: {  	(v2sf) =	vpush v6, $0xA;
	s26 =	sshra.s32 s14, $0x1F;
	s12 =	spop (v2sf);
	s21 =	smul.u32 $0x1A537E05, s24  }
0x751: {  	[smem:$0x5AA] =	sst s23;
	s28 =	smul.u32 $0x4C73064F, s26  }
0x752: {  	s17 =	spop (v2sf);
	[smem:$0x5C1] =	sst s11  }
0x753: {  	(v2sf) =	vpush v6, $0xB;
	s15 =	smul.u32 $0xE5AC81FB, s26;
	[smem:$0x5E3] =	sst s0  }
0x754: {  	s29 =	sshra.s32 s12, $0x1F;
	s22 =	smul.u32 $0x1A537E05, s26;
	[smem:$0x5AB] =	sst s25  }
0x755: {  	s30 =	smul.u32 $0x4C73064F, s29;
	[smem:$0x5C2] =	sst s13  }
0x756: {  	(v2sf) =	vpush v6, $0x1;
	s8 =	spop (v2sf);
	[smem:$0x5E5] =	sst s21  }
0x757: {  	s16 =	smul.u32 $0xE5AC81FB, s29;
	[smem:$0x5AC] =	sst s28  }
0x758: {  	s31 =	sshra.s32 s17, $0x1F;
	s23 =	smul.u32 $0x1A537E05, s29;
	[smem:$0x5C3] =	sst s15  }
0x759: {  	s7 =	smul.u32 $0x4C73064F, s31;
	[smem:$0x5E9] =	sst s22  }
0x75a: {  	s18 =	smul.u32 $0xE5AC81FB, s31;
	[smem:$0x5AD] =	sst s30  }
0x75b: {  	s9 =	sshra.s32 s8, $0x1F;
	s24 =	smul.u32 $0x1A537E05, s31;
	[smem:$0x5C5] =	sst s16  }
0x75c: {  	s10 =	smul.u32 $0x4C73064F, s9;
	[smem:$0x5EB] =	sst s23  }
0x75d: {  	s20 =	smul.u32 $0xE5AC81FB, s9;
	[smem:$0x5AE] =	sst s7  }
0x75e: {  	(v2sf) =	vpush v6, $0x0;
	s25 =	smul.u32 $0x1A537E05, s9;
	[smem:$0x5C7] =	sst s18  }
0x75f: {  	[smem:$0x5AF] =	sst s10;
	s10 =	spop (v2sf)  }
0x760: {  	[smem:$0x5F0] =	sst s24;
	s24 =	smulhi.u32 $0x4C73064F, s8;
	s26 =	sshra.s32 s10, $0x1F  }
0x761: {  	[smem:$0x5CA] =	sst s20;
	s28 =	smul.u32 $0x4C73064F, s26  }
0x762: {  	(v2sf) =	vpush v6, $0x2;
	s3 =	spop (v2sf);
	s29 =	smul.u32 $0xE5AC81FB, s26  }
0x763: {  	[smem:$0x5EC] =	sst s25;
	s0 =	smul.u32 $0x1A537E05, s26;
	s30 =	sshra.s32 s3, $0x1F  }
0x764: {  	(v2sf) =	vpush v6, $0x3;
	[smem:$0x5B0] =	sst s24;
	s31 =	smul.u32 $0x4C73064F, s30  }
0x765: {  	s13 =	spop (v2sf);
	s2 =	smul.u32 $0xE5AC81FB, s30  }
0x766: {  	s1 =	smulhi.u32 $0x4C73064F, s13;
	[smem:$0x5B1] =	sst s28  }
0x767: {  	s4 =	sshra.s32 s13, $0x1F;
	[dreg:$0x1e] =	wrdreg s0;
	s0 =	smul.u32 $0x1A537E05, s30  }
0x768: {  	(v2sf) =	vpush v6, $0x4;
	[smem:$0x5CE] =	sst s29;
	s6 =	smul.u32 $0x4C73064F, s4  }
0x769: {  	s7 =	smul.u32 $0xE5AC81FB, s4;
	[smem:$0x5B3] =	sst s31  }
0x76a: {  	s30 =	smulhi.u32 $0x4C73064F, s5;
	[smem:$0x5D2] =	sst s2  }
0x76b: {  	s28 =	smulhi.u32 $0x4C73064F, s10;
	[smem:$0x5B6] =	sst s1  }
0x76c: {  	s29 =	smulhi.u32 $0x4C73064F, s3;
	[dreg:$0x19] =	wrdreg s0  }
0x76d: {  	[smem:$0x5B5] =	sst s6;
	s6 =	spop (v2sf)  }
0x76e: {  	(v2sf) =	vpush v6, $0x5;
	[smem:$0x5D9] =	sst s7;
	s0 =	smul.u32 $0x1A537E05, s4  }
0x76f: {  	s7 =	smulhi.u32 $0x4C73064F, s19;
	[smem:$0x5B2] =	sst s28  }
0x770: {  	[smem:$0x5B4] =	sst s29;
	s9 =	sshra.s32 s6, $0x1F;
	s4 =	smulhi.u32 $0x4C73064F, s6  }
0x771: {  	s25 =	spop (v2sf);
	s11 =	smul.u32 $0x4C73064F, s9  }
0x772: {  	[smem:$0x5ED] =	sst s0;
	s15 =	smul.u32 $0xE5AC81FB, s9  }
0x773: {  	(v2sf) =	vpush v6, $0x6;
	s0 =	smul.u32 $0x1A537E05, s9;
	s26 =	spop (v2sf)  }
0x774: {  	s16 =	sshra.s32 s25, $0x1F;
	s9 =	smulhi.u32 $0x4C73064F, s25;
	[smem:$0x5B8] =	sst s4  }
0x775: {  	s18 =	smul.u32 $0x4C73064F, s16;
	[smem:$0x5B7] =	sst s11  }
0x776: {  	s20 =	smul.u32 $0xE5AC81FB, s16;
	[smem:$0x5D7] =	sst s15  }
0x777: {  	s4 =	spop (v2sf);
	[smem:$0x5E7] =	sst s0  }
0x778: {  	s21 =	sshra.s32 s26, $0x1F;
	s0 =	smul.u32 $0x1A537E05, s16;
	[smem:$0x5BA] =	sst s9  }
0x779: {  	s22 =	smul.u32 $0x4C73064F, s21;
	[smem:$0x5B9] =	sst s18  }
0x77a: {  	(v2sf) =	vpush v6, $0x7;
	s23 =	smul.u32 $0xE5AC81FB, s21;
	[smem:$0x5DB] =	sst s20  }
0x77b: {  	s11 =	smulhi.u32 $0x4C73064F, s26;
	[smem:$0x5EF] =	sst s0  }
0x77c: {  	s15 =	smulhi.u32 $0x4C73064F, s4;
	[smem:$0x5BB] =	sst s22  }
0x77d: {  	s28 =	spop (v2sf);
	[smem:$0x5DD] =	sst s23  }
0x77e: {  	s20 =	smulhi.u32 $0x4C73064F, s28;
	[smem:$0x5BC] =	sst s11  }
0x77f: {  	s0 =	smul.u32 $0x1A537E05, s21;
	[smem:$0x5BD] =	sst s15  }
0x780: {  	s21 =	sshra.s32 s28, $0x1F;
	s11 =	smulhi.u32 $0xE5AC81FB, s12;
	[smem:$0x5BF] =	sst s20  }
0x781: {  	s22 =	smul.u32 $0x4C73064F, s21;
	[smem:$0x5E8] =	sst s21  }
0x782: {  	s20 =	spop (v2sf);
	[smem:$0x5F1] =	sst s0  }
0x783: {  	s1 =	smov.u32 s21;
	s24 =	smulhi.u32 $0x4C73064F, s20;
	[smem:$0x5C4] =	sst s11  }
0x784: {  	s23 =	sshra.s32 s20, $0x1F;
	s11 =	smulhi.u32 $0xE5AC81FB, s17;
	[smem:$0x5C0] =	sst s22  }
0x785: {  	s0 =	sshra.s32 s4, $0x1F;
	s1 =	smul.u32 $0xE5AC81FB, s1;
	[smem:$0x5E1] =	sst s23  }
0x786: {  	s18 =	smul.u32 $0x4C73064F, s0;
	[smem:$0x5C6] =	sst s11  }
0x787: {  	s21 =	smul.u32 $0x4C73064F, s23;
	[smem:$0x5E2] =	sst s1  }
0x788: {  	s11 =	smulhi.u32 $0xE5AC81FB, s8;
	s1 =	sld [smem:$0x5BF]  }
0x789: {  	[smem:$0x5BE] =	sst s18;
	s18 =	spop (v2sf)  }
0x78a: {  	s29 =	sshra.s32 s18, $0x1F;
	[smem:$0x5C8] =	sst s11;
	s11 =	smulhi.u32 $0xE5AC81FB, s10  }
0x78b: {  	s21 =	sadd.s32 s21, s24;
	s24 =	smulhi.u32 $0x1A537E05, s19;
	[smem:$0x5EE] =	sst s29  }
0x78c: {  	[smem:$0x5CB] =	sst s11;
	s11 =	smulhi.u32 $0xE5AC81FB, s3  }
0x78d: {  	s15 =	smulhi.u32 $0xE5AC81FB, s19;
	[smem:$0x5E4] =	sst s24  }
0x78e: {  	[smem:$0x5CF] =	sst s11;
	s11 =	smulhi.u32 $0xE5AC81FB, s13  }
0x78f: {  	s23 =	smulhi.u32 $0xE5AC81FB, s5;
	s24 =	ssub.s32 s15, s19;
	s19 =	sld [smem:$0x5C1]  }
0x790: {  	s15 =	smulhi.u32 $0x1A537E05, s5;
	[smem:$0x5D6] =	sst s11  }
0x791: {  	s5 =	ssub.s32 s23, s5;
	s23 =	smulhi.u32 $0x1A537E05, s14;
	s11 =	sld [smem:$0x5AA]  }
0x792: {  	s22 =	smulhi.u32 $0x4C73064F, s18;
	[smem:$0x5E6] =	sst s15  }
0x793: {  	s9 =	smul.u32 $0x4C73064F, s29;
	[smem:$0x5EA] =	sst s23  }
0x794: {  	s15 =	sld [smem:$0x5C5];
	s7 =	sadd.s32 s11, s7;
	s11 =	smulhi.u32 $0xE5AC81FB, s6  }
0x795: {  	s22 =	sadd.s32 s9, s22;
	s9 =	sadd.s32 s19, s24;
	s24 =	sld [smem:$0x5C2]  }
0x796: {  	[smem:$0x5D3] =	sst s11  }
0x797: {  	s11 =	sld [smem:$0x5AB]  }
0x798: {  	s5 =	sadd.s32 s24, s5;
	s24 =	sld [smem:$0x5C6]  }
0x799: {  	[smem:$0x5CC] =	sst s7  }
0x79a: {  	s7 =	sadd.s32 s11, s30;
	s11 =	sld [smem:$0x5AC]  }
0x79b: {  	s30 =	smulhi.u32 $0xE5AC81FB, s25;
	[smem:$0x5C9] =	sst s7  }
0x79c: {  	s29 =	smulhi.u32 $0xE5AC81FB, s14;
	s7 =	sld [smem:$0x5AD]  }
0x79d: {  	s2 =	smulhi.u32 $0x4C73064F, s14;
	[smem:$0x5DA] =	sst s30  }
0x79e: {  	s16 =	smulhi.u32 $0x4C73064F, s17;
	s14 =	ssub.s32 s29, s14;
	s30 =	sld [smem:$0x5AF]  }
0x79f: {  	s29 =	smulhi.u32 $0x1A537E05, s17;
	s17 =	ssub.s32 s24, s17;
	s24 =	sld [smem:$0x5C9]  }
0x7a0: {  	s31 =	smulhi.u32 $0x4C73064F, s12;
	s2 =	sadd.s32 s11, s2;
	s11 =	sld [smem:$0x5AE]  }
0x7a1: {  	[smem:$0x5D0] =	sst s2  }
0x7a2: {  	s2 =	sadd.s32 s7, s31;
	s31 =	sld [smem:$0x5B0]  }
0x7a3: {  	s7 =	sld [smem:$0x5B1]  }
0x7a4: {  	[smem:$0x5D4] =	sst s2  }
0x7a5: {  	s2 =	sadd.s32 s11, s16;
	s11 =	sld [smem:$0x5B2]  }
0x7a6: {  	[smem:$0x5D1] =	sst s2  }
0x7a7: {  	v8 =	vmov s24;
	s24 =	smulhi.u32 $0x1A537E05, s3;
	s2 =	sadd.s32 s30, s31;
	s30 =	sld [smem:$0x5B3]  }
0x7a8: {  	s16 =	smulhi.u32 $0xE5AC81FB, s26;
	s31 =	sld [smem:$0x5B4]  }
0x7a9: {  	[smem:$0x5F3] =	sst s24  }
0x7aa: {  	[smem:$0x5DC] =	sst s16  }
0x7ab: {  	[smem:$0x5CD] =	sst s2  }
0x7ac: {  	s24 =	sld [smem:$0x5D1]  }
0x7ad: {  	s2 =	sadd.s32 s7, s11;
	s7 =	sld [smem:$0x5B5]  }
0x7ae: {  	s11 =	sld [smem:$0x5B6]  }
0x7af: {  	v11 =	vmov s5;
	s16 =	smulhi.u32 $0xE5AC81FB, s4;
	s5 =	sld [smem:$0x5DC]  }
0x7b0: {  	[smem:$0x5D5] =	sst s2  }
0x7b1: {  	[smem:$0x5DE] =	sst s16  }
0x7b2: {  	s2 =	sadd.s32 s30, s31;
	s30 =	sld [smem:$0x5B7]  }
0x7b3: {  	s16 =	smul.u32 $0xE5AC81FB, s0;
	s31 =	sld [smem:$0x5B8]  }
0x7b4: {  	[smem:$0x5D8] =	sst s2  }
0x7b5: {  	[smem:$0x5DF] =	sst s16  }
0x7b6: {  	s16 =	sld [smem:$0x5B9]  }
0x7b7: {  	s2 =	sadd.s32 s30, s31;
	s30 =	sld [smem:$0x5BA];
	s31 =	smulhi.u32 $0xE5AC81FB, s28  }
0x7b8: {  	v17 =	vmov s2;
	s2 =	sld [smem:$0x5C3]  }
0x7b9: {  	[smem:$0x5E0] =	sst s31  }
0x7ba: {  	s31 =	sld [smem:$0x5BD]  }
0x7bb: {  	s7 =	sadd.s32 s7, s11;
	s11 =	sadd.s32 s16, s30;
	s16 =	sld [smem:$0x5BB]  }
0x7bc: {  	v7 =	vnsel vm3, $0x0, v17;
	s30 =	sld [smem:$0x5BC]  }
0x7bd: {  	v7 =	vsel vm0, s7, v7;
	s7 =	sld [smem:$0x5C8]  }
0x7be: {  	s23 =	sadd.s32 s2, s14;
	s14 =	sld [smem:$0x5C4]  }
0x7bf: {  	s2 =	sld [smem:$0x5C7]  }
0x7c0: {  	v11 =	vsel vm0, s9, v11;
	v7 =	vsel vm1, s11, v7;
	s11 =	sld [smem:$0x5CB]  }
0x7c1: {  	v18 =	vsel vm1, s23, v11;
	s23 =	sld [smem:$0x5F0]  }
0x7c2: {  	s19 =	smulhi.u32 $0x1A537E05, s12;
	s16 =	sadd.s32 s16, s30;
	s30 =	sld [smem:$0x5BE]  }
0x7c3: {  	s12 =	ssub.s32 s14, s12;
	s17 =	sadd.s32 s2, s17;
	s2 =	sld [smem:$0x5CA]  }
0x7c4: {  	v7 =	vsel vm2, s16, v7;
	s16 =	sld [smem:$0x5D0];
	s14 =	sadd.s32 s15, s12;
	s15 =	smulhi.u32 $0x1A537E05, s10  }
0x7c5: {  	s31 =	sadd.s32 s30, s31;
	s30 =	sld [smem:$0x5C0]  }
0x7c6: {  	s12 =	smulhi.u32 $0x1A537E05, s8;
	s8 =	ssub.s32 s7, s8;
	[smem:$0x5F2] =	sst s15  }
0x7c7: {  	s7 =	sadd.s32 s2, s8;
	s2 =	sld [smem:$0x5CC]  }
0x7c8: {  	s15 =	ssub.s32 s11, s10;
	s10 =	sld [smem:$0x5CD]  }
0x7c9: {  	s11 =	sld [smem:$0x5CE]  }
0x7ca: {  	v7 =	vsel vm4, s31, v7;
	s31 =	sld [smem:$0x5D2];
	v12 =	vmov s7  }
0x7cb: {  	v12 =	vsel vm0, s17, v12;
	s17 =	sld [smem:$0x5DF]  }
0x7cc: {  	s8 =	sadd.s32 s11, s15;
	s15 =	sld [smem:$0x5CF]  }
0x7cd: {  	v8 =	vsel vm0, s2, v8;
	s2 =	sld [smem:$0x5D3]  }
0x7ce: {  	s30 =	sadd.s32 s30, s1;
	v9 =	vmov s10;
	v8 =	vsel vm1, s16, v8;
	s16 =	sld [smem:$0x5D4]  }
0x7cf: {  	v7 =	vsel vm5, s30, v7;
	v9 =	vsel vm0, s24, v9;
	s24 =	sld [smem:$0x5D5]  }
0x7d0: {  	v7 =	vsel vm6, s21, v7;
	s21 =	sld [smem:$0x5DA]  }
0x7d1: {  	v19 =	vsel vm1, s8, v12;
	s8 =	sld [smem:$0x5E4];
	s3 =	ssub.s32 s15, s3  }
0x7d2: {  	s15 =	smulhi.u32 $0x1A537E05, s6;
	s10 =	ssub.s32 s2, s6;
	s6 =	sld [smem:$0x5D7]  }
0x7d3: {  	s3 =	sadd.s32 s31, s3;
	s31 =	sld [smem:$0x5D6]  }
0x7d4: {  	v8 =	vsel vm2, s16, v8;
	s16 =	sld [smem:$0x5D9]  }
0x7d5: {  	s2 =	sadd.s32 s6, s10;
	s10 =	sld [smem:$0x5D8]  }
0x7d6: {  	v9 =	vsel vm1, s24, v9;
	s24 =	smulhi.u32 $0x1A537E05, s25;
	s30 =	ssub.s32 s21, s25;
	s25 =	sld [smem:$0x5E0]  }
0x7d7: {  	s11 =	smulhi.u32 $0x1A537E05, s13;
	s13 =	ssub.s32 s31, s13;
	v10 =	vmov s2;
	s31 =	sld [smem:$0x5DB]  }
0x7d8: {  	s13 =	sadd.s32 s16, s13;
	v10 =	vnsel vm3, $0x0, v10;
	v9 =	vsel vm2, s10, v9;
	s10 =	sld [smem:$0x5DD]  }
0x7d9: {  	v10 =	vsel vm0, s13, v10;
	s13 =	sld [smem:$0x5DE]  }
0x7da: {  	s2 =	sadd.s32 s31, s30;
	s30 =	sld [smem:$0x5E2]  }
0x7db: {  	v8 =	vcombine.low v9, v8;
	v9 =	vsel vm2, s14, v18;
	s14 =	sld [smem:$0x5E7]  }
0x7dc: {  	s9 =	smulhi.u32 $0x1A537E05, s28;
	v10 =	vsel vm1, s2, v10;
	s2 =	ssub.s32 s25, s28;
	s28 =	sld [smem:$0x5E9]  }
0x7dd: {  	s6 =	ssub.s32 s5, s26;
	s25 =	sld [smem:$0x5F1]  }
0x7de: {  	s5 =	sadd.s32 s10, s6;
	s1 =	ssub.s32 s13, s4;
	s6 =	sld [smem:$0x5E3]  }
0x7df: {  	s7 =	smul.u32 $0x1A537E05, s0;
	s1 =	sadd.s32 s17, s1;
	s17 =	sld [smem:$0x5E1]  }
0x7e0: {  	s21 =	smulhi.u32 $0x1A537E05, s26;
	s10 =	sld [smem:$0x5E5]  }
0x7e1: {  	s16 =	smulhi.u32 $0xE5AC81FB, s20;
	s13 =	sld [smem:$0x5E6]  }
0x7e2: {  	v11 =	vsel vm2, s3, v19;
	s3 =	sadd.s32 s14, s15;
	s15 =	sld [smem:$0x5E8];
	s26 =	smul.u32 $0xE5AC81FB, s17  }
0x7e3: {  	s31 =	ssub.s32 s16, s20;
	v10 =	vsel vm2, s5, v10;
	s2 =	sadd.s32 s30, s2;
	s30 =	sld [smem:$0x5EA]  }
0x7e4: {  	v7 =	vsel vm7, s22, v7;
	s22 =	smulhi.u32 $0x1A537E05, s4;
	v10 =	vsel vm4, s1, v10;
	s4 =	sadd.s32 s26, s31;
	s31 =	sld [smem:$0x5EB]  }
0x7e5: {  	s0 =	smulhi.u32 $0xE5AC81FB, s18;
	s5 =	sadd.s32 s6, s8;
	v10 =	vsel vm5, s2, v10;
	s6 =	sld [smem:$0x5ED]  }
0x7e6: {  	s20 =	smulhi.u32 $0x1A537E05, s20;
	v10 =	vsel vm6, s4, v10;
	s4 =	sld [smem:$0x5EC]  }
0x7e7: {  	s2 =	sadd.s32 s10, s13;
	s10 =	sadd.s32 s31, s19;
	s19 =	sld [smem:$0x5EF]  }
0x7e8: {  	v7 =	vperm.xlane v7, v1;
	v8 =	vperm.xlane v8, v0;
	s14 =	sld [smem:$0x5EE];
	v20 =	vmov s3;
	s16 =	smul.u32 $0x1A537E05, s15;
	s13 =	sadd.s32 s28, s30  }
0x7e9: {  	v9 =	vcombine.low v11, v9;
	v12 =	vnsel vm3, $0x0, v20;
	s28 =	rddreg [dreg:$0x1e];
	s1 =	sadd.s32 s4, s12;
	s12 =	sadd.s32 s6, s11  }
0x7ea: {  	v21 =	vsub.s32 $0x0, v6;
	v7 =	vsel vm8, v7, v8;
	v12 =	vsel vm0, s12, v12;
	s12 =	sadd.s32 s19, s24;
	s24 =	sadd.s32 s23, s29;
	s29 =	sld [smem:$0x5F2]  }
0x7eb: {  	v9 =	vperm.xlane v9, v0;
	s3 =	ssub.s32 s0, s18;
	v7 =	vadd.s32 v21, v7;
	s15 =	smul.u32 $0xE5AC81FB, s14;
	s6 =	sld [smem:$0x5F3]  }
0x7ec: {  	v22 =	vmov s2;
	s30 =	sadd.s32 s7, s22;
	s8 =	smul.u32 $0x1A537E05, s14;
	v14 =	vmov s1;
	s1 =	sadd.s32 s25, s21;
	v12 =	vsel vm1, s12, v12  }
0x7ed: {  	v11 =	vsel vm0, s5, v22;
	s26 =	smul.u32 $0x1A537E05, s17;
	s4 =	rddreg [dreg:$0x19];
	v14 =	vsel vm0, s24, v14;
	v12 =	vsel vm2, s1, v12;
	s0 =	sadd.s32 s28, s29  }
0x7ee: {  	v11 =	vsel vm1, s13, v11;
	s7 =	sadd.s32 s16, s9;
	s31 =	smulhi.u32 $0x1A537E05, s18;
	v12 =	vsel vm4, s30, v12;
	v14 =	vsel vm1, s0, v14;
	s0 =	sadd.s32 s4, s6  }
0x7ef: {  	s3 =	sadd.s32 s15, s3;
	s9 =	sadd.s32 s26, s20;
	v11 =	vsel vm2, s10, v11;
	v12 =	vsel vm5, s7, v12;
	v14 =	vsel vm2, s0, v14  }
0x7f0: {  	v10 =	vsel vm7, s3, v10;
	s10 =	sadd.s32 s8, s31;
	v12 =	vsel vm6, s9, v12;
	v11 =	vcombine.low v14, v11  }
0x7f1: {  	v13 =	vshrl.u32 v7, $0x1F;
	v10 =	vperm.xlane v10, v1;
	v12 =	vsel vm7, s10, v12  }
0x7f2: {  	v7 =	vshra.s32 v7, $0xA;
	v12 =	vperm.xlane v12, v1;
	v11 =	vperm.xlane v11, v0  }
0x7f3: {  	v7 =	vadd.s32 v13, v7;
	v9 =	vsel vm8, v10, v9  }
0x7f4: {  	v7 =	vadd.s32 v6, v7;
	v9 =	vadd.s32 v6, v9;
	v23 =	vsel vm8, v12, v11  }
0x7f5: {  	v24 =	vshrl.u32 v9, $0x1F;
	v9 =	vshra.s32 v9, $0xF;
	v8 =	vadd.s32 v21, v23  }
0x7f6: {  	v9 =	vadd.s32 v24, v9;
	v10 =	vshrl.u32 v8, $0x1F;
	v8 =	vshra.s32 v8, $0x11  }
0x7f7: {  	v7 =	vadd.s32 v9, v7;
	v8 =	vadd.s32 v10, v8  }
0x7f8: {  	v8 =	vadd.s32 v8, v7  }
0x7f9: {  	(v2sf) =	vpush v8, $0xD;
	_ =	sdelay $0x2  }
0x7fa: {  	(v2sf) =	vpush v8, $0xC;
	_ =	sdelay $0x2  }
0x7fb: {  	(v2sf) =	vpush v8, $0xE;
	_ =	sdelay $0x1  }
0x7fc: {  	(v2sf) =	vpush v8, $0xF  }
0x7fd: {  	(v2sf) =	vpush v8, $0x9;
	_ =	sdelay $0x3  }
0x7fe: {  	(v2sf) =	vpush v8, $0x8;
	_ =	sdelay $0x1  }
0x7ff: {  	s3 =	spop (v2sf)  }
0x800: {  	s11 =	sshra.s32 s3, $0x1F  }
0x801: {  	s25 =	smul.u32 $0xB38CF9B1, s11  }
0x802: {  	s8 =	spop (v2sf);
	s22 =	smul.u32 $0x4C73064F, s11  }
0x803: {  	(v2sf) =	vpush v8, $0xA;
	s12 =	sshra.s32 s8, $0x1F;
	s0 =	smul.u32 $0x72E9959, s11  }
0x804: {  	s31 =	smul.u32 $0xB38CF9B1, s12  }
0x805: {  	s10 =	spop (v2sf);
	s23 =	smul.u32 $0x4C73064F, s12  }
0x806: {  	s14 =	sshra.s32 s10, $0x1F;
	s1 =	smul.u32 $0x72E9959, s12  }
0x807: {  	s28 =	spop (v2sf);
	s15 =	smul.u32 $0xB38CF9B1, s14  }
0x808: {  	s13 =	spop (v2sf);
	[smem:$0x60D] =	sst s22  }
0x809: {  	s24 =	smul.u32 $0x4C73064F, s14;
	[smem:$0x628] =	sst s0  }
0x80a: {  	s16 =	sshra.s32 s28, $0x1F;
	s4 =	smul.u32 $0x72E9959, s14;
	[smem:$0x60F] =	sst s23  }
0x80b: {  	s17 =	smul.u32 $0xB38CF9B1, s16;
	[smem:$0x62A] =	sst s1  }
0x80c: {  	s2 =	spop (v2sf);
	[smem:$0x5F4] =	sst s15  }
0x80d: {  	s26 =	smul.u32 $0x4C73064F, s16;
	[smem:$0x611] =	sst s24  }
0x80e: {  	(v2sf) =	vpush v8, $0xB;
	s5 =	smul.u32 $0x72E9959, s16;
	[smem:$0x62C] =	sst s4  }
0x80f: {  	(v2sf) =	vpush v8, $0x1;
	s18 =	sshra.s32 s13, $0x1F;
	s16 =	smulhi.u32 $0xB38CF9B1, s13;
	[smem:$0x5F5] =	sst s17  }
0x810: {  	s19 =	smul.u32 $0xB38CF9B1, s18;
	[smem:$0x614] =	sst s26  }
0x811: {  	s29 =	smul.u32 $0x4C73064F, s18;
	[smem:$0x630] =	sst s5  }
0x812: {  	s1 =	spop (v2sf);
	[smem:$0x5F6] =	sst s16  }
0x813: {  	(v2sf) =	vpush v8, $0x0;
	s20 =	sshra.s32 s2, $0x1F;
	s9 =	smul.u32 $0x72E9959, s18;
	[smem:$0x5F7] =	sst s19  }
0x814: {  	s21 =	smul.u32 $0xB38CF9B1, s20;
	[smem:$0x616] =	sst s29  }
0x815: {  	s30 =	smul.u32 $0x4C73064F, s20;
	[smem:$0x632] =	sst s9  }
0x816: {  	s11 =	smul.u32 $0x72E9959, s20;
	[smem:$0x5F9] =	sst s21  }
0x817: {  	(v2sf) =	vpush v8, $0x2;
	s17 =	smulhi.u32 $0xB38CF9B1, s2;
	[smem:$0x619] =	sst s30  }
0x818: {  	s12 =	sshra.s32 s1, $0x1F;
	s18 =	smulhi.u32 $0xB38CF9B1, s1;
	[smem:$0x634] =	sst s11  }
0x819: {  	s14 =	smul.u32 $0xB38CF9B1, s12;
	[smem:$0x5F8] =	sst s17  }
0x81a: {  	s15 =	smul.u32 $0x4C73064F, s12;
	[smem:$0x5FA] =	sst s18  }
0x81b: {  	s0 =	smul.u32 $0x72E9959, s12;
	[smem:$0x5FB] =	sst s14  }
0x81c: {  	[smem:$0x61B] =	sst s15  }
0x81d: {  	[smem:$0x637] =	sst s0;
	s0 =	spop (v2sf)  }
0x81e: {  	(v2sf) =	vpush v8, $0x3;
	s20 =	smulhi.u32 $0xB38CF9B1, s0;
	s22 =	sshra.s32 s0, $0x1F;
	s15 =	spop (v2sf)  }
0x81f: {  	(v2sf) =	vpush v8, $0x4;
	s21 =	smul.u32 $0xB38CF9B1, s22;
	[smem:$0x627] =	sst s22  }
0x820: {  	s23 =	smulhi.u32 $0xB38CF9B1, s15;
	[smem:$0x5FC] =	sst s20  }
0x821: {  	s22 =	smul.u32 $0x4C73064F, s22;
	[smem:$0x5FD] =	sst s21  }
0x822: {  	(v2sf) =	vpush v8, $0x5;
	s17 =	spop (v2sf);
	[smem:$0x5FE] =	sst s23  }
0x823: {  	s26 =	smulhi.u32 $0xB38CF9B1, s17;
	s23 =	sshra.s32 s15, $0x1F;
	[smem:$0x620] =	sst s22  }
0x824: {  	s22 =	smulhi.u32 $0x72E9959, s3;
	[smem:$0x636] =	sst s23  }
0x825: {  	s24 =	smul.u32 $0xB38CF9B1, s23;
	[smem:$0x600] =	sst s26  }
0x826: {  	s9 =	spop (v2sf);
	[smem:$0x629] =	sst s22  }
0x827: {  	(v2sf) =	vpush v8, $0x6;
	s20 =	sshra.s32 s9, $0x1F;
	[smem:$0x5FF] =	sst s24  }
0x828: {  	s30 =	smulhi.u32 $0xB38CF9B1, s9;
	s24 =	sshra.s32 s17, $0x1F;
	[smem:$0x639] =	sst s20  }
0x829: {  	s22 =	smulhi.u32 $0x72E9959, s8;
	[smem:$0x62E] =	sst s24  }
0x82a: {  	s7 =	smul.u32 $0xB38CF9B1, s20;
	[smem:$0x602] =	sst s30  }
0x82b: {  	(v2sf) =	vpush v8, $0x7;
	s29 =	smul.u32 $0xB38CF9B1, s24;
	[smem:$0x62B] =	sst s22  }
0x82c: {  	[smem:$0x603] =	sst s7  }
0x82d: {  	[smem:$0x601] =	sst s29;
	s29 =	spop (v2sf)  }
0x82e: {  	s11 =	smulhi.u32 $0xB38CF9B1, s29;
	s7 =	sshra.s32 s29, $0x1F;
	s21 =	spop (v2sf)  }
0x82f: {  	s12 =	smul.u32 $0xB38CF9B1, s7;
	[smem:$0x63A] =	sst s7  }
0x830: {  	s14 =	smulhi.u32 $0xB38CF9B1, s21;
	s18 =	sshra.s32 s21, $0x1F;
	[smem:$0x604] =	sst s11  }
0x831: {  	s30 =	spop (v2sf);
	[smem:$0x63B] =	sst s18  }
0x832: {  	s16 =	smul.u32 $0xB38CF9B1, s18;
	[smem:$0x605] =	sst s12  }
0x833: {  	s26 =	smulhi.u32 $0xB38CF9B1, s30;
	[smem:$0x606] =	sst s14  }
0x834: {  	[smem:$0x607] =	sst s16  }
0x835: {  	[smem:$0x608] =	sst s26;
	s26 =	sshra.s32 s30, $0x1F  }
0x836: {  	s16 =	spop (v2sf);
	[smem:$0x63D] =	sst s26  }
0x837: {  	s11 =	smul.u32 $0xB38CF9B1, s26;
	s12 =	sshra.s32 s16, $0x1F;
	[smem:$0x63E] =	sst s16  }
0x838: {  	s4 =	smulhi.u32 $0xB38CF9B1, s3;
	[smem:$0x622] =	sst s12  }
0x839: {  	s14 =	smulhi.u32 $0xB38CF9B1, s16;
	[smem:$0x609] =	sst s11  }
0x83a: {  	s11 =	smul.u32 $0xB38CF9B1, s12;
	s12 =	spop (v2sf)  }
0x83b: {  	[smem:$0x60A] =	sst s14;
	s14 =	smulhi.u32 $0xB38CF9B1, s12  }
0x83c: {  	s19 =	smulhi.u32 $0xB38CF9B1, s10;
	[smem:$0x60B] =	sst s11  }
0x83d: {  	s11 =	smulhi.u32 $0x4C73064F, s3;
	[smem:$0x60C] =	sst s14;
	s14 =	sshra.s32 s12, $0x1F  }
0x83e: {  	s3 =	ssub.s32 s4, s3;
	s4 =	ssub.s32 s19, s10;
	[smem:$0x626] =	sst s14  }
0x83f: {  	s19 =	smulhi.u32 $0x72E9959, s13;
	s3 =	sadd.s32 s25, s3;
	[smem:$0x60E] =	sst s11  }
0x840: {  	s25 =	smulhi.u32 $0x72E9959, s10;
	[smem:$0x613] =	sst s3  }
0x841: {  	s6 =	smulhi.u32 $0xB38CF9B1, s8;
	[smem:$0x633] =	sst s19  }
0x842: {  	[smem:$0x62D] =	sst s25  }
0x843: {  	s11 =	smulhi.u32 $0x4C73064F, s8;
	s8 =	ssub.s32 s6, s8;
	s25 =	sld [smem:$0x5F5]  }
0x844: {  	s6 =	smulhi.u32 $0x72E9959, s28;
	s22 =	sadd.s32 s31, s8;
	s8 =	sld [smem:$0x5F9]  }
0x845: {  	[smem:$0x610] =	sst s11  }
0x846: {  	s31 =	smulhi.u32 $0x72E9959, s2;
	[smem:$0x631] =	sst s6  }
0x847: {  	s11 =	smulhi.u32 $0x4C73064F, s10;
	s10 =	sld [smem:$0x5F4]  }
0x848: {  	[smem:$0x635] =	sst s31  }
0x849: {  	s6 =	smulhi.u32 $0x72E9959, s1;
	v26 =	vmov s22;
	s22 =	sld [smem:$0x610]  }
0x84a: {  	[smem:$0x612] =	sst s11  }
0x84b: {  	[smem:$0x638] =	sst s6  }
0x84c: {  	s11 =	smulhi.u32 $0x4C73064F, s28;
	s6 =	sld [smem:$0x600]  }
0x84d: {  	s3 =	sadd.s32 s10, s4;
	s4 =	sld [smem:$0x5F7]  }
0x84e: {  	[smem:$0x615] =	sst s11;
	s11 =	smulhi.u32 $0x4C73064F, s13  }
0x84f: {  	s31 =	smulhi.u32 $0x4C73064F, s15;
	s10 =	sld [smem:$0x5FA]  }
0x850: {  	[smem:$0x617] =	sst s11;
	s11 =	smulhi.u32 $0x4C73064F, s2  }
0x851: {  	[smem:$0x624] =	sst s31  }
0x852: {  	[smem:$0x61A] =	sst s11;
	s11 =	smulhi.u32 $0x4C73064F, s1  }
0x853: {  	[smem:$0x618] =	sst s3  }
0x854: {  	[smem:$0x61C] =	sst s11;
	s11 =	smulhi.u32 $0x4C73064F, s0  }
0x855: {  	s5 =	smulhi.u32 $0xB38CF9B1, s28;
	s1 =	ssub.s32 s10, s1;
	s10 =	sld [smem:$0x601]  }
0x856: {  	[smem:$0x61F] =	sst s11  }
0x857: {  	s11 =	ssub.s32 s5, s28;
	s28 =	sld [smem:$0x5F6]  }
0x858: {  	s5 =	sld [smem:$0x5F8]  }
0x859: {  	s3 =	sadd.s32 s25, s11;
	s25 =	sld [smem:$0x5FC]  }
0x85a: {  	s11 =	smulhi.u32 $0x72E9959, s0;
	[smem:$0x61D] =	sst s3  }
0x85b: {  	s3 =	sld [smem:$0x5FE]  }
0x85c: {  	[smem:$0x63C] =	sst s11  }
0x85d: {  	s2 =	ssub.s32 s5, s2;
	s5 =	sld [smem:$0x5FF]  }
0x85e: {  	s13 =	ssub.s32 s28, s13;
	s11 =	sld [smem:$0x602]  }
0x85f: {  	s28 =	sadd.s32 s4, s13;
	s13 =	sld [smem:$0x5FB]  }
0x860: {  	s19 =	sadd.s32 s8, s2;
	s2 =	sld [smem:$0x5FD];
	s4 =	smul.u32 $0x4C73064F, s23  }
0x861: {  	s23 =	smul.u32 $0x4C73064F, s24;
	s24 =	sld [smem:$0x604]  }
0x862: {  	s0 =	ssub.s32 s25, s0;
	s25 =	sld [smem:$0x605]  }
0x863: {  	s8 =	smulhi.u32 $0x4C73064F, s17;
	v27 =	vmov s19;
	s19 =	sld [smem:$0x617]  }
0x864: {  	[smem:$0x625] =	sst s4  }
0x865: {  	[smem:$0x621] =	sst s8  }
0x866: {  	s8 =	sld [smem:$0x608]  }
0x867: {  	v10 =	vsel vm0, s28, v27;
	s28 =	sld [smem:$0x61C]  }
0x868: {  	s1 =	sadd.s32 s13, s1;
	s13 =	sld [smem:$0x603]  }
0x869: {  	s0 =	sadd.s32 s2, s0;
	[smem:$0x61E] =	sst s1  }
0x86a: {  	[smem:$0x623] =	sst s0;
	s0 =	ssub.s32 s3, s15  }
0x86b: {  	s2 =	sadd.s32 s5, s0;
	s5 =	sld [smem:$0x606]  }
0x86c: {  	s0 =	ssub.s32 s6, s17;
	s6 =	sld [smem:$0x607]  }
0x86d: {  	s1 =	sadd.s32 s10, s0;
	s10 =	sld [smem:$0x609]  }
0x86e: {  	s14 =	smul.u32 $0xB38CF9B1, s14;
	s0 =	ssub.s32 s11, s9;
	s11 =	sld [smem:$0x60A]  }
0x86f: {  	s3 =	sadd.s32 s13, s0;
	s0 =	ssub.s32 s24, s29;
	s24 =	smul.u32 $0x4C73064F, s20  }
0x870: {  	s20 =	smul.u32 $0x4C73064F, s7;
	v25 =	vmov s1;
	s1 =	sld [smem:$0x60C]  }
0x871: {  	s13 =	sld [smem:$0x60B];
	s4 =	sadd.s32 s25, s0;
	s0 =	ssub.s32 s5, s21  }
0x872: {  	s7 =	sld [smem:$0x60D];
	s25 =	smulhi.u32 $0x4C73064F, s29;
	v7 =	vnsel vm3, $0x0, v25;
	s5 =	sadd.s32 s6, s0  }
0x873: {  	s0 =	ssub.s32 s8, s30;
	v7 =	vsel vm0, s2, v7;
	s6 =	ssub.s32 s1, s12;
	s1 =	sld [smem:$0x611]  }
0x874: {  	s8 =	sadd.s32 s10, s0;
	s0 =	ssub.s32 s11, s16;
	v7 =	vsel vm1, s3, v7;
	s3 =	sld [smem:$0x615]  }
0x875: {  	s10 =	sadd.s32 s13, s0;
	s13 =	sadd.s32 s14, s6;
	s14 =	sld [smem:$0x60E]  }
0x876: {  	s6 =	smul.u32 $0x4C73064F, s18;
	s18 =	sld [smem:$0x60F]  }
0x877: {  	s25 =	sadd.s32 s20, s25;
	s20 =	sld [smem:$0x626];
	v7 =	vsel vm2, s4, v7  }
0x878: {  	v7 =	vsel vm4, s5, v7;
	s14 =	sadd.s32 s7, s14;
	s7 =	sld [smem:$0x612]  }
0x879: {  	v7 =	vsel vm5, s8, v7;
	s2 =	sadd.s32 s18, s22;
	s18 =	sld [smem:$0x613]  }
0x87a: {  	v7 =	vsel vm6, s10, v7;
	s10 =	sld [smem:$0x62A]  }
0x87b: {  	s22 =	sadd.s32 s1, s7;
	s1 =	sld [smem:$0x614]  }
0x87c: {  	v29 =	vmov s2;
	v9 =	vsel vm0, s18, v26;
	s18 =	sld [smem:$0x616]  }
0x87d: {  	v12 =	vsel vm0, s14, v29;
	s14 =	smulhi.u32 $0x72E9959, s17;
	s17 =	sld [smem:$0x62C]  }
0x87e: {  	s0 =	sadd.s32 s1, s3;
	s1 =	smul.u32 $0x4C73064F, s26;
	s26 =	sld [smem:$0x618]  }
0x87f: {  	s3 =	sadd.s32 s18, s19;
	s18 =	sld [smem:$0x619]  }
0x880: {  	s19 =	sld [smem:$0x61A]  }
0x881: {  	s7 =	smulhi.u32 $0x4C73064F, s30;
	[smem:$0x62F] =	sst s0  }
0x882: {  	s0 =	smulhi.u32 $0x4C73064F, s16;
	s16 =	sld [smem:$0x624]  }
0x883: {  	s7 =	sadd.s32 s1, s7;
	s1 =	sld [smem:$0x627]  }
0x884: {  	v12 =	vsel vm1, s22, v12;
	s22 =	sld [smem:$0x62F]  }
0x885: {  	s4 =	sadd.s32 s18, s19;
	s19 =	sld [smem:$0x61D]  }
0x886: {  	v9 =	vsel vm1, s26, v9;
	s26 =	sld [smem:$0x61B]  }
0x887: {  	s18 =	sld [smem:$0x61F]  }
0x888: {  	v9 =	vsel vm2, s19, v9;
	s19 =	sld [smem:$0x620]  }
0x889: {  	s28 =	sadd.s32 s26, s28;
	s26 =	sld [smem:$0x61E]  }
0x88a: {  	v30 =	vmov s4;
	s4 =	sld [smem:$0x628]  }
0x88b: {  	s5 =	sadd.s32 s19, s18;
	s18 =	sld [smem:$0x623]  }
0x88c: {  	v10 =	vsel vm1, s26, v10;
	s26 =	sld [smem:$0x621]  }
0x88d: {  	v31 =	vsel vm2, s22, v12;
	s22 =	sld [smem:$0x637]  }
0x88e: {  	s31 =	smulhi.u32 $0x4C73064F, s9;
	v13 =	vsel vm0, s3, v30;
	v10 =	vsel vm2, s18, v10;
	s18 =	sld [smem:$0x625]  }
0x88f: {  	v32 =	vsel vm1, s28, v13;
	s28 =	sld [smem:$0x632];
	s19 =	sadd.s32 s23, s26  }
0x890: {  	s26 =	sld [smem:$0x622];
	v28 =	vmov s19;
	s19 =	sadd.s32 s24, s31;
	s31 =	smul.u32 $0x4C73064F, s20  }
0x891: {  	v11 =	vnsel vm3, $0x0, v28;
	s8 =	sadd.s32 s18, s16;
	s16 =	smulhi.u32 $0x4C73064F, s12;
	s18 =	sld [smem:$0x62D]  }
0x892: {  	s11 =	smulhi.u32 $0x4C73064F, s21;
	v11 =	vsel vm0, s8, v11;
	s8 =	sld [smem:$0x629]  }
0x893: {  	v7 =	vsel vm7, s13, v7;
	s23 =	smul.u32 $0x4C73064F, s26;
	s13 =	sadd.s32 s31, s16;
	s16 =	sld [smem:$0x62B]  }
0x894: {  	v11 =	vsel vm1, s19, v11;
	s19 =	sld [smem:$0x62E]  }
0x895: {  	s6 =	sadd.s32 s6, s11;
	s11 =	sadd.s32 s23, s0;
	s23 =	sld [smem:$0x630]  }
0x896: {  	v12 =	vsel vm2, s5, v32;
	s5 =	smulhi.u32 $0x72E9959, s9;
	s31 =	sld [smem:$0x633]  }
0x897: {  	s24 =	smov.u32 s12;
	s12 =	smul.u32 $0x72E9959, s1;
	v11 =	vsel vm2, s25, v11;
	s25 =	sld [smem:$0x631]  }
0x898: {  	s3 =	sadd.s32 s17, s18;
	s1 =	sadd.s32 s4, s8;
	s8 =	sld [smem:$0x634]  }
0x899: {  	v11 =	vsel vm4, s6, v11;
	s6 =	smulhi.u32 $0x72E9959, s15;
	s15 =	sld [smem:$0x635];
	s4 =	sadd.s32 s10, s16  }
0x89a: {  	v9 =	vcombine.low v10, v9;
	s17 =	smul.u32 $0x72E9959, s19;
	s10 =	sadd.s32 s28, s31;
	s16 =	sld [smem:$0x636]  }
0x89b: {  	s31 =	sld [smem:$0x639];
	s0 =	sadd.s32 s23, s25;
	s19 =	sshrl.u32 s4, $0x1F  }
0x89c: {  	v7 =	vperm.xlane v7, v1;
	v9 =	vperm.xlane v9, v0;
	v11 =	vsel vm5, s7, v11;
	s23 =	sld [smem:$0x638];
	s8 =	sadd.s32 s8, s15;
	s15 =	smulhi.u32 $0x72E9959, s29  }
0x89d: {  	v34 =	vcombine.low v12, v31;
	s28 =	sshrl.u32 s3, $0x1F;
	v11 =	vsel vm6, s11, v11;
	s25 =	sshrl.u32 s1, $0x1F;
	v33 =	vmov s19;
	s18 =	smul.u32 $0x72E9959, s16  }
0x89e: {  	v7 =	vsel vm8, v7, v9;
	v11 =	vsel vm7, s13, v11;
	s9 =	sadd.s32 s17, s14;
	s29 =	sld [smem:$0x63C];
	v13 =	vsel vm0, s25, v33;
	s13 =	smul.u32 $0x72E9959, s31  }
0x89f: {  	v7 =	vadd.s32 v8, v7;
	s16 =	sshrl.u32 s10, $0x1F;
	s2 =	sadd.s32 s22, s23;
	v35 =	vsel vm1, s28, v13;
	s28 =	sld [smem:$0x63B]  }
0x8a0: {  	v9 =	vperm.xlane v34, v0;
	v36 =	vshrl.u32 v7, $0x1F;
	v7 =	vshra.s32 v7, $0x8;
	s22 =	smulhi.u32 $0x72E9959, s21;
	s6 =	sadd.s32 s18, s6;
	s18 =	sld [smem:$0x63A]  }
0x8a1: {  	v8 =	vsub.s32 $0x0, v8;
	v7 =	vadd.s32 v36, v7;
	v43 =	vmov s4;
	s17 =	sshrl.u32 s9, $0x1F;
	s12 =	sadd.s32 s12, s29;
	s29 =	smul.u32 $0x72E9959, s20  }
0x8a2: {  	v14 =	vsel vm0, s1, v43;
	v11 =	vperm.xlane v11, v1;
	s19 =	sshrl.u32 s8, $0x1F;
	v42 =	vmov s9;
	s5 =	sadd.s32 s13, s5;
	s13 =	smul.u32 $0x72E9959, s28  }
0x8a3: {  	v15 =	vmov s8;
	v37 =	vmov s17;
	v38 =	vmov s19;
	s23 =	sshrl.u32 s2, $0x1F;
	s25 =	sshrl.u32 s6, $0x1F;
	s11 =	smul.u32 $0x72E9959, s18  }
0x8a4: {  	v14 =	vsel vm1, s3, v14;
	v39 =	vnsel vm3, $0x0, v37;
	v41 =	vsel vm0, s16, v38;
	s31 =	sshrl.u32 s5, $0x1F;
	s13 =	sadd.s32 s13, s22;
	s22 =	sld [smem:$0x63D]  }
0x8a5: {  	v13 =	vnsel vm3, $0x0, v42;
	v12 =	vsel vm1, s23, v41;
	s23 =	sld [smem:$0x63E];
	v40 =	vsel vm0, s25, v39;
	s25 =	smul.u32 $0x72E9959, s26;
	s11 =	sadd.s32 s11, s15  }
0x8a6: {  	v9 =	vsel vm8, v11, v9;
	v13 =	vsel vm0, s6, v13;
	v11 =	vsel vm1, s31, v40;
	s18 =	smulhi.u32 $0x72E9959, s30;
	s15 =	sshrl.u32 s11, $0x1F  }
0x8a7: {  	v15 =	vsel vm0, s10, v15;
	v13 =	vsel vm1, s5, v13;
	v11 =	vsel vm2, s15, v11;
	s15 =	smul.u32 $0x72E9959, s22  }
0x8a8: {  	s14 =	sshrl.u32 s0, $0x1F;
	v14 =	vsel vm2, s0, v14;
	v15 =	vsel vm1, s2, v15;
	s19 =	sshrl.u32 s12, $0x1F;
	s7 =	smulhi.u32 $0x72E9959, s23;
	v13 =	vsel vm2, s11, v13  }
0x8a9: {  	v10 =	vsel vm2, s14, v35;
	v15 =	vsel vm2, s12, v15;
	s26 =	smulhi.u32 $0x72E9959, s24;
	s21 =	sshrl.u32 s13, $0x1F;
	v13 =	vsel vm4, s13, v13;
	s28 =	sadd.s32 s15, s18  }
0x8aa: {  	v12 =	vsel vm2, s19, v12;
	s31 =	sadd.s32 s25, s7;
	v11 =	vsel vm4, s21, v11;
	s30 =	sshrl.u32 s28, $0x1F;
	v13 =	vsel vm5, s28, v13  }
0x8ab: {  	v14 =	vcombine.low v15, v14;
	s5 =	sadd.s32 s29, s26;
	s2 =	sshrl.u32 s31, $0x1F;
	v11 =	vsel vm5, s30, v11;
	v13 =	vsel vm6, s31, v13  }
0x8ac: {  	v10 =	vcombine.low v12, v10;
	s6 =	sshrl.u32 s5, $0x1F;
	v11 =	vsel vm6, s2, v11;
	v44 =	vsel vm7, s5, v13  }
0x8ad: {  	v45 =	vperm.xlane v14, v0;
	v11 =	vsel vm7, s6, v11;
	v12 =	vperm.xlane v44, v1  }
0x8ae: {  	v8 =	vadd.s32 v8, v9;
	v46 =	vperm.xlane v10, v0;
	v47 =	vperm.xlane v11, v1  }
0x8af: {  	v48 =	vshrl.u32 v8, $0x1F;
	v8 =	vshra.s32 v8, $0xA;
	v12 =	vsel vm8, v12, v45  }
0x8b0: {  	v8 =	vadd.s32 v48, v8;
	v9 =	vsel vm8, v47, v46;
	v49 =	vshra.s32 v12, $0xA  }
0x8b1: {  	v50 =	vmul.u32 $0xFFFFFE93, v7;
	v6 =	vadd.s32 v6, v8;
	v9 =	vadd.s32 v9, v49  }
0x8b2: {  	v6 =	vadd.s32 v9, v6  }
0x8b3: {  	v6 =	vadd.s32 v50, v6  }
0x8b4: {  	v51 =	vmul.u32 $0x5, v6;
	_ =	sdelay $0x1  }
0x8b5: {  	v8 =	vadd.s32 $0x2, v51  }
0x8b6: {  	(v2sf) =	vpush v8, $0xD;
	_ =	sdelay $0x1  }
0x8b7: {  	(v2sf) =	vpush v8, $0xC;
	_ =	sdelay $0x1  }
0x8b8: {  	(v2sf) =	vpush v8, $0xE;
	_ =	sdelay $0x1  }
0x8b9: {  	(v2sf) =	vpush v8, $0xF;
	_ =	sdelay $0x1  }
0x8ba: {  	(v2sf) =	vpush v8, $0x9;
	_ =	sdelay $0x1  }
0x8bb: {  	(v2sf) =	vpush v8, $0x8;
	_ =	sdelay $0x1  }
0x8bc: {  	(v2sf) =	vpush v8, $0xA;
	_ =	sdelay $0x1  }
0x8bd: {  	(v2sf) =	vpush v8, $0xB  }
0x8be: {  	s7 =	spop (v2sf)  }
0x8bf: {  	(v2sf) =	vpush v8, $0x1;
	s8 =	smulhi.u32 $0xD62B80D7, s7;
	s9 =	sshra.s32 s7, $0x1F  }
0x8c0: {  	s10 =	spop (v2sf);
	s2 =	smul.u32 $0xD62B80D7, s9  }
0x8c1: {  	(v2sf) =	vpush v8, $0x0;
	s11 =	smulhi.u32 $0xD62B80D7, s10;
	s12 =	sshra.s32 s10, $0x1F  }
0x8c2: {  	s13 =	spop (v2sf);
	s5 =	smul.u32 $0xD62B80D7, s12  }
0x8c3: {  	(v2sf) =	vpush v8, $0x2;
	s0 =	ssub.s32 s8, s7;
	s14 =	smulhi.u32 $0xD62B80D7, s13;
	s15 =	sshra.s32 s13, $0x1F  }
0x8c4: {  	s17 =	spop (v2sf);
	s0 =	sadd.s32 s2, s0;
	s16 =	smul.u32 $0xD62B80D7, s15  }
0x8c5: {  	(v2sf) =	vpush v8, $0x3;
	s3 =	ssub.s32 s11, s10;
	s18 =	smulhi.u32 $0xD62B80D7, s17;
	s19 =	sshra.s32 s17, $0x1F  }
0x8c6: {  	s21 =	spop (v2sf);
	s3 =	sadd.s32 s5, s3;
	s20 =	smul.u32 $0xD62B80D7, s19  }
0x8c7: {  	(v2sf) =	vpush v8, $0x4;
	s1 =	ssub.s32 s14, s13;
	s22 =	smulhi.u32 $0xD62B80D7, s21;
	s23 =	sshra.s32 s21, $0x1F  }
0x8c8: {  	s24 =	spop (v2sf);
	s1 =	sadd.s32 s16, s1;
	s9 =	smul.u32 $0xD62B80D7, s23  }
0x8c9: {  	(v2sf) =	vpush v8, $0x5;
	s25 =	ssub.s32 s18, s17;
	s26 =	smulhi.u32 $0xD62B80D7, s24;
	s28 =	sshra.s32 s24, $0x1F  }
0x8ca: {  	s30 =	spop (v2sf);
	s2 =	sadd.s32 s20, s25;
	s29 =	smul.u32 $0xD62B80D7, s28  }
0x8cb: {  	(v2sf) =	vpush v8, $0x6;
	s6 =	ssub.s32 s22, s21;
	s31 =	smulhi.u32 $0xD62B80D7, s30;
	s12 =	sshra.s32 s30, $0x1F  }
0x8cc: {  	s14 =	spop (v2sf);
	s6 =	sadd.s32 s9, s6;
	s13 =	smul.u32 $0xD62B80D7, s12  }
0x8cd: {  	(v2sf) =	vpush v8, $0x7;
	s4 =	ssub.s32 s26, s24;
	s15 =	smulhi.u32 $0xD62B80D7, s14;
	s16 =	sshra.s32 s14, $0x1F  }
0x8ce: {  	s18 =	spop (v2sf);
	s4 =	sadd.s32 s29, s4;
	s17 =	smul.u32 $0xD62B80D7, s16  }
0x8cf: {  	s7 =	ssub.s32 s31, s30;
	s19 =	smulhi.u32 $0xD62B80D7, s18;
	s20 =	sshra.s32 s18, $0x1F  }
0x8d0: {  	s22 =	spop (v2sf);
	s7 =	sadd.s32 s13, s7;
	s21 =	smul.u32 $0xD62B80D7, s20  }
0x8d1: {  	s10 =	ssub.s32 s15, s14;
	s23 =	smulhi.u32 $0xD62B80D7, s22;
	s24 =	sshra.s32 s22, $0x1F  }
0x8d2: {  	s5 =	sadd.s32 s17, s10;
	s25 =	smul.u32 $0xD62B80D7, s24;
	s26 =	spop (v2sf)  }
0x8d3: {  	s8 =	ssub.s32 s19, s18;
	s28 =	smulhi.u32 $0xD62B80D7, s26;
	s29 =	sshra.s32 s26, $0x1F  }
0x8d4: {  	s8 =	sadd.s32 s21, s8;
	s31 =	spop (v2sf);
	s30 =	smul.u32 $0xD62B80D7, s29  }
0x8d5: {  	s11 =	ssub.s32 s23, s22;
	s18 =	smulhi.u32 $0xD62B80D7, s31;
	s19 =	sshra.s32 s31, $0x1F  }
0x8d6: {  	s10 =	sadd.s32 s25, s11;
	s21 =	spop (v2sf);
	s20 =	smul.u32 $0xD62B80D7, s19  }
0x8d7: {  	s12 =	ssub.s32 s28, s26;
	s22 =	smulhi.u32 $0xD62B80D7, s21;
	s23 =	sshra.s32 s21, $0x1F  }
0x8d8: {  	s25 =	spop (v2sf);
	s9 =	sadd.s32 s30, s12;
	s24 =	smul.u32 $0xD62B80D7, s23  }
0x8d9: {  	v52 =	vmov s10;
	s26 =	ssub.s32 s18, s31;
	s28 =	smulhi.u32 $0xD62B80D7, s25;
	s29 =	sshra.s32 s25, $0x1F  }
0x8da: {  	v9 =	vnsel vm3, $0x0, v52;
	s31 =	spop (v2sf);
	s10 =	sadd.s32 s20, s26;
	s30 =	smul.u32 $0xD62B80D7, s29  }
0x8db: {  	v9 =	vsel vm0, s8, v9;
	s18 =	ssub.s32 s22, s21;
	s19 =	smulhi.u32 $0xD62B80D7, s31;
	s20 =	sshra.s32 s31, $0x1F  }
0x8dc: {  	v53 =	vmov s3;
	v54 =	vmov s4;
	v9 =	vsel vm1, s9, v9;
	s23 =	spop (v2sf);
	s21 =	sadd.s32 s24, s18;
	s22 =	smul.u32 $0xD62B80D7, s20  }
0x8dd: {  	v10 =	vsel vm0, s0, v53;
	v11 =	vsel vm0, s6, v54;
	v9 =	vsel vm2, s10, v9;
	s24 =	ssub.s32 s28, s25;
	s25 =	smulhi.u32 $0xD62B80D7, s23;
	s26 =	sshra.s32 s23, $0x1F  }
0x8de: {  	v10 =	vsel vm1, s1, v10;
	v11 =	vsel vm1, s7, v11;
	v9 =	vsel vm4, s21, v9;
	s0 =	sadd.s32 s30, s24;
	s28 =	ssub.s32 s19, s31;
	s29 =	smul.u32 $0xD62B80D7, s26  }
0x8df: {  	v10 =	vsel vm2, s2, v10;
	v11 =	vsel vm2, s5, v11;
	v9 =	vsel vm5, s0, v9;
	s30 =	sadd.s32 s22, s28;
	s31 =	ssub.s32 s25, s23  }
0x8e0: {  	v10 =	vcombine.low v11, v10;
	v9 =	vsel vm6, s30, v9;
	s2 =	sadd.s32 s29, s31  }
0x8e1: {  	v9 =	vsel vm7, s2, v9  }
0x8e2: {  	v10 =	vperm.xlane v10, v0;
	v9 =	vperm.xlane v9, v1;
	_ =	sdelay $0x1  }
0x8e3: {  	v9 =	vsel vm8, v9, v10  }
0x8e4: {  	v8 =	vadd.s32 v8, v9  }
0x8e5: {  	v9 =	vshrl.u32 v8, $0x1F;
	v8 =	vshra.s32 v8, $0x7  }
0x8e6: {  	v8 =	vadd.s32 v9, v8  }
0x8e7: {  	v9 =	vmul.u32 $0x99, v8;
	_ =	sdelay $0x1  }
0x8e8: {  	v9 =	vadd.s32 $0x2, v9  }
0x8e9: {  	(v2sf) =	vpush v9, $0xD;
	_ =	sdelay $0x1  }
0x8ea: {  	(v2sf) =	vpush v9, $0xC  }
0x8eb: {  	(v2sf) =	vpush v9, $0xE  }
0x8ec: {  	(v2sf) =	vpush v9, $0xF  }
0x8ed: {  	(v2sf) =	vpush v9, $0x9  }
0x8ee: {  	(v2sf) =	vpush v9, $0x8  }
0x8ef: {  	(v2sf) =	vpush v9, $0xA  }
0x8f0: {  	(v2sf) =	vpush v9, $0xB  }
0x8f1: {  	(v2sf) =	vpush v9, $0x0  }
0x8f2: {  	(v2sf) =	vpush v9, $0x1  }
0x8f3: {  	(v2sf) =	vpush v9, $0x2  }
0x8f4: {  	(v2sf) =	vpush v9, $0x3  }
0x8f5: {  	(v2sf) =	vpush v9, $0x4  }
0x8f6: {  	(v2sf) =	vpush v9, $0x5  }
0x8f7: {  	s3 =	spop (v2sf);
	(v2sf) =	vpush v9, $0x6;
	_ =	sdelay $0x1  }
0x8f8: {  	s9 =	spop (v2sf);
	s10 =	smulhi.u32 $0x99999999, s3;
	s16 =	sshra.s32 s3, $0x1F  }
0x8f9: {  	s2 =	spop (v2sf);
	s7 =	smul.u32 $0x99999999, s16  }
0x8fa: {  	s17 =	smulhi.u32 $0x99999999, s9;
	s19 =	sshra.s32 s9, $0x1F;
	s4 =	spop (v2sf)  }
0x8fb: {  	s20 =	smul.u32 $0x99999999, s19;
	s5 =	spop (v2sf)  }
0x8fc: {  	s29 =	smulhi.u32 $0x99999999, s2;
	s30 =	sshra.s32 s2, $0x1F;
	s6 =	spop (v2sf)  }
0x8fd: {  	s31 =	smul.u32 $0x99999999, s30;
	s13 =	spop (v2sf)  }
0x8fe: {  	s0 =	ssub.s32 s10, s3;
	s21 =	smulhi.u32 $0x99999999, s4;
	s14 =	spop (v2sf)  }
0x8ff: {  	s25 =	sshra.s32 s4, $0x1F;
	s0 =	sadd.s32 s7, s0;
	s15 =	spop (v2sf)  }
0x900: {  	s1 =	ssub.s32 s17, s9;
	s22 =	smul.u32 $0x99999999, s25;
	s16 =	spop (v2sf)  }
0x901: {  	s7 =	smulhi.u32 $0x99999999, s5;
	s26 =	sshra.s32 s5, $0x1F;
	s18 =	spop (v2sf)  }
0x902: {  	s10 =	sshrl.u32 s0, $0x1F;
	s3 =	sadd.s32 s20, s1;
	s12 =	spop (v2sf)  }
0x903: {  	s29 =	ssub.s32 s29, s2;
	s23 =	smul.u32 $0x99999999, s26;
	s8 =	spop (v2sf)  }
0x904: {  	s0 =	sshra.s32 s0, $0x1;
	s24 =	smulhi.u32 $0x99999999, s6;
	s11 =	spop (v2sf)  }
0x905: {  	s28 =	sshra.s32 s6, $0x1F;
	s1 =	sadd.s32 s31, s29;
	s9 =	spop (v2sf);
	(v2sf) =	vpush v9, $0x7  }
0x906: {  	s20 =	sshrl.u32 s3, $0x1F;
	s4 =	ssub.s32 s21, s4;
	s30 =	smul.u32 $0x99999999, s28  }
0x907: {  	s3 =	sshra.s32 s3, $0x1;
	s31 =	smulhi.u32 $0x99999999, s13;
	s25 =	sshra.s32 s13, $0x1F  }
0x908: {  	s5 =	ssub.s32 s7, s5;
	s2 =	sadd.s32 s22, s4;
	s21 =	smul.u32 $0x99999999, s25  }
0x909: {  	s25 =	smulhi.u32 $0x99999999, s14;
	s26 =	sshra.s32 s14, $0x1F;
	s4 =	sadd.s32 s23, s5  }
0x90a: {  	s6 =	ssub.s32 s24, s6;
	s24 =	sshrl.u32 s1, $0x1F;
	s28 =	smul.u32 $0x99999999, s26  }
0x90b: {  	s23 =	sshrl.u32 s2, $0x1F;
	s22 =	smulhi.u32 $0x99999999, s15;
	s29 =	sshra.s32 s15, $0x1F  }
0x90c: {  	s7 =	sadd.s32 s30, s6;
	s30 =	ssub.s32 s31, s13;
	s17 =	smul.u32 $0x99999999, s29  }
0x90d: {  	v56 =	vmov s20;
	s20 =	sshra.s32 s4, $0x1;
	s31 =	smulhi.u32 $0x99999999, s16;
	s26 =	sshra.s32 s16, $0x1F  }
0x90e: {  	v10 =	vsel vm0, s10, v56;
	s6 =	sadd.s32 s21, s30;
	s14 =	ssub.s32 s25, s14;
	s19 =	smul.u32 $0x99999999, s26  }
0x90f: {  	v10 =	vsel vm1, s24, v10;
	s5 =	sadd.s32 s28, s14;
	s28 =	smulhi.u32 $0x99999999, s18;
	s29 =	sshra.s32 s18, $0x1F  }
0x910: {  	v10 =	vsel vm2, s23, v10;
	s15 =	ssub.s32 s22, s15;
	s23 =	sshra.s32 s6, $0x1;
	s21 =	smul.u32 $0x99999999, s29  }
0x911: {  	s13 =	ssub.s32 s31, s16;
	s30 =	smulhi.u32 $0x99999999, s12;
	s31 =	sshra.s32 s12, $0x1F  }
0x912: {  	s15 =	sadd.s32 s17, s15;
	s17 =	sshrl.u32 s4, $0x1F;
	s22 =	smul.u32 $0x99999999, s31  }
0x913: {  	s13 =	sadd.s32 s19, s13;
	s25 =	smulhi.u32 $0x99999999, s8;
	s26 =	sshra.s32 s8, $0x1F  }
0x914: {  	s14 =	ssub.s32 s28, s18;
	s19 =	smul.u32 $0x99999999, s26;
	s28 =	spop (v2sf)  }
0x915: {  	s12 =	ssub.s32 s30, s12;
	s29 =	smulhi.u32 $0x99999999, s28;
	s30 =	sshra.s32 s28, $0x1F  }
0x916: {  	s14 =	sadd.s32 s21, s14;
	s12 =	sadd.s32 s22, s12;
	s22 =	smul.u32 $0x99999999, s30  }
0x917: {  	s31 =	smulhi.u32 $0x99999999, s11;
	s8 =	ssub.s32 s25, s8;
	s16 =	ssub.s32 s29, s28  }
0x918: {  	s21 =	sshrl.u32 s7, $0x1F;
	s19 =	sadd.s32 s19, s8;
	s8 =	sadd.s32 s22, s16  }
0x919: {  	v5 =	vmul.u32 $0x190, v5;
	v58 =	vmov s21;
	s25 =	ssub.s32 s31, s11;
	s11 =	sshra.s32 s11, $0x1F;
	s26 =	sshra.s32 s8, $0x1F  }
0x91a: {  	s31 =	smulhi.u32 $0x99999999, s9;
	v12 =	vsel vm0, s17, v58;
	s17 =	sshra.s32 s7, $0x1;
	s29 =	sshra.s32 s15, $0x1;
	v55 =	vmov s26  }
0x91b: {  	v5 =	vadd.s32 v5, v7;
	v59 =	vmov s3;
	s11 =	smul.u32 $0x99999999, s11;
	s28 =	sshrl.u32 s15, $0x1F;
	s15 =	sshra.s32 s15, $0x1F;
	v9 =	vsel vm3, s29, v55  }
0x91c: {  	v13 =	vsel vm0, s0, v59;
	s18 =	sshra.s32 s19, $0x1F;
	v60 =	vmov s17;
	s24 =	ssub.s32 s31, s9;
	s22 =	sshra.s32 s13, $0x1;
	v9 =	vsel vm9, s15, v9  }
0x91d: {  	s31 =	sshra.s32 s12, $0x1;
	s30 =	sshrl.u32 s13, $0x1F;
	v57 =	vmov s28;
	s13 =	sshra.s32 s13, $0x1F;
	vm9 =	vcmask $0xF0C;
	v9 =	vsel vm0, s22, v9  }
0x91e: {  	v14 =	vsel vm0, s20, v60;
	s10 =	sadd.s32 s11, s25;
	s25 =	sshrl.u32 s12, $0x1F;
	v11 =	vnsel vm3, $0x0, v57;
	s26 =	sshra.s32 s14, $0x1;
	v9 =	vsel vm9, s13, v9  }
0x91f: {  	v14 =	vsel vm1, s23, v14;
	s16 =	sshrl.u32 s14, $0x1F;
	s28 =	sshrl.u32 s6, $0x1F;
	v11 =	vsel vm0, s30, v11;
	s14 =	sshra.s32 s14, $0x1F;
	v9 =	vsel vm1, s26, v9  }
0x920: {  	v12 =	vsel vm1, s28, v12;
	v11 =	vsel vm1, s16, v11;
	s29 =	sshrl.u32 s19, $0x1F;
	s16 =	sshra.s32 s19, $0x1;
	s19 =	sshra.s32 s1, $0x1;
	v9 =	vsel vm12, s14, v9  }
0x921: {  	s12 =	sshra.s32 s12, $0x1F;
	v11 =	vsel vm2, s25, v11;
	v13 =	vsel vm1, s19, v13;
	s25 =	sshra.s32 s5, $0x1;
	v9 =	vsel vm2, s31, v9  }
0x922: {  	s9 =	sshra.s32 s9, $0x1F;
	s30 =	sshrl.u32 s10, $0x1F;
	v11 =	vsel vm4, s29, v11;
	s22 =	sshra.s32 s2, $0x1;
	v14 =	vsel vm2, s25, v14;
	v9 =	vsel vm13, s12, v9  }
0x923: {  	s9 =	smul.u32 $0x99999999, s9;
	v11 =	vsel vm5, s30, v11;
	s13 =	sshrl.u32 s5, $0x1F;
	v13 =	vsel vm2, s22, v13;
	v9 =	vsel vm4, s16, v9  }
0x924: {  	s21 =	sshra.s32 s10, $0x1;
	vm9 =	vlt.s32 v6, $0x132;
	v12 =	vsel vm2, s13, v12;
	v9 =	vsel vm14, s18, v9  }
0x925: {  	s9 =	sadd.s32 s9, s24;
	s24 =	sshra.s32 s10, $0x1F;
	v61 =	vsel vm9, $0x3, v2;
	v62 =	vcombine.low v14, v13;
	v9 =	vsel vm5, s21, v9  }
0x926: {  	s28 =	sshra.s32 s9, $0x1;
	s14 =	sshrl.u32 s9, $0x1F;
	v10 =	vcombine.low v12, v10;
	v8 =	vadd.s32 v61, v8;
	v9 =	vsel vm15, s24, v9  }
0x927: {  	s15 =	sshrl.u32 s8, $0x1F;
	s29 =	sshra.s32 s9, $0x1F;
	v11 =	vsel vm6, s14, v11;
	vm9 =	vlt.s32 v8, $0x3;
	v9 =	vsel vm6, s28, v9  }
0x928: {  	s30 =	sshra.s32 s8, $0x1;
	v7 =	vperm.xlane v62, v0;
	v11 =	vsel vm7, s15, v11;
	v9 =	vsel vm11, s29, v9  }
0x929: {  	v10 =	vperm.xlane v10, v0;
	v63 =	vsel vm9, $0x1, v3;
	v9 =	vsel vm7, s30, v9  }
0x92a: {  	v11 =	vperm.xlane v11, v1;
	v5 =	vadd.s32 v63, v5;
	v9 =	vperm.xlane v9, v1  }
0x92b: {  	v8 =	vshll.u32 v8, $0x5;
	v5 =	vmax.u32 v5, $0x7D0  }
0x92c: {  	s26 =	rddreg [dreg:$0xd];
	v10 =	vsel vm8, v11, v10;
	v5 =	vmin.u32 v5, $0x801;
	v7 =	vsel vm8, v9, v7  }
0x92d: {  	p0 =	sne.s32 s26, $0x13C0;
	v6 =	vadd.s32 v8, v6;
	v5 =	vmul.u32 $0x1A0, v5;
	v7 =	vadd.s32 v10, v7  }
.Ltmp3:
0x92e: {  	v6 =	vadd.s32 v7, v6;
	(pc) =	sbr.rel @p0 .LBB2_8-.Ltmp3, $4  }
0x92f: {  	v5 =	vadd.s32 v5, v6  }
0x930: {  	vm9 =	veq.s32 v4, $0x0;
	v5 =	vadd.s32 $0xFFF34FA1, v5  }
0x931: {  	s31 =	rddreg [dreg:$0x13];
	v4 =	vsel vm9, $0x0, v5  }
0x932: {  	s2 =	sadd.s32 $0x40, s26;
	vm9 =	vmmov vm10;
	[tilespmem:s31+$0x2800] =	vst v4  }
0x933: {  	s0 =	simm.s32 $0x4  }
0x934: {  	_ =	swait.ge [sflag:s0], $0xA000  }
0x935: {  	s1 =	simm.s32 $0x80;
	s2 =	simm.s32 $0xD200;
	[sflag:s0] =	ssyncset.done $0x0  }
0x936: {  	s3 =	simm.s32 $0x2800;
	s9 =	rddreg [dreg:$0x3];
	[sflag:s0] =	ssyncadd.s32 $0xFFFF6000  }
0x937: {  	[tilespmem:s2], [sflag:$0x2] =	stream.indirect.gather [hbm4b:s9+s1], $0x20, s3, s1, $0xb8;
	[tilespmem:$0x17200] =	vst v63  }
0x938: {  	s10 =	simm.s32 $0xE200;
	s11 =	simm.s32 $0x2880  }
0x939: {  	[tilespmem:s10], [sflag:$0x2] =	stream.indirect.gather [hbm4b:s9+s1], $0x20, s11, s1, $0xb8;
	[tilespmem:$0x17200] =	vst v63  }
0x93a: {  	s12 =	simm.s32 $0xF200;
	s13 =	simm.s32 $0x2900  }
0x93b: {  	[tilespmem:s12], [sflag:$0x2] =	stream.indirect.gather [hbm4b:s9+s1], $0x20, s13, s1, $0xb8;
	[tilespmem:$0x17200] =	vst v63  }
0x93c: {  	s14 =	simm.s32 $0x10200;
	s15 =	simm.s32 $0x2980  }
0x93d: {  	[tilespmem:s14], [sflag:$0x2] =	stream.indirect.gather [hbm4b:s9+s1], $0x20, s15, s1, $0xb8;
	[tilespmem:$0x17200] =	vst v63  }
0x93e: {  	s16 =	simm.s32 $0x11200;
	s17 =	simm.s32 $0x2A00  }
0x93f: {  	[tilespmem:s16], [sflag:$0x2] =	stream.indirect.gather [hbm4b:s9+s1], $0x20, s17, s1, $0xb8;
	[tilespmem:$0x17200] =	vst v63  }
0x940: {  	s18 =	simm.s32 $0x12200;
	s19 =	simm.s32 $0x2A80  }
0x941: {  	[tilespmem:s18], [sflag:$0x2] =	stream.indirect.gather [hbm4b:s9+s1], $0x20, s19, s1, $0xb8;
	[tilespmem:$0x17200] =	vst v63  }
0x942: {  	s20 =	simm.s32 $0x13200;
	s21 =	simm.s32 $0x2B00  }
0x943: {  	[tilespmem:s20], [sflag:$0x2] =	stream.indirect.gather [hbm4b:s9+s1], $0x20, s21, s1, $0xb8;
	[tilespmem:$0x17200] =	vst v63  }
0x944: {  	s22 =	simm.s32 $0x14200;
	s23 =	simm.s32 $0x2B80  }
0x945: {  	[tilespmem:s22], [sflag:$0x2] =	stream.indirect.gather [hbm4b:s9+s1], $0x20, s23, s1, $0xb8;
	[tilespmem:$0x17200] =	vst v63  }
0x946: {  	s24 =	simm.s32 $0x15200;
	s25 =	simm.s32 $0x2C00  }
0x947: {  	[tilespmem:s24], [sflag:$0x2] =	stream.indirect.gather [hbm4b:s9+s1], $0x20, s25, s1, $0xb8;
	[tilespmem:$0x17200] =	vst v63  }
0x948: {  	s26 =	simm.s32 $0x16200;
	s28 =	simm.s32 $0x2C80;
	s29 =	simm.s32 $0x1  }
0x949: {  	[tilespmem:s26], [sflag:$0x2] =	stream.indirect.gather [hbm4b:s9+s1], $0x20, s28, s1, $0xb8;
	[tilespmem:$0x17200] =	vst v63  }
0x94a: {  	_ =	swait.ge [sflag:s29], $0x1000  }
0x94b: {  	[sflag:s29] =	ssyncset.done $0x0  }
0x94c: {  	[sflag:s29] =	ssyncadd.s32 $0xFFFFF000  }
0x94d: {  	_ =	swait.ge [sflag:s29], $0x1000  }
0x94e: {  	[sflag:s29] =	ssyncset.done $0x0  }
0x94f: {  	[sflag:s29] =	ssyncadd.s32 $0xFFFFF000  }
0x950: {  	_ =	swait.ge [sflag:s29], $0x1000  }
0x951: {  	[sflag:s29] =	ssyncset.done $0x0  }
0x952: {  	[sflag:s29] =	ssyncadd.s32 $0xFFFFF000  }
0x953: {  	_ =	swait.ge [sflag:s29], $0x1000  }
0x954: {  	[sflag:s29] =	ssyncset.done $0x0  }
0x955: {  	[sflag:s29] =	ssyncadd.s32 $0xFFFFF000  }
0x956: {  	_ =	swait.ge [sflag:s29], $0x1000  }
0x957: {  	[sflag:s29] =	ssyncset.done $0x0  }
0x958: {  	[sflag:s29] =	ssyncadd.s32 $0xFFFFF000  }
0x959: {  	_ =	swait.ge [sflag:s29], $0x1000  }
0x95a: {  	[sflag:s29] =	ssyncset.done $0x0  }
0x95b: {  	[sflag:s29] =	ssyncadd.s32 $0xFFFFF000  }
0x95c: {  	_ =	swait.ge [sflag:s29], $0x1000  }
0x95d: {  	[sflag:s29] =	ssyncset.done $0x0  }
0x95e: {  	[sflag:s29] =	ssyncadd.s32 $0xFFFFF000  }
0x95f: {  	_ =	swait.ge [sflag:s29], $0x1000  }
0x960: {  	[sflag:s29] =	ssyncset.done $0x0  }
0x961: {  	[sflag:s29] =	ssyncadd.s32 $0xFFFFF000  }
0x962: {  	_ =	swait.ge [sflag:s29], $0x1000  }
0x963: {  	[sflag:s29] =	ssyncset.done $0x0  }
0x964: {  	[sflag:s29] =	ssyncadd.s32 $0xFFFFF000  }
0x965: {  	_ =	swait.ge [sflag:s29], $0x1000  }
0x966: {  	s31 =	simm.s32 $0x3200;
	[sflag:s29] =	ssyncset.done $0x0  }
0x967: {  	s2 =	simm.s32 $0x0;
	s30 =	rddreg [dreg:$0x7];
	[sflag:s29] =	ssyncadd.s32 $0xFFFFF000  }
0x968: {  	[hbm4b:s30+s2] =	stream.linear.scatter [tilespmem:s31], [sflag:$0x3], $0xA000, $0x38;
	[tilespmem:$0x17200] =	vst v63  }
.LBB2_10:
0x969: {  	s0 =	sshra.s32 s2, $0x2  }
0x96a: {  	v4 =	vld [tilespmem:s0+$0x1400];
	_ =	sdelay $0x4  }
0x96b: {  	(v2sf) =	vpush v4, $0xD;
	_ =	sdelay $0x1  }
0x96c: {  	(v2sf) =	vpush v4, $0xC;
	_ =	sdelay $0x1  }
0x96d: {  	(v2sf) =	vpush v4, $0xE;
	_ =	sdelay $0x1  }
0x96e: {  	(v2sf) =	vpush v4, $0xF;
	_ =	sdelay $0x1  }
0x96f: {  	(v2sf) =	vpush v4, $0x9;
	_ =	sdelay $0x1  }
0x970: {  	(v2sf) =	vpush v4, $0x8;
	_ =	sdelay $0x1  }
0x971: {  	(v2sf) =	vpush v4, $0xA;
	_ =	sdelay $0x1  }
0x972: {  	(v2sf) =	vpush v4, $0xB  }
0x973: {  	s16 =	spop (v2sf)  }
0x974: {  	[dreg:$0xe] =	wrdreg s2;
	(v2sf) =	vpush v4, $0x1;
	s1 =	smulhi.u32 $0xC22E4507, s16;
	s17 =	sshra.s32 s16, $0x1F  }
0x975: {  	s3 =	spop (v2sf);
	s2 =	smul.u32 $0xC22E4507, s17  }
0x976: {  	[dreg:$0x14] =	wrdreg s0;
	(v2sf) =	vpush v4, $0x0;
	s4 =	smulhi.u32 $0xC22E4507, s3;
	s5 =	sshra.s32 s3, $0x1F  }
0x977: {  	s6 =	spop (v2sf);
	s5 =	smul.u32 $0xC22E4507, s5  }
0x978: {  	(v2sf) =	vpush v4, $0x2;
	s0 =	ssub.s32 s1, s16;
	s18 =	smulhi.u32 $0xC22E4507, s6;
	s7 =	sshra.s32 s6, $0x1F  }
0x979: {  	s20 =	spop (v2sf);
	s0 =	sadd.s32 s2, s0;
	s19 =	smul.u32 $0xC22E4507, s7  }
0x97a: {  	(v2sf) =	vpush v4, $0x3;
	s3 =	ssub.s32 s4, s3;
	s21 =	smulhi.u32 $0xC22E4507, s20;
	s8 =	sshra.s32 s20, $0x1F  }
0x97b: {  	s23 =	spop (v2sf);
	s3 =	sadd.s32 s5, s3;
	s22 =	smul.u32 $0xC22E4507, s8  }
0x97c: {  	(v2sf) =	vpush v4, $0x4;
	s1 =	ssub.s32 s18, s6;
	s24 =	smulhi.u32 $0xC22E4507, s23;
	s9 =	sshra.s32 s23, $0x1F  }
0x97d: {  	s10 =	spop (v2sf);
	s1 =	sadd.s32 s19, s1;
	s9 =	smul.u32 $0xC22E4507, s9  }
0x97e: {  	(v2sf) =	vpush v4, $0x5;
	s25 =	ssub.s32 s21, s20;
	s26 =	smulhi.u32 $0xC22E4507, s10;
	s28 =	sshra.s32 s10, $0x1F  }
0x97f: {  	s30 =	spop (v2sf);
	s2 =	sadd.s32 s22, s25;
	s29 =	smul.u32 $0xC22E4507, s28  }
0x980: {  	(v2sf) =	vpush v4, $0x6;
	s6 =	ssub.s32 s24, s23;
	s31 =	smulhi.u32 $0xC22E4507, s30;
	s11 =	sshra.s32 s30, $0x1F  }
0x981: {  	s14 =	spop (v2sf);
	s6 =	sadd.s32 s9, s6;
	s11 =	smul.u32 $0xC22E4507, s11  }
0x982: {  	(v2sf) =	vpush v4, $0x7;
	s4 =	ssub.s32 s26, s10;
	s15 =	smulhi.u32 $0xC22E4507, s14;
	s12 =	sshra.s32 s14, $0x1F  }
0x983: {  	s4 =	sadd.s32 s29, s4;
	s16 =	smul.u32 $0xC22E4507, s12;
	s17 =	spop (v2sf)  }
0x984: {  	s7 =	ssub.s32 s31, s30;
	s18 =	smulhi.u32 $0xC22E4507, s17;
	s13 =	sshra.s32 s17, $0x1F  }
0x985: {  	s7 =	sadd.s32 s11, s7;
	s20 =	spop (v2sf);
	s19 =	smul.u32 $0xC22E4507, s13  }
0x986: {  	s10 =	ssub.s32 s15, s14;
	s21 =	smulhi.u32 $0xC22E4507, s20;
	s14 =	sshra.s32 s20, $0x1F  }
0x987: {  	s5 =	sadd.s32 s16, s10;
	s23 =	spop (v2sf);
	s22 =	smul.u32 $0xC22E4507, s14  }
0x988: {  	s8 =	ssub.s32 s18, s17;
	s24 =	smulhi.u32 $0xC22E4507, s23;
	s15 =	sshra.s32 s23, $0x1F  }
0x989: {  	s26 =	spop (v2sf);
	s8 =	sadd.s32 s19, s8;
	s25 =	smul.u32 $0xC22E4507, s15  }
0x98a: {  	s11 =	ssub.s32 s21, s20;
	s28 =	smulhi.u32 $0xC22E4507, s26;
	s16 =	sshra.s32 s26, $0x1F  }
0x98b: {  	s30 =	spop (v2sf);
	s10 =	sadd.s32 s22, s11;
	s29 =	smul.u32 $0xC22E4507, s16  }
0x98c: {  	s12 =	ssub.s32 s24, s23;
	s31 =	smulhi.u32 $0xC22E4507, s30;
	s17 =	sshra.s32 s30, $0x1F  }
0x98d: {  	s19 =	spop (v2sf);
	s9 =	sadd.s32 s25, s12;
	s18 =	smul.u32 $0xC22E4507, s17  }
0x98e: {  	v5 =	vmov s10;
	s20 =	ssub.s32 s28, s26;
	s21 =	smulhi.u32 $0xC22E4507, s19;
	s22 =	sshra.s32 s19, $0x1F  }
0x98f: {  	s24 =	spop (v2sf);
	v5 =	vnsel vm3, $0x0, v5;
	s10 =	sadd.s32 s29, s20;
	s23 =	smul.u32 $0xC22E4507, s22  }
0x990: {  	s25 =	ssub.s32 s31, s30;
	s26 =	smulhi.u32 $0xC22E4507, s24;
	s28 =	sshra.s32 s24, $0x1F;
	v5 =	vsel vm0, s8, v5  }
0x991: {  	v6 =	vmov s3;
	v7 =	vmov s4;
	s31 =	spop (v2sf);
	s29 =	sadd.s32 s18, s25;
	s30 =	smul.u32 $0xC22E4507, s28;
	v5 =	vsel vm1, s9, v5  }
0x992: {  	v6 =	vsel vm0, s0, v6;
	v7 =	vsel vm0, s6, v7;
	s12 =	ssub.s32 s21, s19;
	s13 =	smulhi.u32 $0xC22E4507, s31;
	s16 =	sshra.s32 s31, $0x1F;
	v5 =	vsel vm2, s10, v5  }
0x993: {  	v6 =	vsel vm1, s1, v6;
	v7 =	vsel vm1, s7, v7;
	s0 =	sadd.s32 s23, s12;
	s17 =	ssub.s32 s26, s24;
	s18 =	smul.u32 $0xC22E4507, s16;
	v5 =	vsel vm4, s29, v5  }
0x994: {  	v6 =	vsel vm2, s2, v6;
	v7 =	vsel vm2, s5, v7;
	s19 =	sadd.s32 s30, s17;
	s20 =	ssub.s32 s13, s31;
	v5 =	vsel vm5, s0, v5  }
0x995: {  	v6 =	vcombine.low v7, v6;
	s21 =	sadd.s32 s18, s20;
	v5 =	vsel vm6, s19, v5  }
0x996: {  	v5 =	vsel vm7, s21, v5  }
0x997: {  	v6 =	vperm.xlane v6, v0;
	v5 =	vperm.xlane v5, v1;
	_ =	sdelay $0x1  }
0x998: {  	v5 =	vsel vm8, v5, v6  }
0x999: {  	v5 =	vadd.s32 v4, v5  }
0x99a: {  	v15 =	vshrl.u32 v5, $0x1F;
	v5 =	vshra.s32 v5, $0x10  }
0x99b: {  	v5 =	vadd.s32 v15, v5  }
0x99c: {  	v6 =	vadd.s32 $0xAFA6C, v5  }
0x99d: {  	v5 =	vmulhi.u32 $0x396B06BD, v6;
	_ =	sdelay $0x1  }
0x99e: {  	v5 =	vshrl.u32 v5, $0xF  }
0x99f: {  	v16 =	vmul.u32 $0xFFFDC54F, v5;
	_ =	sdelay $0x1  }
0x9a0: {  	v6 =	vadd.s32 v6, v16  }
0x9a1: {  	(v2sf) =	vpush v6, $0xD;
	_ =	sdelay $0x2  }
0x9a2: {  	(v2sf) =	vpush v6, $0xC;
	_ =	sdelay $0x2  }
0x9a3: {  	(v2sf) =	vpush v6, $0xE  }
0x9a4: {  	(v2sf) =	vpush v6, $0xF;
	_ =	sdelay $0x1  }
0x9a5: {  	(v2sf) =	vpush v6, $0x9;
	_ =	sdelay $0x3  }
0x9a6: {  	(v2sf) =	vpush v6, $0x8;
	_ =	sdelay $0x1  }
0x9a7: {  	s19 =	spop (v2sf)  }
0x9a8: {  	s22 =	sshra.s32 s19, $0x1F  }
0x9a9: {  	s23 =	smul.u32 $0x4C73064F, s22  }
0x9aa: {  	s5 =	spop (v2sf);
	s11 =	smul.u32 $0xE5AC81FB, s22  }
0x9ab: {  	s24 =	sshra.s32 s5, $0x1F;
	s0 =	smul.u32 $0x1A537E05, s22  }
0x9ac: {  	s25 =	smul.u32 $0x4C73064F, s24  }
0x9ad: {  	s14 =	spop (v2sf);
	s13 =	smul.u32 $0xE5AC81FB, s24  }
0x9ae: {  	(v2sf) =	vpush v6, $0xA;
	s26 =	sshra.s32 s14, $0x1F;
	s12 =	spop (v2sf);
	s21 =	smul.u32 $0x1A537E05, s24  }
0x9af: {  	[smem:$0x515] =	sst s23;
	s28 =	smul.u32 $0x4C73064F, s26  }
0x9b0: {  	s17 =	spop (v2sf);
	[smem:$0x52C] =	sst s11  }
0x9b1: {  	(v2sf) =	vpush v6, $0xB;
	s15 =	smul.u32 $0xE5AC81FB, s26;
	[smem:$0x54E] =	sst s0  }
0x9b2: {  	s29 =	sshra.s32 s12, $0x1F;
	s22 =	smul.u32 $0x1A537E05, s26;
	[smem:$0x516] =	sst s25  }
0x9b3: {  	s30 =	smul.u32 $0x4C73064F, s29;
	[smem:$0x52D] =	sst s13  }
0x9b4: {  	(v2sf) =	vpush v6, $0x1;
	s8 =	spop (v2sf);
	[smem:$0x550] =	sst s21  }
0x9b5: {  	s16 =	smul.u32 $0xE5AC81FB, s29;
	[smem:$0x517] =	sst s28  }
0x9b6: {  	s31 =	sshra.s32 s17, $0x1F;
	s23 =	smul.u32 $0x1A537E05, s29;
	[smem:$0x52E] =	sst s15  }
0x9b7: {  	s7 =	smul.u32 $0x4C73064F, s31;
	[smem:$0x554] =	sst s22  }
0x9b8: {  	s18 =	smul.u32 $0xE5AC81FB, s31;
	[smem:$0x518] =	sst s30  }
0x9b9: {  	s9 =	sshra.s32 s8, $0x1F;
	s24 =	smul.u32 $0x1A537E05, s31;
	[smem:$0x530] =	sst s16  }
0x9ba: {  	s10 =	smul.u32 $0x4C73064F, s9;
	[smem:$0x556] =	sst s23  }
0x9bb: {  	s20 =	smul.u32 $0xE5AC81FB, s9;
	[smem:$0x519] =	sst s7  }
0x9bc: {  	(v2sf) =	vpush v6, $0x0;
	s25 =	smul.u32 $0x1A537E05, s9;
	[smem:$0x532] =	sst s18  }
0x9bd: {  	[smem:$0x51A] =	sst s10;
	s10 =	spop (v2sf)  }
0x9be: {  	[smem:$0x55B] =	sst s24;
	s24 =	smulhi.u32 $0x4C73064F, s8;
	s26 =	sshra.s32 s10, $0x1F  }
0x9bf: {  	[smem:$0x535] =	sst s20;
	s28 =	smul.u32 $0x4C73064F, s26  }
0x9c0: {  	(v2sf) =	vpush v6, $0x2;
	s3 =	spop (v2sf);
	s29 =	smul.u32 $0xE5AC81FB, s26  }
0x9c1: {  	[smem:$0x557] =	sst s25;
	s0 =	smul.u32 $0x1A537E05, s26;
	s30 =	sshra.s32 s3, $0x1F  }
0x9c2: {  	(v2sf) =	vpush v6, $0x3;
	[smem:$0x51B] =	sst s24;
	s31 =	smul.u32 $0x4C73064F, s30  }
0x9c3: {  	s13 =	spop (v2sf);
	s2 =	smul.u32 $0xE5AC81FB, s30  }
0x9c4: {  	s1 =	smulhi.u32 $0x4C73064F, s13;
	[smem:$0x51C] =	sst s28  }
0x9c5: {  	s4 =	sshra.s32 s13, $0x1F;
	[dreg:$0x1f] =	wrdreg s0;
	s0 =	smul.u32 $0x1A537E05, s30  }
0x9c6: {  	(v2sf) =	vpush v6, $0x4;
	[smem:$0x539] =	sst s29;
	s6 =	smul.u32 $0x4C73064F, s4  }
0x9c7: {  	s7 =	smul.u32 $0xE5AC81FB, s4;
	[smem:$0x51E] =	sst s31  }
0x9c8: {  	s30 =	smulhi.u32 $0x4C73064F, s5;
	[smem:$0x53D] =	sst s2  }
0x9c9: {  	s28 =	smulhi.u32 $0x4C73064F, s10;
	[smem:$0x521] =	sst s1  }
0x9ca: {  	s29 =	smulhi.u32 $0x4C73064F, s3;
	[dreg:$0x1a] =	wrdreg s0  }
0x9cb: {  	[smem:$0x520] =	sst s6;
	s6 =	spop (v2sf)  }
0x9cc: {  	(v2sf) =	vpush v6, $0x5;
	[smem:$0x544] =	sst s7;
	s0 =	smul.u32 $0x1A537E05, s4  }
0x9cd: {  	s7 =	smulhi.u32 $0x4C73064F, s19;
	[smem:$0x51D] =	sst s28  }
0x9ce: {  	[smem:$0x51F] =	sst s29;
	s9 =	sshra.s32 s6, $0x1F;
	s4 =	smulhi.u32 $0x4C73064F, s6  }
0x9cf: {  	s25 =	spop (v2sf);
	s11 =	smul.u32 $0x4C73064F, s9  }
0x9d0: {  	[smem:$0x558] =	sst s0;
	s15 =	smul.u32 $0xE5AC81FB, s9  }
0x9d1: {  	(v2sf) =	vpush v6, $0x6;
	s0 =	smul.u32 $0x1A537E05, s9;
	s26 =	spop (v2sf)  }
0x9d2: {  	s16 =	sshra.s32 s25, $0x1F;
	s9 =	smulhi.u32 $0x4C73064F, s25;
	[smem:$0x523] =	sst s4  }
0x9d3: {  	s18 =	smul.u32 $0x4C73064F, s16;
	[smem:$0x522] =	sst s11  }
0x9d4: {  	s20 =	smul.u32 $0xE5AC81FB, s16;
	[smem:$0x542] =	sst s15  }
0x9d5: {  	s4 =	spop (v2sf);
	[smem:$0x552] =	sst s0  }
0x9d6: {  	s21 =	sshra.s32 s26, $0x1F;
	s0 =	smul.u32 $0x1A537E05, s16;
	[smem:$0x525] =	sst s9  }
0x9d7: {  	s22 =	smul.u32 $0x4C73064F, s21;
	[smem:$0x524] =	sst s18  }
0x9d8: {  	(v2sf) =	vpush v6, $0x7;
	s23 =	smul.u32 $0xE5AC81FB, s21;
	[smem:$0x546] =	sst s20  }
0x9d9: {  	s11 =	smulhi.u32 $0x4C73064F, s26;
	[smem:$0x55A] =	sst s0  }
0x9da: {  	s15 =	smulhi.u32 $0x4C73064F, s4;
	[smem:$0x526] =	sst s22  }
0x9db: {  	s28 =	spop (v2sf);
	[smem:$0x548] =	sst s23  }
0x9dc: {  	s20 =	smulhi.u32 $0x4C73064F, s28;
	[smem:$0x527] =	sst s11  }
0x9dd: {  	s0 =	smul.u32 $0x1A537E05, s21;
	[smem:$0x528] =	sst s15  }
0x9de: {  	s21 =	sshra.s32 s28, $0x1F;
	s11 =	smulhi.u32 $0xE5AC81FB, s12;
	[smem:$0x52A] =	sst s20  }
0x9df: {  	s22 =	smul.u32 $0x4C73064F, s21;
	[smem:$0x553] =	sst s21  }
0x9e0: {  	s20 =	spop (v2sf);
	[smem:$0x55C] =	sst s0  }
0x9e1: {  	s1 =	smov.u32 s21;
	s24 =	smulhi.u32 $0x4C73064F, s20;
	[smem:$0x52F] =	sst s11  }
0x9e2: {  	s23 =	sshra.s32 s20, $0x1F;
	s11 =	smulhi.u32 $0xE5AC81FB, s17;
	[smem:$0x52B] =	sst s22  }
0x9e3: {  	s0 =	sshra.s32 s4, $0x1F;
	s1 =	smul.u32 $0xE5AC81FB, s1;
	[smem:$0x54C] =	sst s23  }
0x9e4: {  	s18 =	smul.u32 $0x4C73064F, s0;
	[smem:$0x531] =	sst s11  }
0x9e5: {  	s21 =	smul.u32 $0x4C73064F, s23;
	[smem:$0x54D] =	sst s1  }
0x9e6: {  	s11 =	smulhi.u32 $0xE5AC81FB, s8;
	s1 =	sld [smem:$0x52A]  }
0x9e7: {  	[smem:$0x529] =	sst s18;
	s18 =	spop (v2sf)  }
0x9e8: {  	s29 =	sshra.s32 s18, $0x1F;
	[smem:$0x533] =	sst s11;
	s11 =	smulhi.u32 $0xE5AC81FB, s10  }
0x9e9: {  	s21 =	sadd.s32 s21, s24;
	s24 =	smulhi.u32 $0x1A537E05, s19;
	[smem:$0x559] =	sst s29  }
0x9ea: {  	[smem:$0x536] =	sst s11;
	s11 =	smulhi.u32 $0xE5AC81FB, s3  }
0x9eb: {  	s15 =	smulhi.u32 $0xE5AC81FB, s19;
	[smem:$0x54F] =	sst s24  }
0x9ec: {  	[smem:$0x53A] =	sst s11;
	s11 =	smulhi.u32 $0xE5AC81FB, s13  }
0x9ed: {  	s23 =	smulhi.u32 $0xE5AC81FB, s5;
	s24 =	ssub.s32 s15, s19;
	s19 =	sld [smem:$0x52C]  }
0x9ee: {  	s15 =	smulhi.u32 $0x1A537E05, s5;
	[smem:$0x541] =	sst s11  }
0x9ef: {  	s5 =	ssub.s32 s23, s5;
	s23 =	smulhi.u32 $0x1A537E05, s14;
	s11 =	sld [smem:$0x515]  }
0x9f0: {  	s22 =	smulhi.u32 $0x4C73064F, s18;
	[smem:$0x551] =	sst s15  }
0x9f1: {  	s9 =	smul.u32 $0x4C73064F, s29;
	[smem:$0x555] =	sst s23  }
0x9f2: {  	s15 =	sld [smem:$0x530];
	s7 =	sadd.s32 s11, s7;
	s11 =	smulhi.u32 $0xE5AC81FB, s6  }
0x9f3: {  	s22 =	sadd.s32 s9, s22;
	s9 =	sadd.s32 s19, s24;
	s24 =	sld [smem:$0x52D]  }
0x9f4: {  	[smem:$0x53E] =	sst s11  }
0x9f5: {  	s11 =	sld [smem:$0x516]  }
0x9f6: {  	s5 =	sadd.s32 s24, s5;
	s24 =	sld [smem:$0x531]  }
0x9f7: {  	[smem:$0x537] =	sst s7  }
0x9f8: {  	s7 =	sadd.s32 s11, s30;
	s11 =	sld [smem:$0x517]  }
0x9f9: {  	s30 =	smulhi.u32 $0xE5AC81FB, s25;
	[smem:$0x534] =	sst s7  }
0x9fa: {  	s29 =	smulhi.u32 $0xE5AC81FB, s14;
	s7 =	sld [smem:$0x518]  }
0x9fb: {  	s2 =	smulhi.u32 $0x4C73064F, s14;
	[smem:$0x545] =	sst s30  }
0x9fc: {  	s16 =	smulhi.u32 $0x4C73064F, s17;
	s14 =	ssub.s32 s29, s14;
	s30 =	sld [smem:$0x51A]  }
0x9fd: {  	s29 =	smulhi.u32 $0x1A537E05, s17;
	s17 =	ssub.s32 s24, s17;
	s24 =	sld [smem:$0x534]  }
0x9fe: {  	s31 =	smulhi.u32 $0x4C73064F, s12;
	s2 =	sadd.s32 s11, s2;
	s11 =	sld [smem:$0x519]  }
0x9ff: {  	[smem:$0x53B] =	sst s2  }
0xa00: {  	s2 =	sadd.s32 s7, s31;
	s31 =	sld [smem:$0x51B]  }
0xa01: {  	s7 =	sld [smem:$0x51C]  }
0xa02: {  	[smem:$0x53F] =	sst s2  }
0xa03: {  	s2 =	sadd.s32 s11, s16;
	s11 =	sld [smem:$0x51D]  }
0xa04: {  	[smem:$0x53C] =	sst s2  }
0xa05: {  	v8 =	vmov s24;
	s24 =	smulhi.u32 $0x1A537E05, s3;
	s2 =	sadd.s32 s30, s31;
	s30 =	sld [smem:$0x51E]  }
0xa06: {  	s16 =	smulhi.u32 $0xE5AC81FB, s26;
	s31 =	sld [smem:$0x51F]  }
0xa07: {  	[smem:$0x55E] =	sst s24  }
0xa08: {  	[smem:$0x547] =	sst s16  }
0xa09: {  	[smem:$0x538] =	sst s2  }
0xa0a: {  	s24 =	sld [smem:$0x53C]  }
0xa0b: {  	s2 =	sadd.s32 s7, s11;
	s7 =	sld [smem:$0x520]  }
0xa0c: {  	s11 =	sld [smem:$0x521]  }
0xa0d: {  	v11 =	vmov s5;
	s16 =	smulhi.u32 $0xE5AC81FB, s4;
	s5 =	sld [smem:$0x547]  }
0xa0e: {  	[smem:$0x540] =	sst s2  }
0xa0f: {  	[smem:$0x549] =	sst s16  }
0xa10: {  	s2 =	sadd.s32 s30, s31;
	s30 =	sld [smem:$0x522]  }
0xa11: {  	s16 =	smul.u32 $0xE5AC81FB, s0;
	s31 =	sld [smem:$0x523]  }
0xa12: {  	[smem:$0x543] =	sst s2  }
0xa13: {  	[smem:$0x54A] =	sst s16  }
0xa14: {  	s16 =	sld [smem:$0x524]  }
0xa15: {  	s2 =	sadd.s32 s30, s31;
	s30 =	sld [smem:$0x525];
	s31 =	smulhi.u32 $0xE5AC81FB, s28  }
0xa16: {  	v17 =	vmov s2;
	s2 =	sld [smem:$0x52E]  }
0xa17: {  	[smem:$0x54B] =	sst s31  }
0xa18: {  	s31 =	sld [smem:$0x528]  }
0xa19: {  	s7 =	sadd.s32 s7, s11;
	s11 =	sadd.s32 s16, s30;
	s16 =	sld [smem:$0x526]  }
0xa1a: {  	v7 =	vnsel vm3, $0x0, v17;
	s30 =	sld [smem:$0x527]  }
0xa1b: {  	v7 =	vsel vm0, s7, v7;
	s7 =	sld [smem:$0x533]  }
0xa1c: {  	s23 =	sadd.s32 s2, s14;
	s14 =	sld [smem:$0x52F]  }
0xa1d: {  	s2 =	sld [smem:$0x532]  }
0xa1e: {  	v11 =	vsel vm0, s9, v11;
	v7 =	vsel vm1, s11, v7;
	s11 =	sld [smem:$0x536]  }
0xa1f: {  	v18 =	vsel vm1, s23, v11;
	s23 =	sld [smem:$0x55B]  }
0xa20: {  	s19 =	smulhi.u32 $0x1A537E05, s12;
	s16 =	sadd.s32 s16, s30;
	s30 =	sld [smem:$0x529]  }
0xa21: {  	s12 =	ssub.s32 s14, s12;
	s17 =	sadd.s32 s2, s17;
	s2 =	sld [smem:$0x535]  }
0xa22: {  	v7 =	vsel vm2, s16, v7;
	s16 =	sld [smem:$0x53B];
	s14 =	sadd.s32 s15, s12;
	s15 =	smulhi.u32 $0x1A537E05, s10  }
0xa23: {  	s31 =	sadd.s32 s30, s31;
	s30 =	sld [smem:$0x52B]  }
0xa24: {  	s12 =	smulhi.u32 $0x1A537E05, s8;
	s8 =	ssub.s32 s7, s8;
	[smem:$0x55D] =	sst s15  }
0xa25: {  	s7 =	sadd.s32 s2, s8;
	s2 =	sld [smem:$0x537]  }
0xa26: {  	s15 =	ssub.s32 s11, s10;
	s10 =	sld [smem:$0x538]  }
0xa27: {  	s11 =	sld [smem:$0x539]  }
0xa28: {  	v7 =	vsel vm4, s31, v7;
	s31 =	sld [smem:$0x53D];
	v12 =	vmov s7  }
0xa29: {  	v12 =	vsel vm0, s17, v12;
	s17 =	sld [smem:$0x54A]  }
0xa2a: {  	s8 =	sadd.s32 s11, s15;
	s15 =	sld [smem:$0x53A]  }
0xa2b: {  	v8 =	vsel vm0, s2, v8;
	s2 =	sld [smem:$0x53E]  }
0xa2c: {  	s30 =	sadd.s32 s30, s1;
	v9 =	vmov s10;
	v8 =	vsel vm1, s16, v8;
	s16 =	sld [smem:$0x53F]  }
0xa2d: {  	v7 =	vsel vm5, s30, v7;
	v9 =	vsel vm0, s24, v9;
	s24 =	sld [smem:$0x540]  }
0xa2e: {  	v7 =	vsel vm6, s21, v7;
	s21 =	sld [smem:$0x545]  }
0xa2f: {  	v19 =	vsel vm1, s8, v12;
	s8 =	sld [smem:$0x54F];
	s3 =	ssub.s32 s15, s3  }
0xa30: {  	s15 =	smulhi.u32 $0x1A537E05, s6;
	s10 =	ssub.s32 s2, s6;
	s6 =	sld [smem:$0x542]  }
0xa31: {  	s3 =	sadd.s32 s31, s3;
	s31 =	sld [smem:$0x541]  }
0xa32: {  	v8 =	vsel vm2, s16, v8;
	s16 =	sld [smem:$0x544]  }
0xa33: {  	s2 =	sadd.s32 s6, s10;
	s10 =	sld [smem:$0x543]  }
0xa34: {  	v9 =	vsel vm1, s24, v9;
	s24 =	smulhi.u32 $0x1A537E05, s25;
	s30 =	ssub.s32 s21, s25;
	s25 =	sld [smem:$0x54B]  }
0xa35: {  	s11 =	smulhi.u32 $0x1A537E05, s13;
	s13 =	ssub.s32 s31, s13;
	v10 =	vmov s2;
	s31 =	sld [smem:$0x546]  }
0xa36: {  	s13 =	sadd.s32 s16, s13;
	v10 =	vnsel vm3, $0x0, v10;
	v9 =	vsel vm2, s10, v9;
	s10 =	sld [smem:$0x548]  }
0xa37: {  	v10 =	vsel vm0, s13, v10;
	s13 =	sld [smem:$0x549]  }
0xa38: {  	s2 =	sadd.s32 s31, s30;
	s30 =	sld [smem:$0x54D]  }
0xa39: {  	v8 =	vcombine.low v9, v8;
	v9 =	vsel vm2, s14, v18;
	s14 =	sld [smem:$0x552]  }
0xa3a: {  	s9 =	smulhi.u32 $0x1A537E05, s28;
	v10 =	vsel vm1, s2, v10;
	s2 =	ssub.s32 s25, s28;
	s28 =	sld [smem:$0x554]  }
0xa3b: {  	s6 =	ssub.s32 s5, s26;
	s25 =	sld [smem:$0x55C]  }
0xa3c: {  	s5 =	sadd.s32 s10, s6;
	s1 =	ssub.s32 s13, s4;
	s6 =	sld [smem:$0x54E]  }
0xa3d: {  	s7 =	smul.u32 $0x1A537E05, s0;
	s1 =	sadd.s32 s17, s1;
	s17 =	sld [smem:$0x54C]  }
0xa3e: {  	s21 =	smulhi.u32 $0x1A537E05, s26;
	s10 =	sld [smem:$0x550]  }
0xa3f: {  	s16 =	smulhi.u32 $0xE5AC81FB, s20;
	s13 =	sld [smem:$0x551]  }
0xa40: {  	v11 =	vsel vm2, s3, v19;
	s3 =	sadd.s32 s14, s15;
	s15 =	sld [smem:$0x553];
	s26 =	smul.u32 $0xE5AC81FB, s17  }
0xa41: {  	s31 =	ssub.s32 s16, s20;
	v10 =	vsel vm2, s5, v10;
	s2 =	sadd.s32 s30, s2;
	s30 =	sld [smem:$0x555]  }
0xa42: {  	v7 =	vsel vm7, s22, v7;
	s22 =	smulhi.u32 $0x1A537E05, s4;
	v10 =	vsel vm4, s1, v10;
	s4 =	sadd.s32 s26, s31;
	s31 =	sld [smem:$0x556]  }
0xa43: {  	s0 =	smulhi.u32 $0xE5AC81FB, s18;
	s5 =	sadd.s32 s6, s8;
	v10 =	vsel vm5, s2, v10;
	s6 =	sld [smem:$0x558]  }
0xa44: {  	s20 =	smulhi.u32 $0x1A537E05, s20;
	v10 =	vsel vm6, s4, v10;
	s4 =	sld [smem:$0x557]  }
0xa45: {  	s2 =	sadd.s32 s10, s13;
	s10 =	sadd.s32 s31, s19;
	s19 =	sld [smem:$0x55A]  }
0xa46: {  	v7 =	vperm.xlane v7, v1;
	v8 =	vperm.xlane v8, v0;
	s14 =	sld [smem:$0x559];
	v20 =	vmov s3;
	s16 =	smul.u32 $0x1A537E05, s15;
	s13 =	sadd.s32 s28, s30  }
0xa47: {  	v9 =	vcombine.low v11, v9;
	v12 =	vnsel vm3, $0x0, v20;
	s28 =	rddreg [dreg:$0x1f];
	s1 =	sadd.s32 s4, s12;
	s12 =	sadd.s32 s6, s11  }
0xa48: {  	v21 =	vsub.s32 $0x0, v6;
	v7 =	vsel vm8, v7, v8;
	v12 =	vsel vm0, s12, v12;
	s12 =	sadd.s32 s19, s24;
	s24 =	sadd.s32 s23, s29;
	s29 =	sld [smem:$0x55D]  }
0xa49: {  	v9 =	vperm.xlane v9, v0;
	s3 =	ssub.s32 s0, s18;
	v7 =	vadd.s32 v21, v7;
	s15 =	smul.u32 $0xE5AC81FB, s14;
	s6 =	sld [smem:$0x55E]  }
0xa4a: {  	v22 =	vmov s2;
	s30 =	sadd.s32 s7, s22;
	s8 =	smul.u32 $0x1A537E05, s14;
	v14 =	vmov s1;
	s1 =	sadd.s32 s25, s21;
	v12 =	vsel vm1, s12, v12  }
0xa4b: {  	v11 =	vsel vm0, s5, v22;
	s26 =	smul.u32 $0x1A537E05, s17;
	s4 =	rddreg [dreg:$0x1a];
	v14 =	vsel vm0, s24, v14;
	v12 =	vsel vm2, s1, v12;
	s0 =	sadd.s32 s28, s29  }
0xa4c: {  	v11 =	vsel vm1, s13, v11;
	s7 =	sadd.s32 s16, s9;
	s31 =	smulhi.u32 $0x1A537E05, s18;
	v12 =	vsel vm4, s30, v12;
	v14 =	vsel vm1, s0, v14;
	s0 =	sadd.s32 s4, s6  }
0xa4d: {  	s3 =	sadd.s32 s15, s3;
	s9 =	sadd.s32 s26, s20;
	v11 =	vsel vm2, s10, v11;
	v12 =	vsel vm5, s7, v12;
	v14 =	vsel vm2, s0, v14  }
0xa4e: {  	v10 =	vsel vm7, s3, v10;
	s10 =	sadd.s32 s8, s31;
	v12 =	vsel vm6, s9, v12;
	v11 =	vcombine.low v14, v11  }
0xa4f: {  	v13 =	vshrl.u32 v7, $0x1F;
	v10 =	vperm.xlane v10, v1;
	v12 =	vsel vm7, s10, v12  }
0xa50: {  	v7 =	vshra.s32 v7, $0xA;
	v12 =	vperm.xlane v12, v1;
	v11 =	vperm.xlane v11, v0  }
0xa51: {  	v7 =	vadd.s32 v13, v7;
	v9 =	vsel vm8, v10, v9  }
0xa52: {  	v7 =	vadd.s32 v6, v7;
	v9 =	vadd.s32 v6, v9;
	v23 =	vsel vm8, v12, v11  }
0xa53: {  	v24 =	vshrl.u32 v9, $0x1F;
	v9 =	vshra.s32 v9, $0xF;
	v8 =	vadd.s32 v21, v23  }
0xa54: {  	v9 =	vadd.s32 v24, v9;
	v10 =	vshrl.u32 v8, $0x1F;
	v8 =	vshra.s32 v8, $0x11  }
0xa55: {  	v7 =	vadd.s32 v9, v7;
	v8 =	vadd.s32 v10, v8  }
0xa56: {  	v8 =	vadd.s32 v8, v7  }
0xa57: {  	(v2sf) =	vpush v8, $0xD;
	_ =	sdelay $0x2  }
0xa58: {  	(v2sf) =	vpush v8, $0xC;
	_ =	sdelay $0x2  }
0xa59: {  	(v2sf) =	vpush v8, $0xE;
	_ =	sdelay $0x1  }
0xa5a: {  	(v2sf) =	vpush v8, $0xF  }
0xa5b: {  	(v2sf) =	vpush v8, $0x9;
	_ =	sdelay $0x3  }
0xa5c: {  	(v2sf) =	vpush v8, $0x8;
	_ =	sdelay $0x1  }
0xa5d: {  	s3 =	spop (v2sf)  }
0xa5e: {  	s11 =	sshra.s32 s3, $0x1F  }
0xa5f: {  	s25 =	smul.u32 $0xB38CF9B1, s11  }
0xa60: {  	s8 =	spop (v2sf);
	s22 =	smul.u32 $0x4C73064F, s11  }
0xa61: {  	(v2sf) =	vpush v8, $0xA;
	s12 =	sshra.s32 s8, $0x1F;
	s0 =	smul.u32 $0x72E9959, s11  }
0xa62: {  	s31 =	smul.u32 $0xB38CF9B1, s12  }
0xa63: {  	s10 =	spop (v2sf);
	s23 =	smul.u32 $0x4C73064F, s12  }
0xa64: {  	s14 =	sshra.s32 s10, $0x1F;
	s1 =	smul.u32 $0x72E9959, s12  }
0xa65: {  	s28 =	spop (v2sf);
	s15 =	smul.u32 $0xB38CF9B1, s14  }
0xa66: {  	s13 =	spop (v2sf);
	[smem:$0x578] =	sst s22  }
0xa67: {  	s24 =	smul.u32 $0x4C73064F, s14;
	[smem:$0x593] =	sst s0  }
0xa68: {  	s16 =	sshra.s32 s28, $0x1F;
	s4 =	smul.u32 $0x72E9959, s14;
	[smem:$0x57A] =	sst s23  }
0xa69: {  	s17 =	smul.u32 $0xB38CF9B1, s16;
	[smem:$0x595] =	sst s1  }
0xa6a: {  	s2 =	spop (v2sf);
	[smem:$0x55F] =	sst s15  }
0xa6b: {  	s26 =	smul.u32 $0x4C73064F, s16;
	[smem:$0x57C] =	sst s24  }
0xa6c: {  	(v2sf) =	vpush v8, $0xB;
	s5 =	smul.u32 $0x72E9959, s16;
	[smem:$0x597] =	sst s4  }
0xa6d: {  	(v2sf) =	vpush v8, $0x1;
	s18 =	sshra.s32 s13, $0x1F;
	s16 =	smulhi.u32 $0xB38CF9B1, s13;
	[smem:$0x560] =	sst s17  }
0xa6e: {  	s19 =	smul.u32 $0xB38CF9B1, s18;
	[smem:$0x57F] =	sst s26  }
0xa6f: {  	s29 =	smul.u32 $0x4C73064F, s18;
	[smem:$0x59B] =	sst s5  }
0xa70: {  	s1 =	spop (v2sf);
	[smem:$0x561] =	sst s16  }
0xa71: {  	(v2sf) =	vpush v8, $0x0;
	s20 =	sshra.s32 s2, $0x1F;
	s9 =	smul.u32 $0x72E9959, s18;
	[smem:$0x562] =	sst s19  }
0xa72: {  	s21 =	smul.u32 $0xB38CF9B1, s20;
	[smem:$0x581] =	sst s29  }
0xa73: {  	s30 =	smul.u32 $0x4C73064F, s20;
	[smem:$0x59D] =	sst s9  }
0xa74: {  	s11 =	smul.u32 $0x72E9959, s20;
	[smem:$0x564] =	sst s21  }
0xa75: {  	(v2sf) =	vpush v8, $0x2;
	s17 =	smulhi.u32 $0xB38CF9B1, s2;
	[smem:$0x584] =	sst s30  }
0xa76: {  	s12 =	sshra.s32 s1, $0x1F;
	s18 =	smulhi.u32 $0xB38CF9B1, s1;
	[smem:$0x59F] =	sst s11  }
0xa77: {  	s14 =	smul.u32 $0xB38CF9B1, s12;
	[smem:$0x563] =	sst s17  }
0xa78: {  	s15 =	smul.u32 $0x4C73064F, s12;
	[smem:$0x565] =	sst s18  }
0xa79: {  	s0 =	smul.u32 $0x72E9959, s12;
	[smem:$0x566] =	sst s14  }
0xa7a: {  	[smem:$0x586] =	sst s15  }
0xa7b: {  	[smem:$0x5A2] =	sst s0;
	s0 =	spop (v2sf)  }
0xa7c: {  	(v2sf) =	vpush v8, $0x3;
	s20 =	smulhi.u32 $0xB38CF9B1, s0;
	s22 =	sshra.s32 s0, $0x1F;
	s15 =	spop (v2sf)  }
0xa7d: {  	(v2sf) =	vpush v8, $0x4;
	s21 =	smul.u32 $0xB38CF9B1, s22;
	[smem:$0x592] =	sst s22  }
0xa7e: {  	s23 =	smulhi.u32 $0xB38CF9B1, s15;
	[smem:$0x567] =	sst s20  }
0xa7f: {  	s22 =	smul.u32 $0x4C73064F, s22;
	[smem:$0x568] =	sst s21  }
0xa80: {  	(v2sf) =	vpush v8, $0x5;
	s17 =	spop (v2sf);
	[smem:$0x569] =	sst s23  }
0xa81: {  	s26 =	smulhi.u32 $0xB38CF9B1, s17;
	s23 =	sshra.s32 s15, $0x1F;
	[smem:$0x58B] =	sst s22  }
0xa82: {  	s22 =	smulhi.u32 $0x72E9959, s3;
	[smem:$0x5A1] =	sst s23  }
0xa83: {  	s24 =	smul.u32 $0xB38CF9B1, s23;
	[smem:$0x56B] =	sst s26  }
0xa84: {  	s9 =	spop (v2sf);
	[smem:$0x594] =	sst s22  }
0xa85: {  	(v2sf) =	vpush v8, $0x6;
	s20 =	sshra.s32 s9, $0x1F;
	[smem:$0x56A] =	sst s24  }
0xa86: {  	s30 =	smulhi.u32 $0xB38CF9B1, s9;
	s24 =	sshra.s32 s17, $0x1F;
	[smem:$0x5A4] =	sst s20  }
0xa87: {  	s22 =	smulhi.u32 $0x72E9959, s8;
	[smem:$0x599] =	sst s24  }
0xa88: {  	s7 =	smul.u32 $0xB38CF9B1, s20;
	[smem:$0x56D] =	sst s30  }
0xa89: {  	(v2sf) =	vpush v8, $0x7;
	s29 =	smul.u32 $0xB38CF9B1, s24;
	[smem:$0x596] =	sst s22  }
0xa8a: {  	[smem:$0x56E] =	sst s7  }
0xa8b: {  	[smem:$0x56C] =	sst s29;
	s29 =	spop (v2sf)  }
0xa8c: {  	s11 =	smulhi.u32 $0xB38CF9B1, s29;
	s7 =	sshra.s32 s29, $0x1F;
	s21 =	spop (v2sf)  }
0xa8d: {  	s12 =	smul.u32 $0xB38CF9B1, s7;
	[smem:$0x5A5] =	sst s7  }
0xa8e: {  	s14 =	smulhi.u32 $0xB38CF9B1, s21;
	s18 =	sshra.s32 s21, $0x1F;
	[smem:$0x56F] =	sst s11  }
0xa8f: {  	s30 =	spop (v2sf);
	[smem:$0x5A6] =	sst s18  }
0xa90: {  	s16 =	smul.u32 $0xB38CF9B1, s18;
	[smem:$0x570] =	sst s12  }
0xa91: {  	s26 =	smulhi.u32 $0xB38CF9B1, s30;
	[smem:$0x571] =	sst s14  }
0xa92: {  	[smem:$0x572] =	sst s16  }
0xa93: {  	[smem:$0x573] =	sst s26;
	s26 =	sshra.s32 s30, $0x1F  }
0xa94: {  	s16 =	spop (v2sf);
	[smem:$0x5A8] =	sst s26  }
0xa95: {  	s11 =	smul.u32 $0xB38CF9B1, s26;
	s12 =	sshra.s32 s16, $0x1F;
	[smem:$0x5A9] =	sst s16  }
0xa96: {  	s4 =	smulhi.u32 $0xB38CF9B1, s3;
	[smem:$0x58D] =	sst s12  }
0xa97: {  	s14 =	smulhi.u32 $0xB38CF9B1, s16;
	[smem:$0x574] =	sst s11  }
0xa98: {  	s11 =	smul.u32 $0xB38CF9B1, s12;
	s12 =	spop (v2sf)  }
0xa99: {  	[smem:$0x575] =	sst s14;
	s14 =	smulhi.u32 $0xB38CF9B1, s12  }
0xa9a: {  	s19 =	smulhi.u32 $0xB38CF9B1, s10;
	[smem:$0x576] =	sst s11  }
0xa9b: {  	s11 =	smulhi.u32 $0x4C73064F, s3;
	[smem:$0x577] =	sst s14;
	s14 =	sshra.s32 s12, $0x1F  }
0xa9c: {  	s3 =	ssub.s32 s4, s3;
	s4 =	ssub.s32 s19, s10;
	[smem:$0x591] =	sst s14  }
0xa9d: {  	s19 =	smulhi.u32 $0x72E9959, s13;
	s3 =	sadd.s32 s25, s3;
	[smem:$0x579] =	sst s11  }
0xa9e: {  	s25 =	smulhi.u32 $0x72E9959, s10;
	[smem:$0x57E] =	sst s3  }
0xa9f: {  	s6 =	smulhi.u32 $0xB38CF9B1, s8;
	[smem:$0x59E] =	sst s19  }
0xaa0: {  	[smem:$0x598] =	sst s25  }
0xaa1: {  	s11 =	smulhi.u32 $0x4C73064F, s8;
	s8 =	ssub.s32 s6, s8;
	s25 =	sld [smem:$0x560]  }
0xaa2: {  	s6 =	smulhi.u32 $0x72E9959, s28;
	s22 =	sadd.s32 s31, s8;
	s8 =	sld [smem:$0x564]  }
0xaa3: {  	[smem:$0x57B] =	sst s11  }
0xaa4: {  	s31 =	smulhi.u32 $0x72E9959, s2;
	[smem:$0x59C] =	sst s6  }
0xaa5: {  	s11 =	smulhi.u32 $0x4C73064F, s10;
	s10 =	sld [smem:$0x55F]  }
0xaa6: {  	[smem:$0x5A0] =	sst s31  }
0xaa7: {  	s6 =	smulhi.u32 $0x72E9959, s1;
	v26 =	vmov s22;
	s22 =	sld [smem:$0x57B]  }
0xaa8: {  	[smem:$0x57D] =	sst s11  }
0xaa9: {  	[smem:$0x5A3] =	sst s6  }
0xaaa: {  	s11 =	smulhi.u32 $0x4C73064F, s28;
	s6 =	sld [smem:$0x56B]  }
0xaab: {  	s3 =	sadd.s32 s10, s4;
	s4 =	sld [smem:$0x562]  }
0xaac: {  	[smem:$0x580] =	sst s11;
	s11 =	smulhi.u32 $0x4C73064F, s13  }
0xaad: {  	s31 =	smulhi.u32 $0x4C73064F, s15;
	s10 =	sld [smem:$0x565]  }
0xaae: {  	[smem:$0x582] =	sst s11;
	s11 =	smulhi.u32 $0x4C73064F, s2  }
0xaaf: {  	[smem:$0x58F] =	sst s31  }
0xab0: {  	[smem:$0x585] =	sst s11;
	s11 =	smulhi.u32 $0x4C73064F, s1  }
0xab1: {  	[smem:$0x583] =	sst s3  }
0xab2: {  	[smem:$0x587] =	sst s11;
	s11 =	smulhi.u32 $0x4C73064F, s0  }
0xab3: {  	s5 =	smulhi.u32 $0xB38CF9B1, s28;
	s1 =	ssub.s32 s10, s1;
	s10 =	sld [smem:$0x56C]  }
0xab4: {  	[smem:$0x58A] =	sst s11  }
0xab5: {  	s11 =	ssub.s32 s5, s28;
	s28 =	sld [smem:$0x561]  }
0xab6: {  	s5 =	sld [smem:$0x563]  }
0xab7: {  	s3 =	sadd.s32 s25, s11;
	s25 =	sld [smem:$0x567]  }
0xab8: {  	s11 =	smulhi.u32 $0x72E9959, s0;
	[smem:$0x588] =	sst s3  }
0xab9: {  	s3 =	sld [smem:$0x569]  }
0xaba: {  	[smem:$0x5A7] =	sst s11  }
0xabb: {  	s2 =	ssub.s32 s5, s2;
	s5 =	sld [smem:$0x56A]  }
0xabc: {  	s13 =	ssub.s32 s28, s13;
	s11 =	sld [smem:$0x56D]  }
0xabd: {  	s28 =	sadd.s32 s4, s13;
	s13 =	sld [smem:$0x566]  }
0xabe: {  	s19 =	sadd.s32 s8, s2;
	s2 =	sld [smem:$0x568];
	s4 =	smul.u32 $0x4C73064F, s23  }
0xabf: {  	s23 =	smul.u32 $0x4C73064F, s24;
	s24 =	sld [smem:$0x56F]  }
0xac0: {  	s0 =	ssub.s32 s25, s0;
	s25 =	sld [smem:$0x570]  }
0xac1: {  	s8 =	smulhi.u32 $0x4C73064F, s17;
	v27 =	vmov s19;
	s19 =	sld [smem:$0x582]  }
0xac2: {  	[smem:$0x590] =	sst s4  }
0xac3: {  	[smem:$0x58C] =	sst s8  }
0xac4: {  	s8 =	sld [smem:$0x573]  }
0xac5: {  	v10 =	vsel vm0, s28, v27;
	s28 =	sld [smem:$0x587]  }
0xac6: {  	s1 =	sadd.s32 s13, s1;
	s13 =	sld [smem:$0x56E]  }
0xac7: {  	s0 =	sadd.s32 s2, s0;
	[smem:$0x589] =	sst s1  }
0xac8: {  	[smem:$0x58E] =	sst s0;
	s0 =	ssub.s32 s3, s15  }
0xac9: {  	s2 =	sadd.s32 s5, s0;
	s5 =	sld [smem:$0x571]  }
0xaca: {  	s0 =	ssub.s32 s6, s17;
	s6 =	sld [smem:$0x572]  }
0xacb: {  	s1 =	sadd.s32 s10, s0;
	s10 =	sld [smem:$0x574]  }
0xacc: {  	s14 =	smul.u32 $0xB38CF9B1, s14;
	s0 =	ssub.s32 s11, s9;
	s11 =	sld [smem:$0x575]  }
0xacd: {  	s3 =	sadd.s32 s13, s0;
	s0 =	ssub.s32 s24, s29;
	s24 =	smul.u32 $0x4C73064F, s20  }
0xace: {  	s20 =	smul.u32 $0x4C73064F, s7;
	v25 =	vmov s1;
	s1 =	sld [smem:$0x577]  }
0xacf: {  	s13 =	sld [smem:$0x576];
	s4 =	sadd.s32 s25, s0;
	s0 =	ssub.s32 s5, s21  }
0xad0: {  	s7 =	sld [smem:$0x578];
	s25 =	smulhi.u32 $0x4C73064F, s29;
	v7 =	vnsel vm3, $0x0, v25;
	s5 =	sadd.s32 s6, s0  }
0xad1: {  	s0 =	ssub.s32 s8, s30;
	v7 =	vsel vm0, s2, v7;
	s6 =	ssub.s32 s1, s12;
	s1 =	sld [smem:$0x57C]  }
0xad2: {  	s8 =	sadd.s32 s10, s0;
	s0 =	ssub.s32 s11, s16;
	v7 =	vsel vm1, s3, v7;
	s3 =	sld [smem:$0x580]  }
0xad3: {  	s10 =	sadd.s32 s13, s0;
	s13 =	sadd.s32 s14, s6;
	s14 =	sld [smem:$0x579]  }
0xad4: {  	s6 =	smul.u32 $0x4C73064F, s18;
	s18 =	sld [smem:$0x57A]  }
0xad5: {  	s25 =	sadd.s32 s20, s25;
	s20 =	sld [smem:$0x591];
	v7 =	vsel vm2, s4, v7  }
0xad6: {  	v7 =	vsel vm4, s5, v7;
	s14 =	sadd.s32 s7, s14;
	s7 =	sld [smem:$0x57D]  }
0xad7: {  	v7 =	vsel vm5, s8, v7;
	s2 =	sadd.s32 s18, s22;
	s18 =	sld [smem:$0x57E]  }
0xad8: {  	v7 =	vsel vm6, s10, v7;
	s10 =	sld [smem:$0x595]  }
0xad9: {  	s22 =	sadd.s32 s1, s7;
	s1 =	sld [smem:$0x57F]  }
0xada: {  	v29 =	vmov s2;
	v9 =	vsel vm0, s18, v26;
	s18 =	sld [smem:$0x581]  }
0xadb: {  	v12 =	vsel vm0, s14, v29;
	s14 =	smulhi.u32 $0x72E9959, s17;
	s17 =	sld [smem:$0x597]  }
0xadc: {  	s0 =	sadd.s32 s1, s3;
	s1 =	smul.u32 $0x4C73064F, s26;
	s26 =	sld [smem:$0x583]  }
0xadd: {  	s3 =	sadd.s32 s18, s19;
	s18 =	sld [smem:$0x584]  }
0xade: {  	s19 =	sld [smem:$0x585]  }
0xadf: {  	s7 =	smulhi.u32 $0x4C73064F, s30;
	[smem:$0x59A] =	sst s0  }
0xae0: {  	s0 =	smulhi.u32 $0x4C73064F, s16;
	s16 =	sld [smem:$0x58F]  }
0xae1: {  	s7 =	sadd.s32 s1, s7;
	s1 =	sld [smem:$0x592]  }
0xae2: {  	v12 =	vsel vm1, s22, v12;
	s22 =	sld [smem:$0x59A]  }
0xae3: {  	s4 =	sadd.s32 s18, s19;
	s19 =	sld [smem:$0x588]  }
0xae4: {  	v9 =	vsel vm1, s26, v9;
	s26 =	sld [smem:$0x586]  }
0xae5: {  	s18 =	sld [smem:$0x58A]  }
0xae6: {  	v9 =	vsel vm2, s19, v9;
	s19 =	sld [smem:$0x58B]  }
0xae7: {  	s28 =	sadd.s32 s26, s28;
	s26 =	sld [smem:$0x589]  }
0xae8: {  	v30 =	vmov s4;
	s4 =	sld [smem:$0x593]  }
0xae9: {  	s5 =	sadd.s32 s19, s18;
	s18 =	sld [smem:$0x58E]  }
0xaea: {  	v10 =	vsel vm1, s26, v10;
	s26 =	sld [smem:$0x58C]  }
0xaeb: {  	v31 =	vsel vm2, s22, v12;
	s22 =	sld [smem:$0x5A2]  }
0xaec: {  	s31 =	smulhi.u32 $0x4C73064F, s9;
	v13 =	vsel vm0, s3, v30;
	v10 =	vsel vm2, s18, v10;
	s18 =	sld [smem:$0x590]  }
0xaed: {  	v32 =	vsel vm1, s28, v13;
	s28 =	sld [smem:$0x59D];
	s19 =	sadd.s32 s23, s26  }
0xaee: {  	s26 =	sld [smem:$0x58D];
	v28 =	vmov s19;
	s19 =	sadd.s32 s24, s31;
	s31 =	smul.u32 $0x4C73064F, s20  }
0xaef: {  	v11 =	vnsel vm3, $0x0, v28;
	s8 =	sadd.s32 s18, s16;
	s16 =	smulhi.u32 $0x4C73064F, s12;
	s18 =	sld [smem:$0x598]  }
0xaf0: {  	s11 =	smulhi.u32 $0x4C73064F, s21;
	v11 =	vsel vm0, s8, v11;
	s8 =	sld [smem:$0x594]  }
0xaf1: {  	v7 =	vsel vm7, s13, v7;
	s23 =	smul.u32 $0x4C73064F, s26;
	s13 =	sadd.s32 s31, s16;
	s16 =	sld [smem:$0x596]  }
0xaf2: {  	v11 =	vsel vm1, s19, v11;
	s19 =	sld [smem:$0x599]  }
0xaf3: {  	s6 =	sadd.s32 s6, s11;
	s11 =	sadd.s32 s23, s0;
	s23 =	sld [smem:$0x59B]  }
0xaf4: {  	v12 =	vsel vm2, s5, v32;
	s5 =	smulhi.u32 $0x72E9959, s9;
	s31 =	sld [smem:$0x59E]  }
0xaf5: {  	s24 =	smov.u32 s12;
	s12 =	smul.u32 $0x72E9959, s1;
	v11 =	vsel vm2, s25, v11;
	s25 =	sld [smem:$0x59C]  }
0xaf6: {  	s3 =	sadd.s32 s17, s18;
	s1 =	sadd.s32 s4, s8;
	s8 =	sld [smem:$0x59F]  }
0xaf7: {  	v11 =	vsel vm4, s6, v11;
	s6 =	smulhi.u32 $0x72E9959, s15;
	s15 =	sld [smem:$0x5A0];
	s4 =	sadd.s32 s10, s16  }
0xaf8: {  	v9 =	vcombine.low v10, v9;
	s17 =	smul.u32 $0x72E9959, s19;
	s10 =	sadd.s32 s28, s31;
	s16 =	sld [smem:$0x5A1]  }
0xaf9: {  	s31 =	sld [smem:$0x5A4];
	s0 =	sadd.s32 s23, s25;
	s19 =	sshrl.u32 s4, $0x1F  }
0xafa: {  	v7 =	vperm.xlane v7, v1;
	v9 =	vperm.xlane v9, v0;
	v11 =	vsel vm5, s7, v11;
	s23 =	sld [smem:$0x5A3];
	s8 =	sadd.s32 s8, s15;
	s15 =	smulhi.u32 $0x72E9959, s29  }
0xafb: {  	v34 =	vcombine.low v12, v31;
	s28 =	sshrl.u32 s3, $0x1F;
	v11 =	vsel vm6, s11, v11;
	s25 =	sshrl.u32 s1, $0x1F;
	v33 =	vmov s19;
	s18 =	smul.u32 $0x72E9959, s16  }
0xafc: {  	v7 =	vsel vm8, v7, v9;
	v11 =	vsel vm7, s13, v11;
	s9 =	sadd.s32 s17, s14;
	s29 =	sld [smem:$0x5A7];
	v13 =	vsel vm0, s25, v33;
	s13 =	smul.u32 $0x72E9959, s31  }
0xafd: {  	v7 =	vadd.s32 v8, v7;
	s16 =	sshrl.u32 s10, $0x1F;
	s2 =	sadd.s32 s22, s23;
	v35 =	vsel vm1, s28, v13;
	s28 =	sld [smem:$0x5A6]  }
0xafe: {  	v9 =	vperm.xlane v34, v0;
	v36 =	vshrl.u32 v7, $0x1F;
	v7 =	vshra.s32 v7, $0x8;
	s22 =	smulhi.u32 $0x72E9959, s21;
	s6 =	sadd.s32 s18, s6;
	s18 =	sld [smem:$0x5A5]  }
0xaff: {  	v8 =	vsub.s32 $0x0, v8;
	v7 =	vadd.s32 v36, v7;
	v43 =	vmov s4;
	s17 =	sshrl.u32 s9, $0x1F;
	s12 =	sadd.s32 s12, s29;
	s29 =	smul.u32 $0x72E9959, s20  }
0xb00: {  	v14 =	vsel vm0, s1, v43;
	v11 =	vperm.xlane v11, v1;
	s19 =	sshrl.u32 s8, $0x1F;
	v42 =	vmov s9;
	s5 =	sadd.s32 s13, s5;
	s13 =	smul.u32 $0x72E9959, s28  }
0xb01: {  	v15 =	vmov s8;
	v37 =	vmov s17;
	v38 =	vmov s19;
	s23 =	sshrl.u32 s2, $0x1F;
	s25 =	sshrl.u32 s6, $0x1F;
	s11 =	smul.u32 $0x72E9959, s18  }
0xb02: {  	v14 =	vsel vm1, s3, v14;
	v39 =	vnsel vm3, $0x0, v37;
	v41 =	vsel vm0, s16, v38;
	s31 =	sshrl.u32 s5, $0x1F;
	s13 =	sadd.s32 s13, s22;
	s22 =	sld [smem:$0x5A8]  }
0xb03: {  	v13 =	vnsel vm3, $0x0, v42;
	v12 =	vsel vm1, s23, v41;
	s23 =	sld [smem:$0x5A9];
	v40 =	vsel vm0, s25, v39;
	s25 =	smul.u32 $0x72E9959, s26;
	s11 =	sadd.s32 s11, s15  }
0xb04: {  	v9 =	vsel vm8, v11, v9;
	v13 =	vsel vm0, s6, v13;
	v11 =	vsel vm1, s31, v40;
	s18 =	smulhi.u32 $0x72E9959, s30;
	s15 =	sshrl.u32 s11, $0x1F  }
0xb05: {  	v15 =	vsel vm0, s10, v15;
	v13 =	vsel vm1, s5, v13;
	v11 =	vsel vm2, s15, v11;
	s15 =	smul.u32 $0x72E9959, s22  }
0xb06: {  	s14 =	sshrl.u32 s0, $0x1F;
	v14 =	vsel vm2, s0, v14;
	v15 =	vsel vm1, s2, v15;
	s19 =	sshrl.u32 s12, $0x1F;
	s7 =	smulhi.u32 $0x72E9959, s23;
	v13 =	vsel vm2, s11, v13  }
0xb07: {  	v10 =	vsel vm2, s14, v35;
	v15 =	vsel vm2, s12, v15;
	s26 =	smulhi.u32 $0x72E9959, s24;
	s21 =	sshrl.u32 s13, $0x1F;
	v13 =	vsel vm4, s13, v13;
	s28 =	sadd.s32 s15, s18  }
0xb08: {  	v12 =	vsel vm2, s19, v12;
	s31 =	sadd.s32 s25, s7;
	v11 =	vsel vm4, s21, v11;
	s30 =	sshrl.u32 s28, $0x1F;
	v13 =	vsel vm5, s28, v13  }
0xb09: {  	v14 =	vcombine.low v15, v14;
	s5 =	sadd.s32 s29, s26;
	s2 =	sshrl.u32 s31, $0x1F;
	v11 =	vsel vm5, s30, v11;
	v13 =	vsel vm6, s31, v13  }
0xb0a: {  	v10 =	vcombine.low v12, v10;
	s6 =	sshrl.u32 s5, $0x1F;
	v11 =	vsel vm6, s2, v11;
	v44 =	vsel vm7, s5, v13  }
0xb0b: {  	v45 =	vperm.xlane v14, v0;
	v11 =	vsel vm7, s6, v11;
	v12 =	vperm.xlane v44, v1  }
0xb0c: {  	v8 =	vadd.s32 v8, v9;
	v46 =	vperm.xlane v10, v0;
	v47 =	vperm.xlane v11, v1  }
0xb0d: {  	v48 =	vshrl.u32 v8, $0x1F;
	v8 =	vshra.s32 v8, $0xA;
	v12 =	vsel vm8, v12, v45  }
0xb0e: {  	v8 =	vadd.s32 v48, v8;
	v9 =	vsel vm8, v47, v46;
	v49 =	vshra.s32 v12, $0xA  }
0xb0f: {  	v50 =	vmul.u32 $0xFFFFFE93, v7;
	v6 =	vadd.s32 v6, v8;
	v9 =	vadd.s32 v9, v49  }
0xb10: {  	v6 =	vadd.s32 v9, v6  }
0xb11: {  	v6 =	vadd.s32 v50, v6  }
0xb12: {  	v51 =	vmul.u32 $0x5, v6;
	_ =	sdelay $0x1  }
0xb13: {  	v8 =	vadd.s32 $0x2, v51  }
0xb14: {  	(v2sf) =	vpush v8, $0xD;
	_ =	sdelay $0x1  }
0xb15: {  	(v2sf) =	vpush v8, $0xC;
	_ =	sdelay $0x1  }
0xb16: {  	(v2sf) =	vpush v8, $0xE;
	_ =	sdelay $0x1  }
0xb17: {  	(v2sf) =	vpush v8, $0xF;
	_ =	sdelay $0x1  }
0xb18: {  	(v2sf) =	vpush v8, $0x9;
	_ =	sdelay $0x1  }
0xb19: {  	(v2sf) =	vpush v8, $0x8;
	_ =	sdelay $0x1  }
0xb1a: {  	(v2sf) =	vpush v8, $0xA;
	_ =	sdelay $0x1  }
0xb1b: {  	(v2sf) =	vpush v8, $0xB  }
0xb1c: {  	s7 =	spop (v2sf)  }
0xb1d: {  	(v2sf) =	vpush v8, $0x1;
	s8 =	smulhi.u32 $0xD62B80D7, s7;
	s9 =	sshra.s32 s7, $0x1F  }
0xb1e: {  	s10 =	spop (v2sf);
	s2 =	smul.u32 $0xD62B80D7, s9  }
0xb1f: {  	(v2sf) =	vpush v8, $0x0;
	s11 =	smulhi.u32 $0xD62B80D7, s10;
	s12 =	sshra.s32 s10, $0x1F  }
0xb20: {  	s13 =	spop (v2sf);
	s5 =	smul.u32 $0xD62B80D7, s12  }
0xb21: {  	(v2sf) =	vpush v8, $0x2;
	s0 =	ssub.s32 s8, s7;
	s14 =	smulhi.u32 $0xD62B80D7, s13;
	s15 =	sshra.s32 s13, $0x1F  }
0xb22: {  	s17 =	spop (v2sf);
	s0 =	sadd.s32 s2, s0;
	s16 =	smul.u32 $0xD62B80D7, s15  }
0xb23: {  	(v2sf) =	vpush v8, $0x3;
	s3 =	ssub.s32 s11, s10;
	s18 =	smulhi.u32 $0xD62B80D7, s17;
	s19 =	sshra.s32 s17, $0x1F  }
0xb24: {  	s21 =	spop (v2sf);
	s3 =	sadd.s32 s5, s3;
	s20 =	smul.u32 $0xD62B80D7, s19  }
0xb25: {  	(v2sf) =	vpush v8, $0x4;
	s1 =	ssub.s32 s14, s13;
	s22 =	smulhi.u32 $0xD62B80D7, s21;
	s23 =	sshra.s32 s21, $0x1F  }
0xb26: {  	s24 =	spop (v2sf);
	s1 =	sadd.s32 s16, s1;
	s9 =	smul.u32 $0xD62B80D7, s23  }
0xb27: {  	(v2sf) =	vpush v8, $0x5;
	s25 =	ssub.s32 s18, s17;
	s26 =	smulhi.u32 $0xD62B80D7, s24;
	s28 =	sshra.s32 s24, $0x1F  }
0xb28: {  	s30 =	spop (v2sf);
	s2 =	sadd.s32 s20, s25;
	s29 =	smul.u32 $0xD62B80D7, s28  }
0xb29: {  	(v2sf) =	vpush v8, $0x6;
	s6 =	ssub.s32 s22, s21;
	s31 =	smulhi.u32 $0xD62B80D7, s30;
	s12 =	sshra.s32 s30, $0x1F  }
0xb2a: {  	s14 =	spop (v2sf);
	s6 =	sadd.s32 s9, s6;
	s13 =	smul.u32 $0xD62B80D7, s12  }
0xb2b: {  	(v2sf) =	vpush v8, $0x7;
	s4 =	ssub.s32 s26, s24;
	s15 =	smulhi.u32 $0xD62B80D7, s14;
	s16 =	sshra.s32 s14, $0x1F  }
0xb2c: {  	s18 =	spop (v2sf);
	s4 =	sadd.s32 s29, s4;
	s17 =	smul.u32 $0xD62B80D7, s16  }
0xb2d: {  	s7 =	ssub.s32 s31, s30;
	s19 =	smulhi.u32 $0xD62B80D7, s18;
	s20 =	sshra.s32 s18, $0x1F  }
0xb2e: {  	s22 =	spop (v2sf);
	s7 =	sadd.s32 s13, s7;
	s21 =	smul.u32 $0xD62B80D7, s20  }
0xb2f: {  	s10 =	ssub.s32 s15, s14;
	s23 =	smulhi.u32 $0xD62B80D7, s22;
	s24 =	sshra.s32 s22, $0x1F  }
0xb30: {  	s5 =	sadd.s32 s17, s10;
	s25 =	smul.u32 $0xD62B80D7, s24;
	s26 =	spop (v2sf)  }
0xb31: {  	s8 =	ssub.s32 s19, s18;
	s28 =	smulhi.u32 $0xD62B80D7, s26;
	s29 =	sshra.s32 s26, $0x1F  }
0xb32: {  	s8 =	sadd.s32 s21, s8;
	s31 =	spop (v2sf);
	s30 =	smul.u32 $0xD62B80D7, s29  }
0xb33: {  	s11 =	ssub.s32 s23, s22;
	s18 =	smulhi.u32 $0xD62B80D7, s31;
	s19 =	sshra.s32 s31, $0x1F  }
0xb34: {  	s10 =	sadd.s32 s25, s11;
	s21 =	spop (v2sf);
	s20 =	smul.u32 $0xD62B80D7, s19  }
0xb35: {  	s12 =	ssub.s32 s28, s26;
	s22 =	smulhi.u32 $0xD62B80D7, s21;
	s23 =	sshra.s32 s21, $0x1F  }
0xb36: {  	s25 =	spop (v2sf);
	s9 =	sadd.s32 s30, s12;
	s24 =	smul.u32 $0xD62B80D7, s23  }
0xb37: {  	v52 =	vmov s10;
	s26 =	ssub.s32 s18, s31;
	s28 =	smulhi.u32 $0xD62B80D7, s25;
	s29 =	sshra.s32 s25, $0x1F  }
0xb38: {  	v9 =	vnsel vm3, $0x0, v52;
	s31 =	spop (v2sf);
	s10 =	sadd.s32 s20, s26;
	s30 =	smul.u32 $0xD62B80D7, s29  }
0xb39: {  	v9 =	vsel vm0, s8, v9;
	s18 =	ssub.s32 s22, s21;
	s19 =	smulhi.u32 $0xD62B80D7, s31;
	s20 =	sshra.s32 s31, $0x1F  }
0xb3a: {  	v53 =	vmov s3;
	v54 =	vmov s4;
	v9 =	vsel vm1, s9, v9;
	s23 =	spop (v2sf);
	s21 =	sadd.s32 s24, s18;
	s22 =	smul.u32 $0xD62B80D7, s20  }
0xb3b: {  	v10 =	vsel vm0, s0, v53;
	v11 =	vsel vm0, s6, v54;
	v9 =	vsel vm2, s10, v9;
	s24 =	ssub.s32 s28, s25;
	s25 =	smulhi.u32 $0xD62B80D7, s23;
	s26 =	sshra.s32 s23, $0x1F  }
0xb3c: {  	v10 =	vsel vm1, s1, v10;
	v11 =	vsel vm1, s7, v11;
	v9 =	vsel vm4, s21, v9;
	s0 =	sadd.s32 s30, s24;
	s28 =	ssub.s32 s19, s31;
	s29 =	smul.u32 $0xD62B80D7, s26  }
0xb3d: {  	v10 =	vsel vm2, s2, v10;
	v11 =	vsel vm2, s5, v11;
	v9 =	vsel vm5, s0, v9;
	s30 =	sadd.s32 s22, s28;
	s31 =	ssub.s32 s25, s23  }
0xb3e: {  	v10 =	vcombine.low v11, v10;
	v9 =	vsel vm6, s30, v9;
	s2 =	sadd.s32 s29, s31  }
0xb3f: {  	v9 =	vsel vm7, s2, v9  }
0xb40: {  	v10 =	vperm.xlane v10, v0;
	v9 =	vperm.xlane v9, v1;
	_ =	sdelay $0x1  }
0xb41: {  	v9 =	vsel vm8, v9, v10  }
0xb42: {  	v8 =	vadd.s32 v8, v9  }
0xb43: {  	v9 =	vshrl.u32 v8, $0x1F;
	v8 =	vshra.s32 v8, $0x7  }
0xb44: {  	v8 =	vadd.s32 v9, v8  }
0xb45: {  	v9 =	vmul.u32 $0x99, v8;
	_ =	sdelay $0x1  }
0xb46: {  	v9 =	vadd.s32 $0x2, v9  }
0xb47: {  	(v2sf) =	vpush v9, $0xD;
	_ =	sdelay $0x1  }
0xb48: {  	(v2sf) =	vpush v9, $0xC  }
0xb49: {  	(v2sf) =	vpush v9, $0xE  }
0xb4a: {  	(v2sf) =	vpush v9, $0xF  }
0xb4b: {  	(v2sf) =	vpush v9, $0x9  }
0xb4c: {  	(v2sf) =	vpush v9, $0x8  }
0xb4d: {  	(v2sf) =	vpush v9, $0xA  }
0xb4e: {  	(v2sf) =	vpush v9, $0xB  }
0xb4f: {  	(v2sf) =	vpush v9, $0x0  }
0xb50: {  	(v2sf) =	vpush v9, $0x1  }
0xb51: {  	(v2sf) =	vpush v9, $0x2  }
0xb52: {  	(v2sf) =	vpush v9, $0x3  }
0xb53: {  	(v2sf) =	vpush v9, $0x4  }
0xb54: {  	(v2sf) =	vpush v9, $0x5  }
0xb55: {  	s3 =	spop (v2sf);
	(v2sf) =	vpush v9, $0x6;
	_ =	sdelay $0x1  }
0xb56: {  	s9 =	spop (v2sf);
	s10 =	smulhi.u32 $0x99999999, s3;
	s16 =	sshra.s32 s3, $0x1F  }
0xb57: {  	s2 =	spop (v2sf);
	s7 =	smul.u32 $0x99999999, s16  }
0xb58: {  	s17 =	smulhi.u32 $0x99999999, s9;
	s19 =	sshra.s32 s9, $0x1F;
	s4 =	spop (v2sf)  }
0xb59: {  	s20 =	smul.u32 $0x99999999, s19;
	s5 =	spop (v2sf)  }
0xb5a: {  	s29 =	smulhi.u32 $0x99999999, s2;
	s30 =	sshra.s32 s2, $0x1F;
	s6 =	spop (v2sf)  }
0xb5b: {  	s31 =	smul.u32 $0x99999999, s30;
	s13 =	spop (v2sf)  }
0xb5c: {  	s0 =	ssub.s32 s10, s3;
	s21 =	smulhi.u32 $0x99999999, s4;
	s14 =	spop (v2sf)  }
0xb5d: {  	s25 =	sshra.s32 s4, $0x1F;
	s0 =	sadd.s32 s7, s0;
	s15 =	spop (v2sf)  }
0xb5e: {  	s1 =	ssub.s32 s17, s9;
	s22 =	smul.u32 $0x99999999, s25;
	s16 =	spop (v2sf)  }
0xb5f: {  	s7 =	smulhi.u32 $0x99999999, s5;
	s26 =	sshra.s32 s5, $0x1F;
	s18 =	spop (v2sf)  }
0xb60: {  	s10 =	sshrl.u32 s0, $0x1F;
	s3 =	sadd.s32 s20, s1;
	s12 =	spop (v2sf)  }
0xb61: {  	s29 =	ssub.s32 s29, s2;
	s23 =	smul.u32 $0x99999999, s26;
	s8 =	spop (v2sf)  }
0xb62: {  	s0 =	sshra.s32 s0, $0x1;
	s24 =	smulhi.u32 $0x99999999, s6;
	s11 =	spop (v2sf)  }
0xb63: {  	s28 =	sshra.s32 s6, $0x1F;
	s1 =	sadd.s32 s31, s29;
	s9 =	spop (v2sf);
	(v2sf) =	vpush v9, $0x7  }
0xb64: {  	s20 =	sshrl.u32 s3, $0x1F;
	s4 =	ssub.s32 s21, s4;
	s30 =	smul.u32 $0x99999999, s28  }
0xb65: {  	s3 =	sshra.s32 s3, $0x1;
	s31 =	smulhi.u32 $0x99999999, s13;
	s25 =	sshra.s32 s13, $0x1F  }
0xb66: {  	s5 =	ssub.s32 s7, s5;
	s2 =	sadd.s32 s22, s4;
	s21 =	smul.u32 $0x99999999, s25  }
0xb67: {  	s25 =	smulhi.u32 $0x99999999, s14;
	s26 =	sshra.s32 s14, $0x1F;
	s4 =	sadd.s32 s23, s5  }
0xb68: {  	s6 =	ssub.s32 s24, s6;
	s24 =	sshrl.u32 s1, $0x1F;
	s28 =	smul.u32 $0x99999999, s26  }
0xb69: {  	s23 =	sshrl.u32 s2, $0x1F;
	s22 =	smulhi.u32 $0x99999999, s15;
	s29 =	sshra.s32 s15, $0x1F  }
0xb6a: {  	s7 =	sadd.s32 s30, s6;
	s30 =	ssub.s32 s31, s13;
	s17 =	smul.u32 $0x99999999, s29  }
0xb6b: {  	v56 =	vmov s20;
	s20 =	sshra.s32 s4, $0x1;
	s31 =	smulhi.u32 $0x99999999, s16;
	s26 =	sshra.s32 s16, $0x1F  }
0xb6c: {  	v10 =	vsel vm0, s10, v56;
	s6 =	sadd.s32 s21, s30;
	s14 =	ssub.s32 s25, s14;
	s19 =	smul.u32 $0x99999999, s26  }
0xb6d: {  	v10 =	vsel vm1, s24, v10;
	s5 =	sadd.s32 s28, s14;
	s28 =	smulhi.u32 $0x99999999, s18;
	s29 =	sshra.s32 s18, $0x1F  }
0xb6e: {  	v10 =	vsel vm2, s23, v10;
	s15 =	ssub.s32 s22, s15;
	s23 =	sshra.s32 s6, $0x1;
	s21 =	smul.u32 $0x99999999, s29  }
0xb6f: {  	s13 =	ssub.s32 s31, s16;
	s30 =	smulhi.u32 $0x99999999, s12;
	s31 =	sshra.s32 s12, $0x1F  }
0xb70: {  	s15 =	sadd.s32 s17, s15;
	s17 =	sshrl.u32 s4, $0x1F;
	s22 =	smul.u32 $0x99999999, s31  }
0xb71: {  	s13 =	sadd.s32 s19, s13;
	s25 =	smulhi.u32 $0x99999999, s8;
	s26 =	sshra.s32 s8, $0x1F  }
0xb72: {  	s14 =	ssub.s32 s28, s18;
	s19 =	smul.u32 $0x99999999, s26;
	s28 =	spop (v2sf)  }
0xb73: {  	s12 =	ssub.s32 s30, s12;
	s29 =	smulhi.u32 $0x99999999, s28;
	s30 =	sshra.s32 s28, $0x1F  }
0xb74: {  	s14 =	sadd.s32 s21, s14;
	s12 =	sadd.s32 s22, s12;
	s22 =	smul.u32 $0x99999999, s30  }
0xb75: {  	s31 =	smulhi.u32 $0x99999999, s11;
	s8 =	ssub.s32 s25, s8;
	s16 =	ssub.s32 s29, s28  }
0xb76: {  	s21 =	sshrl.u32 s7, $0x1F;
	s19 =	sadd.s32 s19, s8;
	s8 =	sadd.s32 s22, s16  }
0xb77: {  	v5 =	vmul.u32 $0x190, v5;
	v58 =	vmov s21;
	s25 =	ssub.s32 s31, s11;
	s11 =	sshra.s32 s11, $0x1F;
	s26 =	sshra.s32 s8, $0x1F  }
0xb78: {  	s31 =	smulhi.u32 $0x99999999, s9;
	v12 =	vsel vm0, s17, v58;
	s17 =	sshra.s32 s7, $0x1;
	s29 =	sshra.s32 s15, $0x1;
	v55 =	vmov s26  }
0xb79: {  	v5 =	vadd.s32 v5, v7;
	v59 =	vmov s3;
	s11 =	smul.u32 $0x99999999, s11;
	s28 =	sshrl.u32 s15, $0x1F;
	s15 =	sshra.s32 s15, $0x1F;
	v9 =	vsel vm3, s29, v55  }
0xb7a: {  	v13 =	vsel vm0, s0, v59;
	s18 =	sshra.s32 s19, $0x1F;
	v60 =	vmov s17;
	s24 =	ssub.s32 s31, s9;
	s22 =	sshra.s32 s13, $0x1;
	v9 =	vsel vm9, s15, v9  }
0xb7b: {  	s31 =	sshra.s32 s12, $0x1;
	s30 =	sshrl.u32 s13, $0x1F;
	v57 =	vmov s28;
	s13 =	sshra.s32 s13, $0x1F;
	vm9 =	vcmask $0xF0C;
	v9 =	vsel vm0, s22, v9  }
0xb7c: {  	v14 =	vsel vm0, s20, v60;
	s10 =	sadd.s32 s11, s25;
	s25 =	sshrl.u32 s12, $0x1F;
	v11 =	vnsel vm3, $0x0, v57;
	s26 =	sshra.s32 s14, $0x1;
	v9 =	vsel vm9, s13, v9  }
0xb7d: {  	v14 =	vsel vm1, s23, v14;
	s16 =	sshrl.u32 s14, $0x1F;
	s28 =	sshrl.u32 s6, $0x1F;
	v11 =	vsel vm0, s30, v11;
	s14 =	sshra.s32 s14, $0x1F;
	v9 =	vsel vm1, s26, v9  }
0xb7e: {  	v12 =	vsel vm1, s28, v12;
	v11 =	vsel vm1, s16, v11;
	s29 =	sshrl.u32 s19, $0x1F;
	s16 =	sshra.s32 s19, $0x1;
	s19 =	sshra.s32 s1, $0x1;
	v9 =	vsel vm12, s14, v9  }
0xb7f: {  	s12 =	sshra.s32 s12, $0x1F;
	v11 =	vsel vm2, s25, v11;
	v13 =	vsel vm1, s19, v13;
	s25 =	sshra.s32 s5, $0x1;
	v9 =	vsel vm2, s31, v9  }
0xb80: {  	s9 =	sshra.s32 s9, $0x1F;
	s30 =	sshrl.u32 s10, $0x1F;
	v11 =	vsel vm4, s29, v11;
	s22 =	sshra.s32 s2, $0x1;
	v14 =	vsel vm2, s25, v14;
	v9 =	vsel vm13, s12, v9  }
0xb81: {  	s9 =	smul.u32 $0x99999999, s9;
	v11 =	vsel vm5, s30, v11;
	s13 =	sshrl.u32 s5, $0x1F;
	v13 =	vsel vm2, s22, v13;
	v9 =	vsel vm4, s16, v9  }
0xb82: {  	s21 =	sshra.s32 s10, $0x1;
	vm9 =	vlt.s32 v6, $0x132;
	v12 =	vsel vm2, s13, v12;
	v9 =	vsel vm14, s18, v9  }
0xb83: {  	s9 =	sadd.s32 s9, s24;
	s24 =	sshra.s32 s10, $0x1F;
	v61 =	vsel vm9, $0x3, v2;
	v62 =	vcombine.low v14, v13;
	v9 =	vsel vm5, s21, v9  }
0xb84: {  	s28 =	sshra.s32 s9, $0x1;
	s14 =	sshrl.u32 s9, $0x1F;
	v10 =	vcombine.low v12, v10;
	v8 =	vadd.s32 v61, v8;
	v9 =	vsel vm15, s24, v9  }
0xb85: {  	s15 =	sshrl.u32 s8, $0x1F;
	s29 =	sshra.s32 s9, $0x1F;
	v11 =	vsel vm6, s14, v11;
	vm9 =	vlt.s32 v8, $0x3;
	v9 =	vsel vm6, s28, v9  }
0xb86: {  	s30 =	sshra.s32 s8, $0x1;
	v7 =	vperm.xlane v62, v0;
	v11 =	vsel vm7, s15, v11;
	v9 =	vsel vm11, s29, v9  }
0xb87: {  	v10 =	vperm.xlane v10, v0;
	v63 =	vsel vm9, $0x1, v3;
	v9 =	vsel vm7, s30, v9  }
0xb88: {  	v11 =	vperm.xlane v11, v1;
	v5 =	vadd.s32 v63, v5;
	v9 =	vperm.xlane v9, v1  }
0xb89: {  	v8 =	vshll.u32 v8, $0x5;
	v5 =	vmax.u32 v5, $0x7D0  }
0xb8a: {  	s26 =	rddreg [dreg:$0xe];
	v10 =	vsel vm8, v11, v10;
	v5 =	vmin.u32 v5, $0x801;
	v7 =	vsel vm8, v9, v7  }
0xb8b: {  	p0 =	sne.s32 s26, $0x13C0;
	v6 =	vadd.s32 v8, v6;
	v5 =	vmul.u32 $0x1A0, v5;
	v7 =	vadd.s32 v10, v7  }
.Ltmp4:
0xb8c: {  	v6 =	vadd.s32 v7, v6;
	(pc) =	sbr.rel @p0 .LBB2_10-.Ltmp4, $4  }
0xb8d: {  	v5 =	vadd.s32 v5, v6  }
0xb8e: {  	vm9 =	veq.s32 v4, $0x0;
	v5 =	vadd.s32 $0xFFF34FA1, v5  }
0xb8f: {  	s31 =	rddreg [dreg:$0x14];
	v4 =	vsel vm9, $0x0, v5  }
0xb90: {  	s2 =	sadd.s32 $0x40, s26;
	vm9 =	vmmov vm10;
	[tilespmem:s31+$0x2D00] =	vst v4  }
0xb91: {  	s4 =	simm.s32 $0x3  }
0xb92: {  	_ =	swait.ge [sflag:s4], $0xA000  }
0xb93: {  	s1 =	simm.s32 $0x80;
	s2 =	simm.s32 $0x3200;
	[sflag:s4] =	ssyncset.done $0x0  }
0xb94: {  	s3 =	simm.s32 $0x2D00;
	s0 =	rddreg [dreg:$0x3];
	[sflag:s4] =	ssyncadd.s32 $0xFFFF6000  }
0xb95: {  	[tilespmem:s2], [sflag:$0x1] =	stream.indirect.gather [hbm4b:s0+s1], $0x20, s3, s1, $0xb8;
	[tilespmem:$0x17200] =	vst v63  }
0xb96: {  	s6 =	simm.s32 $0x4200;
	s5 =	simm.s32 $0x2D80  }
0xb97: {  	[tilespmem:s6], [sflag:$0x1] =	stream.indirect.gather [hbm4b:s0+s1], $0x20, s5, s1, $0xb8;
	[tilespmem:$0x17200] =	vst v63  }
0xb98: {  	s7 =	simm.s32 $0x5200;
	s8 =	simm.s32 $0x2E00  }
0xb99: {  	[tilespmem:s7], [sflag:$0x1] =	stream.indirect.gather [hbm4b:s0+s1], $0x20, s8, s1, $0xb8;
	[tilespmem:$0x17200] =	vst v63  }
0xb9a: {  	s9 =	simm.s32 $0x6200;
	s10 =	simm.s32 $0x2E80  }
0xb9b: {  	[tilespmem:s9], [sflag:$0x1] =	stream.indirect.gather [hbm4b:s0+s1], $0x20, s10, s1, $0xb8;
	[tilespmem:$0x17200] =	vst v63  }
0xb9c: {  	s11 =	simm.s32 $0x7200;
	s12 =	simm.s32 $0x2F00  }
0xb9d: {  	[tilespmem:s11], [sflag:$0x1] =	stream.indirect.gather [hbm4b:s0+s1], $0x20, s12, s1, $0xb8;
	[tilespmem:$0x17200] =	vst v63  }
0xb9e: {  	s13 =	simm.s32 $0x8200;
	s14 =	simm.s32 $0x2F80  }
0xb9f: {  	[tilespmem:s13], [sflag:$0x1] =	stream.indirect.gather [hbm4b:s0+s1], $0x20, s14, s1, $0xb8;
	[tilespmem:$0x17200] =	vst v63  }
0xba0: {  	s15 =	simm.s32 $0x9200;
	s16 =	simm.s32 $0x3000  }
0xba1: {  	[tilespmem:s15], [sflag:$0x1] =	stream.indirect.gather [hbm4b:s0+s1], $0x20, s16, s1, $0xb8;
	[tilespmem:$0x17200] =	vst v63  }
0xba2: {  	s17 =	simm.s32 $0xA200;
	s18 =	simm.s32 $0x3080  }
0xba3: {  	[tilespmem:s17], [sflag:$0x1] =	stream.indirect.gather [hbm4b:s0+s1], $0x20, s18, s1, $0xb8;
	[tilespmem:$0x17200] =	vst v63  }
0xba4: {  	s19 =	simm.s32 $0xB200;
	s20 =	simm.s32 $0x3100  }
0xba5: {  	[tilespmem:s19], [sflag:$0x1] =	stream.indirect.gather [hbm4b:s0+s1], $0x20, s20, s1, $0xb8;
	[tilespmem:$0x17200] =	vst v63  }
0xba6: {  	s21 =	simm.s32 $0xC200;
	s22 =	simm.s32 $0x3180;
	s23 =	simm.s32 $0x2  }
0xba7: {  	[tilespmem:s21], [sflag:$0x1] =	stream.indirect.gather [hbm4b:s0+s1], $0x20, s22, s1, $0xb8;
	[tilespmem:$0x17200] =	vst v63  }
0xba8: {  	_ =	swait.ge [sflag:s23], $0x1000  }
0xba9: {  	[sflag:s23] =	ssyncset.done $0x0  }
0xbaa: {  	[sflag:s23] =	ssyncadd.s32 $0xFFFFF000  }
0xbab: {  	_ =	swait.ge [sflag:s23], $0x1000  }
0xbac: {  	[sflag:s23] =	ssyncset.done $0x0  }
0xbad: {  	[sflag:s23] =	ssyncadd.s32 $0xFFFFF000  }
0xbae: {  	_ =	swait.ge [sflag:s23], $0x1000  }
0xbaf: {  	[sflag:s23] =	ssyncset.done $0x0  }
0xbb0: {  	[sflag:s23] =	ssyncadd.s32 $0xFFFFF000  }
0xbb1: {  	_ =	swait.ge [sflag:s23], $0x1000  }
0xbb2: {  	[sflag:s23] =	ssyncset.done $0x0  }
0xbb3: {  	[sflag:s23] =	ssyncadd.s32 $0xFFFFF000  }
0xbb4: {  	_ =	swait.ge [sflag:s23], $0x1000  }
0xbb5: {  	[sflag:s23] =	ssyncset.done $0x0  }
0xbb6: {  	[sflag:s23] =	ssyncadd.s32 $0xFFFFF000  }
0xbb7: {  	_ =	swait.ge [sflag:s23], $0x1000  }
0xbb8: {  	[sflag:s23] =	ssyncset.done $0x0  }
0xbb9: {  	[sflag:s23] =	ssyncadd.s32 $0xFFFFF000  }
0xbba: {  	_ =	swait.ge [sflag:s23], $0x1000  }
0xbbb: {  	[sflag:s23] =	ssyncset.done $0x0  }
0xbbc: {  	[sflag:s23] =	ssyncadd.s32 $0xFFFFF000  }
0xbbd: {  	_ =	swait.ge [sflag:s23], $0x1000  }
0xbbe: {  	[sflag:s23] =	ssyncset.done $0x0  }
0xbbf: {  	[sflag:s23] =	ssyncadd.s32 $0xFFFFF000  }
0xbc0: {  	_ =	swait.ge [sflag:s23], $0x1000  }
0xbc1: {  	[sflag:s23] =	ssyncset.done $0x0  }
0xbc2: {  	[sflag:s23] =	ssyncadd.s32 $0xFFFFF000  }
0xbc3: {  	_ =	swait.ge [sflag:s23], $0x1000  }
0xbc4: {  	s25 =	simm.s32 $0xD200;
	s26 =	simm.s32 $0x1;
	[sflag:s23] =	ssyncset.done $0x0  }
0xbc5: {  	s7 =	simm.s32 $0x0;
	s24 =	rddreg [dreg:$0x8];
	[sflag:s23] =	ssyncadd.s32 $0xFFFFF000  }
0xbc6: {  	[hbm4b:s24+s7] =	stream.linear.scatter [tilespmem:s25], [sflag:$0x4], $0xA000, $0x38;
	[tilespmem:$0x17200] =	vst v63  }
0xbc7: {  	_ =	swait.ge [sflag:s26], $0x1000  }
0xbc8: {  	[sflag:s26] =	ssyncset.done $0x0  }
0xbc9: {  	[sflag:s26] =	ssyncadd.s32 $0xFFFFF000  }
0xbca: {  	_ =	swait.ge [sflag:s26], $0x1000  }
0xbcb: {  	[sflag:s26] =	ssyncset.done $0x0  }
0xbcc: {  	[sflag:s26] =	ssyncadd.s32 $0xFFFFF000  }
0xbcd: {  	_ =	swait.ge [sflag:s26], $0x1000  }
0xbce: {  	[sflag:s26] =	ssyncset.done $0x0  }
0xbcf: {  	[sflag:s26] =	ssyncadd.s32 $0xFFFFF000  }
0xbd0: {  	_ =	swait.ge [sflag:s26], $0x1000  }
0xbd1: {  	[sflag:s26] =	ssyncset.done $0x0  }
0xbd2: {  	[sflag:s26] =	ssyncadd.s32 $0xFFFFF000  }
0xbd3: {  	_ =	swait.ge [sflag:s26], $0x1000  }
0xbd4: {  	[sflag:s26] =	ssyncset.done $0x0  }
0xbd5: {  	[sflag:s26] =	ssyncadd.s32 $0xFFFFF000  }
0xbd6: {  	_ =	swait.ge [sflag:s26], $0x1000  }
0xbd7: {  	[sflag:s26] =	ssyncset.done $0x0  }
0xbd8: {  	[sflag:s26] =	ssyncadd.s32 $0xFFFFF000  }
0xbd9: {  	_ =	swait.ge [sflag:s26], $0x1000  }
0xbda: {  	[sflag:s26] =	ssyncset.done $0x0  }
0xbdb: {  	[sflag:s26] =	ssyncadd.s32 $0xFFFFF000  }
0xbdc: {  	_ =	swait.ge [sflag:s26], $0x1000  }
0xbdd: {  	[sflag:s26] =	ssyncset.done $0x0  }
0xbde: {  	[sflag:s26] =	ssyncadd.s32 $0xFFFFF000  }
0xbdf: {  	_ =	swait.ge [sflag:s26], $0x1000  }
0xbe0: {  	[sflag:s26] =	ssyncset.done $0x0  }
0xbe1: {  	[sflag:s26] =	ssyncadd.s32 $0xFFFFF000  }
0xbe2: {  	_ =	swait.ge [sflag:s26], $0x1000  }
0xbe3: {  	[sflag:s26] =	ssyncset.done $0x0  }
0xbe4: {  	s28 =	rddreg [dreg:$0x9];
	[sflag:s26] =	ssyncadd.s32 $0xFFFFF000  }
0xbe5: {  	[hbm4b:s28+s7] =	stream.linear.scatter [tilespmem:s2], [sflag:$0x3], $0xA000, $0x38;
	[tilespmem:$0x17200] =	vst v63  }
0xbe6: {  	_ =	swait.ge [sflag:s4], $0xA000  }
0xbe7: {  	[sflag:s4] =	ssyncset.done $0x0  }
0xbe8: {  	s29 =	simm.s32 $0x4;
	[sflag:s4] =	ssyncadd.s32 $0xFFFF6000  }
0xbe9: {  	_ =	swait.ge [sflag:s29], $0xA000  }
0xbea: {  	s30 =	rddreg [dreg:$0xb]  }
0xbeb: {  	s31 =	rddreg [dreg:$0xa];
	s2 =	sadd.s32 $0x1, s30  }
0xbec: {  	p0 =	sne.s32 s2, s31  }
.Ltmp5:
0xbed: {  	_ = 	snop;
	(pc) =	sbr.rel @p0 .LBB2_1-.Ltmp5, $3  }
0xbee: {  	_ =	sdelay $0x1  }
0xbef: {  	[sflag:s29] =	ssyncset.done $0x0  }
0xbf0: {  	[sflag:s29] =	ssyncadd.s32 $0xFFFF6000  }
0xbf1: {  	_ =	sfence.sel $0x180000  }
0xbf2: {  	[bflag:$0x0] =	sbarrier.arrive $0xFFFF  }
0xbf3: {  	_ =	strace $0x90000047  }
0xbf4: {  	s0 =	stileid.u32;
	[bflag:$0x2] =	sbarrier.arrive $0xFFFF  }
0xbf5: {  	p0 =	sne.s32 s0, $0x0;
	s0 =	rddreg [dreg:$0x2]  }
0xbf6: {  	s0 =	sadd.s32 @!p0 $0x100000, s0  }
0xbf7: {  	[sflag:s0] =	ssyncadd.tile.s32 @!p0 $0x1;
	_ =	shalt  }
.Lfunc_end2:
_tile_overlayer_lowered:
.L_overlay_start_2:
0xbf8: {  	(tag) =	ssettag $0x2  }
0xbf9: {  	s0 =	rddreg [dreg:$0x0];
	s2 =	stileid.u32  }
0xbfa: {  	s1 =	rddreg [dreg:$0x1];
	p0 =	sne.s32 s2, $0x0  }
0xbfb: {  	s3 =	rddreg [dreg:$0x2];
	[bflag:$0x3] =	sbarrier.arrive $0xFFFF;
	s2 =	simm.s32 @!p0 $0x1C05  }
0xbfc: {  	[timem:s3], [sflag:s2] =	dma.local @!p0 [hbm:s0], s1  }
0xbfd: {  	s0 =	simm.s32 @!p0 $0x5  }
0xbfe: {  	_ =	swait.ge @!p0 [sflag:s0], s1  }
0xbff: {  	s1 =	ssub.s32 @!p0 $0x0, s1;
	[sflag:s0] =	ssyncset.done @!p0 $0x0  }
0xc00: {  	[sflag:s0] =	ssyncadd.s32 @!p0 s1  }
0xc01: {  	[bflag:$0x3] =	sbarrier.arrive $0xFFFF  }
0xc02: {  	_ =	shalt  }

</sc_bundles>
